<compile_context>
chip_gen: v7x
topology: tpu7x:2x2x1
jax: 0.10.2.dev20260603
libtpu: 0.0.44.dev20260713+nightly
codegen_flags: <defaults>
</compile_context>

<pallas_src>
import functools

import jax
import jax.numpy as jnp
from jax import lax
from jax.experimental import pallas as pl
from jax.experimental.pallas import tpu as pltpu
from jax.experimental.pallas import tpu_sc as plsc

B, N, K = 8, 2048, 16
DIM = 128
HID = 64
RBLK = 256
PBLK = 512
GBLK = RBLK * K
CNT = float(B * N * K)


def _point_transform_body(f_ref, wft_ref, bft_ref, g_ref, b_ref, wfu_ref, u_ref):
    f = f_ref[...]
    t = lax.dot_general(f, wft_ref[...], (((1,), (1,)), ((), ()))) + bft_ref[...]
    m = jnp.mean(t, axis=1, keepdims=True)
    v = jnp.mean((t - m) ** 2, axis=1, keepdims=True)
    t = (t - m) / jnp.sqrt(v + 1e-5) * g_ref[...] + b_ref[...]
    t = t * jax.nn.sigmoid(t)
    w1 = wfu_ref[:, :DIM]
    u_ref[...] = lax.dot_general(t, w1, (((1,), (1,)), ((), ())))


def _point_transform(feat_flat, W_ft, b_ft2, g2, b2, W_fu):
    nrows = feat_flat.shape[0]
    return pl.pallas_call(
        _point_transform_body,
        grid=(nrows // PBLK,),
        in_specs=[
            pl.BlockSpec((PBLK, DIM), lambda i: (i, 0)),
            pl.BlockSpec((DIM, DIM), lambda i: (0, 0)),
            pl.BlockSpec((1, DIM), lambda i: (0, 0)),
            pl.BlockSpec((1, DIM), lambda i: (0, 0)),
            pl.BlockSpec((1, DIM), lambda i: (0, 0)),
            pl.BlockSpec((DIM, 2 * DIM), lambda i: (0, 0)),
        ],
        out_specs=pl.BlockSpec((PBLK, DIM), lambda i: (i, 0)),
        out_shape=jax.ShapeDtypeStruct((nrows, DIM), jnp.float32),
    )(feat_flat, W_ft, b_ft2, g2, b2, W_fu)


def _knn_body(xyz_ref, xyzt_ref, idx_ref):
    xb = xyz_ref[...]
    xt = xyzt_ref[...]
    dot = jnp.dot(xb.astype(jnp.bfloat16), xt.astype(jnp.bfloat16),
                  preferred_element_type=jnp.float32)
    sq_r = (xb[:, 0:1] ** 2 + xb[:, 1:2] ** 2) + xb[:, 2:3] ** 2
    sq_c = (xt[0:1, :] ** 2 + xt[1:2, :] ** 2) + xt[2:3, :] ** 2
    d = (-2.0 * dot + sq_r) + sq_c
    iota = lax.broadcasted_iota(jnp.int32, (1, N), 1)
    inf = jnp.float32(jnp.inf)
    cols = []
    for _ in range(K):
        m = jnp.min(d, axis=1, keepdims=True)
        cand = jnp.where(d == m, iota, N)
        sel = jnp.min(cand, axis=1, keepdims=True)
        cols.append(sel)
        d = jnp.where(iota == sel, inf, d)
    idx_ref[...] = jnp.concatenate(cols, axis=1)


def _knn1(xyz_b, xyzT_b):
    return pl.pallas_call(
        _knn_body,
        grid=(N // RBLK,),
        in_specs=[
            pl.BlockSpec((RBLK, 3), lambda r: (r, 0)),
            pl.BlockSpec((3, N), lambda r: (0, 0)),
        ],
        out_specs=pl.BlockSpec((RBLK, K), lambda r: (r, 0)),
        out_shape=jax.ShapeDtypeStruct((N, K), jnp.int32),
    )(xyz_b, xyzT_b)


def _sc_gather(tab_u, tab_x, idx3):
    info = plsc.get_sparse_core_info()
    nc, ns = info.num_cores, info.num_subcores
    nw = nc * ns
    n_ch, ch = idx3.shape[1], idx3.shape[2]
    per_w = n_ch * ch
    total = nw * per_w
    mesh = plsc.VectorSubcoreMesh(core_axis_name="c", subcore_axis_name="s")

    @functools.partial(
        pl.kernel,
        mesh=mesh,
        out_type=[
            jax.ShapeDtypeStruct((total, DIM), jnp.float32),
            jax.ShapeDtypeStruct((total, DIM), jnp.float32),
        ],
        scratch_types=[
            pltpu.VMEM((n_ch, ch), jnp.int32),
            pltpu.VMEM((ch, DIM), jnp.float32),
            pltpu.VMEM((ch, DIM), jnp.float32),
            pltpu.SemaphoreType.DMA,
            pltpu.SemaphoreType.DMA,
        ],
    )
    def gather_kernel(tab_u_hbm, tab_x_hbm, idx_hbm, out_u_hbm, out_x_hbm,
                      idx_v, buf_u, buf_x, sem_u, sem_x):
        wid = lax.axis_index("s") * nc + lax.axis_index("c")
        pltpu.sync_copy(idx_hbm.at[wid], idx_v)

        def body(j, carry):
            cp_u = pltpu.async_copy(tab_u_hbm.at[idx_v.at[j]], buf_u, sem_u)
            cp_x = pltpu.async_copy(tab_x_hbm.at[idx_v.at[j]], buf_x, sem_x)
            cp_u.wait()
            cp_x.wait()
            base = wid * per_w + j * ch
            pltpu.sync_copy(buf_u, out_u_hbm.at[pl.ds(base, ch)])
            pltpu.sync_copy(buf_x, out_x_hbm.at[pl.ds(base, ch)])
            return carry

        lax.fori_loop(0, n_ch, body, 0)

    return gather_kernel(tab_u, tab_x, idx3)


def _bn_stats_body(nxyz_ref, ctr_ref, w1_ref, b1_ref, out_ref):
    rel3 = nxyz_ref[...].reshape(RBLK, K, DIM) - ctr_ref[...].reshape(RBLK, 1, DIM)
    rel = rel3.reshape(GBLK, DIM)[:, :3]
    h = lax.dot_general(rel, w1_ref[...], (((1,), (1,)), ((), ()))) + b1_ref[...]

    @pl.when(pl.program_id(0) == 0)
    def _():
        out_ref[...] = jnp.zeros_like(out_ref)

    s1 = jnp.sum(h, axis=0, keepdims=True)
    s2 = jnp.sum(h * h, axis=0, keepdims=True)
    out_ref[...] += jnp.concatenate([s1, s2], axis=0)


def _bn_stats(x_g, ctr, conv1_w, conv1_b2):
    nrows = ctr.shape[0]
    return pl.pallas_call(
        _bn_stats_body,
        grid=(nrows // RBLK,),
        in_specs=[
            pl.BlockSpec((GBLK, DIM), lambda i: (i, 0)),
            pl.BlockSpec((RBLK, DIM), lambda i: (i, 0)),
            pl.BlockSpec((HID, 3), lambda i: (0, 0)),
            pl.BlockSpec((1, HID), lambda i: (0, 0)),
        ],
        out_specs=pl.BlockSpec((2, HID), lambda i: (0, 0)),
        out_shape=jax.ShapeDtypeStruct((2, HID), jnp.float32),
    )(x_g, ctr, conv1_w, conv1_b2)


def _fused_body(ug_ref, nxyz_ref, ctr_ref, stats_ref, w1_ref, b1_ref,
                bng_ref, bnb_ref, wfu_ref, w2_ref, b2_ref, bfu_ref,
                lng_ref, lnb_ref, al_ref, be_ref, out_ref):
    rel3 = nxyz_ref[...].reshape(RBLK, K, DIM) - ctr_ref[...].reshape(RBLK, 1, DIM)
    rel = rel3.reshape(GBLK, DIM)[:, :3]
    h = lax.dot_general(rel, w1_ref[...], (((1,), (1,)), ((), ()))) + b1_ref[...]
    mean = stats_ref[0:1, :] / CNT
    var = stats_ref[1:2, :] / CNT - mean * mean
    h = (h - mean) / jnp.sqrt(var + 1e-5) * bng_ref[...] + bnb_ref[...]
    h = h * jax.nn.sigmoid(h)
    m2 = jnp.dot(wfu_ref[:, DIM:], w2_ref[...])
    b_eff = lax.dot_general(b2_ref[...], wfu_ref[:, DIM:],
                            (((1,), (1,)), ((), ())))
    pre = ug_ref[...] + lax.dot_general(h, m2, (((1,), (1,)), ((), ())))
    pre = pre + b_eff + bfu_ref[...]
    mu = jnp.mean(pre, axis=1, keepdims=True)
    v = jnp.mean((pre - mu) ** 2, axis=1, keepdims=True)
    f = (pre - mu) / jnp.sqrt(v + 1e-5) * lng_ref[...] + lnb_ref[...]
    f = f * jax.nn.sigmoid(f)
    f = al_ref[...] * f + be_ref[...]
    f3 = f.reshape(RBLK, K, DIM)
    s = jnp.sum(f3, axis=2)
    e = jnp.exp(s - jnp.max(s, axis=1, keepdims=True))
    w = e / jnp.sum(e, axis=1, keepdims=True)
    out_ref[...] = jnp.sum(f3 * w[:, :, None], axis=1)


def _fused(u_g, x_g, ctr, stats, conv1_w, conv1_b2, bn_g2, bn_b2,
           W_fu, conv2_w, conv2_b2, b_fu2, ln_g2, ln_b2, al2, be2):
    nrows = ctr.shape[0]
    return pl.pallas_call(
        _fused_body,
        grid=(nrows // RBLK,),
        in_specs=[
            pl.BlockSpec((GBLK, DIM), lambda i: (i, 0)),
            pl.BlockSpec((GBLK, DIM), lambda i: (i, 0)),
            pl.BlockSpec((RBLK, DIM), lambda i: (i, 0)),
            pl.BlockSpec((2, HID), lambda i: (0, 0)),
            pl.BlockSpec((HID, 3), lambda i: (0, 0)),
            pl.BlockSpec((1, HID), lambda i: (0, 0)),
            pl.BlockSpec((1, HID), lambda i: (0, 0)),
            pl.BlockSpec((1, HID), lambda i: (0, 0)),
            pl.BlockSpec((DIM, 2 * DIM), lambda i: (0, 0)),
            pl.BlockSpec((DIM, HID), lambda i: (0, 0)),
            pl.BlockSpec((1, DIM), lambda i: (0, 0)),
            pl.BlockSpec((1, DIM), lambda i: (0, 0)),
            pl.BlockSpec((1, DIM), lambda i: (0, 0)),
            pl.BlockSpec((1, DIM), lambda i: (0, 0)),
            pl.BlockSpec((1, DIM), lambda i: (0, 0)),
            pl.BlockSpec((1, DIM), lambda i: (0, 0)),
        ],
        out_specs=pl.BlockSpec((RBLK, DIM), lambda i: (i, 0)),
        out_shape=jax.ShapeDtypeStruct((nrows, DIM), jnp.float32),
    )(u_g, x_g, ctr, stats, conv1_w, conv1_b2, bn_g2, bn_b2,
      W_fu, conv2_w, conv2_b2, b_fu2, ln_g2, ln_b2, al2, be2)


def kernel(xyz, features, W_ft, b_ft, ln_ft_g, ln_ft_b, conv1_w, conv1_b,
           bn_g, bn_b, conv2_w, conv2_b, W_fu, b_fu, ln_fu_g, ln_fu_b,
           alpha, beta):
    feat_flat = features.reshape(B * N, DIM)
    xyz_flat = xyz.reshape(B * N, 3)
    tab_x = jnp.pad(xyz_flat, ((0, 0), (0, DIM - 3)))
    xyzT = xyz.transpose(0, 2, 1)

    row = lambda a: a.reshape(1, -1)
    tab_u = _point_transform(feat_flat, W_ft, row(b_ft), row(ln_ft_g),
                             row(ln_ft_b), W_fu)
    ug_list, xg_list, st_list = [], [], []
    for b in range(B):
        knn_b = _knn1(xyz[b], xyzT[b])
        idx3 = knn_b.reshape(32, -1, 128)
        sl = slice(b * N, (b + 1) * N)
        u_g, x_g = _sc_gather(tab_u[sl], tab_x[sl], idx3)
        ug_list.append(u_g)
        xg_list.append(x_g)
        st_list.append(_bn_stats(x_g, tab_x[sl], conv1_w, row(conv1_b)))
    stats = st_list[0]
    for s in st_list[1:]:
        stats = stats + s
    outs = []
    for b in range(B):
        sl = slice(b * N, (b + 1) * N)
        outs.append(_fused(
            ug_list[b], xg_list[b], tab_x[sl], stats,
            conv1_w, row(conv1_b), row(bn_g), row(bn_b), W_fu, conv2_w,
            row(conv2_b), row(b_fu), row(ln_fu_g), row(ln_fu_b),
            alpha.reshape(1, DIM), beta.reshape(1, DIM)))
    return jnp.stack(outs).reshape(B, N, DIM)

# --- scband reference (transcript-rebuilt; emitter-appended) ---
"""Pipeline reference for scband-local-geometry-aggregation-3006477107872 (READ-ONLY COPY).

The authoritative reference and input builder live on the scoring server;
editing this copy changes nothing except your own understanding.
"""

import jax, jax.numpy as jnp
import numpy as np

B, N, K = 8, 2048, 16
IN_DIM, OUT_DIM = 128, 128
HID = OUT_DIM // 2


def _silu(x):
    return x * jax.nn.sigmoid(x)


def _layernorm(x, g, b):
    m = x.mean(axis=-1, keepdims=True)
    v = ((x - m) ** 2).mean(axis=-1, keepdims=True)
    return (x - m) / jnp.sqrt(v + 1e-5) * g + b


def setup_inputs(seed: int = 0) -> dict:
    key = jax.random.key(seed)
    ks = jax.random.split(key, 8)
    inp = {}
    inp["xyz"] = jax.random.normal(ks[0], (B, N, 3), dtype=jnp.float32)
    inp["features"] = jax.random.normal(ks[1], (B, N, IN_DIM), dtype=jnp.float32)
    # feature_transform: Linear(in_dim, out_dim) + LayerNorm(out_dim)
    inp["W_ft"] = jax.random.normal(ks[2], (OUT_DIM, IN_DIM), dtype=jnp.float32) * 0.02
    inp["b_ft"] = jnp.zeros((OUT_DIM,), dtype=jnp.float32)
    inp["ln_ft_g"] = jnp.ones((OUT_DIM,), dtype=jnp.float32)
    inp["ln_ft_b"] = jnp.zeros((OUT_DIM,), dtype=jnp.float32)
    # geo_encoder: Conv1d(3, out_dim//2, 1) + BatchNorm1d + Conv1d(out_dim//2, out_dim, 1)
    inp["conv1_w"] = jax.random.normal(ks[3], (HID, 3), dtype=jnp.float32) * 0.02
    inp["conv1_b"] = jnp.zeros((HID,), dtype=jnp.float32)
    inp["bn_g"] = jnp.ones((HID,), dtype=jnp.float32)
    inp["bn_b"] = jnp.zeros((HID,), dtype=jnp.float32)
    inp["conv2_w"] = jax.random.normal(ks[4], (OUT_DIM, HID), dtype=jnp.float32) * 0.02
    inp["conv2_b"] = jnp.zeros((OUT_DIM,), dtype=jnp.float32)
    # fusion: Linear(2*out_dim, out_dim) + LayerNorm(out_dim)
    inp["W_fu"] = jax.random.normal(ks[5], (OUT_DIM, 2 * OUT_DIM), dtype=jnp.float32) * 0.02
    inp["b_fu"] = jnp.zeros((OUT_DIM,), dtype=jnp.float32)
    inp["ln_fu_g"] = jnp.ones((OUT_DIM,), dtype=jnp.float32)
    inp["ln_fu_b"] = jnp.zeros((OUT_DIM,), dtype=jnp.float32)
    inp["alpha"] = jnp.ones((1, 1, OUT_DIM), dtype=jnp.float32)
    inp["beta"] = jnp.zeros((1, 1, OUT_DIM), dtype=jnp.float32)
    return inp


def reference(xyz, features, W_ft, b_ft, ln_ft_g, ln_ft_b, conv1_w, conv1_b, bn_g, bn_b, conv2_w, conv2_b, W_fu, b_fu, ln_fu_g, ln_fu_b, alpha, beta):
    # knn_point: pairwise squared distances + topk smallest
    sq = jnp.sum(xyz ** 2, axis=-1)
    sqrdists = -2.0 * jnp.einsum("bnc,bmc->bnm", xyz, xyz) + sq[:, :, None] + sq[:, None, :]
    _, knn_idx = jax.lax.top_k(-sqrdists, K)  # [B, N, K], smallest distances
    gather = jax.vmap(lambda p, i: p[i])
    neighbor_xyz = gather(xyz, knn_idx)        # [B, N, K, 3]
    neighbor_feat = gather(features, knn_idx)  # [B, N, K, IN_DIM]
    relative_pos = neighbor_xyz - xyz[:, :, None, :]  # [B, N, K, 3]
    # geo_encoder on [B, 3, N*K]
    x = relative_pos.transpose(0, 3, 1, 2).reshape(B, 3, N * K)
    h = jnp.einsum("oi,bip->bop", conv1_w, x) + conv1_b[None, :, None]
    mean = h.mean(axis=(0, 2), keepdims=True)
    var = h.var(axis=(0, 2), keepdims=True)
    h = (h - mean) / jnp.sqrt(var + 1e-5) * bn_g[None, :, None] + bn_b[None, :, None]
    h = _silu(h)
    geo = jnp.einsum("oi,bip->bop", conv2_w, h) + conv2_b[None, :, None]
    geo = geo.reshape(B, OUT_DIM, N, K).transpose(0, 2, 3, 1)  # [B, N, K, OUT_DIM]
    # feature_transform
    tf = _silu(_layernorm(neighbor_feat @ W_ft.T + b_ft, ln_ft_g, ln_ft_b))
    # fusion
    comb = jnp.concatenate([tf, geo], axis=-1)
    fused = _silu(_layernorm(comb @ W_fu.T + b_fu, ln_fu_g, ln_fu_b))
    fused = alpha * fused + beta
    w = jax.nn.softmax(fused.sum(axis=-1), axis=-1)  # [B, N, K]
    aggregated = (w[..., None] * fused).sum(axis=2)  # [B, N, OUT_DIM]
    return aggregated

if __name__ == "__main__":
    import jax
    _d = setup_inputs()
    print(jax.jit(kernel)(*tuple(_d.values())))

</pallas_src>

<mosaic_0001>
#map = affine_map<(d0, d1) -> (0, 0)>
#map1 = affine_map<(d0, d1) -> (0, 0, 0)>
module attributes {stable_mosaic.version = 14 : i64} {
  func.func @gather_kernel(%arg0: i32, %arg1: i32, %arg2: memref<2048x128xf32, #tpu.memory_space<hbm>>, %arg3: memref<2048x128xf32, #tpu.memory_space<hbm>>, %arg4: memref<32x8x128xi32, #tpu.memory_space<hbm>>, %arg5: memref<32768x128xf32, #tpu.memory_space<hbm>>, %arg6: memref<32768x128xf32, #tpu.memory_space<hbm>>, %arg7: memref<8x128xi32, #tpu.memory_space<vmem>>, %arg8: memref<128x128xf32, #tpu.memory_space<vmem>>, %arg9: memref<128x128xf32, #tpu.memory_space<vmem>>, %arg10: memref<!tpu.dma_semaphore, #tpu.memory_space<semaphore_mem>>, %arg11: memref<!tpu.dma_semaphore, #tpu.memory_space<semaphore_mem>>) attributes {dimension_semantics = [#tpu.dimension_semantics<core_parallel>, #tpu.dimension_semantics<subcore_parallel>], iteration_bounds = array<i64: 2, 16>, scalar_prefetch = 0 : i64, scratch_operands = 5 : i64, tpu.core_type = #tpu.core_type<sc_vector_subcore>, window_params = [{transform_indices = #map}, {transform_indices = #map}, {transform_indices = #map1}, {transform_indices = #map}, {transform_indices = #map}]} {
    %mul3A = arith.constant 2 : i32
    %mul3A_0 = arith.muli %arg1, %mul3A : i32
    %add3A = arith.addi %mul3A_0, %arg0 : i32
    "tpu.region"() ({
      %run_scoped3A = tpu.sem_alloc : memref<!tpu.dma_semaphore, #tpu.memory_space<semaphore_mem>>
      %dma_start3A = arith.constant 0 : i32
      %dma_start3A_6 = arith.constant 0 : i32
      %dma_start3A_7 = tpu.memref_slice %arg4[%add3A, %dma_start3A, %dma_start3A_6] : memref<32x8x128xi32, #tpu.memory_space<hbm>> -> memref<1x8x128xi32, #tpu.memory_space<hbm>>
      %dma_start3A_8 = tpu.memref_squeeze %dma_start3A_7 : memref<1x8x128xi32, #tpu.memory_space<hbm>> -> memref<8x128xi32, #tpu.memory_space<hbm>>
      %dma_start3A_9 = arith.constant 0 : i32
      %dma_start3A_10 = arith.constant 0 : i32
      %dma_start3A_11 = tpu.memref_slice %arg4[%add3A, %dma_start3A_9, %dma_start3A_10] : memref<32x8x128xi32, #tpu.memory_space<hbm>> -> memref<1x8x128xi32, #tpu.memory_space<hbm>>
      %dma_start3A_12 = tpu.memref_squeeze %dma_start3A_11 : memref<1x8x128xi32, #tpu.memory_space<hbm>> -> memref<8x128xi32, #tpu.memory_space<hbm>>
      tpu.enqueue_dma source(%dma_start3A_12 : memref<8x128xi32, #tpu.memory_space<hbm>>) target(%arg7 : memref<8x128xi32, #tpu.memory_space<vmem>>) target_semaphore(%run_scoped3A : memref<!tpu.dma_semaphore, #tpu.memory_space<semaphore_mem>>)
      %dma_wait3A = arith.constant 0 : i32
      %dma_wait3A_13 = arith.constant 0 : i32
      %dma_wait3A_14 = tpu.memref_slice %arg4[%add3A, %dma_wait3A, %dma_wait3A_13] : memref<32x8x128xi32, #tpu.memory_space<hbm>> -> memref<1x8x128xi32, #tpu.memory_space<hbm>>
      %dma_wait3A_15 = tpu.memref_squeeze %dma_wait3A_14 : memref<1x8x128xi32, #tpu.memory_space<hbm>> -> memref<8x128xi32, #tpu.memory_space<hbm>>
      %dma_wait3A_16 = arith.constant 0 : i32
      %dma_wait3A_17 = arith.constant 0 : i32
      %dma_wait3A_18 = tpu.memref_slice %arg4[%add3A, %dma_wait3A_16, %dma_wait3A_17] : memref<32x8x128xi32, #tpu.memory_space<hbm>> -> memref<1x8x128xi32, #tpu.memory_space<hbm>>
      %dma_wait3A_19 = tpu.memref_squeeze %dma_wait3A_18 : memref<1x8x128xi32, #tpu.memory_space<hbm>> -> memref<8x128xi32, #tpu.memory_space<hbm>>
      tpu.wait_dma2 semaphore(%run_scoped3A : memref<!tpu.dma_semaphore, #tpu.memory_space<semaphore_mem>>) src(%dma_wait3A_19 : memref<8x128xi32, #tpu.memory_space<hbm>>) dst(%arg7 : memref<8x128xi32, #tpu.memory_space<vmem>>)
      tpu.yield
    }) : () -> ()
    %scan3A = arith.constant 0 : i32
    %scan3A_1 = arith.constant 0 : i32
    %scan3A_2 = arith.constant 8 : i32
    %scan3A_3 = arith.addi %scan3A_1, %scan3A_2 : i32
    %scan3A_4 = arith.constant 1 : i32
    scf.for %scan3A_6 = %scan3A_1 to %scan3A_3 step %scan3A_4  : i32 {
      %dma_start3A = arith.constant 0 : i32
      %dma_start3A_7 = tpu.memref_slice %arg7[%scan3A_6, %dma_start3A] : memref<8x128xi32, #tpu.memory_space<vmem>> -> memref<1x128xi32, #tpu.memory_space<vmem>>
      %dma_start3A_8 = tpu.memref_squeeze %dma_start3A_7 : memref<1x128xi32, #tpu.memory_space<vmem>> -> memref<128xi32, #tpu.memory_space<vmem>>
      %dma_start3A_9 = arith.constant 0 : i32
      %dma_start3A_10 = arith.constant 0 : i32
      %dma_start3A_11 = tpu.memref_slice %arg2[%dma_start3A_9, %dma_start3A_10] : memref<2048x128xf32, #tpu.memory_space<hbm>> -> memref<2048x128xf32, #tpu.memory_space<hbm>>
      tpu.enqueue_indirect_dma source(%dma_start3A_11 : memref<2048x128xf32, #tpu.memory_space<hbm>>) target(%arg8 : memref<128x128xf32, #tpu.memory_space<vmem>>) offsets(%dma_start3A_8 : memref<128xi32, #tpu.memory_space<vmem>>) semaphore(%arg10 : memref<!tpu.dma_semaphore, #tpu.memory_space<semaphore_mem>>)
      %dma_start3A_12 = arith.constant 0 : i32
      %dma_start3A_13 = tpu.memref_slice %arg7[%scan3A_6, %dma_start3A_12] : memref<8x128xi32, #tpu.memory_space<vmem>> -> memref<1x128xi32, #tpu.memory_space<vmem>>
      %dma_start3A_14 = tpu.memref_squeeze %dma_start3A_13 : memref<1x128xi32, #tpu.memory_space<vmem>> -> memref<128xi32, #tpu.memory_space<vmem>>
      %dma_start3A_15 = arith.constant 0 : i32
      %dma_start3A_16 = arith.constant 0 : i32
      %dma_start3A_17 = tpu.memref_slice %arg3[%dma_start3A_15, %dma_start3A_16] : memref<2048x128xf32, #tpu.memory_space<hbm>> -> memref<2048x128xf32, #tpu.memory_space<hbm>>
      tpu.enqueue_indirect_dma source(%dma_start3A_17 : memref<2048x128xf32, #tpu.memory_space<hbm>>) target(%arg9 : memref<128x128xf32, #tpu.memory_space<vmem>>) offsets(%dma_start3A_14 : memref<128xi32, #tpu.memory_space<vmem>>) semaphore(%arg11 : memref<!tpu.dma_semaphore, #tpu.memory_space<semaphore_mem>>)
      %dma_wait3A = arith.constant 0 : i32
      %dma_wait3A_18 = tpu.memref_slice %arg7[%scan3A_6, %dma_wait3A] : memref<8x128xi32, #tpu.memory_space<vmem>> -> memref<1x128xi32, #tpu.memory_space<vmem>>
      %dma_wait3A_19 = tpu.memref_squeeze %dma_wait3A_18 : memref<1x128xi32, #tpu.memory_space<vmem>> -> memref<128xi32, #tpu.memory_space<vmem>>
      %dma_wait3A_20 = arith.constant 0 : i32
      %dma_wait3A_21 = arith.constant 0 : i32
      %dma_wait3A_22 = tpu.memref_slice %arg2[%dma_wait3A_20, %dma_wait3A_21] : memref<2048x128xf32, #tpu.memory_space<hbm>> -> memref<2048x128xf32, #tpu.memory_space<hbm>>
      tpu.wait_indirect_dma semaphore(%arg10 : memref<!tpu.dma_semaphore, #tpu.memory_space<semaphore_mem>>) src(%dma_wait3A_22 : memref<2048x128xf32, #tpu.memory_space<hbm>>) dst(%arg8 : memref<128x128xf32, #tpu.memory_space<vmem>>)
      %dma_wait3A_23 = arith.constant 0 : i32
      %dma_wait3A_24 = tpu.memref_slice %arg7[%scan3A_6, %dma_wait3A_23] : memref<8x128xi32, #tpu.memory_space<vmem>> -> memref<1x128xi32, #tpu.memory_space<vmem>>
      %dma_wait3A_25 = tpu.memref_squeeze %dma_wait3A_24 : memref<1x128xi32, #tpu.memory_space<vmem>> -> memref<128xi32, #tpu.memory_space<vmem>>
      %dma_wait3A_26 = arith.constant 0 : i32
      %dma_wait3A_27 = arith.constant 0 : i32
      %dma_wait3A_28 = tpu.memref_slice %arg3[%dma_wait3A_26, %dma_wait3A_27] : memref<2048x128xf32, #tpu.memory_space<hbm>> -> memref<2048x128xf32, #tpu.memory_space<hbm>>
      tpu.wait_indirect_dma semaphore(%arg11 : memref<!tpu.dma_semaphore, #tpu.memory_space<semaphore_mem>>) src(%dma_wait3A_28 : memref<2048x128xf32, #tpu.memory_space<hbm>>) dst(%arg9 : memref<128x128xf32, #tpu.memory_space<vmem>>)
      %mul3A_29 = arith.constant 1024 : i32
      %mul3A_30 = arith.muli %add3A, %mul3A_29 : i32
      %mul3A_31 = arith.constant 128 : i32
      %mul3A_32 = arith.muli %scan3A_6, %mul3A_31 : i32
      %add3A_33 = arith.addi %mul3A_30, %mul3A_32 : i32
      "tpu.region"() ({
        %run_scoped3A = tpu.sem_alloc : memref<!tpu.dma_semaphore, #tpu.memory_space<semaphore_mem>>
        %dma_start3A_34 = arith.constant 0 : i32
        %dma_start3A_35 = tpu.memref_slice %arg5[%add3A_33, %dma_start3A_34] : memref<32768x128xf32, #tpu.memory_space<hbm>> -> memref<128x128xf32, #tpu.memory_space<hbm>>
        %dma_start3A_36 = arith.constant 0 : i32
        %dma_start3A_37 = tpu.memref_slice %arg5[%add3A_33, %dma_start3A_36] : memref<32768x128xf32, #tpu.memory_space<hbm>> -> memref<128x128xf32, #tpu.memory_space<hbm>>
        tpu.enqueue_dma source(%arg8 : memref<128x128xf32, #tpu.memory_space<vmem>>) target(%dma_start3A_37 : memref<128x128xf32, #tpu.memory_space<hbm>>) target_semaphore(%run_scoped3A : memref<!tpu.dma_semaphore, #tpu.memory_space<semaphore_mem>>)
        %dma_wait3A_38 = arith.constant 0 : i32
        %dma_wait3A_39 = tpu.memref_slice %arg5[%add3A_33, %dma_wait3A_38] : memref<32768x128xf32, #tpu.memory_space<hbm>> -> memref<128x128xf32, #tpu.memory_space<hbm>>
        %dma_wait3A_40 = arith.constant 0 : i32
        %dma_wait3A_41 = tpu.memref_slice %arg5[%add3A_33, %dma_wait3A_40] : memref<32768x128xf32, #tpu.memory_space<hbm>> -> memref<128x128xf32, #tpu.memory_space<hbm>>
        tpu.wait_dma2 semaphore(%run_scoped3A : memref<!tpu.dma_semaphore, #tpu.memory_space<semaphore_mem>>) src(%arg8 : memref<128x128xf32, #tpu.memory_space<vmem>>) dst(%dma_wait3A_41 : memref<128x128xf32, #tpu.memory_space<hbm>>)
        tpu.yield
      }) : () -> ()
      "tpu.region"() ({
        %run_scoped3A = tpu.sem_alloc : memref<!tpu.dma_semaphore, #tpu.memory_space<semaphore_mem>>
        %dma_start3A_34 = arith.constant 0 : i32
        %dma_start3A_35 = tpu.memref_slice %arg6[%add3A_33, %dma_start3A_34] : memref<32768x128xf32, #tpu.memory_space<hbm>> -> memref<128x128xf32, #tpu.memory_space<hbm>>
        %dma_start3A_36 = arith.constant 0 : i32
        %dma_start3A_37 = tpu.memref_slice %arg6[%add3A_33, %dma_start3A_36] : memref<32768x128xf32, #tpu.memory_space<hbm>> -> memref<128x128xf32, #tpu.memory_space<hbm>>
        tpu.enqueue_dma source(%arg9 : memref<128x128xf32, #tpu.memory_space<vmem>>) target(%dma_start3A_37 : memref<128x128xf32, #tpu.memory_space<hbm>>) target_semaphore(%run_scoped3A : memref<!tpu.dma_semaphore, #tpu.memory_space<semaphore_mem>>)
        %dma_wait3A_38 = arith.constant 0 : i32
        %dma_wait3A_39 = tpu.memref_slice %arg6[%add3A_33, %dma_wait3A_38] : memref<32768x128xf32, #tpu.memory_space<hbm>> -> memref<128x128xf32, #tpu.memory_space<hbm>>
        %dma_wait3A_40 = arith.constant 0 : i32
        %dma_wait3A_41 = tpu.memref_slice %arg6[%add3A_33, %dma_wait3A_40] : memref<32768x128xf32, #tpu.memory_space<hbm>> -> memref<128x128xf32, #tpu.memory_space<hbm>>
        tpu.wait_dma2 semaphore(%run_scoped3A : memref<!tpu.dma_semaphore, #tpu.memory_space<semaphore_mem>>) src(%arg9 : memref<128x128xf32, #tpu.memory_space<vmem>>) dst(%dma_wait3A_41 : memref<128x128xf32, #tpu.memory_space<hbm>>)
        tpu.yield
      }) : () -> ()
    }
    %scan3A_5 = arith.constant 8 : i32
    return
  }
}

#map = affine_map<(d0, d1) -> (0, 0)>
#map1 = affine_map<(d0, d1) -> (0, 0, 0)>
module attributes {stable_mosaic.version = 14 : i64} {
  func.func @gather_kernel(%arg0: i32, %arg1: i32, %arg2: memref<2048x128xf32, #tpu.memory_space<hbm>>, %arg3: memref<2048x128xf32, #tpu.memory_space<hbm>>, %arg4: memref<32x8x128xi32, #tpu.memory_space<hbm>>, %arg5: memref<32768x128xf32, #tpu.memory_space<hbm>>, %arg6: memref<32768x128xf32, #tpu.memory_space<hbm>>, %arg7: memref<8x128xi32, #tpu.memory_space<vmem>>, %arg8: memref<128x128xf32, #tpu.memory_space<vmem>>, %arg9: memref<128x128xf32, #tpu.memory_space<vmem>>, %arg10: memref<!tpu.dma_semaphore, #tpu.memory_space<semaphore_mem>>, %arg11: memref<!tpu.dma_semaphore, #tpu.memory_space<semaphore_mem>>) attributes {dimension_semantics = [#tpu.dimension_semantics<core_parallel>, #tpu.dimension_semantics<subcore_parallel>], iteration_bounds = array<i64: 2, 16>, scalar_prefetch = 0 : i64, scratch_operands = 5 : i64, tpu.core_type = #tpu.core_type<sc_vector_subcore>, window_params = [{transform_indices = #map}, {transform_indices = #map}, {transform_indices = #map1}, {transform_indices = #map}, {transform_indices = #map}]} {
    %mul3A = arith.constant 2 : i32
    %mul3A_0 = arith.muli %arg1, %mul3A : i32
    %add3A = arith.addi %mul3A_0, %arg0 : i32
    "tpu.region"() ({
      %run_scoped3A = tpu.sem_alloc : memref<!tpu.dma_semaphore, #tpu.memory_space<semaphore_mem>>
      %dma_start3A = arith.constant 0 : i32
      %dma_start3A_6 = arith.constant 0 : i32
      %dma_start3A_7 = tpu.memref_slice %arg4[%add3A, %dma_start3A, %dma_start3A_6] : memref<32x8x128xi32, #tpu.memory_space<hbm>> -> memref<1x8x128xi32, #tpu.memory_space<hbm>>
      %dma_start3A_8 = tpu.memref_squeeze %dma_start3A_7 : memref<1x8x128xi32, #tpu.memory_space<hbm>> -> memref<8x128xi32, #tpu.memory_space<hbm>>
      %dma_start3A_9 = arith.constant 0 : i32
      %dma_start3A_10 = arith.constant 0 : i32
      %dma_start3A_11 = tpu.memref_slice %arg4[%add3A, %dma_start3A_9, %dma_start3A_10] : memref<32x8x128xi32, #tpu.memory_space<hbm>> -> memref<1x8x128xi32, #tpu.memory_space<hbm>>
      %dma_start3A_12 = tpu.memref_squeeze %dma_start3A_11 : memref<1x8x128xi32, #tpu.memory_space<hbm>> -> memref<8x128xi32, #tpu.memory_space<hbm>>
      tpu.enqueue_dma source(%dma_start3A_12 : memref<8x128xi32, #tpu.memory_space<hbm>>) target(%arg7 : memref<8x128xi32, #tpu.memory_space<vmem>>) target_semaphore(%run_scoped3A : memref<!tpu.dma_semaphore, #tpu.memory_space<semaphore_mem>>)
      %dma_wait3A = arith.constant 0 : i32
      %dma_wait3A_13 = arith.constant 0 : i32
      %dma_wait3A_14 = tpu.memref_slice %arg4[%add3A, %dma_wait3A, %dma_wait3A_13] : memref<32x8x128xi32, #tpu.memory_space<hbm>> -> memref<1x8x128xi32, #tpu.memory_space<hbm>>
      %dma_wait3A_15 = tpu.memref_squeeze %dma_wait3A_14 : memref<1x8x128xi32, #tpu.memory_space<hbm>> -> memref<8x128xi32, #tpu.memory_space<hbm>>
      %dma_wait3A_16 = arith.constant 0 : i32
      %dma_wait3A_17 = arith.constant 0 : i32
      %dma_wait3A_18 = tpu.memref_slice %arg4[%add3A, %dma_wait3A_16, %dma_wait3A_17] : memref<32x8x128xi32, #tpu.memory_space<hbm>> -> memref<1x8x128xi32, #tpu.memory_space<hbm>>
      %dma_wait3A_19 = tpu.memref_squeeze %dma_wait3A_18 : memref<1x8x128xi32, #tpu.memory_space<hbm>> -> memref<8x128xi32, #tpu.memory_space<hbm>>
      tpu.wait_dma2 semaphore(%run_scoped3A : memref<!tpu.dma_semaphore, #tpu.memory_space<semaphore_mem>>) src(%dma_wait3A_19 : memref<8x128xi32, #tpu.memory_space<hbm>>) dst(%arg7 : memref<8x128xi32, #tpu.memory_space<vmem>>)
      tpu.yield
    }) : () -> ()
    %scan3A = arith.constant 0 : i32
    %scan3A_1 = arith.constant 0 : i32
    %scan3A_2 = arith.constant 8 : i32
    %scan3A_3 = arith.addi %scan3A_1, %scan3A_2 : i32
    %scan3A_4 = arith.constant 1 : i32
    scf.for %scan3A_6 = %scan3A_1 to %scan3A_3 step %scan3A_4  : i32 {
      %dma_start3A = arith.constant 0 : i32
      %dma_start3A_7 = tpu.memref_slice %arg7[%scan3A_6, %dma_start3A] : memref<8x128xi32, #tpu.memory_space<vmem>> -> memref<1x128xi32, #tpu.memory_space<vmem>>
      %dma_start3A_8 = tpu.memref_squeeze %dma_start3A_7 : memref<1x128xi32, #tpu.memory_space<vmem>> -> memref<128xi32, #tpu.memory_space<vmem>>
      %dma_start3A_9 = arith.constant 0 : i32
      %dma_start3A_10 = arith.constant 0 : i32
      %dma_start3A_11 = tpu.memref_slice %arg2[%dma_start3A_9, %dma_start3A_10] : memref<2048x128xf32, #tpu.memory_space<hbm>> -> memref<2048x128xf32, #tpu.memory_space<hbm>>
      tpu.enqueue_indirect_dma source(%dma_start3A_11 : memref<2048x128xf32, #tpu.memory_space<hbm>>) target(%arg8 : memref<128x128xf32, #tpu.memory_space<vmem>>) offsets(%dma_start3A_8 : memref<128xi32, #tpu.memory_space<vmem>>) semaphore(%arg10 : memref<!tpu.dma_semaphore, #tpu.memory_space<semaphore_mem>>)
      %dma_start3A_12 = arith.constant 0 : i32
      %dma_start3A_13 = tpu.memref_slice %arg7[%scan3A_6, %dma_start3A_12] : memref<8x128xi32, #tpu.memory_space<vmem>> -> memref<1x128xi32, #tpu.memory_space<vmem>>
      %dma_start3A_14 = tpu.memref_squeeze %dma_start3A_13 : memref<1x128xi32, #tpu.memory_space<vmem>> -> memref<128xi32, #tpu.memory_space<vmem>>
      %dma_start3A_15 = arith.constant 0 : i32
      %dma_start3A_16 = arith.constant 0 : i32
      %dma_start3A_17 = tpu.memref_slice %arg3[%dma_start3A_15, %dma_start3A_16] : memref<2048x128xf32, #tpu.memory_space<hbm>> -> memref<2048x128xf32, #tpu.memory_space<hbm>>
      tpu.enqueue_indirect_dma source(%dma_start3A_17 : memref<2048x128xf32, #tpu.memory_space<hbm>>) target(%arg9 : memref<128x128xf32, #tpu.memory_space<vmem>>) offsets(%dma_start3A_14 : memref<128xi32, #tpu.memory_space<vmem>>) semaphore(%arg11 : memref<!tpu.dma_semaphore, #tpu.memory_space<semaphore_mem>>)
      %dma_wait3A = arith.constant 0 : i32
      %dma_wait3A_18 = tpu.memref_slice %arg7[%scan3A_6, %dma_wait3A] : memref<8x128xi32, #tpu.memory_space<vmem>> -> memref<1x128xi32, #tpu.memory_space<vmem>>
      %dma_wait3A_19 = tpu.memref_squeeze %dma_wait3A_18 : memref<1x128xi32, #tpu.memory_space<vmem>> -> memref<128xi32, #tpu.memory_space<vmem>>
      %dma_wait3A_20 = arith.constant 0 : i32
      %dma_wait3A_21 = arith.constant 0 : i32
      %dma_wait3A_22 = tpu.memref_slice %arg2[%dma_wait3A_20, %dma_wait3A_21] : memref<2048x128xf32, #tpu.memory_space<hbm>> -> memref<2048x128xf32, #tpu.memory_space<hbm>>
      tpu.wait_indirect_dma semaphore(%arg10 : memref<!tpu.dma_semaphore, #tpu.memory_space<semaphore_mem>>) src(%dma_wait3A_22 : memref<2048x128xf32, #tpu.memory_space<hbm>>) dst(%arg8 : memref<128x128xf32, #tpu.memory_space<vmem>>)
      %dma_wait3A_23 = arith.constant 0 : i32
      %dma_wait3A_24 = tpu.memref_slice %arg7[%scan3A_6, %dma_wait3A_23] : memref<8x128xi32, #tpu.memory_space<vmem>> -> memref<1x128xi32, #tpu.memory_space<vmem>>
      %dma_wait3A_25 = tpu.memref_squeeze %dma_wait3A_24 : memref<1x128xi32, #tpu.memory_space<vmem>> -> memref<128xi32, #tpu.memory_space<vmem>>
      %dma_wait3A_26 = arith.constant 0 : i32
      %dma_wait3A_27 = arith.constant 0 : i32
      %dma_wait3A_28 = tpu.memref_slice %arg3[%dma_wait3A_26, %dma_wait3A_27] : memref<2048x128xf32, #tpu.memory_space<hbm>> -> memref<2048x128xf32, #tpu.memory_space<hbm>>
      tpu.wait_indirect_dma semaphore(%arg11 : memref<!tpu.dma_semaphore, #tpu.memory_space<semaphore_mem>>) src(%dma_wait3A_28 : memref<2048x128xf32, #tpu.memory_space<hbm>>) dst(%arg9 : memref<128x128xf32, #tpu.memory_space<vmem>>)
      %mul3A_29 = arith.constant 1024 : i32
      %mul3A_30 = arith.muli %add3A, %mul3A_29 : i32
      %mul3A_31 = arith.constant 128 : i32
      %mul3A_32 = arith.muli %scan3A_6, %mul3A_31 : i32
      %add3A_33 = arith.addi %mul3A_30, %mul3A_32 : i32
      "tpu.region"() ({
        %run_scoped3A = tpu.sem_alloc : memref<!tpu.dma_semaphore, #tpu.memory_space<semaphore_mem>>
        %dma_start3A_34 = arith.constant 0 : i32
        %dma_start3A_35 = tpu.memref_slice %arg5[%add3A_33, %dma_start3A_34] : memref<32768x128xf32, #tpu.memory_space<hbm>> -> memref<128x128xf32, #tpu.memory_space<hbm>>
        %dma_start3A_36 = arith.constant 0 : i32
        %dma_start3A_37 = tpu.memref_slice %arg5[%add3A_33, %dma_start3A_36] : memref<32768x128xf32, #tpu.memory_space<hbm>> -> memref<128x128xf32, #tpu.memory_space<hbm>>
        tpu.enqueue_dma source(%arg8 : memref<128x128xf32, #tpu.memory_space<vmem>>) target(%dma_start3A_37 : memref<128x128xf32, #tpu.memory_space<hbm>>) target_semaphore(%run_scoped3A : memref<!tpu.dma_semaphore, #tpu.memory_space<semaphore_mem>>)
        %dma_wait3A_38 = arith.constant 0 : i32
        %dma_wait3A_39 = tpu.memref_slice %arg5[%add3A_33, %dma_wait3A_38] : memref<32768x128xf32, #tpu.memory_space<hbm>> -> memref<128x128xf32, #tpu.memory_space<hbm>>
        %dma_wait3A_40 = arith.constant 0 : i32
        %dma_wait3A_41 = tpu.memref_slice %arg5[%add3A_33, %dma_wait3A_40] : memref<32768x128xf32, #tpu.memory_space<hbm>> -> memref<128x128xf32, #tpu.memory_space<hbm>>
        tpu.wait_dma2 semaphore(%run_scoped3A : memref<!tpu.dma_semaphore, #tpu.memory_space<semaphore_mem>>) src(%arg8 : memref<128x128xf32, #tpu.memory_space<vmem>>) dst(%dma_wait3A_41 : memref<128x128xf32, #tpu.memory_space<hbm>>)
        tpu.yield
      }) : () -> ()
      "tpu.region"() ({
        %run_scoped3A = tpu.sem_alloc : memref<!tpu.dma_semaphore, #tpu.memory_space<semaphore_mem>>
        %dma_start3A_34 = arith.constant 0 : i32
        %dma_start3A_35 = tpu.memref_slice %arg6[%add3A_33, %dma_start3A_34] : memref<32768x128xf32, #tpu.memory_space<hbm>> -> memref<128x128xf32, #tpu.memory_space<hbm>>
        %dma_start3A_36 = arith.constant 0 : i32
        %dma_start3A_37 = tpu.memref_slice %arg6[%add3A_33, %dma_start3A_36] : memref<32768x128xf32, #tpu.memory_space<hbm>> -> memref<128x128xf32, #tpu.memory_space<hbm>>
        tpu.enqueue_dma source(%arg9 : memref<128x128xf32, #tpu.memory_space<vmem>>) target(%dma_start3A_37 : memref<128x128xf32, #tpu.memory_space<hbm>>) target_semaphore(%run_scoped3A : memref<!tpu.dma_semaphore, #tpu.memory_space<semaphore_mem>>)
        %dma_wait3A_38 = arith.constant 0 : i32
        %dma_wait3A_39 = tpu.memref_slice %arg6[%add3A_33, %dma_wait3A_38] : memref<32768x128xf32, #tpu.memory_space<hbm>> -> memref<128x128xf32, #tpu.memory_space<hbm>>
        %dma_wait3A_40 = arith.constant 0 : i32
        %dma_wait3A_41 = tpu.memref_slice %arg6[%add3A_33, %dma_wait3A_40] : memref<32768x128xf32, #tpu.memory_space<hbm>> -> memref<128x128xf32, #tpu.memory_space<hbm>>
        tpu.wait_dma2 semaphore(%run_scoped3A : memref<!tpu.dma_semaphore, #tpu.memory_space<semaphore_mem>>) src(%arg9 : memref<128x128xf32, #tpu.memory_space<vmem>>) dst(%dma_wait3A_41 : memref<128x128xf32, #tpu.memory_space<hbm>>)
        tpu.yield
      }) : () -> ()
    }
    %scan3A_5 = arith.constant 8 : i32
    return
  }
}

#map = affine_map<(d0, d1) -> (0, 0)>
#map1 = affine_map<(d0, d1) -> (0, 0, 0)>
module attributes {stable_mosaic.version = 14 : i64} {
  func.func @gather_kernel(%arg0: i32, %arg1: i32, %arg2: memref<2048x128xf32, #tpu.memory_space<hbm>>, %arg3: memref<2048x128xf32, #tpu.memory_space<hbm>>, %arg4: memref<32x8x128xi32, #tpu.memory_space<hbm>>, %arg5: memref<32768x128xf32, #tpu.memory_space<hbm>>, %arg6: memref<32768x128xf32, #tpu.memory_space<hbm>>, %arg7: memref<8x128xi32, #tpu.memory_space<vmem>>, %arg8: memref<128x128xf32, #tpu.memory_space<vmem>>, %arg9: memref<128x128xf32, #tpu.memory_space<vmem>>, %arg10: memref<!tpu.dma_semaphore, #tpu.memory_space<semaphore_mem>>, %arg11: memref<!tpu.dma_semaphore, #tpu.memory_space<semaphore_mem>>) attributes {dimension_semantics = [#tpu.dimension_semantics<core_parallel>, #tpu.dimension_semantics<subcore_parallel>], iteration_bounds = array<i64: 2, 16>, scalar_prefetch = 0 : i64, scratch_operands = 5 : i64, tpu.core_type = #tpu.core_type<sc_vector_subcore>, window_params = [{transform_indices = #map}, {transform_indices = #map}, {transform_indices = #map1}, {transform_indices = #map}, {transform_indices = #map}]} {
    %mul3A = arith.constant 2 : i32
    %mul3A_0 = arith.muli %arg1, %mul3A : i32
    %add3A = arith.addi %mul3A_0, %arg0 : i32
    "tpu.region"() ({
      %run_scoped3A = tpu.sem_alloc : memref<!tpu.dma_semaphore, #tpu.memory_space<semaphore_mem>>
      %dma_start3A = arith.constant 0 : i32
      %dma_start3A_6 = arith.constant 0 : i32
      %dma_start3A_7 = tpu.memref_slice %arg4[%add3A, %dma_start3A, %dma_start3A_6] : memref<32x8x128xi32, #tpu.memory_space<hbm>> -> memref<1x8x128xi32, #tpu.memory_space<hbm>>
      %dma_start3A_8 = tpu.memref_squeeze %dma_start3A_7 : memref<1x8x128xi32, #tpu.memory_space<hbm>> -> memref<8x128xi32, #tpu.memory_space<hbm>>
      %dma_start3A_9 = arith.constant 0 : i32
      %dma_start3A_10 = arith.constant 0 : i32
      %dma_start3A_11 = tpu.memref_slice %arg4[%add3A, %dma_start3A_9, %dma_start3A_10] : memref<32x8x128xi32, #tpu.memory_space<hbm>> -> memref<1x8x128xi32, #tpu.memory_space<hbm>>
      %dma_start3A_12 = tpu.memref_squeeze %dma_start3A_11 : memref<1x8x128xi32, #tpu.memory_space<hbm>> -> memref<8x128xi32, #tpu.memory_space<hbm>>
      tpu.enqueue_dma source(%dma_start3A_12 : memref<8x128xi32, #tpu.memory_space<hbm>>) target(%arg7 : memref<8x128xi32, #tpu.memory_space<vmem>>) target_semaphore(%run_scoped3A : memref<!tpu.dma_semaphore, #tpu.memory_space<semaphore_mem>>)
      %dma_wait3A = arith.constant 0 : i32
      %dma_wait3A_13 = arith.constant 0 : i32
      %dma_wait3A_14 = tpu.memref_slice %arg4[%add3A, %dma_wait3A, %dma_wait3A_13] : memref<32x8x128xi32, #tpu.memory_space<hbm>> -> memref<1x8x128xi32, #tpu.memory_space<hbm>>
      %dma_wait3A_15 = tpu.memref_squeeze %dma_wait3A_14 : memref<1x8x128xi32, #tpu.memory_space<hbm>> -> memref<8x128xi32, #tpu.memory_space<hbm>>
      %dma_wait3A_16 = arith.constant 0 : i32
      %dma_wait3A_17 = arith.constant 0 : i32
      %dma_wait3A_18 = tpu.memref_slice %arg4[%add3A, %dma_wait3A_16, %dma_wait3A_17] : memref<32x8x128xi32, #tpu.memory_space<hbm>> -> memref<1x8x128xi32, #tpu.memory_space<hbm>>
      %dma_wait3A_19 = tpu.memref_squeeze %dma_wait3A_18 : memref<1x8x128xi32, #tpu.memory_space<hbm>> -> memref<8x128xi32, #tpu.memory_space<hbm>>
      tpu.wait_dma2 semaphore(%run_scoped3A : memref<!tpu.dma_semaphore, #tpu.memory_space<semaphore_mem>>) src(%dma_wait3A_19 : memref<8x128xi32, #tpu.memory_space<hbm>>) dst(%arg7 : memref<8x128xi32, #tpu.memory_space<vmem>>)
      tpu.yield
    }) : () -> ()
    %scan3A = arith.constant 0 : i32
    %scan3A_1 = arith.constant 0 : i32
    %scan3A_2 = arith.constant 8 : i32
    %scan3A_3 = arith.addi %scan3A_1, %scan3A_2 : i32
    %scan3A_4 = arith.constant 1 : i32
    scf.for %scan3A_6 = %scan3A_1 to %scan3A_3 step %scan3A_4  : i32 {
      %dma_start3A = arith.constant 0 : i32
      %dma_start3A_7 = tpu.memref_slice %arg7[%scan3A_6, %dma_start3A] : memref<8x128xi32, #tpu.memory_space<vmem>> -> memref<1x128xi32, #tpu.memory_space<vmem>>
      %dma_start3A_8 = tpu.memref_squeeze %dma_start3A_7 : memref<1x128xi32, #tpu.memory_space<vmem>> -> memref<128xi32, #tpu.memory_space<vmem>>
      %dma_start3A_9 = arith.constant 0 : i32
      %dma_start3A_10 = arith.constant 0 : i32
      %dma_start3A_11 = tpu.memref_slice %arg2[%dma_start3A_9, %dma_start3A_10] : memref<2048x128xf32, #tpu.memory_space<hbm>> -> memref<2048x128xf32, #tpu.memory_space<hbm>>
      tpu.enqueue_indirect_dma source(%dma_start3A_11 : memref<2048x128xf32, #tpu.memory_space<hbm>>) target(%arg8 : memref<128x128xf32, #tpu.memory_space<vmem>>) offsets(%dma_start3A_8 : memref<128xi32, #tpu.memory_space<vmem>>) semaphore(%arg10 : memref<!tpu.dma_semaphore, #tpu.memory_space<semaphore_mem>>)
      %dma_start3A_12 = arith.constant 0 : i32
      %dma_start3A_13 = tpu.memref_slice %arg7[%scan3A_6, %dma_start3A_12] : memref<8x128xi32, #tpu.memory_space<vmem>> -> memref<1x128xi32, #tpu.memory_space<vmem>>
      %dma_start3A_14 = tpu.memref_squeeze %dma_start3A_13 : memref<1x128xi32, #tpu.memory_space<vmem>> -> memref<128xi32, #tpu.memory_space<vmem>>
      %dma_start3A_15 = arith.constant 0 : i32
      %dma_start3A_16 = arith.constant 0 : i32
      %dma_start3A_17 = tpu.memref_slice %arg3[%dma_start3A_15, %dma_start3A_16] : memref<2048x128xf32, #tpu.memory_space<hbm>> -> memref<2048x128xf32, #tpu.memory_space<hbm>>
      tpu.enqueue_indirect_dma source(%dma_start3A_17 : memref<2048x128xf32, #tpu.memory_space<hbm>>) target(%arg9 : memref<128x128xf32, #tpu.memory_space<vmem>>) offsets(%dma_start3A_14 : memref<128xi32, #tpu.memory_space<vmem>>) semaphore(%arg11 : memref<!tpu.dma_semaphore, #tpu.memory_space<semaphore_mem>>)
      %dma_wait3A = arith.constant 0 : i32
      %dma_wait3A_18 = tpu.memref_slice %arg7[%scan3A_6, %dma_wait3A] : memref<8x128xi32, #tpu.memory_space<vmem>> -> memref<1x128xi32, #tpu.memory_space<vmem>>
      %dma_wait3A_19 = tpu.memref_squeeze %dma_wait3A_18 : memref<1x128xi32, #tpu.memory_space<vmem>> -> memref<128xi32, #tpu.memory_space<vmem>>
      %dma_wait3A_20 = arith.constant 0 : i32
      %dma_wait3A_21 = arith.constant 0 : i32
      %dma_wait3A_22 = tpu.memref_slice %arg2[%dma_wait3A_20, %dma_wait3A_21] : memref<2048x128xf32, #tpu.memory_space<hbm>> -> memref<2048x128xf32, #tpu.memory_space<hbm>>
      tpu.wait_indirect_dma semaphore(%arg10 : memref<!tpu.dma_semaphore, #tpu.memory_space<semaphore_mem>>) src(%dma_wait3A_22 : memref<2048x128xf32, #tpu.memory_space<hbm>>) dst(%arg8 : memref<128x128xf32, #tpu.memory_space<vmem>>)
      %dma_wait3A_23 = arith.constant 0 : i32
      %dma_wait3A_24 = tpu.memref_slice %arg7[%scan3A_6, %dma_wait3A_23] : memref<8x128xi32, #tpu.memory_space<vmem>> -> memref<1x128xi32, #tpu.memory_space<vmem>>
      %dma_wait3A_25 = tpu.memref_squeeze %dma_wait3A_24 : memref<1x128xi32, #tpu.memory_space<vmem>> -> memref<128xi32, #tpu.memory_space<vmem>>
      %dma_wait3A_26 = arith.constant 0 : i32
      %dma_wait3A_27 = arith.constant 0 : i32
      %dma_wait3A_28 = tpu.memref_slice %arg3[%dma_wait3A_26, %dma_wait3A_27] : memref<2048x128xf32, #tpu.memory_space<hbm>> -> memref<2048x128xf32, #tpu.memory_space<hbm>>
      tpu.wait_indirect_dma semaphore(%arg11 : memref<!tpu.dma_semaphore, #tpu.memory_space<semaphore_mem>>) src(%dma_wait3A_28 : memref<2048x128xf32, #tpu.memory_space<hbm>>) dst(%arg9 : memref<128x128xf32, #tpu.memory_space<vmem>>)
      %mul3A_29 = arith.constant 1024 : i32
      %mul3A_30 = arith.muli %add3A, %mul3A_29 : i32
      %mul3A_31 = arith.constant 128 : i32
      %mul3A_32 = arith.muli %scan3A_6, %mul3A_31 : i32
      %add3A_33 = arith.addi %mul3A_30, %mul3A_32 : i32
      "tpu.region"() ({
        %run_scoped3A = tpu.sem_alloc : memref<!tpu.dma_semaphore, #tpu.memory_space<semaphore_mem>>
        %dma_start3A_34 = arith.constant 0 : i32
        %dma_start3A_35 = tpu.memref_slice %arg5[%add3A_33, %dma_start3A_34] : memref<32768x128xf32, #tpu.memory_space<hbm>> -> memref<128x128xf32, #tpu.memory_space<hbm>>
        %dma_start3A_36 = arith.constant 0 : i32
        %dma_start3A_37 = tpu.memref_slice %arg5[%add3A_33, %dma_start3A_36] : memref<32768x128xf32, #tpu.memory_space<hbm>> -> memref<128x128xf32, #tpu.memory_space<hbm>>
        tpu.enqueue_dma source(%arg8 : memref<128x128xf32, #tpu.memory_space<vmem>>) target(%dma_start3A_37 : memref<128x128xf32, #tpu.memory_space<hbm>>) target_semaphore(%run_scoped3A : memref<!tpu.dma_semaphore, #tpu.memory_space<semaphore_mem>>)
        %dma_wait3A_38 = arith.constant 0 : i32
        %dma_wait3A_39 = tpu.memref_slice %arg5[%add3A_33, %dma_wait3A_38] : memref<32768x128xf32, #tpu.memory_space<hbm>> -> memref<128x128xf32, #tpu.memory_space<hbm>>
        %dma_wait3A_40 = arith.constant 0 : i32
        %dma_wait3A_41 = tpu.memref_slice %arg5[%add3A_33, %dma_wait3A_40] : memref<32768x128xf32, #tpu.memory_space<hbm>> -> memref<128x128xf32, #tpu.memory_space<hbm>>
        tpu.wait_dma2 semaphore(%run_scoped3A : memref<!tpu.dma_semaphore, #tpu.memory_space<semaphore_mem>>) src(%arg8 : memref<128x128xf32, #tpu.memory_space<vmem>>) dst(%dma_wait3A_41 : memref<128x128xf32, #tpu.memory_space<hbm>>)
        tpu.yield
      }) : () -> ()
      "tpu.region"() ({
        %run_scoped3A = tpu.sem_alloc : memref<!tpu.dma_semaphore, #tpu.memory_space<semaphore_mem>>
        %dma_start3A_34 = arith.constant 0 : i32
        %dma_start3A_35 = tpu.memref_slice %arg6[%add3A_33, %dma_start3A_34] : memref<32768x128xf32, #tpu.memory_space<hbm>> -> memref<128x128xf32, #tpu.memory_space<hbm>>
        %dma_start3A_36 = arith.constant 0 : i32
        %dma_start3A_37 = tpu.memref_slice %arg6[%add3A_33, %dma_start3A_36] : memref<32768x128xf32, #tpu.memory_space<hbm>> -> memref<128x128xf32, #tpu.memory_space<hbm>>
        tpu.enqueue_dma source(%arg9 : memref<128x128xf32, #tpu.memory_space<vmem>>) target(%dma_start3A_37 : memref<128x128xf32, #tpu.memory_space<hbm>>) target_semaphore(%run_scoped3A : memref<!tpu.dma_semaphore, #tpu.memory_space<semaphore_mem>>)
        %dma_wait3A_38 = arith.constant 0 : i32
        %dma_wait3A_39 = tpu.memref_slice %arg6[%add3A_33, %dma_wait3A_38] : memref<32768x128xf32, #tpu.memory_space<hbm>> -> memref<128x128xf32, #tpu.memory_space<hbm>>
        %dma_wait3A_40 = arith.constant 0 : i32
        %dma_wait3A_41 = tpu.memref_slice %arg6[%add3A_33, %dma_wait3A_40] : memref<32768x128xf32, #tpu.memory_space<hbm>> -> memref<128x128xf32, #tpu.memory_space<hbm>>
        tpu.wait_dma2 semaphore(%run_scoped3A : memref<!tpu.dma_semaphore, #tpu.memory_space<semaphore_mem>>) src(%arg9 : memref<128x128xf32, #tpu.memory_space<vmem>>) dst(%dma_wait3A_41 : memref<128x128xf32, #tpu.memory_space<hbm>>)
        tpu.yield
      }) : () -> ()
    }
    %scan3A_5 = arith.constant 8 : i32
    return
  }
}

#map = affine_map<(d0, d1) -> (0, 0)>
#map1 = affine_map<(d0, d1) -> (0, 0, 0)>
module attributes {stable_mosaic.version = 14 : i64} {
  func.func @gather_kernel(%arg0: i32, %arg1: i32, %arg2: memref<2048x128xf32, #tpu.memory_space<hbm>>, %arg3: memref<2048x128xf32, #tpu.memory_space<hbm>>, %arg4: memref<32x8x128xi32, #tpu.memory_space<hbm>>, %arg5: memref<32768x128xf32, #tpu.memory_space<hbm>>, %arg6: memref<32768x128xf32, #tpu.memory_space<hbm>>, %arg7: memref<8x128xi32, #tpu.memory_space<vmem>>, %arg8: memref<128x128xf32, #tpu.memory_space<vmem>>, %arg9: memref<128x128xf32, #tpu.memory_space<vmem>>, %arg10: memref<!tpu.dma_semaphore, #tpu.memory_space<semaphore_mem>>, %arg11: memref<!tpu.dma_semaphore, #tpu.memory_space<semaphore_mem>>) attributes {dimension_semantics = [#tpu.dimension_semantics<core_parallel>, #tpu.dimension_semantics<subcore_parallel>], iteration_bounds = array<i64: 2, 16>, scalar_prefetch = 0 : i64, scratch_operands = 5 : i64, tpu.core_type = #tpu.core_type<sc_vector_subcore>, window_params = [{transform_indices = #map}, {transform_indices = #map}, {transform_indices = #map1}, {transform_indices = #map}, {transform_indices = #map}]} {
    %mul3A = arith.constant 2 : i32
    %mul3A_0 = arith.muli %arg1, %mul3A : i32
    %add3A = arith.addi %mul3A_0, %arg0 : i32
    "tpu.region"() ({
      %run_scoped3A = tpu.sem_alloc : memref<!tpu.dma_semaphore, #tpu.memory_space<semaphore_mem>>
      %dma_start3A = arith.constant 0 : i32
      %dma_start3A_6 = arith.constant 0 : i32
      %dma_start3A_7 = tpu.memref_slice %arg4[%add3A, %dma_start3A, %dma_start3A_6] : memref<32x8x128xi32, #tpu.memory_space<hbm>> -> memref<1x8x128xi32, #tpu.memory_space<hbm>>
      %dma_start3A_8 = tpu.memref_squeeze %dma_start3A_7 : memref<1x8x128xi32, #tpu.memory_space<hbm>> -> memref<8x128xi32, #tpu.memory_space<hbm>>
      %dma_start3A_9 = arith.constant 0 : i32
      %dma_start3A_10 = arith.constant 0 : i32
      %dma_start3A_11 = tpu.memref_slice %arg4[%add3A, %dma_start3A_9, %dma_start3A_10] : memref<32x8x128xi32, #tpu.memory_space<hbm>> -> memref<1x8x128xi32, #tpu.memory_space<hbm>>
      %dma_start3A_12 = tpu.memref_squeeze %dma_start3A_11 : memref<1x8x128xi32, #tpu.memory_space<hbm>> -> memref<8x128xi32, #tpu.memory_space<hbm>>
      tpu.enqueue_dma source(%dma_start3A_12 : memref<8x128xi32, #tpu.memory_space<hbm>>) target(%arg7 : memref<8x128xi32, #tpu.memory_space<vmem>>) target_semaphore(%run_scoped3A : memref<!tpu.dma_semaphore, #tpu.memory_space<semaphore_mem>>)
      %dma_wait3A = arith.constant 0 : i32
      %dma_wait3A_13 = arith.constant 0 : i32
      %dma_wait3A_14 = tpu.memref_slice %arg4[%add3A, %dma_wait3A, %dma_wait3A_13] : memref<32x8x128xi32, #tpu.memory_space<hbm>> -> memref<1x8x128xi32, #tpu.memory_space<hbm>>
      %dma_wait3A_15 = tpu.memref_squeeze %dma_wait3A_14 : memref<1x8x128xi32, #tpu.memory_space<hbm>> -> memref<8x128xi32, #tpu.memory_space<hbm>>
      %dma_wait3A_16 = arith.constant 0 : i32
      %dma_wait3A_17 = arith.constant 0 : i32
      %dma_wait3A_18 = tpu.memref_slice %arg4[%add3A, %dma_wait3A_16, %dma_wait3A_17] : memref<32x8x128xi32, #tpu.memory_space<hbm>> -> memref<1x8x128xi32, #tpu.memory_space<hbm>>
      %dma_wait3A_19 = tpu.memref_squeeze %dma_wait3A_18 : memref<1x8x128xi32, #tpu.memory_space<hbm>> -> memref<8x128xi32, #tpu.memory_space<hbm>>
      tpu.wait_dma2 semaphore(%run_scoped3A : memref<!tpu.dma_semaphore, #tpu.memory_space<semaphore_mem>>) src(%dma_wait3A_19 : memref<8x128xi32, #tpu.memory_space<hbm>>) dst(%arg7 : memref<8x128xi32, #tpu.memory_space<vmem>>)
      tpu.yield
    }) : () -> ()
    %scan3A = arith.constant 0 : i32
    %scan3A_1 = arith.constant 0 : i32
    %scan3A_2 = arith.constant 8 : i32
    %scan3A_3 = arith.addi %scan3A_1, %scan3A_2 : i32
    %scan3A_4 = arith.constant 1 : i32
    scf.for %scan3A_6 = %scan3A_1 to %scan3A_3 step %scan3A_4  : i32 {
      %dma_start3A = arith.constant 0 : i32
      %dma_start3A_7 = tpu.memref_slice %arg7[%scan3A_6, %dma_start3A] : memref<8x128xi32, #tpu.memory_space<vmem>> -> memref<1x128xi32, #tpu.memory_space<vmem>>
      %dma_start3A_8 = tpu.memref_squeeze %dma_start3A_7 : memref<1x128xi32, #tpu.memory_space<vmem>> -> memref<128xi32, #tpu.memory_space<vmem>>
      %dma_start3A_9 = arith.constant 0 : i32
      %dma_start3A_10 = arith.constant 0 : i32
      %dma_start3A_11 = tpu.memref_slice %arg2[%dma_start3A_9, %dma_start3A_10] : memref<2048x128xf32, #tpu.memory_space<hbm>> -> memref<2048x128xf32, #tpu.memory_space<hbm>>
      tpu.enqueue_indirect_dma source(%dma_start3A_11 : memref<2048x128xf32, #tpu.memory_space<hbm>>) target(%arg8 : memref<128x128xf32, #tpu.memory_space<vmem>>) offsets(%dma_start3A_8 : memref<128xi32, #tpu.memory_space<vmem>>) semaphore(%arg10 : memref<!tpu.dma_semaphore, #tpu.memory_space<semaphore_mem>>)
      %dma_start3A_12 = arith.constant 0 : i32
      %dma_start3A_13 = tpu.memref_slice %arg7[%scan3A_6, %dma_start3A_12] : memref<8x128xi32, #tpu.memory_space<vmem>> -> memref<1x128xi32, #tpu.memory_space<vmem>>
      %dma_start3A_14 = tpu.memref_squeeze %dma_start3A_13 : memref<1x128xi32, #tpu.memory_space<vmem>> -> memref<128xi32, #tpu.memory_space<vmem>>
      %dma_start3A_15 = arith.constant 0 : i32
      %dma_start3A_16 = arith.constant 0 : i32
      %dma_start3A_17 = tpu.memref_slice %arg3[%dma_start3A_15, %dma_start3A_16] : memref<2048x128xf32, #tpu.memory_space<hbm>> -> memref<2048x128xf32, #tpu.memory_space<hbm>>
      tpu.enqueue_indirect_dma source(%dma_start3A_17 : memref<2048x128xf32, #tpu.memory_space<hbm>>) target(%arg9 : memref<128x128xf32, #tpu.memory_space<vmem>>) offsets(%dma_start3A_14 : memref<128xi32, #tpu.memory_space<vmem>>) semaphore(%arg11 : memref<!tpu.dma_semaphore, #tpu.memory_space<semaphore_mem>>)
      %dma_wait3A = arith.constant 0 : i32
      %dma_wait3A_18 = tpu.memref_slice %arg7[%scan3A_6, %dma_wait3A] : memref<8x128xi32, #tpu.memory_space<vmem>> -> memref<1x128xi32, #tpu.memory_space<vmem>>
      %dma_wait3A_19 = tpu.memref_squeeze %dma_wait3A_18 : memref<1x128xi32, #tpu.memory_space<vmem>> -> memref<128xi32, #tpu.memory_space<vmem>>
      %dma_wait3A_20 = arith.constant 0 : i32
      %dma_wait3A_21 = arith.constant 0 : i32
      %dma_wait3A_22 = tpu.memref_slice %arg2[%dma_wait3A_20, %dma_wait3A_21] : memref<2048x128xf32, #tpu.memory_space<hbm>> -> memref<2048x128xf32, #tpu.memory_space<hbm>>
      tpu.wait_indirect_dma semaphore(%arg10 : memref<!tpu.dma_semaphore, #tpu.memory_space<semaphore_mem>>) src(%dma_wait3A_22 : memref<2048x128xf32, #tpu.memory_space<hbm>>) dst(%arg8 : memref<128x128xf32, #tpu.memory_space<vmem>>)
      %dma_wait3A_23 = arith.constant 0 : i32
      %dma_wait3A_24 = tpu.memref_slice %arg7[%scan3A_6, %dma_wait3A_23] : memref<8x128xi32, #tpu.memory_space<vmem>> -> memref<1x128xi32, #tpu.memory_space<vmem>>
      %dma_wait3A_25 = tpu.memref_squeeze %dma_wait3A_24 : memref<1x128xi32, #tpu.memory_space<vmem>> -> memref<128xi32, #tpu.memory_space<vmem>>
      %dma_wait3A_26 = arith.constant 0 : i32
      %dma_wait3A_27 = arith.constant 0 : i32
      %dma_wait3A_28 = tpu.memref_slice %arg3[%dma_wait3A_26, %dma_wait3A_27] : memref<2048x128xf32, #tpu.memory_space<hbm>> -> memref<2048x128xf32, #tpu.memory_space<hbm>>
      tpu.wait_indirect_dma semaphore(%arg11 : memref<!tpu.dma_semaphore, #tpu.memory_space<semaphore_mem>>) src(%dma_wait3A_28 : memref<2048x128xf32, #tpu.memory_space<hbm>>) dst(%arg9 : memref<128x128xf32, #tpu.memory_space<vmem>>)
      %mul3A_29 = arith.constant 1024 : i32
      %mul3A_30 = arith.muli %add3A, %mul3A_29 : i32
      %mul3A_31 = arith.constant 128 : i32
      %mul3A_32 = arith.muli %scan3A_6, %mul3A_31 : i32
      %add3A_33 = arith.addi %mul3A_30, %mul3A_32 : i32
      "tpu.region"() ({
        %run_scoped3A = tpu.sem_alloc : memref<!tpu.dma_semaphore, #tpu.memory_space<semaphore_mem>>
        %dma_start3A_34 = arith.constant 0 : i32
        %dma_start3A_35 = tpu.memref_slice %arg5[%add3A_33, %dma_start3A_34] : memref<32768x128xf32, #tpu.memory_space<hbm>> -> memref<128x128xf32, #tpu.memory_space<hbm>>
        %dma_start3A_36 = arith.constant 0 : i32
        %dma_start3A_37 = tpu.memref_slice %arg5[%add3A_33, %dma_start3A_36] : memref<32768x128xf32, #tpu.memory_space<hbm>> -> memref<128x128xf32, #tpu.memory_space<hbm>>
        tpu.enqueue_dma source(%arg8 : memref<128x128xf32, #tpu.memory_space<vmem>>) target(%dma_start3A_37 : memref<128x128xf32, #tpu.memory_space<hbm>>) target_semaphore(%run_scoped3A : memref<!tpu.dma_semaphore, #tpu.memory_space<semaphore_mem>>)
        %dma_wait3A_38 = arith.constant 0 : i32
        %dma_wait3A_39 = tpu.memref_slice %arg5[%add3A_33, %dma_wait3A_38] : memref<32768x128xf32, #tpu.memory_space<hbm>> -> memref<128x128xf32, #tpu.memory_space<hbm>>
        %dma_wait3A_40 = arith.constant 0 : i32
        %dma_wait3A_41 = tpu.memref_slice %arg5[%add3A_33, %dma_wait3A_40] : memref<32768x128xf32, #tpu.memory_space<hbm>> -> memref<128x128xf32, #tpu.memory_space<hbm>>
        tpu.wait_dma2 semaphore(%run_scoped3A : memref<!tpu.dma_semaphore, #tpu.memory_space<semaphore_mem>>) src(%arg8 : memref<128x128xf32, #tpu.memory_space<vmem>>) dst(%dma_wait3A_41 : memref<128x128xf32, #tpu.memory_space<hbm>>)
        tpu.yield
      }) : () -> ()
      "tpu.region"() ({
        %run_scoped3A = tpu.sem_alloc : memref<!tpu.dma_semaphore, #tpu.memory_space<semaphore_mem>>
        %dma_start3A_34 = arith.constant 0 : i32
        %dma_start3A_35 = tpu.memref_slice %arg6[%add3A_33, %dma_start3A_34] : memref<32768x128xf32, #tpu.memory_space<hbm>> -> memref<128x128xf32, #tpu.memory_space<hbm>>
        %dma_start3A_36 = arith.constant 0 : i32
        %dma_start3A_37 = tpu.memref_slice %arg6[%add3A_33, %dma_start3A_36] : memref<32768x128xf32, #tpu.memory_space<hbm>> -> memref<128x128xf32, #tpu.memory_space<hbm>>
        tpu.enqueue_dma source(%arg9 : memref<128x128xf32, #tpu.memory_space<vmem>>) target(%dma_start3A_37 : memref<128x128xf32, #tpu.memory_space<hbm>>) target_semaphore(%run_scoped3A : memref<!tpu.dma_semaphore, #tpu.memory_space<semaphore_mem>>)
        %dma_wait3A_38 = arith.constant 0 : i32
        %dma_wait3A_39 = tpu.memref_slice %arg6[%add3A_33, %dma_wait3A_38] : memref<32768x128xf32, #tpu.memory_space<hbm>> -> memref<128x128xf32, #tpu.memory_space<hbm>>
        %dma_wait3A_40 = arith.constant 0 : i32
        %dma_wait3A_41 = tpu.memref_slice %arg6[%add3A_33, %dma_wait3A_40] : memref<32768x128xf32, #tpu.memory_space<hbm>> -> memref<128x128xf32, #tpu.memory_space<hbm>>
        tpu.wait_dma2 semaphore(%run_scoped3A : memref<!tpu.dma_semaphore, #tpu.memory_space<semaphore_mem>>) src(%arg9 : memref<128x128xf32, #tpu.memory_space<vmem>>) dst(%dma_wait3A_41 : memref<128x128xf32, #tpu.memory_space<hbm>>)
        tpu.yield
      }) : () -> ()
    }
    %scan3A_5 = arith.constant 8 : i32
    return
  }
}

#map = affine_map<(d0, d1) -> (0, 0)>
#map1 = affine_map<(d0, d1) -> (0, 0, 0)>
module attributes {stable_mosaic.version = 14 : i64} {
  func.func @gather_kernel(%arg0: i32, %arg1: i32, %arg2: memref<2048x128xf32, #tpu.memory_space<hbm>>, %arg3: memref<2048x128xf32, #tpu.memory_space<hbm>>, %arg4: memref<32x8x128xi32, #tpu.memory_space<hbm>>, %arg5: memref<32768x128xf32, #tpu.memory_space<hbm>>, %arg6: memref<32768x128xf32, #tpu.memory_space<hbm>>, %arg7: memref<8x128xi32, #tpu.memory_space<vmem>>, %arg8: memref<128x128xf32, #tpu.memory_space<vmem>>, %arg9: memref<128x128xf32, #tpu.memory_space<vmem>>, %arg10: memref<!tpu.dma_semaphore, #tpu.memory_space<semaphore_mem>>, %arg11: memref<!tpu.dma_semaphore, #tpu.memory_space<semaphore_mem>>) attributes {dimension_semantics = [#tpu.dimension_semantics<core_parallel>, #tpu.dimension_semantics<subcore_parallel>], iteration_bounds = array<i64: 2, 16>, scalar_prefetch = 0 : i64, scratch_operands = 5 : i64, tpu.core_type = #tpu.core_type<sc_vector_subcore>, window_params = [{transform_indices = #map}, {transform_indices = #map}, {transform_indices = #map1}, {transform_indices = #map}, {transform_indices = #map}]} {
    %mul3A = arith.constant 2 : i32
    %mul3A_0 = arith.muli %arg1, %mul3A : i32
    %add3A = arith.addi %mul3A_0, %arg0 : i32
    "tpu.region"() ({
      %run_scoped3A = tpu.sem_alloc : memref<!tpu.dma_semaphore, #tpu.memory_space<semaphore_mem>>
      %dma_start3A = arith.constant 0 : i32
      %dma_start3A_6 = arith.constant 0 : i32
      %dma_start3A_7 = tpu.memref_slice %arg4[%add3A, %dma_start3A, %dma_start3A_6] : memref<32x8x128xi32, #tpu.memory_space<hbm>> -> memref<1x8x128xi32, #tpu.memory_space<hbm>>
      %dma_start3A_8 = tpu.memref_squeeze %dma_start3A_7 : memref<1x8x128xi32, #tpu.memory_space<hbm>> -> memref<8x128xi32, #tpu.memory_space<hbm>>
      %dma_start3A_9 = arith.constant 0 : i32
      %dma_start3A_10 = arith.constant 0 : i32
      %dma_start3A_11 = tpu.memref_slice %arg4[%add3A, %dma_start3A_9, %dma_start3A_10] : memref<32x8x128xi32, #tpu.memory_space<hbm>> -> memref<1x8x128xi32, #tpu.memory_space<hbm>>
      %dma_start3A_12 = tpu.memref_squeeze %dma_start3A_11 : memref<1x8x128xi32, #tpu.memory_space<hbm>> -> memref<8x128xi32, #tpu.memory_space<hbm>>
      tpu.enqueue_dma source(%dma_start3A_12 : memref<8x128xi32, #tpu.memory_space<hbm>>) target(%arg7 : memref<8x128xi32, #tpu.memory_space<vmem>>) target_semaphore(%run_scoped3A : memref<!tpu.dma_semaphore, #tpu.memory_space<semaphore_mem>>)
      %dma_wait3A = arith.constant 0 : i32
      %dma_wait3A_13 = arith.constant 0 : i32
      %dma_wait3A_14 = tpu.memref_slice %arg4[%add3A, %dma_wait3A, %dma_wait3A_13] : memref<32x8x128xi32, #tpu.memory_space<hbm>> -> memref<1x8x128xi32, #tpu.memory_space<hbm>>
      %dma_wait3A_15 = tpu.memref_squeeze %dma_wait3A_14 : memref<1x8x128xi32, #tpu.memory_space<hbm>> -> memref<8x128xi32, #tpu.memory_space<hbm>>
      %dma_wait3A_16 = arith.constant 0 : i32
      %dma_wait3A_17 = arith.constant 0 : i32
      %dma_wait3A_18 = tpu.memref_slice %arg4[%add3A, %dma_wait3A_16, %dma_wait3A_17] : memref<32x8x128xi32, #tpu.memory_space<hbm>> -> memref<1x8x128xi32, #tpu.memory_space<hbm>>
      %dma_wait3A_19 = tpu.memref_squeeze %dma_wait3A_18 : memref<1x8x128xi32, #tpu.memory_space<hbm>> -> memref<8x128xi32, #tpu.memory_space<hbm>>
      tpu.wait_dma2 semaphore(%run_scoped3A : memref<!tpu.dma_semaphore, #tpu.memory_space<semaphore_mem>>) src(%dma_wait3A_19 : memref<8x128xi32, #tpu.memory_space<hbm>>) dst(%arg7 : memref<8x128xi32, #tpu.memory_space<vmem>>)
      tpu.yield
    }) : () -> ()
    %scan3A = arith.constant 0 : i32
    %scan3A_1 = arith.constant 0 : i32
    %scan3A_2 = arith.constant 8 : i32
    %scan3A_3 = arith.addi %scan3A_1, %scan3A_2 : i32
    %scan3A_4 = arith.constant 1 : i32
    scf.for %scan3A_6 = %scan3A_1 to %scan3A_3 step %scan3A_4  : i32 {
      %dma_start3A = arith.constant 0 : i32
      %dma_start3A_7 = tpu.memref_slice %arg7[%scan3A_6, %dma_start3A] : memref<8x128xi32, #tpu.memory_space<vmem>> -> memref<1x128xi32, #tpu.memory_space<vmem>>
      %dma_start3A_8 = tpu.memref_squeeze %dma_start3A_7 : memref<1x128xi32, #tpu.memory_space<vmem>> -> memref<128xi32, #tpu.memory_space<vmem>>
      %dma_start3A_9 = arith.constant 0 : i32
      %dma_start3A_10 = arith.constant 0 : i32
      %dma_start3A_11 = tpu.memref_slice %arg2[%dma_start3A_9, %dma_start3A_10] : memref<2048x128xf32, #tpu.memory_space<hbm>> -> memref<2048x128xf32, #tpu.memory_space<hbm>>
      tpu.enqueue_indirect_dma source(%dma_start3A_11 : memref<2048x128xf32, #tpu.memory_space<hbm>>) target(%arg8 : memref<128x128xf32, #tpu.memory_space<vmem>>) offsets(%dma_start3A_8 : memref<128xi32, #tpu.memory_space<vmem>>) semaphore(%arg10 : memref<!tpu.dma_semaphore, #tpu.memory_space<semaphore_mem>>)
      %dma_start3A_12 = arith.constant 0 : i32
      %dma_start3A_13 = tpu.memref_slice %arg7[%scan3A_6, %dma_start3A_12] : memref<8x128xi32, #tpu.memory_space<vmem>> -> memref<1x128xi32, #tpu.memory_space<vmem>>
      %dma_start3A_14 = tpu.memref_squeeze %dma_start3A_13 : memref<1x128xi32, #tpu.memory_space<vmem>> -> memref<128xi32, #tpu.memory_space<vmem>>
      %dma_start3A_15 = arith.constant 0 : i32
      %dma_start3A_16 = arith.constant 0 : i32
      %dma_start3A_17 = tpu.memref_slice %arg3[%dma_start3A_15, %dma_start3A_16] : memref<2048x128xf32, #tpu.memory_space<hbm>> -> memref<2048x128xf32, #tpu.memory_space<hbm>>
      tpu.enqueue_indirect_dma source(%dma_start3A_17 : memref<2048x128xf32, #tpu.memory_space<hbm>>) target(%arg9 : memref<128x128xf32, #tpu.memory_space<vmem>>) offsets(%dma_start3A_14 : memref<128xi32, #tpu.memory_space<vmem>>) semaphore(%arg11 : memref<!tpu.dma_semaphore, #tpu.memory_space<semaphore_mem>>)
      %dma_wait3A = arith.constant 0 : i32
      %dma_wait3A_18 = tpu.memref_slice %arg7[%scan3A_6, %dma_wait3A] : memref<8x128xi32, #tpu.memory_space<vmem>> -> memref<1x128xi32, #tpu.memory_space<vmem>>
      %dma_wait3A_19 = tpu.memref_squeeze %dma_wait3A_18 : memref<1x128xi32, #tpu.memory_space<vmem>> -> memref<128xi32, #tpu.memory_space<vmem>>
      %dma_wait3A_20 = arith.constant 0 : i32
      %dma_wait3A_21 = arith.constant 0 : i32
      %dma_wait3A_22 = tpu.memref_slice %arg2[%dma_wait3A_20, %dma_wait3A_21] : memref<2048x128xf32, #tpu.memory_space<hbm>> -> memref<2048x128xf32, #tpu.memory_space<hbm>>
      tpu.wait_indirect_dma semaphore(%arg10 : memref<!tpu.dma_semaphore, #tpu.memory_space<semaphore_mem>>) src(%dma_wait3A_22 : memref<2048x128xf32, #tpu.memory_space<hbm>>) dst(%arg8 : memref<128x128xf32, #tpu.memory_space<vmem>>)
      %dma_wait3A_23 = arith.constant 0 : i32
      %dma_wait3A_24 = tpu.memref_slice %arg7[%scan3A_6, %dma_wait3A_23] : memref<8x128xi32, #tpu.memory_space<vmem>> -> memref<1x128xi32, #tpu.memory_space<vmem>>
      %dma_wait3A_25 = tpu.memref_squeeze %dma_wait3A_24 : memref<1x128xi32, #tpu.memory_space<vmem>> -> memref<128xi32, #tpu.memory_space<vmem>>
      %dma_wait3A_26 = arith.constant 0 : i32
      %dma_wait3A_27 = arith.constant 0 : i32
      %dma_wait3A_28 = tpu.memref_slice %arg3[%dma_wait3A_26, %dma_wait3A_27] : memref<2048x128xf32, #tpu.memory_space<hbm>> -> memref<2048x128xf32, #tpu.memory_space<hbm>>
      tpu.wait_indirect_dma semaphore(%arg11 : memref<!tpu.dma_semaphore, #tpu.memory_space<semaphore_mem>>) src(%dma_wait3A_28 : memref<2048x128xf32, #tpu.memory_space<hbm>>) dst(%arg9 : memref<128x128xf32, #tpu.memory_space<vmem>>)
      %mul3A_29 = arith.constant 1024 : i32
      %mul3A_30 = arith.muli %add3A, %mul3A_29 : i32
      %mul3A_31 = arith.constant 128 : i32
      %mul3A_32 = arith.muli %scan3A_6, %mul3A_31 : i32
      %add3A_33 = arith.addi %mul3A_30, %mul3A_32 : i32
      "tpu.region"() ({
        %run_scoped3A = tpu.sem_alloc : memref<!tpu.dma_semaphore, #tpu.memory_space<semaphore_mem>>
        %dma_start3A_34 = arith.constant 0 : i32
        %dma_start3A_35 = tpu.memref_slice %arg5[%add3A_33, %dma_start3A_34] : memref<32768x128xf32, #tpu.memory_space<hbm>> -> memref<128x128xf32, #tpu.memory_space<hbm>>
        %dma_start3A_36 = arith.constant 0 : i32
        %dma_start3A_37 = tpu.memref_slice %arg5[%add3A_33, %dma_start3A_36] : memref<32768x128xf32, #tpu.memory_space<hbm>> -> memref<128x128xf32, #tpu.memory_space<hbm>>
        tpu.enqueue_dma source(%arg8 : memref<128x128xf32, #tpu.memory_space<vmem>>) target(%dma_start3A_37 : memref<128x128xf32, #tpu.memory_space<hbm>>) target_semaphore(%run_scoped3A : memref<!tpu.dma_semaphore, #tpu.memory_space<semaphore_mem>>)
        %dma_wait3A_38 = arith.constant 0 : i32
        %dma_wait3A_39 = tpu.memref_slice %arg5[%add3A_33, %dma_wait3A_38] : memref<32768x128xf32, #tpu.memory_space<hbm>> -> memref<128x128xf32, #tpu.memory_space<hbm>>
        %dma_wait3A_40 = arith.constant 0 : i32
        %dma_wait3A_41 = tpu.memref_slice %arg5[%add3A_33, %dma_wait3A_40] : memref<32768x128xf32, #tpu.memory_space<hbm>> -> memref<128x128xf32, #tpu.memory_space<hbm>>
        tpu.wait_dma2 semaphore(%run_scoped3A : memref<!tpu.dma_semaphore, #tpu.memory_space<semaphore_mem>>) src(%arg8 : memref<128x128xf32, #tpu.memory_space<vmem>>) dst(%dma_wait3A_41 : memref<128x128xf32, #tpu.memory_space<hbm>>)
        tpu.yield
      }) : () -> ()
      "tpu.region"() ({
        %run_scoped3A = tpu.sem_alloc : memref<!tpu.dma_semaphore, #tpu.memory_space<semaphore_mem>>
        %dma_start3A_34 = arith.constant 0 : i32
        %dma_start3A_35 = tpu.memref_slice %arg6[%add3A_33, %dma_start3A_34] : memref<32768x128xf32, #tpu.memory_space<hbm>> -> memref<128x128xf32, #tpu.memory_space<hbm>>
        %dma_start3A_36 = arith.constant 0 : i32
        %dma_start3A_37 = tpu.memref_slice %arg6[%add3A_33, %dma_start3A_36] : memref<32768x128xf32, #tpu.memory_space<hbm>> -> memref<128x128xf32, #tpu.memory_space<hbm>>
        tpu.enqueue_dma source(%arg9 : memref<128x128xf32, #tpu.memory_space<vmem>>) target(%dma_start3A_37 : memref<128x128xf32, #tpu.memory_space<hbm>>) target_semaphore(%run_scoped3A : memref<!tpu.dma_semaphore, #tpu.memory_space<semaphore_mem>>)
        %dma_wait3A_38 = arith.constant 0 : i32
        %dma_wait3A_39 = tpu.memref_slice %arg6[%add3A_33, %dma_wait3A_38] : memref<32768x128xf32, #tpu.memory_space<hbm>> -> memref<128x128xf32, #tpu.memory_space<hbm>>
        %dma_wait3A_40 = arith.constant 0 : i32
        %dma_wait3A_41 = tpu.memref_slice %arg6[%add3A_33, %dma_wait3A_40] : memref<32768x128xf32, #tpu.memory_space<hbm>> -> memref<128x128xf32, #tpu.memory_space<hbm>>
        tpu.wait_dma2 semaphore(%run_scoped3A : memref<!tpu.dma_semaphore, #tpu.memory_space<semaphore_mem>>) src(%arg9 : memref<128x128xf32, #tpu.memory_space<vmem>>) dst(%dma_wait3A_41 : memref<128x128xf32, #tpu.memory_space<hbm>>)
        tpu.yield
      }) : () -> ()
    }
    %scan3A_5 = arith.constant 8 : i32
    return
  }
}

#map = affine_map<(d0, d1) -> (0, 0)>
#map1 = affine_map<(d0, d1) -> (0, 0, 0)>
module attributes {stable_mosaic.version = 14 : i64} {
  func.func @gather_kernel(%arg0: i32, %arg1: i32, %arg2: memref<2048x128xf32, #tpu.memory_space<hbm>>, %arg3: memref<2048x128xf32, #tpu.memory_space<hbm>>, %arg4: memref<32x8x128xi32, #tpu.memory_space<hbm>>, %arg5: memref<32768x128xf32, #tpu.memory_space<hbm>>, %arg6: memref<32768x128xf32, #tpu.memory_space<hbm>>, %arg7: memref<8x128xi32, #tpu.memory_space<vmem>>, %arg8: memref<128x128xf32, #tpu.memory_space<vmem>>, %arg9: memref<128x128xf32, #tpu.memory_space<vmem>>, %arg10: memref<!tpu.dma_semaphore, #tpu.memory_space<semaphore_mem>>, %arg11: memref<!tpu.dma_semaphore, #tpu.memory_space<semaphore_mem>>) attributes {dimension_semantics = [#tpu.dimension_semantics<core_parallel>, #tpu.dimension_semantics<subcore_parallel>], iteration_bounds = array<i64: 2, 16>, scalar_prefetch = 0 : i64, scratch_operands = 5 : i64, tpu.core_type = #tpu.core_type<sc_vector_subcore>, window_params = [{transform_indices = #map}, {transform_indices = #map}, {transform_indices = #map1}, {transform_indices = #map}, {transform_indices = #map}]} {
    %mul3A = arith.constant 2 : i32
    %mul3A_0 = arith.muli %arg1, %mul3A : i32
    %add3A = arith.addi %mul3A_0, %arg0 : i32
    "tpu.region"() ({
      %run_scoped3A = tpu.sem_alloc : memref<!tpu.dma_semaphore, #tpu.memory_space<semaphore_mem>>
      %dma_start3A = arith.constant 0 : i32
      %dma_start3A_6 = arith.constant 0 : i32
      %dma_start3A_7 = tpu.memref_slice %arg4[%add3A, %dma_start3A, %dma_start3A_6] : memref<32x8x128xi32, #tpu.memory_space<hbm>> -> memref<1x8x128xi32, #tpu.memory_space<hbm>>
      %dma_start3A_8 = tpu.memref_squeeze %dma_start3A_7 : memref<1x8x128xi32, #tpu.memory_space<hbm>> -> memref<8x128xi32, #tpu.memory_space<hbm>>
      %dma_start3A_9 = arith.constant 0 : i32
      %dma_start3A_10 = arith.constant 0 : i32
      %dma_start3A_11 = tpu.memref_slice %arg4[%add3A, %dma_start3A_9, %dma_start3A_10] : memref<32x8x128xi32, #tpu.memory_space<hbm>> -> memref<1x8x128xi32, #tpu.memory_space<hbm>>
      %dma_start3A_12 = tpu.memref_squeeze %dma_start3A_11 : memref<1x8x128xi32, #tpu.memory_space<hbm>> -> memref<8x128xi32, #tpu.memory_space<hbm>>
      tpu.enqueue_dma source(%dma_start3A_12 : memref<8x128xi32, #tpu.memory_space<hbm>>) target(%arg7 : memref<8x128xi32, #tpu.memory_space<vmem>>) target_semaphore(%run_scoped3A : memref<!tpu.dma_semaphore, #tpu.memory_space<semaphore_mem>>)
      %dma_wait3A = arith.constant 0 : i32
      %dma_wait3A_13 = arith.constant 0 : i32
      %dma_wait3A_14 = tpu.memref_slice %arg4[%add3A, %dma_wait3A, %dma_wait3A_13] : memref<32x8x128xi32, #tpu.memory_space<hbm>> -> memref<1x8x128xi32, #tpu.memory_space<hbm>>
      %dma_wait3A_15 = tpu.memref_squeeze %dma_wait3A_14 : memref<1x8x128xi32, #tpu.memory_space<hbm>> -> memref<8x128xi32, #tpu.memory_space<hbm>>
      %dma_wait3A_16 = arith.constant 0 : i32
      %dma_wait3A_17 = arith.constant 0 : i32
      %dma_wait3A_18 = tpu.memref_slice %arg4[%add3A, %dma_wait3A_16, %dma_wait3A_17] : memref<32x8x128xi32, #tpu.memory_space<hbm>> -> memref<1x8x128xi32, #tpu.memory_space<hbm>>
      %dma_wait3A_19 = tpu.memref_squeeze %dma_wait3A_18 : memref<1x8x128xi32, #tpu.memory_space<hbm>> -> memref<8x128xi32, #tpu.memory_space<hbm>>
      tpu.wait_dma2 semaphore(%run_scoped3A : memref<!tpu.dma_semaphore, #tpu.memory_space<semaphore_mem>>) src(%dma_wait3A_19 : memref<8x128xi32, #tpu.memory_space<hbm>>) dst(%arg7 : memref<8x128xi32, #tpu.memory_space<vmem>>)
      tpu.yield
    }) : () -> ()
    %scan3A = arith.constant 0 : i32
    %scan3A_1 = arith.constant 0 : i32
    %scan3A_2 = arith.constant 8 : i32
    %scan3A_3 = arith.addi %scan3A_1, %scan3A_2 : i32
    %scan3A_4 = arith.constant 1 : i32
    scf.for %scan3A_6 = %scan3A_1 to %scan3A_3 step %scan3A_4  : i32 {
      %dma_start3A = arith.constant 0 : i32
      %dma_start3A_7 = tpu.memref_slice %arg7[%scan3A_6, %dma_start3A] : memref<8x128xi32, #tpu.memory_space<vmem>> -> memref<1x128xi32, #tpu.memory_space<vmem>>
      %dma_start3A_8 = tpu.memref_squeeze %dma_start3A_7 : memref<1x128xi32, #tpu.memory_space<vmem>> -> memref<128xi32, #tpu.memory_space<vmem>>
      %dma_start3A_9 = arith.constant 0 : i32
      %dma_start3A_10 = arith.constant 0 : i32
      %dma_start3A_11 = tpu.memref_slice %arg2[%dma_start3A_9, %dma_start3A_10] : memref<2048x128xf32, #tpu.memory_space<hbm>> -> memref<2048x128xf32, #tpu.memory_space<hbm>>
      tpu.enqueue_indirect_dma source(%dma_start3A_11 : memref<2048x128xf32, #tpu.memory_space<hbm>>) target(%arg8 : memref<128x128xf32, #tpu.memory_space<vmem>>) offsets(%dma_start3A_8 : memref<128xi32, #tpu.memory_space<vmem>>) semaphore(%arg10 : memref<!tpu.dma_semaphore, #tpu.memory_space<semaphore_mem>>)
      %dma_start3A_12 = arith.constant 0 : i32
      %dma_start3A_13 = tpu.memref_slice %arg7[%scan3A_6, %dma_start3A_12] : memref<8x128xi32, #tpu.memory_space<vmem>> -> memref<1x128xi32, #tpu.memory_space<vmem>>
      %dma_start3A_14 = tpu.memref_squeeze %dma_start3A_13 : memref<1x128xi32, #tpu.memory_space<vmem>> -> memref<128xi32, #tpu.memory_space<vmem>>
      %dma_start3A_15 = arith.constant 0 : i32
      %dma_start3A_16 = arith.constant 0 : i32
      %dma_start3A_17 = tpu.memref_slice %arg3[%dma_start3A_15, %dma_start3A_16] : memref<2048x128xf32, #tpu.memory_space<hbm>> -> memref<2048x128xf32, #tpu.memory_space<hbm>>
      tpu.enqueue_indirect_dma source(%dma_start3A_17 : memref<2048x128xf32, #tpu.memory_space<hbm>>) target(%arg9 : memref<128x128xf32, #tpu.memory_space<vmem>>) offsets(%dma_start3A_14 : memref<128xi32, #tpu.memory_space<vmem>>) semaphore(%arg11 : memref<!tpu.dma_semaphore, #tpu.memory_space<semaphore_mem>>)
      %dma_wait3A = arith.constant 0 : i32
      %dma_wait3A_18 = tpu.memref_slice %arg7[%scan3A_6, %dma_wait3A] : memref<8x128xi32, #tpu.memory_space<vmem>> -> memref<1x128xi32, #tpu.memory_space<vmem>>
      %dma_wait3A_19 = tpu.memref_squeeze %dma_wait3A_18 : memref<1x128xi32, #tpu.memory_space<vmem>> -> memref<128xi32, #tpu.memory_space<vmem>>
      %dma_wait3A_20 = arith.constant 0 : i32
      %dma_wait3A_21 = arith.constant 0 : i32
      %dma_wait3A_22 = tpu.memref_slice %arg2[%dma_wait3A_20, %dma_wait3A_21] : memref<2048x128xf32, #tpu.memory_space<hbm>> -> memref<2048x128xf32, #tpu.memory_space<hbm>>
      tpu.wait_indirect_dma semaphore(%arg10 : memref<!tpu.dma_semaphore, #tpu.memory_space<semaphore_mem>>) src(%dma_wait3A_22 : memref<2048x128xf32, #tpu.memory_space<hbm>>) dst(%arg8 : memref<128x128xf32, #tpu.memory_space<vmem>>)
      %dma_wait3A_23 = arith.constant 0 : i32
      %dma_wait3A_24 = tpu.memref_slice %arg7[%scan3A_6, %dma_wait3A_23] : memref<8x128xi32, #tpu.memory_space<vmem>> -> memref<1x128xi32, #tpu.memory_space<vmem>>
      %dma_wait3A_25 = tpu.memref_squeeze %dma_wait3A_24 : memref<1x128xi32, #tpu.memory_space<vmem>> -> memref<128xi32, #tpu.memory_space<vmem>>
      %dma_wait3A_26 = arith.constant 0 : i32
      %dma_wait3A_27 = arith.constant 0 : i32
      %dma_wait3A_28 = tpu.memref_slice %arg3[%dma_wait3A_26, %dma_wait3A_27] : memref<2048x128xf32, #tpu.memory_space<hbm>> -> memref<2048x128xf32, #tpu.memory_space<hbm>>
      tpu.wait_indirect_dma semaphore(%arg11 : memref<!tpu.dma_semaphore, #tpu.memory_space<semaphore_mem>>) src(%dma_wait3A_28 : memref<2048x128xf32, #tpu.memory_space<hbm>>) dst(%arg9 : memref<128x128xf32, #tpu.memory_space<vmem>>)
      %mul3A_29 = arith.constant 1024 : i32
      %mul3A_30 = arith.muli %add3A, %mul3A_29 : i32
      %mul3A_31 = arith.constant 128 : i32
      %mul3A_32 = arith.muli %scan3A_6, %mul3A_31 : i32
      %add3A_33 = arith.addi %mul3A_30, %mul3A_32 : i32
      "tpu.region"() ({
        %run_scoped3A = tpu.sem_alloc : memref<!tpu.dma_semaphore, #tpu.memory_space<semaphore_mem>>
        %dma_start3A_34 = arith.constant 0 : i32
        %dma_start3A_35 = tpu.memref_slice %arg5[%add3A_33, %dma_start3A_34] : memref<32768x128xf32, #tpu.memory_space<hbm>> -> memref<128x128xf32, #tpu.memory_space<hbm>>
        %dma_start3A_36 = arith.constant 0 : i32
        %dma_start3A_37 = tpu.memref_slice %arg5[%add3A_33, %dma_start3A_36] : memref<32768x128xf32, #tpu.memory_space<hbm>> -> memref<128x128xf32, #tpu.memory_space<hbm>>
        tpu.enqueue_dma source(%arg8 : memref<128x128xf32, #tpu.memory_space<vmem>>) target(%dma_start3A_37 : memref<128x128xf32, #tpu.memory_space<hbm>>) target_semaphore(%run_scoped3A : memref<!tpu.dma_semaphore, #tpu.memory_space<semaphore_mem>>)
        %dma_wait3A_38 = arith.constant 0 : i32
        %dma_wait3A_39 = tpu.memref_slice %arg5[%add3A_33, %dma_wait3A_38] : memref<32768x128xf32, #tpu.memory_space<hbm>> -> memref<128x128xf32, #tpu.memory_space<hbm>>
        %dma_wait3A_40 = arith.constant 0 : i32
        %dma_wait3A_41 = tpu.memref_slice %arg5[%add3A_33, %dma_wait3A_40] : memref<32768x128xf32, #tpu.memory_space<hbm>> -> memref<128x128xf32, #tpu.memory_space<hbm>>
        tpu.wait_dma2 semaphore(%run_scoped3A : memref<!tpu.dma_semaphore, #tpu.memory_space<semaphore_mem>>) src(%arg8 : memref<128x128xf32, #tpu.memory_space<vmem>>) dst(%dma_wait3A_41 : memref<128x128xf32, #tpu.memory_space<hbm>>)
        tpu.yield
      }) : () -> ()
      "tpu.region"() ({
        %run_scoped3A = tpu.sem_alloc : memref<!tpu.dma_semaphore, #tpu.memory_space<semaphore_mem>>
        %dma_start3A_34 = arith.constant 0 : i32
        %dma_start3A_35 = tpu.memref_slice %arg6[%add3A_33, %dma_start3A_34] : memref<32768x128xf32, #tpu.memory_space<hbm>> -> memref<128x128xf32, #tpu.memory_space<hbm>>
        %dma_start3A_36 = arith.constant 0 : i32
        %dma_start3A_37 = tpu.memref_slice %arg6[%add3A_33, %dma_start3A_36] : memref<32768x128xf32, #tpu.memory_space<hbm>> -> memref<128x128xf32, #tpu.memory_space<hbm>>
        tpu.enqueue_dma source(%arg9 : memref<128x128xf32, #tpu.memory_space<vmem>>) target(%dma_start3A_37 : memref<128x128xf32, #tpu.memory_space<hbm>>) target_semaphore(%run_scoped3A : memref<!tpu.dma_semaphore, #tpu.memory_space<semaphore_mem>>)
        %dma_wait3A_38 = arith.constant 0 : i32
        %dma_wait3A_39 = tpu.memref_slice %arg6[%add3A_33, %dma_wait3A_38] : memref<32768x128xf32, #tpu.memory_space<hbm>> -> memref<128x128xf32, #tpu.memory_space<hbm>>
        %dma_wait3A_40 = arith.constant 0 : i32
        %dma_wait3A_41 = tpu.memref_slice %arg6[%add3A_33, %dma_wait3A_40] : memref<32768x128xf32, #tpu.memory_space<hbm>> -> memref<128x128xf32, #tpu.memory_space<hbm>>
        tpu.wait_dma2 semaphore(%run_scoped3A : memref<!tpu.dma_semaphore, #tpu.memory_space<semaphore_mem>>) src(%arg9 : memref<128x128xf32, #tpu.memory_space<vmem>>) dst(%dma_wait3A_41 : memref<128x128xf32, #tpu.memory_space<hbm>>)
        tpu.yield
      }) : () -> ()
    }
    %scan3A_5 = arith.constant 8 : i32
    return
  }
}

#map = affine_map<(d0, d1) -> (0, 0)>
#map1 = affine_map<(d0, d1) -> (0, 0, 0)>
module attributes {stable_mosaic.version = 14 : i64} {
  func.func @gather_kernel(%arg0: i32, %arg1: i32, %arg2: memref<2048x128xf32, #tpu.memory_space<hbm>>, %arg3: memref<2048x128xf32, #tpu.memory_space<hbm>>, %arg4: memref<32x8x128xi32, #tpu.memory_space<hbm>>, %arg5: memref<32768x128xf32, #tpu.memory_space<hbm>>, %arg6: memref<32768x128xf32, #tpu.memory_space<hbm>>, %arg7: memref<8x128xi32, #tpu.memory_space<vmem>>, %arg8: memref<128x128xf32, #tpu.memory_space<vmem>>, %arg9: memref<128x128xf32, #tpu.memory_space<vmem>>, %arg10: memref<!tpu.dma_semaphore, #tpu.memory_space<semaphore_mem>>, %arg11: memref<!tpu.dma_semaphore, #tpu.memory_space<semaphore_mem>>) attributes {dimension_semantics = [#tpu.dimension_semantics<core_parallel>, #tpu.dimension_semantics<subcore_parallel>], iteration_bounds = array<i64: 2, 16>, scalar_prefetch = 0 : i64, scratch_operands = 5 : i64, tpu.core_type = #tpu.core_type<sc_vector_subcore>, window_params = [{transform_indices = #map}, {transform_indices = #map}, {transform_indices = #map1}, {transform_indices = #map}, {transform_indices = #map}]} {
    %mul3A = arith.constant 2 : i32
    %mul3A_0 = arith.muli %arg1, %mul3A : i32
    %add3A = arith.addi %mul3A_0, %arg0 : i32
    "tpu.region"() ({
      %run_scoped3A = tpu.sem_alloc : memref<!tpu.dma_semaphore, #tpu.memory_space<semaphore_mem>>
      %dma_start3A = arith.constant 0 : i32
      %dma_start3A_6 = arith.constant 0 : i32
      %dma_start3A_7 = tpu.memref_slice %arg4[%add3A, %dma_start3A, %dma_start3A_6] : memref<32x8x128xi32, #tpu.memory_space<hbm>> -> memref<1x8x128xi32, #tpu.memory_space<hbm>>
      %dma_start3A_8 = tpu.memref_squeeze %dma_start3A_7 : memref<1x8x128xi32, #tpu.memory_space<hbm>> -> memref<8x128xi32, #tpu.memory_space<hbm>>
      %dma_start3A_9 = arith.constant 0 : i32
      %dma_start3A_10 = arith.constant 0 : i32
      %dma_start3A_11 = tpu.memref_slice %arg4[%add3A, %dma_start3A_9, %dma_start3A_10] : memref<32x8x128xi32, #tpu.memory_space<hbm>> -> memref<1x8x128xi32, #tpu.memory_space<hbm>>
      %dma_start3A_12 = tpu.memref_squeeze %dma_start3A_11 : memref<1x8x128xi32, #tpu.memory_space<hbm>> -> memref<8x128xi32, #tpu.memory_space<hbm>>
      tpu.enqueue_dma source(%dma_start3A_12 : memref<8x128xi32, #tpu.memory_space<hbm>>) target(%arg7 : memref<8x128xi32, #tpu.memory_space<vmem>>) target_semaphore(%run_scoped3A : memref<!tpu.dma_semaphore, #tpu.memory_space<semaphore_mem>>)
      %dma_wait3A = arith.constant 0 : i32
      %dma_wait3A_13 = arith.constant 0 : i32
      %dma_wait3A_14 = tpu.memref_slice %arg4[%add3A, %dma_wait3A, %dma_wait3A_13] : memref<32x8x128xi32, #tpu.memory_space<hbm>> -> memref<1x8x128xi32, #tpu.memory_space<hbm>>
      %dma_wait3A_15 = tpu.memref_squeeze %dma_wait3A_14 : memref<1x8x128xi32, #tpu.memory_space<hbm>> -> memref<8x128xi32, #tpu.memory_space<hbm>>
      %dma_wait3A_16 = arith.constant 0 : i32
      %dma_wait3A_17 = arith.constant 0 : i32
      %dma_wait3A_18 = tpu.memref_slice %arg4[%add3A, %dma_wait3A_16, %dma_wait3A_17] : memref<32x8x128xi32, #tpu.memory_space<hbm>> -> memref<1x8x128xi32, #tpu.memory_space<hbm>>
      %dma_wait3A_19 = tpu.memref_squeeze %dma_wait3A_18 : memref<1x8x128xi32, #tpu.memory_space<hbm>> -> memref<8x128xi32, #tpu.memory_space<hbm>>
      tpu.wait_dma2 semaphore(%run_scoped3A : memref<!tpu.dma_semaphore, #tpu.memory_space<semaphore_mem>>) src(%dma_wait3A_19 : memref<8x128xi32, #tpu.memory_space<hbm>>) dst(%arg7 : memref<8x128xi32, #tpu.memory_space<vmem>>)
      tpu.yield
    }) : () -> ()
    %scan3A = arith.constant 0 : i32
    %scan3A_1 = arith.constant 0 : i32
    %scan3A_2 = arith.constant 8 : i32
    %scan3A_3 = arith.addi %scan3A_1, %scan3A_2 : i32
    %scan3A_4 = arith.constant 1 : i32
    scf.for %scan3A_6 = %scan3A_1 to %scan3A_3 step %scan3A_4  : i32 {
      %dma_start3A = arith.constant 0 : i32
      %dma_start3A_7 = tpu.memref_slice %arg7[%scan3A_6, %dma_start3A] : memref<8x128xi32, #tpu.memory_space<vmem>> -> memref<1x128xi32, #tpu.memory_space<vmem>>
      %dma_start3A_8 = tpu.memref_squeeze %dma_start3A_7 : memref<1x128xi32, #tpu.memory_space<vmem>> -> memref<128xi32, #tpu.memory_space<vmem>>
      %dma_start3A_9 = arith.constant 0 : i32
      %dma_start3A_10 = arith.constant 0 : i32
      %dma_start3A_11 = tpu.memref_slice %arg2[%dma_start3A_9, %dma_start3A_10] : memref<2048x128xf32, #tpu.memory_space<hbm>> -> memref<2048x128xf32, #tpu.memory_space<hbm>>
      tpu.enqueue_indirect_dma source(%dma_start3A_11 : memref<2048x128xf32, #tpu.memory_space<hbm>>) target(%arg8 : memref<128x128xf32, #tpu.memory_space<vmem>>) offsets(%dma_start3A_8 : memref<128xi32, #tpu.memory_space<vmem>>) semaphore(%arg10 : memref<!tpu.dma_semaphore, #tpu.memory_space<semaphore_mem>>)
      %dma_start3A_12 = arith.constant 0 : i32
      %dma_start3A_13 = tpu.memref_slice %arg7[%scan3A_6, %dma_start3A_12] : memref<8x128xi32, #tpu.memory_space<vmem>> -> memref<1x128xi32, #tpu.memory_space<vmem>>
      %dma_start3A_14 = tpu.memref_squeeze %dma_start3A_13 : memref<1x128xi32, #tpu.memory_space<vmem>> -> memref<128xi32, #tpu.memory_space<vmem>>
      %dma_start3A_15 = arith.constant 0 : i32
      %dma_start3A_16 = arith.constant 0 : i32
      %dma_start3A_17 = tpu.memref_slice %arg3[%dma_start3A_15, %dma_start3A_16] : memref<2048x128xf32, #tpu.memory_space<hbm>> -> memref<2048x128xf32, #tpu.memory_space<hbm>>
      tpu.enqueue_indirect_dma source(%dma_start3A_17 : memref<2048x128xf32, #tpu.memory_space<hbm>>) target(%arg9 : memref<128x128xf32, #tpu.memory_space<vmem>>) offsets(%dma_start3A_14 : memref<128xi32, #tpu.memory_space<vmem>>) semaphore(%arg11 : memref<!tpu.dma_semaphore, #tpu.memory_space<semaphore_mem>>)
      %dma_wait3A = arith.constant 0 : i32
      %dma_wait3A_18 = tpu.memref_slice %arg7[%scan3A_6, %dma_wait3A] : memref<8x128xi32, #tpu.memory_space<vmem>> -> memref<1x128xi32, #tpu.memory_space<vmem>>
      %dma_wait3A_19 = tpu.memref_squeeze %dma_wait3A_18 : memref<1x128xi32, #tpu.memory_space<vmem>> -> memref<128xi32, #tpu.memory_space<vmem>>
      %dma_wait3A_20 = arith.constant 0 : i32
      %dma_wait3A_21 = arith.constant 0 : i32
      %dma_wait3A_22 = tpu.memref_slice %arg2[%dma_wait3A_20, %dma_wait3A_21] : memref<2048x128xf32, #tpu.memory_space<hbm>> -> memref<2048x128xf32, #tpu.memory_space<hbm>>
      tpu.wait_indirect_dma semaphore(%arg10 : memref<!tpu.dma_semaphore, #tpu.memory_space<semaphore_mem>>) src(%dma_wait3A_22 : memref<2048x128xf32, #tpu.memory_space<hbm>>) dst(%arg8 : memref<128x128xf32, #tpu.memory_space<vmem>>)
      %dma_wait3A_23 = arith.constant 0 : i32
      %dma_wait3A_24 = tpu.memref_slice %arg7[%scan3A_6, %dma_wait3A_23] : memref<8x128xi32, #tpu.memory_space<vmem>> -> memref<1x128xi32, #tpu.memory_space<vmem>>
      %dma_wait3A_25 = tpu.memref_squeeze %dma_wait3A_24 : memref<1x128xi32, #tpu.memory_space<vmem>> -> memref<128xi32, #tpu.memory_space<vmem>>
      %dma_wait3A_26 = arith.constant 0 : i32
      %dma_wait3A_27 = arith.constant 0 : i32
      %dma_wait3A_28 = tpu.memref_slice %arg3[%dma_wait3A_26, %dma_wait3A_27] : memref<2048x128xf32, #tpu.memory_space<hbm>> -> memref<2048x128xf32, #tpu.memory_space<hbm>>
      tpu.wait_indirect_dma semaphore(%arg11 : memref<!tpu.dma_semaphore, #tpu.memory_space<semaphore_mem>>) src(%dma_wait3A_28 : memref<2048x128xf32, #tpu.memory_space<hbm>>) dst(%arg9 : memref<128x128xf32, #tpu.memory_space<vmem>>)
      %mul3A_29 = arith.constant 1024 : i32
      %mul3A_30 = arith.muli %add3A, %mul3A_29 : i32
      %mul3A_31 = arith.constant 128 : i32
      %mul3A_32 = arith.muli %scan3A_6, %mul3A_31 : i32
      %add3A_33 = arith.addi %mul3A_30, %mul3A_32 : i32
      "tpu.region"() ({
        %run_scoped3A = tpu.sem_alloc : memref<!tpu.dma_semaphore, #tpu.memory_space<semaphore_mem>>
        %dma_start3A_34 = arith.constant 0 : i32
        %dma_start3A_35 = tpu.memref_slice %arg5[%add3A_33, %dma_start3A_34] : memref<32768x128xf32, #tpu.memory_space<hbm>> -> memref<128x128xf32, #tpu.memory_space<hbm>>
        %dma_start3A_36 = arith.constant 0 : i32
        %dma_start3A_37 = tpu.memref_slice %arg5[%add3A_33, %dma_start3A_36] : memref<32768x128xf32, #tpu.memory_space<hbm>> -> memref<128x128xf32, #tpu.memory_space<hbm>>
        tpu.enqueue_dma source(%arg8 : memref<128x128xf32, #tpu.memory_space<vmem>>) target(%dma_start3A_37 : memref<128x128xf32, #tpu.memory_space<hbm>>) target_semaphore(%run_scoped3A : memref<!tpu.dma_semaphore, #tpu.memory_space<semaphore_mem>>)
        %dma_wait3A_38 = arith.constant 0 : i32
        %dma_wait3A_39 = tpu.memref_slice %arg5[%add3A_33, %dma_wait3A_38] : memref<32768x128xf32, #tpu.memory_space<hbm>> -> memref<128x128xf32, #tpu.memory_space<hbm>>
        %dma_wait3A_40 = arith.constant 0 : i32
        %dma_wait3A_41 = tpu.memref_slice %arg5[%add3A_33, %dma_wait3A_40] : memref<32768x128xf32, #tpu.memory_space<hbm>> -> memref<128x128xf32, #tpu.memory_space<hbm>>
        tpu.wait_dma2 semaphore(%run_scoped3A : memref<!tpu.dma_semaphore, #tpu.memory_space<semaphore_mem>>) src(%arg8 : memref<128x128xf32, #tpu.memory_space<vmem>>) dst(%dma_wait3A_41 : memref<128x128xf32, #tpu.memory_space<hbm>>)
        tpu.yield
      }) : () -> ()
      "tpu.region"() ({
        %run_scoped3A = tpu.sem_alloc : memref<!tpu.dma_semaphore, #tpu.memory_space<semaphore_mem>>
        %dma_start3A_34 = arith.constant 0 : i32
        %dma_start3A_35 = tpu.memref_slice %arg6[%add3A_33, %dma_start3A_34] : memref<32768x128xf32, #tpu.memory_space<hbm>> -> memref<128x128xf32, #tpu.memory_space<hbm>>
        %dma_start3A_36 = arith.constant 0 : i32
        %dma_start3A_37 = tpu.memref_slice %arg6[%add3A_33, %dma_start3A_36] : memref<32768x128xf32, #tpu.memory_space<hbm>> -> memref<128x128xf32, #tpu.memory_space<hbm>>
        tpu.enqueue_dma source(%arg9 : memref<128x128xf32, #tpu.memory_space<vmem>>) target(%dma_start3A_37 : memref<128x128xf32, #tpu.memory_space<hbm>>) target_semaphore(%run_scoped3A : memref<!tpu.dma_semaphore, #tpu.memory_space<semaphore_mem>>)
        %dma_wait3A_38 = arith.constant 0 : i32
        %dma_wait3A_39 = tpu.memref_slice %arg6[%add3A_33, %dma_wait3A_38] : memref<32768x128xf32, #tpu.memory_space<hbm>> -> memref<128x128xf32, #tpu.memory_space<hbm>>
        %dma_wait3A_40 = arith.constant 0 : i32
        %dma_wait3A_41 = tpu.memref_slice %arg6[%add3A_33, %dma_wait3A_40] : memref<32768x128xf32, #tpu.memory_space<hbm>> -> memref<128x128xf32, #tpu.memory_space<hbm>>
        tpu.wait_dma2 semaphore(%run_scoped3A : memref<!tpu.dma_semaphore, #tpu.memory_space<semaphore_mem>>) src(%arg9 : memref<128x128xf32, #tpu.memory_space<vmem>>) dst(%dma_wait3A_41 : memref<128x128xf32, #tpu.memory_space<hbm>>)
        tpu.yield
      }) : () -> ()
    }
    %scan3A_5 = arith.constant 8 : i32
    return
  }
}

#map = affine_map<(d0, d1) -> (0, 0)>
#map1 = affine_map<(d0, d1) -> (0, 0, 0)>
module attributes {stable_mosaic.version = 14 : i64} {
  func.func @gather_kernel(%arg0: i32, %arg1: i32, %arg2: memref<2048x128xf32, #tpu.memory_space<hbm>>, %arg3: memref<2048x128xf32, #tpu.memory_space<hbm>>, %arg4: memref<32x8x128xi32, #tpu.memory_space<hbm>>, %arg5: memref<32768x128xf32, #tpu.memory_space<hbm>>, %arg6: memref<32768x128xf32, #tpu.memory_space<hbm>>, %arg7: memref<8x128xi32, #tpu.memory_space<vmem>>, %arg8: memref<128x128xf32, #tpu.memory_space<vmem>>, %arg9: memref<128x128xf32, #tpu.memory_space<vmem>>, %arg10: memref<!tpu.dma_semaphore, #tpu.memory_space<semaphore_mem>>, %arg11: memref<!tpu.dma_semaphore, #tpu.memory_space<semaphore_mem>>) attributes {dimension_semantics = [#tpu.dimension_semantics<core_parallel>, #tpu.dimension_semantics<subcore_parallel>], iteration_bounds = array<i64: 2, 16>, scalar_prefetch = 0 : i64, scratch_operands = 5 : i64, tpu.core_type = #tpu.core_type<sc_vector_subcore>, window_params = [{transform_indices = #map}, {transform_indices = #map}, {transform_indices = #map1}, {transform_indices = #map}, {transform_indices = #map}]} {
    %mul3A = arith.constant 2 : i32
    %mul3A_0 = arith.muli %arg1, %mul3A : i32
    %add3A = arith.addi %mul3A_0, %arg0 : i32
    "tpu.region"() ({
      %run_scoped3A = tpu.sem_alloc : memref<!tpu.dma_semaphore, #tpu.memory_space<semaphore_mem>>
      %dma_start3A = arith.constant 0 : i32
      %dma_start3A_6 = arith.constant 0 : i32
      %dma_start3A_7 = tpu.memref_slice %arg4[%add3A, %dma_start3A, %dma_start3A_6] : memref<32x8x128xi32, #tpu.memory_space<hbm>> -> memref<1x8x128xi32, #tpu.memory_space<hbm>>
      %dma_start3A_8 = tpu.memref_squeeze %dma_start3A_7 : memref<1x8x128xi32, #tpu.memory_space<hbm>> -> memref<8x128xi32, #tpu.memory_space<hbm>>
      %dma_start3A_9 = arith.constant 0 : i32
      %dma_start3A_10 = arith.constant 0 : i32
      %dma_start3A_11 = tpu.memref_slice %arg4[%add3A, %dma_start3A_9, %dma_start3A_10] : memref<32x8x128xi32, #tpu.memory_space<hbm>> -> memref<1x8x128xi32, #tpu.memory_space<hbm>>
      %dma_start3A_12 = tpu.memref_squeeze %dma_start3A_11 : memref<1x8x128xi32, #tpu.memory_space<hbm>> -> memref<8x128xi32, #tpu.memory_space<hbm>>
      tpu.enqueue_dma source(%dma_start3A_12 : memref<8x128xi32, #tpu.memory_space<hbm>>) target(%arg7 : memref<8x128xi32, #tpu.memory_space<vmem>>) target_semaphore(%run_scoped3A : memref<!tpu.dma_semaphore, #tpu.memory_space<semaphore_mem>>)
      %dma_wait3A = arith.constant 0 : i32
      %dma_wait3A_13 = arith.constant 0 : i32
      %dma_wait3A_14 = tpu.memref_slice %arg4[%add3A, %dma_wait3A, %dma_wait3A_13] : memref<32x8x128xi32, #tpu.memory_space<hbm>> -> memref<1x8x128xi32, #tpu.memory_space<hbm>>
      %dma_wait3A_15 = tpu.memref_squeeze %dma_wait3A_14 : memref<1x8x128xi32, #tpu.memory_space<hbm>> -> memref<8x128xi32, #tpu.memory_space<hbm>>
      %dma_wait3A_16 = arith.constant 0 : i32
      %dma_wait3A_17 = arith.constant 0 : i32
      %dma_wait3A_18 = tpu.memref_slice %arg4[%add3A, %dma_wait3A_16, %dma_wait3A_17] : memref<32x8x128xi32, #tpu.memory_space<hbm>> -> memref<1x8x128xi32, #tpu.memory_space<hbm>>
      %dma_wait3A_19 = tpu.memref_squeeze %dma_wait3A_18 : memref<1x8x128xi32, #tpu.memory_space<hbm>> -> memref<8x128xi32, #tpu.memory_space<hbm>>
      tpu.wait_dma2 semaphore(%run_scoped3A : memref<!tpu.dma_semaphore, #tpu.memory_space<semaphore_mem>>) src(%dma_wait3A_19 : memref<8x128xi32, #tpu.memory_space<hbm>>) dst(%arg7 : memref<8x128xi32, #tpu.memory_space<vmem>>)
      tpu.yield
    }) : () -> ()
    %scan3A = arith.constant 0 : i32
    %scan3A_1 = arith.constant 0 : i32
    %scan3A_2 = arith.constant 8 : i32
    %scan3A_3 = arith.addi %scan3A_1, %scan3A_2 : i32
    %scan3A_4 = arith.constant 1 : i32
    scf.for %scan3A_6 = %scan3A_1 to %scan3A_3 step %scan3A_4  : i32 {
      %dma_start3A = arith.constant 0 : i32
      %dma_start3A_7 = tpu.memref_slice %arg7[%scan3A_6, %dma_start3A] : memref<8x128xi32, #tpu.memory_space<vmem>> -> memref<1x128xi32, #tpu.memory_space<vmem>>
      %dma_start3A_8 = tpu.memref_squeeze %dma_start3A_7 : memref<1x128xi32, #tpu.memory_space<vmem>> -> memref<128xi32, #tpu.memory_space<vmem>>
      %dma_start3A_9 = arith.constant 0 : i32
      %dma_start3A_10 = arith.constant 0 : i32
      %dma_start3A_11 = tpu.memref_slice %arg2[%dma_start3A_9, %dma_start3A_10] : memref<2048x128xf32, #tpu.memory_space<hbm>> -> memref<2048x128xf32, #tpu.memory_space<hbm>>
      tpu.enqueue_indirect_dma source(%dma_start3A_11 : memref<2048x128xf32, #tpu.memory_space<hbm>>) target(%arg8 : memref<128x128xf32, #tpu.memory_space<vmem>>) offsets(%dma_start3A_8 : memref<128xi32, #tpu.memory_space<vmem>>) semaphore(%arg10 : memref<!tpu.dma_semaphore, #tpu.memory_space<semaphore_mem>>)
      %dma_start3A_12 = arith.constant 0 : i32
      %dma_start3A_13 = tpu.memref_slice %arg7[%scan3A_6, %dma_start3A_12] : memref<8x128xi32, #tpu.memory_space<vmem>> -> memref<1x128xi32, #tpu.memory_space<vmem>>
      %dma_start3A_14 = tpu.memref_squeeze %dma_start3A_13 : memref<1x128xi32, #tpu.memory_space<vmem>> -> memref<128xi32, #tpu.memory_space<vmem>>
      %dma_start3A_15 = arith.constant 0 : i32
      %dma_start3A_16 = arith.constant 0 : i32
      %dma_start3A_17 = tpu.memref_slice %arg3[%dma_start3A_15, %dma_start3A_16] : memref<2048x128xf32, #tpu.memory_space<hbm>> -> memref<2048x128xf32, #tpu.memory_space<hbm>>
      tpu.enqueue_indirect_dma source(%dma_start3A_17 : memref<2048x128xf32, #tpu.memory_space<hbm>>) target(%arg9 : memref<128x128xf32, #tpu.memory_space<vmem>>) offsets(%dma_start3A_14 : memref<128xi32, #tpu.memory_space<vmem>>) semaphore(%arg11 : memref<!tpu.dma_semaphore, #tpu.memory_space<semaphore_mem>>)
      %dma_wait3A = arith.constant 0 : i32
      %dma_wait3A_18 = tpu.memref_slice %arg7[%scan3A_6, %dma_wait3A] : memref<8x128xi32, #tpu.memory_space<vmem>> -> memref<1x128xi32, #tpu.memory_space<vmem>>
      %dma_wait3A_19 = tpu.memref_squeeze %dma_wait3A_18 : memref<1x128xi32, #tpu.memory_space<vmem>> -> memref<128xi32, #tpu.memory_space<vmem>>
      %dma_wait3A_20 = arith.constant 0 : i32
      %dma_wait3A_21 = arith.constant 0 : i32
      %dma_wait3A_22 = tpu.memref_slice %arg2[%dma_wait3A_20, %dma_wait3A_21] : memref<2048x128xf32, #tpu.memory_space<hbm>> -> memref<2048x128xf32, #tpu.memory_space<hbm>>
      tpu.wait_indirect_dma semaphore(%arg10 : memref<!tpu.dma_semaphore, #tpu.memory_space<semaphore_mem>>) src(%dma_wait3A_22 : memref<2048x128xf32, #tpu.memory_space<hbm>>) dst(%arg8 : memref<128x128xf32, #tpu.memory_space<vmem>>)
      %dma_wait3A_23 = arith.constant 0 : i32
      %dma_wait3A_24 = tpu.memref_slice %arg7[%scan3A_6, %dma_wait3A_23] : memref<8x128xi32, #tpu.memory_space<vmem>> -> memref<1x128xi32, #tpu.memory_space<vmem>>
      %dma_wait3A_25 = tpu.memref_squeeze %dma_wait3A_24 : memref<1x128xi32, #tpu.memory_space<vmem>> -> memref<128xi32, #tpu.memory_space<vmem>>
      %dma_wait3A_26 = arith.constant 0 : i32
      %dma_wait3A_27 = arith.constant 0 : i32
      %dma_wait3A_28 = tpu.memref_slice %arg3[%dma_wait3A_26, %dma_wait3A_27] : memref<2048x128xf32, #tpu.memory_space<hbm>> -> memref<2048x128xf32, #tpu.memory_space<hbm>>
      tpu.wait_indirect_dma semaphore(%arg11 : memref<!tpu.dma_semaphore, #tpu.memory_space<semaphore_mem>>) src(%dma_wait3A_28 : memref<2048x128xf32, #tpu.memory_space<hbm>>) dst(%arg9 : memref<128x128xf32, #tpu.memory_space<vmem>>)
      %mul3A_29 = arith.constant 1024 : i32
      %mul3A_30 = arith.muli %add3A, %mul3A_29 : i32
      %mul3A_31 = arith.constant 128 : i32
      %mul3A_32 = arith.muli %scan3A_6, %mul3A_31 : i32
      %add3A_33 = arith.addi %mul3A_30, %mul3A_32 : i32
      "tpu.region"() ({
        %run_scoped3A = tpu.sem_alloc : memref<!tpu.dma_semaphore, #tpu.memory_space<semaphore_mem>>
        %dma_start3A_34 = arith.constant 0 : i32
        %dma_start3A_35 = tpu.memref_slice %arg5[%add3A_33, %dma_start3A_34] : memref<32768x128xf32, #tpu.memory_space<hbm>> -> memref<128x128xf32, #tpu.memory_space<hbm>>
        %dma_start3A_36 = arith.constant 0 : i32
        %dma_start3A_37 = tpu.memref_slice %arg5[%add3A_33, %dma_start3A_36] : memref<32768x128xf32, #tpu.memory_space<hbm>> -> memref<128x128xf32, #tpu.memory_space<hbm>>
        tpu.enqueue_dma source(%arg8 : memref<128x128xf32, #tpu.memory_space<vmem>>) target(%dma_start3A_37 : memref<128x128xf32, #tpu.memory_space<hbm>>) target_semaphore(%run_scoped3A : memref<!tpu.dma_semaphore, #tpu.memory_space<semaphore_mem>>)
        %dma_wait3A_38 = arith.constant 0 : i32
        %dma_wait3A_39 = tpu.memref_slice %arg5[%add3A_33, %dma_wait3A_38] : memref<32768x128xf32, #tpu.memory_space<hbm>> -> memref<128x128xf32, #tpu.memory_space<hbm>>
        %dma_wait3A_40 = arith.constant 0 : i32
        %dma_wait3A_41 = tpu.memref_slice %arg5[%add3A_33, %dma_wait3A_40] : memref<32768x128xf32, #tpu.memory_space<hbm>> -> memref<128x128xf32, #tpu.memory_space<hbm>>
        tpu.wait_dma2 semaphore(%run_scoped3A : memref<!tpu.dma_semaphore, #tpu.memory_space<semaphore_mem>>) src(%arg8 : memref<128x128xf32, #tpu.memory_space<vmem>>) dst(%dma_wait3A_41 : memref<128x128xf32, #tpu.memory_space<hbm>>)
        tpu.yield
      }) : () -> ()
      "tpu.region"() ({
        %run_scoped3A = tpu.sem_alloc : memref<!tpu.dma_semaphore, #tpu.memory_space<semaphore_mem>>
        %dma_start3A_34 = arith.constant 0 : i32
        %dma_start3A_35 = tpu.memref_slice %arg6[%add3A_33, %dma_start3A_34] : memref<32768x128xf32, #tpu.memory_space<hbm>> -> memref<128x128xf32, #tpu.memory_space<hbm>>
        %dma_start3A_36 = arith.constant 0 : i32
        %dma_start3A_37 = tpu.memref_slice %arg6[%add3A_33, %dma_start3A_36] : memref<32768x128xf32, #tpu.memory_space<hbm>> -> memref<128x128xf32, #tpu.memory_space<hbm>>
        tpu.enqueue_dma source(%arg9 : memref<128x128xf32, #tpu.memory_space<vmem>>) target(%dma_start3A_37 : memref<128x128xf32, #tpu.memory_space<hbm>>) target_semaphore(%run_scoped3A : memref<!tpu.dma_semaphore, #tpu.memory_space<semaphore_mem>>)
        %dma_wait3A_38 = arith.constant 0 : i32
        %dma_wait3A_39 = tpu.memref_slice %arg6[%add3A_33, %dma_wait3A_38] : memref<32768x128xf32, #tpu.memory_space<hbm>> -> memref<128x128xf32, #tpu.memory_space<hbm>>
        %dma_wait3A_40 = arith.constant 0 : i32
        %dma_wait3A_41 = tpu.memref_slice %arg6[%add3A_33, %dma_wait3A_40] : memref<32768x128xf32, #tpu.memory_space<hbm>> -> memref<128x128xf32, #tpu.memory_space<hbm>>
        tpu.wait_dma2 semaphore(%run_scoped3A : memref<!tpu.dma_semaphore, #tpu.memory_space<semaphore_mem>>) src(%arg9 : memref<128x128xf32, #tpu.memory_space<vmem>>) dst(%dma_wait3A_41 : memref<128x128xf32, #tpu.memory_space<hbm>>)
        tpu.yield
      }) : () -> ()
    }
    %scan3A_5 = arith.constant 8 : i32
    return
  }
}

module attributes {stable_mosaic.version = 14 : i64} {
  func.func @_knn_body(%arg0: i32, %arg1: memref<256x3xf32, #tpu.memory_space<vmem>>, %arg2: memref<3x2048xf32, #tpu.memory_space<vmem>>, %arg3: memref<256x16xi32, #tpu.memory_space<vmem>>) attributes {dimension_semantics = [#tpu.dimension_semantics<arbitrary>], iteration_bounds = array<i64: 8>, scalar_prefetch = 0 : i64, scratch_operands = 0 : i64, tpu.core_type = #tpu.core_type<tc>, window_params = [{transform_indices = @transform_0, window_bounds = array<i64: 256, 3>}, {pipeline_mode = #tpu.pipeline_mode<synchronous>, transform_indices = @transform_1, window_bounds = array<i64: 3, 2048>}, {transform_indices = @transform_2, window_bounds = array<i64: 256, 16>}]} {
    %get3A = arith.constant 0 : index
    %get3A_0 = arith.constant 0 : index
    %get3A_1 = vector.load %arg1[%get3A, %get3A_0] : memref<256x3xf32, #tpu.memory_space<vmem>>, vector<256x3xf32>
    %get3A_2 = arith.constant 0 : index
    %get3A_3 = arith.constant 0 : index
    %get3A_4 = vector.load %arg2[%get3A_2, %get3A_3] : memref<3x2048xf32, #tpu.memory_space<vmem>>, vector<3x2048xf32>
    %convert_element_type3A = arith.truncf %get3A_1 : vector<256x3xf32> to vector<256x3xbf16>
    %convert_element_type3A_5 = arith.truncf %get3A_4 : vector<3x2048xf32> to vector<3x2048xbf16>
    %dot_general3A = arith.constant dense<0.000000e+00> : vector<256x2048xf32>
    %dot_general3A_6 = tpu.matmul %convert_element_type3A, %convert_element_type3A_5, %dot_general3A {dimension_numbers = #tpu.dot_dimension_numbers<[1], [0], [0], [1], [0, 0, 1, 1], [], []>, transpose_lhs_hint = false} : vector<256x3xbf16>, vector<3x2048xbf16>, vector<256x2048xf32> -> vector<256x2048xf32>
    %slice3A = vector.extract_strided_slice %get3A_1 {offsets = [0, 0], sizes = [256, 1], strides = [1, 1]} : vector<256x3xf32> to vector<256x1xf32>
    %integer_pow3A = arith.mulf %slice3A, %slice3A : vector<256x1xf32>
    %slice3A_7 = vector.extract_strided_slice %get3A_1 {offsets = [0, 1], sizes = [256, 1], strides = [1, 1]} : vector<256x3xf32> to vector<256x1xf32>
    %integer_pow3A_8 = arith.mulf %slice3A_7, %slice3A_7 : vector<256x1xf32>
    %add3A = arith.addf %integer_pow3A, %integer_pow3A_8 : vector<256x1xf32>
    %slice3A_9 = vector.extract_strided_slice %get3A_1 {offsets = [0, 2], sizes = [256, 1], strides = [1, 1]} : vector<256x3xf32> to vector<256x1xf32>
    %integer_pow3A_10 = arith.mulf %slice3A_9, %slice3A_9 : vector<256x1xf32>
    %add3A_11 = arith.addf %add3A, %integer_pow3A_10 : vector<256x1xf32>
    %slice3A_12 = vector.extract_strided_slice %get3A_4 {offsets = [0, 0], sizes = [1, 2048], strides = [1, 1]} : vector<3x2048xf32> to vector<1x2048xf32>
    %integer_pow3A_13 = arith.mulf %slice3A_12, %slice3A_12 : vector<1x2048xf32>
    %slice3A_14 = vector.extract_strided_slice %get3A_4 {offsets = [1, 0], sizes = [1, 2048], strides = [1, 1]} : vector<3x2048xf32> to vector<1x2048xf32>
    %integer_pow3A_15 = arith.mulf %slice3A_14, %slice3A_14 : vector<1x2048xf32>
    %add3A_16 = arith.addf %integer_pow3A_13, %integer_pow3A_15 : vector<1x2048xf32>
    %slice3A_17 = vector.extract_strided_slice %get3A_4 {offsets = [2, 0], sizes = [1, 2048], strides = [1, 1]} : vector<3x2048xf32> to vector<1x2048xf32>
    %integer_pow3A_18 = arith.mulf %slice3A_17, %slice3A_17 : vector<1x2048xf32>
    %add3A_19 = arith.addf %add3A_16, %integer_pow3A_18 : vector<1x2048xf32>
    %mul3A = arith.constant -2.000000e+00 : f32
    %mul3A_20 = vector.broadcast %mul3A : f32 to vector<256x2048xf32>
    %mul3A_21 = arith.mulf %mul3A_20, %dot_general3A_6 : vector<256x2048xf32>
    %add3A_22 = vector.broadcast %add3A_11 : vector<256x1xf32> to vector<256x2048xf32>
    %add3A_23 = arith.addf %mul3A_21, %add3A_22 : vector<256x2048xf32>
    %add3A_24 = vector.broadcast %add3A_19 : vector<1x2048xf32> to vector<256x2048xf32>
    %add3A_25 = arith.addf %add3A_23, %add3A_24 : vector<256x2048xf32>
    %iota3A = tpu.iota {dimensions = array<i32: 1>} : vector<1x2048xi32>
    %reduce_min3A = arith.constant dense<0x7F800000> : vector<256xf32>
    %reduce_min3A_26 = vector.multi_reduction <minimumf>, %add3A_25, %reduce_min3A [1] : vector<256x2048xf32> to vector<256xf32>
    %broadcast_in_dim3A = vector.shape_cast %reduce_min3A_26 : vector<256xf32> to vector<256x1xf32>
    %eq3A = vector.broadcast %broadcast_in_dim3A : vector<256x1xf32> to vector<256x2048xf32>
    %eq3A_27 = arith.cmpf oeq, %add3A_25, %eq3A : vector<256x2048xf32>
    %jit3A = arith.constant 2048 : i32
    %broadcast_in_dim3A_28 = vector.shape_cast %iota3A : vector<1x2048xi32> to vector<1x2048xi32>
    %broadcast_in_dim3A_29 = vector.broadcast %broadcast_in_dim3A_28 : vector<1x2048xi32> to vector<256x2048xi32>
    %broadcast_in_dim3A_30 = vector.broadcast %jit3A : i32 to vector<256x2048xi32>
    %select_n3A = arith.select %eq3A_27, %broadcast_in_dim3A_29, %broadcast_in_dim3A_30 : vector<256x2048xi1>, vector<256x2048xi32>
    %reduce_min3A_31 = arith.constant dense<2147483647> : vector<256xi32>
    %reduce_min3A_32 = vector.multi_reduction <minsi>, %select_n3A, %reduce_min3A_31 [1] : vector<256x2048xi32> to vector<256xi32>
    %broadcast_in_dim3A_33 = vector.shape_cast %reduce_min3A_32 : vector<256xi32> to vector<256x1xi32>
    %eq3A_34 = vector.broadcast %iota3A : vector<1x2048xi32> to vector<256x2048xi32>
    %eq3A_35 = vector.broadcast %broadcast_in_dim3A_33 : vector<256x1xi32> to vector<256x2048xi32>
    %eq3A_36 = arith.cmpi eq, %eq3A_34, %eq3A_35 : vector<256x2048xi32>
    %jit3A_37 = arith.constant 0x7F800000 : f32
    %broadcast_in_dim3A_38 = vector.broadcast %jit3A_37 : f32 to vector<256x2048xf32>
    %select_n3A_39 = arith.select %eq3A_36, %broadcast_in_dim3A_38, %add3A_25 : vector<256x2048xi1>, vector<256x2048xf32>
    %reduce_min3A_40 = arith.constant dense<0x7F800000> : vector<256xf32>
    %reduce_min3A_41 = vector.multi_reduction <minimumf>, %select_n3A_39, %reduce_min3A_40 [1] : vector<256x2048xf32> to vector<256xf32>
    %broadcast_in_dim3A_42 = vector.shape_cast %reduce_min3A_41 : vector<256xf32> to vector<256x1xf32>
    %eq3A_43 = vector.broadcast %broadcast_in_dim3A_42 : vector<256x1xf32> to vector<256x2048xf32>
    %eq3A_44 = arith.cmpf oeq, %select_n3A_39, %eq3A_43 : vector<256x2048xf32>
    %jit3A_45 = arith.constant 2048 : i32
    %broadcast_in_dim3A_46 = vector.shape_cast %iota3A : vector<1x2048xi32> to vector<1x2048xi32>
    %broadcast_in_dim3A_47 = vector.broadcast %broadcast_in_dim3A_46 : vector<1x2048xi32> to vector<256x2048xi32>
    %broadcast_in_dim3A_48 = vector.broadcast %jit3A_45 : i32 to vector<256x2048xi32>
    %select_n3A_49 = arith.select %eq3A_44, %broadcast_in_dim3A_47, %broadcast_in_dim3A_48 : vector<256x2048xi1>, vector<256x2048xi32>
    %reduce_min3A_50 = arith.constant dense<2147483647> : vector<256xi32>
    %reduce_min3A_51 = vector.multi_reduction <minsi>, %select_n3A_49, %reduce_min3A_50 [1] : vector<256x2048xi32> to vector<256xi32>
    %broadcast_in_dim3A_52 = vector.shape_cast %reduce_min3A_51 : vector<256xi32> to vector<256x1xi32>
    %eq3A_53 = vector.broadcast %iota3A : vector<1x2048xi32> to vector<256x2048xi32>
    %eq3A_54 = vector.broadcast %broadcast_in_dim3A_52 : vector<256x1xi32> to vector<256x2048xi32>
    %eq3A_55 = arith.cmpi eq, %eq3A_53, %eq3A_54 : vector<256x2048xi32>
    %jit3A_56 = arith.constant 0x7F800000 : f32
    %broadcast_in_dim3A_57 = vector.broadcast %jit3A_56 : f32 to vector<256x2048xf32>
    %select_n3A_58 = arith.select %eq3A_55, %broadcast_in_dim3A_57, %select_n3A_39 : vector<256x2048xi1>, vector<256x2048xf32>
    %reduce_min3A_59 = arith.constant dense<0x7F800000> : vector<256xf32>
    %reduce_min3A_60 = vector.multi_reduction <minimumf>, %select_n3A_58, %reduce_min3A_59 [1] : vector<256x2048xf32> to vector<256xf32>
    %broadcast_in_dim3A_61 = vector.shape_cast %reduce_min3A_60 : vector<256xf32> to vector<256x1xf32>
    %eq3A_62 = vector.broadcast %broadcast_in_dim3A_61 : vector<256x1xf32> to vector<256x2048xf32>
    %eq3A_63 = arith.cmpf oeq, %select_n3A_58, %eq3A_62 : vector<256x2048xf32>
    %jit3A_64 = arith.constant 2048 : i32
    %broadcast_in_dim3A_65 = vector.shape_cast %iota3A : vector<1x2048xi32> to vector<1x2048xi32>
    %broadcast_in_dim3A_66 = vector.broadcast %broadcast_in_dim3A_65 : vector<1x2048xi32> to vector<256x2048xi32>
    %broadcast_in_dim3A_67 = vector.broadcast %jit3A_64 : i32 to vector<256x2048xi32>
    %select_n3A_68 = arith.select %eq3A_63, %broadcast_in_dim3A_66, %broadcast_in_dim3A_67 : vector<256x2048xi1>, vector<256x2048xi32>
    %reduce_min3A_69 = arith.constant dense<2147483647> : vector<256xi32>
    %reduce_min3A_70 = vector.multi_reduction <minsi>, %select_n3A_68, %reduce_min3A_69 [1] : vector<256x2048xi32> to vector<256xi32>
    %broadcast_in_dim3A_71 = vector.shape_cast %reduce_min3A_70 : vector<256xi32> to vector<256x1xi32>
    %eq3A_72 = vector.broadcast %iota3A : vector<1x2048xi32> to vector<256x2048xi32>
    %eq3A_73 = vector.broadcast %broadcast_in_dim3A_71 : vector<256x1xi32> to vector<256x2048xi32>
    %eq3A_74 = arith.cmpi eq, %eq3A_72, %eq3A_73 : vector<256x2048xi32>
    %jit3A_75 = arith.constant 0x7F800000 : f32
    %broadcast_in_dim3A_76 = vector.broadcast %jit3A_75 : f32 to vector<256x2048xf32>
    %select_n3A_77 = arith.select %eq3A_74, %broadcast_in_dim3A_76, %select_n3A_58 : vector<256x2048xi1>, vector<256x2048xf32>
    %reduce_min3A_78 = arith.constant dense<0x7F800000> : vector<256xf32>
    %reduce_min3A_79 = vector.multi_reduction <minimumf>, %select_n3A_77, %reduce_min3A_78 [1] : vector<256x2048xf32> to vector<256xf32>
    %broadcast_in_dim3A_80 = vector.shape_cast %reduce_min3A_79 : vector<256xf32> to vector<256x1xf32>
    %eq3A_81 = vector.broadcast %broadcast_in_dim3A_80 : vector<256x1xf32> to vector<256x2048xf32>
    %eq3A_82 = arith.cmpf oeq, %select_n3A_77, %eq3A_81 : vector<256x2048xf32>
    %jit3A_83 = arith.constant 2048 : i32
    %broadcast_in_dim3A_84 = vector.shape_cast %iota3A : vector<1x2048xi32> to vector<1x2048xi32>
    %broadcast_in_dim3A_85 = vector.broadcast %broadcast_in_dim3A_84 : vector<1x2048xi32> to vector<256x2048xi32>
    %broadcast_in_dim3A_86 = vector.broadcast %jit3A_83 : i32 to vector<256x2048xi32>
    %select_n3A_87 = arith.select %eq3A_82, %broadcast_in_dim3A_85, %broadcast_in_dim3A_86 : vector<256x2048xi1>, vector<256x2048xi32>
    %reduce_min3A_88 = arith.constant dense<2147483647> : vector<256xi32>
    %reduce_min3A_89 = vector.multi_reduction <minsi>, %select_n3A_87, %reduce_min3A_88 [1] : vector<256x2048xi32> to vector<256xi32>
    %broadcast_in_dim3A_90 = vector.shape_cast %reduce_min3A_89 : vector<256xi32> to vector<256x1xi32>
    %eq3A_91 = vector.broadcast %iota3A : vector<1x2048xi32> to vector<256x2048xi32>
    %eq3A_92 = vector.broadcast %broadcast_in_dim3A_90 : vector<256x1xi32> to vector<256x2048xi32>
    %eq3A_93 = arith.cmpi eq, %eq3A_91, %eq3A_92 : vector<256x2048xi32>
    %jit3A_94 = arith.constant 0x7F800000 : f32
    %broadcast_in_dim3A_95 = vector.broadcast %jit3A_94 : f32 to vector<256x2048xf32>
    %select_n3A_96 = arith.select %eq3A_93, %broadcast_in_dim3A_95, %select_n3A_77 : vector<256x2048xi1>, vector<256x2048xf32>
    %reduce_min3A_97 = arith.constant dense<0x7F800000> : vector<256xf32>
    %reduce_min3A_98 = vector.multi_reduction <minimumf>, %select_n3A_96, %reduce_min3A_97 [1] : vector<256x2048xf32> to vector<256xf32>
    %broadcast_in_dim3A_99 = vector.shape_cast %reduce_min3A_98 : vector<256xf32> to vector<256x1xf32>
    %eq3A_100 = vector.broadcast %broadcast_in_dim3A_99 : vector<256x1xf32> to vector<256x2048xf32>
    %eq3A_101 = arith.cmpf oeq, %select_n3A_96, %eq3A_100 : vector<256x2048xf32>
    %jit3A_102 = arith.constant 2048 : i32
    %broadcast_in_dim3A_103 = vector.shape_cast %iota3A : vector<1x2048xi32> to vector<1x2048xi32>
    %broadcast_in_dim3A_104 = vector.broadcast %broadcast_in_dim3A_103 : vector<1x2048xi32> to vector<256x2048xi32>
    %broadcast_in_dim3A_105 = vector.broadcast %jit3A_102 : i32 to vector<256x2048xi32>
    %select_n3A_106 = arith.select %eq3A_101, %broadcast_in_dim3A_104, %broadcast_in_dim3A_105 : vector<256x2048xi1>, vector<256x2048xi32>
    %reduce_min3A_107 = arith.constant dense<2147483647> : vector<256xi32>
    %reduce_min3A_108 = vector.multi_reduction <minsi>, %select_n3A_106, %reduce_min3A_107 [1] : vector<256x2048xi32> to vector<256xi32>
    %broadcast_in_dim3A_109 = vector.shape_cast %reduce_min3A_108 : vector<256xi32> to vector<256x1xi32>
    %eq3A_110 = vector.broadcast %iota3A : vector<1x2048xi32> to vector<256x2048xi32>
    %eq3A_111 = vector.broadcast %broadcast_in_dim3A_109 : vector<256x1xi32> to vector<256x2048xi32>
    %eq3A_112 = arith.cmpi eq, %eq3A_110, %eq3A_111 : vector<256x2048xi32>
    %jit3A_113 = arith.constant 0x7F800000 : f32
    %broadcast_in_dim3A_114 = vector.broadcast %jit3A_113 : f32 to vector<256x2048xf32>
    %select_n3A_115 = arith.select %eq3A_112, %broadcast_in_dim3A_114, %select_n3A_96 : vector<256x2048xi1>, vector<256x2048xf32>
    %reduce_min3A_116 = arith.constant dense<0x7F800000> : vector<256xf32>
    %reduce_min3A_117 = vector.multi_reduction <minimumf>, %select_n3A_115, %reduce_min3A_116 [1] : vector<256x2048xf32> to vector<256xf32>
    %broadcast_in_dim3A_118 = vector.shape_cast %reduce_min3A_117 : vector<256xf32> to vector<256x1xf32>
    %eq3A_119 = vector.broadcast %broadcast_in_dim3A_118 : vector<256x1xf32> to vector<256x2048xf32>
    %eq3A_120 = arith.cmpf oeq, %select_n3A_115, %eq3A_119 : vector<256x2048xf32>
    %jit3A_121 = arith.constant 2048 : i32
    %broadcast_in_dim3A_122 = vector.shape_cast %iota3A : vector<1x2048xi32> to vector<1x2048xi32>
    %broadcast_in_dim3A_123 = vector.broadcast %broadcast_in_dim3A_122 : vector<1x2048xi32> to vector<256x2048xi32>
    %broadcast_in_dim3A_124 = vector.broadcast %jit3A_121 : i32 to vector<256x2048xi32>
    %select_n3A_125 = arith.select %eq3A_120, %broadcast_in_dim3A_123, %broadcast_in_dim3A_124 : vector<256x2048xi1>, vector<256x2048xi32>
    %reduce_min3A_126 = arith.constant dense<2147483647> : vector<256xi32>
    %reduce_min3A_127 = vector.multi_reduction <minsi>, %select_n3A_125, %reduce_min3A_126 [1] : vector<256x2048xi32> to vector<256xi32>
    %broadcast_in_dim3A_128 = vector.shape_cast %reduce_min3A_127 : vector<256xi32> to vector<256x1xi32>
    %eq3A_129 = vector.broadcast %iota3A : vector<1x2048xi32> to vector<256x2048xi32>
    %eq3A_130 = vector.broadcast %broadcast_in_dim3A_128 : vector<256x1xi32> to vector<256x2048xi32>
    %eq3A_131 = arith.cmpi eq, %eq3A_129, %eq3A_130 : vector<256x2048xi32>
    %jit3A_132 = arith.constant 0x7F800000 : f32
    %broadcast_in_dim3A_133 = vector.broadcast %jit3A_132 : f32 to vector<256x2048xf32>
    %select_n3A_134 = arith.select %eq3A_131, %broadcast_in_dim3A_133, %select_n3A_115 : vector<256x2048xi1>, vector<256x2048xf32>
    %reduce_min3A_135 = arith.constant dense<0x7F800000> : vector<256xf32>
    %reduce_min3A_136 = vector.multi_reduction <minimumf>, %select_n3A_134, %reduce_min3A_135 [1] : vector<256x2048xf32> to vector<256xf32>
    %broadcast_in_dim3A_137 = vector.shape_cast %reduce_min3A_136 : vector<256xf32> to vector<256x1xf32>
    %eq3A_138 = vector.broadcast %broadcast_in_dim3A_137 : vector<256x1xf32> to vector<256x2048xf32>
    %eq3A_139 = arith.cmpf oeq, %select_n3A_134, %eq3A_138 : vector<256x2048xf32>
    %jit3A_140 = arith.constant 2048 : i32
    %broadcast_in_dim3A_141 = vector.shape_cast %iota3A : vector<1x2048xi32> to vector<1x2048xi32>
    %broadcast_in_dim3A_142 = vector.broadcast %broadcast_in_dim3A_141 : vector<1x2048xi32> to vector<256x2048xi32>
    %broadcast_in_dim3A_143 = vector.broadcast %jit3A_140 : i32 to vector<256x2048xi32>
    %select_n3A_144 = arith.select %eq3A_139, %broadcast_in_dim3A_142, %broadcast_in_dim3A_143 : vector<256x2048xi1>, vector<256x2048xi32>
    %reduce_min3A_145 = arith.constant dense<2147483647> : vector<256xi32>
    %reduce_min3A_146 = vector.multi_reduction <minsi>, %select_n3A_144, %reduce_min3A_145 [1] : vector<256x2048xi32> to vector<256xi32>
    %broadcast_in_dim3A_147 = vector.shape_cast %reduce_min3A_146 : vector<256xi32> to vector<256x1xi32>
    %eq3A_148 = vector.broadcast %iota3A : vector<1x2048xi32> to vector<256x2048xi32>
    %eq3A_149 = vector.broadcast %broadcast_in_dim3A_147 : vector<256x1xi32> to vector<256x2048xi32>
    %eq3A_150 = arith.cmpi eq, %eq3A_148, %eq3A_149 : vector<256x2048xi32>
    %jit3A_151 = arith.constant 0x7F800000 : f32
    %broadcast_in_dim3A_152 = vector.broadcast %jit3A_151 : f32 to vector<256x2048xf32>
    %select_n3A_153 = arith.select %eq3A_150, %broadcast_in_dim3A_152, %select_n3A_134 : vector<256x2048xi1>, vector<256x2048xf32>
    %reduce_min3A_154 = arith.constant dense<0x7F800000> : vector<256xf32>
    %reduce_min3A_155 = vector.multi_reduction <minimumf>, %select_n3A_153, %reduce_min3A_154 [1] : vector<256x2048xf32> to vector<256xf32>
    %broadcast_in_dim3A_156 = vector.shape_cast %reduce_min3A_155 : vector<256xf32> to vector<256x1xf32>
    %eq3A_157 = vector.broadcast %broadcast_in_dim3A_156 : vector<256x1xf32> to vector<256x2048xf32>
    %eq3A_158 = arith.cmpf oeq, %select_n3A_153, %eq3A_157 : vector<256x2048xf32>
    %jit3A_159 = arith.constant 2048 : i32
    %broadcast_in_dim3A_160 = vector.shape_cast %iota3A : vector<1x2048xi32> to vector<1x2048xi32>
    %broadcast_in_dim3A_161 = vector.broadcast %broadcast_in_dim3A_160 : vector<1x2048xi32> to vector<256x2048xi32>
    %broadcast_in_dim3A_162 = vector.broadcast %jit3A_159 : i32 to vector<256x2048xi32>
    %select_n3A_163 = arith.select %eq3A_158, %broadcast_in_dim3A_161, %broadcast_in_dim3A_162 : vector<256x2048xi1>, vector<256x2048xi32>
    %reduce_min3A_164 = arith.constant dense<2147483647> : vector<256xi32>
    %reduce_min3A_165 = vector.multi_reduction <minsi>, %select_n3A_163, %reduce_min3A_164 [1] : vector<256x2048xi32> to vector<256xi32>
    %broadcast_in_dim3A_166 = vector.shape_cast %reduce_min3A_165 : vector<256xi32> to vector<256x1xi32>
    %eq3A_167 = vector.broadcast %iota3A : vector<1x2048xi32> to vector<256x2048xi32>
    %eq3A_168 = vector.broadcast %broadcast_in_dim3A_166 : vector<256x1xi32> to vector<256x2048xi32>
    %eq3A_169 = arith.cmpi eq, %eq3A_167, %eq3A_168 : vector<256x2048xi32>
    %jit3A_170 = arith.constant 0x7F800000 : f32
    %broadcast_in_dim3A_171 = vector.broadcast %jit3A_170 : f32 to vector<256x2048xf32>
    %select_n3A_172 = arith.select %eq3A_169, %broadcast_in_dim3A_171, %select_n3A_153 : vector<256x2048xi1>, vector<256x2048xf32>
    %reduce_min3A_173 = arith.constant dense<0x7F800000> : vector<256xf32>
    %reduce_min3A_174 = vector.multi_reduction <minimumf>, %select_n3A_172, %reduce_min3A_173 [1] : vector<256x2048xf32> to vector<256xf32>
    %broadcast_in_dim3A_175 = vector.shape_cast %reduce_min3A_174 : vector<256xf32> to vector<256x1xf32>
    %eq3A_176 = vector.broadcast %broadcast_in_dim3A_175 : vector<256x1xf32> to vector<256x2048xf32>
    %eq3A_177 = arith.cmpf oeq, %select_n3A_172, %eq3A_176 : vector<256x2048xf32>
    %jit3A_178 = arith.constant 2048 : i32
    %broadcast_in_dim3A_179 = vector.shape_cast %iota3A : vector<1x2048xi32> to vector<1x2048xi32>
    %broadcast_in_dim3A_180 = vector.broadcast %broadcast_in_dim3A_179 : vector<1x2048xi32> to vector<256x2048xi32>
    %broadcast_in_dim3A_181 = vector.broadcast %jit3A_178 : i32 to vector<256x2048xi32>
    %select_n3A_182 = arith.select %eq3A_177, %broadcast_in_dim3A_180, %broadcast_in_dim3A_181 : vector<256x2048xi1>, vector<256x2048xi32>
    %reduce_min3A_183 = arith.constant dense<2147483647> : vector<256xi32>
    %reduce_min3A_184 = vector.multi_reduction <minsi>, %select_n3A_182, %reduce_min3A_183 [1] : vector<256x2048xi32> to vector<256xi32>
    %broadcast_in_dim3A_185 = vector.shape_cast %reduce_min3A_184 : vector<256xi32> to vector<256x1xi32>
    %eq3A_186 = vector.broadcast %iota3A : vector<1x2048xi32> to vector<256x2048xi32>
    %eq3A_187 = vector.broadcast %broadcast_in_dim3A_185 : vector<256x1xi32> to vector<256x2048xi32>
    %eq3A_188 = arith.cmpi eq, %eq3A_186, %eq3A_187 : vector<256x2048xi32>
    %jit3A_189 = arith.constant 0x7F800000 : f32
    %broadcast_in_dim3A_190 = vector.broadcast %jit3A_189 : f32 to vector<256x2048xf32>
    %select_n3A_191 = arith.select %eq3A_188, %broadcast_in_dim3A_190, %select_n3A_172 : vector<256x2048xi1>, vector<256x2048xf32>
    %reduce_min3A_192 = arith.constant dense<0x7F800000> : vector<256xf32>
    %reduce_min3A_193 = vector.multi_reduction <minimumf>, %select_n3A_191, %reduce_min3A_192 [1] : vector<256x2048xf32> to vector<256xf32>
    %broadcast_in_dim3A_194 = vector.shape_cast %reduce_min3A_193 : vector<256xf32> to vector<256x1xf32>
    %eq3A_195 = vector.broadcast %broadcast_in_dim3A_194 : vector<256x1xf32> to vector<256x2048xf32>
    %eq3A_196 = arith.cmpf oeq, %select_n3A_191, %eq3A_195 : vector<256x2048xf32>
    %jit3A_197 = arith.constant 2048 : i32
    %broadcast_in_dim3A_198 = vector.shape_cast %iota3A : vector<1x2048xi32> to vector<1x2048xi32>
    %broadcast_in_dim3A_199 = vector.broadcast %broadcast_in_dim3A_198 : vector<1x2048xi32> to vector<256x2048xi32>
    %broadcast_in_dim3A_200 = vector.broadcast %jit3A_197 : i32 to vector<256x2048xi32>
    %select_n3A_201 = arith.select %eq3A_196, %broadcast_in_dim3A_199, %broadcast_in_dim3A_200 : vector<256x2048xi1>, vector<256x2048xi32>
    %reduce_min3A_202 = arith.constant dense<2147483647> : vector<256xi32>
    %reduce_min3A_203 = vector.multi_reduction <minsi>, %select_n3A_201, %reduce_min3A_202 [1] : vector<256x2048xi32> to vector<256xi32>
    %broadcast_in_dim3A_204 = vector.shape_cast %reduce_min3A_203 : vector<256xi32> to vector<256x1xi32>
    %eq3A_205 = vector.broadcast %iota3A : vector<1x2048xi32> to vector<256x2048xi32>
    %eq3A_206 = vector.broadcast %broadcast_in_dim3A_204 : vector<256x1xi32> to vector<256x2048xi32>
    %eq3A_207 = arith.cmpi eq, %eq3A_205, %eq3A_206 : vector<256x2048xi32>
    %jit3A_208 = arith.constant 0x7F800000 : f32
    %broadcast_in_dim3A_209 = vector.broadcast %jit3A_208 : f32 to vector<256x2048xf32>
    %select_n3A_210 = arith.select %eq3A_207, %broadcast_in_dim3A_209, %select_n3A_191 : vector<256x2048xi1>, vector<256x2048xf32>
    %reduce_min3A_211 = arith.constant dense<0x7F800000> : vector<256xf32>
    %reduce_min3A_212 = vector.multi_reduction <minimumf>, %select_n3A_210, %reduce_min3A_211 [1] : vector<256x2048xf32> to vector<256xf32>
    %broadcast_in_dim3A_213 = vector.shape_cast %reduce_min3A_212 : vector<256xf32> to vector<256x1xf32>
    %eq3A_214 = vector.broadcast %broadcast_in_dim3A_213 : vector<256x1xf32> to vector<256x2048xf32>
    %eq3A_215 = arith.cmpf oeq, %select_n3A_210, %eq3A_214 : vector<256x2048xf32>
    %jit3A_216 = arith.constant 2048 : i32
    %broadcast_in_dim3A_217 = vector.shape_cast %iota3A : vector<1x2048xi32> to vector<1x2048xi32>
    %broadcast_in_dim3A_218 = vector.broadcast %broadcast_in_dim3A_217 : vector<1x2048xi32> to vector<256x2048xi32>
    %broadcast_in_dim3A_219 = vector.broadcast %jit3A_216 : i32 to vector<256x2048xi32>
    %select_n3A_220 = arith.select %eq3A_215, %broadcast_in_dim3A_218, %broadcast_in_dim3A_219 : vector<256x2048xi1>, vector<256x2048xi32>
    %reduce_min3A_221 = arith.constant dense<2147483647> : vector<256xi32>
    %reduce_min3A_222 = vector.multi_reduction <minsi>, %select_n3A_220, %reduce_min3A_221 [1] : vector<256x2048xi32> to vector<256xi32>
    %broadcast_in_dim3A_223 = vector.shape_cast %reduce_min3A_222 : vector<256xi32> to vector<256x1xi32>
    %eq3A_224 = vector.broadcast %iota3A : vector<1x2048xi32> to vector<256x2048xi32>
    %eq3A_225 = vector.broadcast %broadcast_in_dim3A_223 : vector<256x1xi32> to vector<256x2048xi32>
    %eq3A_226 = arith.cmpi eq, %eq3A_224, %eq3A_225 : vector<256x2048xi32>
    %jit3A_227 = arith.constant 0x7F800000 : f32
    %broadcast_in_dim3A_228 = vector.broadcast %jit3A_227 : f32 to vector<256x2048xf32>
    %select_n3A_229 = arith.select %eq3A_226, %broadcast_in_dim3A_228, %select_n3A_210 : vector<256x2048xi1>, vector<256x2048xf32>
    %reduce_min3A_230 = arith.constant dense<0x7F800000> : vector<256xf32>
    %reduce_min3A_231 = vector.multi_reduction <minimumf>, %select_n3A_229, %reduce_min3A_230 [1] : vector<256x2048xf32> to vector<256xf32>
    %broadcast_in_dim3A_232 = vector.shape_cast %reduce_min3A_231 : vector<256xf32> to vector<256x1xf32>
    %eq3A_233 = vector.broadcast %broadcast_in_dim3A_232 : vector<256x1xf32> to vector<256x2048xf32>
    %eq3A_234 = arith.cmpf oeq, %select_n3A_229, %eq3A_233 : vector<256x2048xf32>
    %jit3A_235 = arith.constant 2048 : i32
    %broadcast_in_dim3A_236 = vector.shape_cast %iota3A : vector<1x2048xi32> to vector<1x2048xi32>
    %broadcast_in_dim3A_237 = vector.broadcast %broadcast_in_dim3A_236 : vector<1x2048xi32> to vector<256x2048xi32>
    %broadcast_in_dim3A_238 = vector.broadcast %jit3A_235 : i32 to vector<256x2048xi32>
    %select_n3A_239 = arith.select %eq3A_234, %broadcast_in_dim3A_237, %broadcast_in_dim3A_238 : vector<256x2048xi1>, vector<256x2048xi32>
    %reduce_min3A_240 = arith.constant dense<2147483647> : vector<256xi32>
    %reduce_min3A_241 = vector.multi_reduction <minsi>, %select_n3A_239, %reduce_min3A_240 [1] : vector<256x2048xi32> to vector<256xi32>
    %broadcast_in_dim3A_242 = vector.shape_cast %reduce_min3A_241 : vector<256xi32> to vector<256x1xi32>
    %eq3A_243 = vector.broadcast %iota3A : vector<1x2048xi32> to vector<256x2048xi32>
    %eq3A_244 = vector.broadcast %broadcast_in_dim3A_242 : vector<256x1xi32> to vector<256x2048xi32>
    %eq3A_245 = arith.cmpi eq, %eq3A_243, %eq3A_244 : vector<256x2048xi32>
    %jit3A_246 = arith.constant 0x7F800000 : f32
    %broadcast_in_dim3A_247 = vector.broadcast %jit3A_246 : f32 to vector<256x2048xf32>
    %select_n3A_248 = arith.select %eq3A_245, %broadcast_in_dim3A_247, %select_n3A_229 : vector<256x2048xi1>, vector<256x2048xf32>
    %reduce_min3A_249 = arith.constant dense<0x7F800000> : vector<256xf32>
    %reduce_min3A_250 = vector.multi_reduction <minimumf>, %select_n3A_248, %reduce_min3A_249 [1] : vector<256x2048xf32> to vector<256xf32>
    %broadcast_in_dim3A_251 = vector.shape_cast %reduce_min3A_250 : vector<256xf32> to vector<256x1xf32>
    %eq3A_252 = vector.broadcast %broadcast_in_dim3A_251 : vector<256x1xf32> to vector<256x2048xf32>
    %eq3A_253 = arith.cmpf oeq, %select_n3A_248, %eq3A_252 : vector<256x2048xf32>
    %jit3A_254 = arith.constant 2048 : i32
    %broadcast_in_dim3A_255 = vector.shape_cast %iota3A : vector<1x2048xi32> to vector<1x2048xi32>
    %broadcast_in_dim3A_256 = vector.broadcast %broadcast_in_dim3A_255 : vector<1x2048xi32> to vector<256x2048xi32>
    %broadcast_in_dim3A_257 = vector.broadcast %jit3A_254 : i32 to vector<256x2048xi32>
    %select_n3A_258 = arith.select %eq3A_253, %broadcast_in_dim3A_256, %broadcast_in_dim3A_257 : vector<256x2048xi1>, vector<256x2048xi32>
    %reduce_min3A_259 = arith.constant dense<2147483647> : vector<256xi32>
    %reduce_min3A_260 = vector.multi_reduction <minsi>, %select_n3A_258, %reduce_min3A_259 [1] : vector<256x2048xi32> to vector<256xi32>
    %broadcast_in_dim3A_261 = vector.shape_cast %reduce_min3A_260 : vector<256xi32> to vector<256x1xi32>
    %eq3A_262 = vector.broadcast %iota3A : vector<1x2048xi32> to vector<256x2048xi32>
    %eq3A_263 = vector.broadcast %broadcast_in_dim3A_261 : vector<256x1xi32> to vector<256x2048xi32>
    %eq3A_264 = arith.cmpi eq, %eq3A_262, %eq3A_263 : vector<256x2048xi32>
    %jit3A_265 = arith.constant 0x7F800000 : f32
    %broadcast_in_dim3A_266 = vector.broadcast %jit3A_265 : f32 to vector<256x2048xf32>
    %select_n3A_267 = arith.select %eq3A_264, %broadcast_in_dim3A_266, %select_n3A_248 : vector<256x2048xi1>, vector<256x2048xf32>
    %reduce_min3A_268 = arith.constant dense<0x7F800000> : vector<256xf32>
    %reduce_min3A_269 = vector.multi_reduction <minimumf>, %select_n3A_267, %reduce_min3A_268 [1] : vector<256x2048xf32> to vector<256xf32>
    %broadcast_in_dim3A_270 = vector.shape_cast %reduce_min3A_269 : vector<256xf32> to vector<256x1xf32>
    %eq3A_271 = vector.broadcast %broadcast_in_dim3A_270 : vector<256x1xf32> to vector<256x2048xf32>
    %eq3A_272 = arith.cmpf oeq, %select_n3A_267, %eq3A_271 : vector<256x2048xf32>
    %jit3A_273 = arith.constant 2048 : i32
    %broadcast_in_dim3A_274 = vector.shape_cast %iota3A : vector<1x2048xi32> to vector<1x2048xi32>
    %broadcast_in_dim3A_275 = vector.broadcast %broadcast_in_dim3A_274 : vector<1x2048xi32> to vector<256x2048xi32>
    %broadcast_in_dim3A_276 = vector.broadcast %jit3A_273 : i32 to vector<256x2048xi32>
    %select_n3A_277 = arith.select %eq3A_272, %broadcast_in_dim3A_275, %broadcast_in_dim3A_276 : vector<256x2048xi1>, vector<256x2048xi32>
    %reduce_min3A_278 = arith.constant dense<2147483647> : vector<256xi32>
    %reduce_min3A_279 = vector.multi_reduction <minsi>, %select_n3A_277, %reduce_min3A_278 [1] : vector<256x2048xi32> to vector<256xi32>
    %broadcast_in_dim3A_280 = vector.shape_cast %reduce_min3A_279 : vector<256xi32> to vector<256x1xi32>
    %eq3A_281 = vector.broadcast %iota3A : vector<1x2048xi32> to vector<256x2048xi32>
    %eq3A_282 = vector.broadcast %broadcast_in_dim3A_280 : vector<256x1xi32> to vector<256x2048xi32>
    %eq3A_283 = arith.cmpi eq, %eq3A_281, %eq3A_282 : vector<256x2048xi32>
    %jit3A_284 = arith.constant 0x7F800000 : f32
    %broadcast_in_dim3A_285 = vector.broadcast %jit3A_284 : f32 to vector<256x2048xf32>
    %select_n3A_286 = arith.select %eq3A_283, %broadcast_in_dim3A_285, %select_n3A_267 : vector<256x2048xi1>, vector<256x2048xf32>
    %reduce_min3A_287 = arith.constant dense<0x7F800000> : vector<256xf32>
    %reduce_min3A_288 = vector.multi_reduction <minimumf>, %select_n3A_286, %reduce_min3A_287 [1] : vector<256x2048xf32> to vector<256xf32>
    %broadcast_in_dim3A_289 = vector.shape_cast %reduce_min3A_288 : vector<256xf32> to vector<256x1xf32>
    %eq3A_290 = vector.broadcast %broadcast_in_dim3A_289 : vector<256x1xf32> to vector<256x2048xf32>
    %eq3A_291 = arith.cmpf oeq, %select_n3A_286, %eq3A_290 : vector<256x2048xf32>
    %jit3A_292 = arith.constant 2048 : i32
    %broadcast_in_dim3A_293 = vector.shape_cast %iota3A : vector<1x2048xi32> to vector<1x2048xi32>
    %broadcast_in_dim3A_294 = vector.broadcast %broadcast_in_dim3A_293 : vector<1x2048xi32> to vector<256x2048xi32>
    %broadcast_in_dim3A_295 = vector.broadcast %jit3A_292 : i32 to vector<256x2048xi32>
    %select_n3A_296 = arith.select %eq3A_291, %broadcast_in_dim3A_294, %broadcast_in_dim3A_295 : vector<256x2048xi1>, vector<256x2048xi32>
    %reduce_min3A_297 = arith.constant dense<2147483647> : vector<256xi32>
    %reduce_min3A_298 = vector.multi_reduction <minsi>, %select_n3A_296, %reduce_min3A_297 [1] : vector<256x2048xi32> to vector<256xi32>
    %broadcast_in_dim3A_299 = vector.shape_cast %reduce_min3A_298 : vector<256xi32> to vector<256x1xi32>
    %eq3A_300 = vector.broadcast %iota3A : vector<1x2048xi32> to vector<256x2048xi32>
    %eq3A_301 = vector.broadcast %broadcast_in_dim3A_299 : vector<256x1xi32> to vector<256x2048xi32>
    %eq3A_302 = arith.cmpi eq, %eq3A_300, %eq3A_301 : vector<256x2048xi32>
    %jit3A_303 = arith.constant 0x7F800000 : f32
    %broadcast_in_dim3A_304 = vector.broadcast %jit3A_303 : f32 to vector<256x2048xf32>
    %select_n3A_305 = arith.select %eq3A_302, %broadcast_in_dim3A_304, %select_n3A_286 : vector<256x2048xi1>, vector<256x2048xf32>
    %reduce_min3A_306 = arith.constant dense<0x7F800000> : vector<256xf32>
    %reduce_min3A_307 = vector.multi_reduction <minimumf>, %select_n3A_305, %reduce_min3A_306 [1] : vector<256x2048xf32> to vector<256xf32>
    %broadcast_in_dim3A_308 = vector.shape_cast %reduce_min3A_307 : vector<256xf32> to vector<256x1xf32>
    %eq3A_309 = vector.broadcast %broadcast_in_dim3A_308 : vector<256x1xf32> to vector<256x2048xf32>
    %eq3A_310 = arith.cmpf oeq, %select_n3A_305, %eq3A_309 : vector<256x2048xf32>
    %jit3A_311 = arith.constant 2048 : i32
    %broadcast_in_dim3A_312 = vector.shape_cast %iota3A : vector<1x2048xi32> to vector<1x2048xi32>
    %broadcast_in_dim3A_313 = vector.broadcast %broadcast_in_dim3A_312 : vector<1x2048xi32> to vector<256x2048xi32>
    %broadcast_in_dim3A_314 = vector.broadcast %jit3A_311 : i32 to vector<256x2048xi32>
    %select_n3A_315 = arith.select %eq3A_310, %broadcast_in_dim3A_313, %broadcast_in_dim3A_314 : vector<256x2048xi1>, vector<256x2048xi32>
    %reduce_min3A_316 = arith.constant dense<2147483647> : vector<256xi32>
    %reduce_min3A_317 = vector.multi_reduction <minsi>, %select_n3A_315, %reduce_min3A_316 [1] : vector<256x2048xi32> to vector<256xi32>
    %broadcast_in_dim3A_318 = vector.shape_cast %reduce_min3A_317 : vector<256xi32> to vector<256x1xi32>
    %concatenate3A = tpu.concatenate %broadcast_in_dim3A_33, %broadcast_in_dim3A_52, %broadcast_in_dim3A_71, %broadcast_in_dim3A_90, %broadcast_in_dim3A_109, %broadcast_in_dim3A_128, %broadcast_in_dim3A_147, %broadcast_in_dim3A_166, %broadcast_in_dim3A_185, %broadcast_in_dim3A_204, %broadcast_in_dim3A_223, %broadcast_in_dim3A_242, %broadcast_in_dim3A_261, %broadcast_in_dim3A_280, %broadcast_in_dim3A_299, %broadcast_in_dim3A_318 in 1 : vector<256x1xi32>, vector<256x1xi32>, vector<256x1xi32>, vector<256x1xi32>, vector<256x1xi32>, vector<256x1xi32>, vector<256x1xi32>, vector<256x1xi32>, vector<256x1xi32>, vector<256x1xi32>, vector<256x1xi32>, vector<256x1xi32>, vector<256x1xi32>, vector<256x1xi32>, vector<256x1xi32>, vector<256x1xi32> -> vector<256x16xi32>
    %swap3A = arith.constant 0 : index
    %swap3A_319 = arith.constant 0 : index
    %swap3A_320 = vector.load %arg3[%swap3A, %swap3A_319] : memref<256x16xi32, #tpu.memory_space<vmem>>, vector<256x16xi32>
    tpu.vector_store %arg3[%swap3A, %swap3A_319], %concatenate3A {strides = array<i32>} : memref<256x16xi32, #tpu.memory_space<vmem>>, vector<256x16xi32>,
    return
  }
  func.func @transform_0(%arg0: i32) -> (i32, i32) {
    %c0_i32 = arith.constant 0 : i32
    %c0_i32_0 = arith.constant 0 : i32
    return %arg0, %c0_i32 : i32, i32
  }
  func.func @transform_1(%arg0: i32) -> (i32, i32) {
    %c0_i32 = arith.constant 0 : i32
    %c0_i32_0 = arith.constant 0 : i32
    %c0_i32_1 = arith.constant 0 : i32
    return %c0_i32, %c0_i32_0 : i32, i32
  }
  func.func @transform_2(%arg0: i32) -> (i32, i32) {
    %c0_i32 = arith.constant 0 : i32
    %c0_i32_0 = arith.constant 0 : i32
    return %arg0, %c0_i32 : i32, i32
  }
}

module attributes {stable_mosaic.version = 14 : i64} {
  func.func @_point_transform_body(%arg0: i32, %arg1: memref<512x128xf32, #tpu.memory_space<vmem>>, %arg2: memref<128x128xf32, #tpu.memory_space<vmem>>, %arg3: memref<1x128xf32, #tpu.memory_space<vmem>>, %arg4: memref<1x128xf32, #tpu.memory_space<vmem>>, %arg5: memref<1x128xf32, #tpu.memory_space<vmem>>, %arg6: memref<128x256xf32, #tpu.memory_space<vmem>>, %arg7: memref<512x128xf32, #tpu.memory_space<vmem>>) attributes {dimension_semantics = [#tpu.dimension_semantics<arbitrary>], iteration_bounds = array<i64: 32>, scalar_prefetch = 0 : i64, scratch_operands = 0 : i64, tpu.core_type = #tpu.core_type<tc>, window_params = [{transform_indices = @transform_0, window_bounds = array<i64: 512, 128>}, {pipeline_mode = #tpu.pipeline_mode<synchronous>, transform_indices = @transform_1, window_bounds = array<i64: 128, 128>}, {pipeline_mode = #tpu.pipeline_mode<synchronous>, transform_indices = @transform_2, window_bounds = array<i64: 1, 128>}, {pipeline_mode = #tpu.pipeline_mode<synchronous>, transform_indices = @transform_3, window_bounds = array<i64: 1, 128>}, {pipeline_mode = #tpu.pipeline_mode<synchronous>, transform_indices = @transform_4, window_bounds = array<i64: 1, 128>}, {pipeline_mode = #tpu.pipeline_mode<synchronous>, transform_indices = @transform_5, window_bounds = array<i64: 128, 256>}, {transform_indices = @transform_6, window_bounds = array<i64: 512, 128>}]} {
    %get3A = arith.constant 0 : index
    %get3A_0 = arith.constant 0 : index
    %get3A_1 = vector.load %arg1[%get3A, %get3A_0] : memref<512x128xf32, #tpu.memory_space<vmem>>, vector<512x128xf32>
    %get3A_2 = arith.constant 0 : index
    %get3A_3 = arith.constant 0 : index
    %get3A_4 = vector.load %arg2[%get3A_2, %get3A_3] : memref<128x128xf32, #tpu.memory_space<vmem>>, vector<128x128xf32>
    %dot_general3A = arith.constant dense<0.000000e+00> : vector<512x128xf32>
    %dot_general3A_5 = tpu.matmul %get3A_1, %get3A_4, %dot_general3A {dimension_numbers = #tpu.dot_dimension_numbers<[1], [1], [0], [0], [0, 0, 1, 0], [], []>, transpose_lhs_hint = false} : vector<512x128xf32>, vector<128x128xf32>, vector<512x128xf32> -> vector<512x128xf32>
    %get3A_6 = arith.constant 0 : index
    %get3A_7 = arith.constant 0 : index
    %get3A_8 = vector.load %arg3[%get3A_6, %get3A_7] : memref<1x128xf32, #tpu.memory_space<vmem>>, vector<1x128xf32>
    %add3A = vector.broadcast %get3A_8 : vector<1x128xf32> to vector<512x128xf32>
    %add3A_9 = arith.addf %dot_general3A_5, %add3A : vector<512x128xf32>
    %reduce_sum3A = arith.constant dense<0.000000e+00> : vector<512xf32>
    %reduce_sum3A_10 = vector.multi_reduction <add>, %add3A_9, %reduce_sum3A [1] : vector<512x128xf32> to vector<512xf32>
    %broadcast_in_dim3A = vector.shape_cast %reduce_sum3A_10 : vector<512xf32> to vector<512x1xf32>
    %div3A = arith.constant 1.280000e+02 : f32
    %div3A_11 = vector.broadcast %div3A : f32 to vector<512x1xf32>
    %div3A_12 = arith.divf %broadcast_in_dim3A, %div3A_11 : vector<512x1xf32>
    %sub3A = vector.broadcast %div3A_12 : vector<512x1xf32> to vector<512x128xf32>
    %sub3A_13 = arith.subf %add3A_9, %sub3A : vector<512x128xf32>
    %integer_pow3A = arith.mulf %sub3A_13, %sub3A_13 : vector<512x128xf32>
    %reduce_sum3A_14 = arith.constant dense<0.000000e+00> : vector<512xf32>
    %reduce_sum3A_15 = vector.multi_reduction <add>, %integer_pow3A, %reduce_sum3A_14 [1] : vector<512x128xf32> to vector<512xf32>
    %broadcast_in_dim3A_16 = vector.shape_cast %reduce_sum3A_15 : vector<512xf32> to vector<512x1xf32>
    %div3A_17 = arith.constant 1.280000e+02 : f32
    %div3A_18 = vector.broadcast %div3A_17 : f32 to vector<512x1xf32>
    %div3A_19 = arith.divf %broadcast_in_dim3A_16, %div3A_18 : vector<512x1xf32>
    %sub3A_20 = vector.broadcast %div3A_12 : vector<512x1xf32> to vector<512x128xf32>
    %sub3A_21 = arith.subf %add3A_9, %sub3A_20 : vector<512x128xf32>
    %add3A_22 = arith.constant 9.99999974E-6 : f32
    %add3A_23 = vector.broadcast %add3A_22 : f32 to vector<512x1xf32>
    %add3A_24 = arith.addf %div3A_19, %add3A_23 : vector<512x1xf32>
    %sqrt3A = math.sqrt %add3A_24 : vector<512x1xf32>
    %div3A_25 = vector.broadcast %sqrt3A : vector<512x1xf32> to vector<512x128xf32>
    %div3A_26 = arith.divf %sub3A_21, %div3A_25 : vector<512x128xf32>
    %get3A_27 = arith.constant 0 : index
    %get3A_28 = arith.constant 0 : index
    %get3A_29 = vector.load %arg4[%get3A_27, %get3A_28] : memref<1x128xf32, #tpu.memory_space<vmem>>, vector<1x128xf32>
    %mul3A = vector.broadcast %get3A_29 : vector<1x128xf32> to vector<512x128xf32>
    %mul3A_30 = arith.mulf %div3A_26, %mul3A : vector<512x128xf32>
    %get3A_31 = arith.constant 0 : index
    %get3A_32 = arith.constant 0 : index
    %get3A_33 = vector.load %arg5[%get3A_31, %get3A_32] : memref<1x128xf32, #tpu.memory_space<vmem>>, vector<1x128xf32>
    %add3A_34 = vector.broadcast %get3A_33 : vector<1x128xf32> to vector<512x128xf32>
    %add3A_35 = arith.addf %mul3A_30, %add3A_34 : vector<512x128xf32>
    %logistic3A = arith.negf %add3A_35 : vector<512x128xf32>
    %logistic3A_36 = math.exp %logistic3A : vector<512x128xf32>
    %logistic3A_37 = arith.constant 1.000000e+00 : f32
    %logistic3A_38 = vector.broadcast %logistic3A_37 : f32 to vector<512x128xf32>
    %logistic3A_39 = arith.addf %logistic3A_38, %logistic3A_36 : vector<512x128xf32>
    %logistic3A_40 = arith.divf %logistic3A_38, %logistic3A_39 : vector<512x128xf32>
    %mul3A_41 = arith.mulf %add3A_35, %logistic3A_40 : vector<512x128xf32>
    %get3A_42 = arith.constant 0 : index
    %get3A_43 = arith.constant 0 : index
    %get3A_44 = vector.load %arg6[%get3A_42, %get3A_43] : memref<128x256xf32, #tpu.memory_space<vmem>>, vector<128x128xf32>
    %dot_general3A_45 = arith.constant dense<0.000000e+00> : vector<512x128xf32>
    %dot_general3A_46 = tpu.matmul %mul3A_41, %get3A_44, %dot_general3A_45 {dimension_numbers = #tpu.dot_dimension_numbers<[1], [1], [0], [0], [0, 0, 1, 0], [], []>, transpose_lhs_hint = false} : vector<512x128xf32>, vector<128x128xf32>, vector<512x128xf32> -> vector<512x128xf32>
    %swap3A = arith.constant 0 : index
    %swap3A_47 = arith.constant 0 : index
    %swap3A_48 = vector.load %arg7[%swap3A, %swap3A_47] : memref<512x128xf32, #tpu.memory_space<vmem>>, vector<512x128xf32>
    tpu.vector_store %arg7[%swap3A, %swap3A_47], %dot_general3A_46 {strides = array<i32>} : memref<512x128xf32, #tpu.memory_space<vmem>>, vector<512x128xf32>,
    return
  }
  func.func @transform_0(%arg0: i32) -> (i32, i32) {
    %c0_i32 = arith.constant 0 : i32
    %c0_i32_0 = arith.constant 0 : i32
    return %arg0, %c0_i32 : i32, i32
  }
  func.func @transform_1(%arg0: i32) -> (i32, i32) {
    %c0_i32 = arith.constant 0 : i32
    %c0_i32_0 = arith.constant 0 : i32
    %c0_i32_1 = arith.constant 0 : i32
    return %c0_i32, %c0_i32_0 : i32, i32
  }
  func.func @transform_2(%arg0: i32) -> (i32, i32) {
    %c0_i32 = arith.constant 0 : i32
    %c0_i32_0 = arith.constant 0 : i32
    %c0_i32_1 = arith.constant 0 : i32
    return %c0_i32, %c0_i32_0 : i32, i32
  }
  func.func @transform_3(%arg0: i32) -> (i32, i32) {
    %c0_i32 = arith.constant 0 : i32
    %c0_i32_0 = arith.constant 0 : i32
    %c0_i32_1 = arith.constant 0 : i32
    return %c0_i32, %c0_i32_0 : i32, i32
  }
  func.func @transform_4(%arg0: i32) -> (i32, i32) {
    %c0_i32 = arith.constant 0 : i32
    %c0_i32_0 = arith.constant 0 : i32
    %c0_i32_1 = arith.constant 0 : i32
    return %c0_i32, %c0_i32_0 : i32, i32
  }
  func.func @transform_5(%arg0: i32) -> (i32, i32) {
    %c0_i32 = arith.constant 0 : i32
    %c0_i32_0 = arith.constant 0 : i32
    %c0_i32_1 = arith.constant 0 : i32
    return %c0_i32, %c0_i32_0 : i32, i32
  }
  func.func @transform_6(%arg0: i32) -> (i32, i32) {
    %c0_i32 = arith.constant 0 : i32
    %c0_i32_0 = arith.constant 0 : i32
    return %arg0, %c0_i32 : i32, i32
  }
}

module attributes {stable_mosaic.version = 14 : i64} {
  func.func @_bn_stats_body(%arg0: i32, %arg1: memref<4096x128xf32, #tpu.memory_space<vmem>>, %arg2: memref<256x128xf32, #tpu.memory_space<vmem>>, %arg3: memref<64x3xf32, #tpu.memory_space<vmem>>, %arg4: memref<1x64xf32, #tpu.memory_space<vmem>>, %arg5: memref<2x64xf32, #tpu.memory_space<vmem>>) attributes {dimension_semantics = [#tpu.dimension_semantics<arbitrary>], iteration_bounds = array<i64: 8>, scalar_prefetch = 0 : i64, scratch_operands = 0 : i64, tpu.core_type = #tpu.core_type<tc>, window_params = [{transform_indices = @transform_0, window_bounds = array<i64: 4096, 128>}, {transform_indices = @transform_1, window_bounds = array<i64: 256, 128>}, {pipeline_mode = #tpu.pipeline_mode<synchronous>, transform_indices = @transform_2, window_bounds = array<i64: 64, 3>}, {pipeline_mode = #tpu.pipeline_mode<synchronous>, transform_indices = @transform_3, window_bounds = array<i64: 1, 64>}, {pipeline_mode = #tpu.pipeline_mode<synchronous>, transform_indices = @transform_4, window_bounds = array<i64: 2, 64>}]} {
    %get3A = arith.constant 0 : index
    %get3A_0 = arith.constant 0 : index
    %get3A_1 = vector.load %arg1[%get3A, %get3A_0] : memref<4096x128xf32, #tpu.memory_space<vmem>>, vector<4096x128xf32>
    %reshape3A = vector.shape_cast %get3A_1 : vector<4096x128xf32> to vector<256x16x128xf32>
    %get3A_2 = arith.constant 0 : index
    %get3A_3 = arith.constant 0 : index
    %get3A_4 = vector.load %arg2[%get3A_2, %get3A_3] : memref<256x128xf32, #tpu.memory_space<vmem>>, vector<256x128xf32>
    %reshape3A_5 = vector.shape_cast %get3A_4 : vector<256x128xf32> to vector<256x1x128xf32>
    %sub3A = vector.broadcast %reshape3A_5 : vector<256x1x128xf32> to vector<256x16x128xf32>
    %sub3A_6 = arith.subf %reshape3A, %sub3A : vector<256x16x128xf32>
    %reshape3A_7 = vector.shape_cast %sub3A_6 : vector<256x16x128xf32> to vector<4096x128xf32>
    %slice3A = vector.extract_strided_slice %reshape3A_7 {offsets = [0, 0], sizes = [4096, 3], strides = [1, 1]} : vector<4096x128xf32> to vector<4096x3xf32>
    %get3A_8 = arith.constant 0 : index
    %get3A_9 = arith.constant 0 : index
    %get3A_10 = vector.load %arg3[%get3A_8, %get3A_9] : memref<64x3xf32, #tpu.memory_space<vmem>>, vector<64x3xf32>
    %dot_general3A = arith.constant dense<0.000000e+00> : vector<4096x64xf32>
    %dot_general3A_11 = tpu.matmul %slice3A, %get3A_10, %dot_general3A {dimension_numbers = #tpu.dot_dimension_numbers<[1], [1], [0], [0], [0, 0, 1, 0], [], []>, transpose_lhs_hint = false} : vector<4096x3xf32>, vector<64x3xf32>, vector<4096x64xf32> -> vector<4096x64xf32>
    %get3A_12 = arith.constant 0 : index
    %get3A_13 = arith.constant 0 : index
    %get3A_14 = vector.load %arg4[%get3A_12, %get3A_13] : memref<1x64xf32, #tpu.memory_space<vmem>>, vector<1x64xf32>
    %add3A = vector.broadcast %get3A_14 : vector<1x64xf32> to vector<4096x64xf32>
    %add3A_15 = arith.addf %dot_general3A_11, %add3A : vector<4096x64xf32>
    %eq3A = arith.constant 0 : i32
    %eq3A_16 = arith.cmpi eq, %arg0, %eq3A : i32
    %convert_element_type3A = arith.extui %eq3A_16 : i1 to i32
    %cond3A = arith.constant 0 : i32
    %cond3A_17 = arith.cmpi ne, %convert_element_type3A, %cond3A : i32
    scf.if %cond3A_17 {
      %broadcast_in_dim3A_28 = arith.constant 0.000000e+00 : f32
      %broadcast_in_dim3A_29 = vector.broadcast %broadcast_in_dim3A_28 : f32 to vector<2x64xf32>
      %swap3A_30 = arith.constant 0 : index
      %swap3A_31 = arith.constant 0 : index
      %swap3A_32 = vector.load %arg5[%swap3A_30, %swap3A_31] : memref<2x64xf32, #tpu.memory_space<vmem>>, vector<2x64xf32>
      tpu.vector_store %arg5[%swap3A_30, %swap3A_31], %broadcast_in_dim3A_29 {strides = array<i32>} : memref<2x64xf32, #tpu.memory_space<vmem>>, vector<2x64xf32>,
    } else {
    }
    %reduce_sum3A = arith.constant dense<0.000000e+00> : vector<64xf32>
    %reduce_sum3A_18 = vector.multi_reduction <add>, %add3A_15, %reduce_sum3A [0] : vector<4096x64xf32> to vector<64xf32>
    %broadcast_in_dim3A = vector.shape_cast %reduce_sum3A_18 : vector<64xf32> to vector<1x64xf32>
    %mul3A = arith.mulf %add3A_15, %add3A_15 : vector<4096x64xf32>
    %reduce_sum3A_19 = arith.constant dense<0.000000e+00> : vector<64xf32>
    %reduce_sum3A_20 = vector.multi_reduction <add>, %mul3A, %reduce_sum3A_19 [0] : vector<4096x64xf32> to vector<64xf32>
    %broadcast_in_dim3A_21 = vector.shape_cast %reduce_sum3A_20 : vector<64xf32> to vector<1x64xf32>
    %get3A_22 = arith.constant 0 : index
    %get3A_23 = arith.constant 0 : index
    %get3A_24 = vector.load %arg5[%get3A_22, %get3A_23] : memref<2x64xf32, #tpu.memory_space<vmem>>, vector<2x64xf32>
    %concatenate3A = tpu.concatenate %broadcast_in_dim3A, %broadcast_in_dim3A_21 in 0 : vector<1x64xf32>, vector<1x64xf32> -> vector<2x64xf32>
    %add3A_25 = arith.addf %get3A_24, %concatenate3A : vector<2x64xf32>
    %swap3A = arith.constant 0 : index
    %swap3A_26 = arith.constant 0 : index
    %swap3A_27 = vector.load %arg5[%swap3A, %swap3A_26] : memref<2x64xf32, #tpu.memory_space<vmem>>, vector<2x64xf32>
    tpu.vector_store %arg5[%swap3A, %swap3A_26], %add3A_25 {strides = array<i32>} : memref<2x64xf32, #tpu.memory_space<vmem>>, vector<2x64xf32>,
    return
  }
  func.func @transform_0(%arg0: i32) -> (i32, i32) {
    %c0_i32 = arith.constant 0 : i32
    %c0_i32_0 = arith.constant 0 : i32
    return %arg0, %c0_i32 : i32, i32
  }
  func.func @transform_1(%arg0: i32) -> (i32, i32) {
    %c0_i32 = arith.constant 0 : i32
    %c0_i32_0 = arith.constant 0 : i32
    return %arg0, %c0_i32 : i32, i32
  }
  func.func @transform_2(%arg0: i32) -> (i32, i32) {
    %c0_i32 = arith.constant 0 : i32
    %c0_i32_0 = arith.constant 0 : i32
    %c0_i32_1 = arith.constant 0 : i32
    return %c0_i32, %c0_i32_0 : i32, i32
  }
  func.func @transform_3(%arg0: i32) -> (i32, i32) {
    %c0_i32 = arith.constant 0 : i32
    %c0_i32_0 = arith.constant 0 : i32
    %c0_i32_1 = arith.constant 0 : i32
    return %c0_i32, %c0_i32_0 : i32, i32
  }
  func.func @transform_4(%arg0: i32) -> (i32, i32) {
    %c0_i32 = arith.constant 0 : i32
    %c0_i32_0 = arith.constant 0 : i32
    %c0_i32_1 = arith.constant 0 : i32
    return %c0_i32, %c0_i32_0 : i32, i32
  }
}

module attributes {stable_mosaic.version = 14 : i64} {
  func.func @_fused_body(%arg0: i32, %arg1: memref<4096x128xf32, #tpu.memory_space<vmem>>, %arg2: memref<4096x128xf32, #tpu.memory_space<vmem>>, %arg3: memref<256x128xf32, #tpu.memory_space<vmem>>, %arg4: memref<2x64xf32, #tpu.memory_space<vmem>>, %arg5: memref<64x3xf32, #tpu.memory_space<vmem>>, %arg6: memref<1x64xf32, #tpu.memory_space<vmem>>, %arg7: memref<1x64xf32, #tpu.memory_space<vmem>>, %arg8: memref<1x64xf32, #tpu.memory_space<vmem>>, %arg9: memref<128x256xf32, #tpu.memory_space<vmem>>, %arg10: memref<128x64xf32, #tpu.memory_space<vmem>>, %arg11: memref<1x128xf32, #tpu.memory_space<vmem>>, %arg12: memref<1x128xf32, #tpu.memory_space<vmem>>, %arg13: memref<1x128xf32, #tpu.memory_space<vmem>>, %arg14: memref<1x128xf32, #tpu.memory_space<vmem>>, %arg15: memref<1x128xf32, #tpu.memory_space<vmem>>, %arg16: memref<1x128xf32, #tpu.memory_space<vmem>>, %arg17: memref<256x128xf32, #tpu.memory_space<vmem>>) attributes {dimension_semantics = [#tpu.dimension_semantics<arbitrary>], iteration_bounds = array<i64: 8>, scalar_prefetch = 0 : i64, scratch_operands = 0 : i64, tpu.core_type = #tpu.core_type<tc>, window_params = [{transform_indices = @transform_0, window_bounds = array<i64: 4096, 128>}, {transform_indices = @transform_1, window_bounds = array<i64: 4096, 128>}, {transform_indices = @transform_2, window_bounds = array<i64: 256, 128>}, {pipeline_mode = #tpu.pipeline_mode<synchronous>, transform_indices = @transform_3, window_bounds = array<i64: 2, 64>}, {pipeline_mode = #tpu.pipeline_mode<synchronous>, transform_indices = @transform_4, window_bounds = array<i64: 64, 3>}, {pipeline_mode = #tpu.pipeline_mode<synchronous>, transform_indices = @transform_5, window_bounds = array<i64: 1, 64>}, {pipeline_mode = #tpu.pipeline_mode<synchronous>, transform_indices = @transform_6, window_bounds = array<i64: 1, 64>}, {pipeline_mode = #tpu.pipeline_mode<synchronous>, transform_indices = @transform_7, window_bounds = array<i64: 1, 64>}, {pipeline_mode = #tpu.pipeline_mode<synchronous>, transform_indices = @transform_8, window_bounds = array<i64: 128, 256>}, {pipeline_mode = #tpu.pipeline_mode<synchronous>, transform_indices = @transform_9, window_bounds = array<i64: 128, 64>}, {pipeline_mode = #tpu.pipeline_mode<synchronous>, transform_indices = @transform_10, window_bounds = array<i64: 1, 128>}, {pipeline_mode = #tpu.pipeline_mode<synchronous>, transform_indices = @transform_11, window_bounds = array<i64: 1, 128>}, {pipeline_mode = #tpu.pipeline_mode<synchronous>, transform_indices = @transform_12, window_bounds = array<i64: 1, 128>}, {pipeline_mode = #tpu.pipeline_mode<synchronous>, transform_indices = @transform_13, window_bounds = array<i64: 1, 128>}, {pipeline_mode = #tpu.pipeline_mode<synchronous>, transform_indices = @transform_14, window_bounds = array<i64: 1, 128>}, {pipeline_mode = #tpu.pipeline_mode<synchronous>, transform_indices = @transform_15, window_bounds = array<i64: 1, 128>}, {transform_indices = @transform_16, window_bounds = array<i64: 256, 128>}]} {
    %get3A = arith.constant 0 : index
    %get3A_0 = arith.constant 0 : index
    %get3A_1 = vector.load %arg2[%get3A, %get3A_0] : memref<4096x128xf32, #tpu.memory_space<vmem>>, vector<4096x128xf32>
    %reshape3A = vector.shape_cast %get3A_1 : vector<4096x128xf32> to vector<256x16x128xf32>
    %get3A_2 = arith.constant 0 : index
    %get3A_3 = arith.constant 0 : index
    %get3A_4 = vector.load %arg3[%get3A_2, %get3A_3] : memref<256x128xf32, #tpu.memory_space<vmem>>, vector<256x128xf32>
    %reshape3A_5 = vector.shape_cast %get3A_4 : vector<256x128xf32> to vector<256x1x128xf32>
    %sub3A = vector.broadcast %reshape3A_5 : vector<256x1x128xf32> to vector<256x16x128xf32>
    %sub3A_6 = arith.subf %reshape3A, %sub3A : vector<256x16x128xf32>
    %reshape3A_7 = vector.shape_cast %sub3A_6 : vector<256x16x128xf32> to vector<4096x128xf32>
    %slice3A = vector.extract_strided_slice %reshape3A_7 {offsets = [0, 0], sizes = [4096, 3], strides = [1, 1]} : vector<4096x128xf32> to vector<4096x3xf32>
    %get3A_8 = arith.constant 0 : index
    %get3A_9 = arith.constant 0 : index
    %get3A_10 = vector.load %arg5[%get3A_8, %get3A_9] : memref<64x3xf32, #tpu.memory_space<vmem>>, vector<64x3xf32>
    %dot_general3A = arith.constant dense<0.000000e+00> : vector<4096x64xf32>
    %dot_general3A_11 = tpu.matmul %slice3A, %get3A_10, %dot_general3A {dimension_numbers = #tpu.dot_dimension_numbers<[1], [1], [0], [0], [0, 0, 1, 0], [], []>, transpose_lhs_hint = false} : vector<4096x3xf32>, vector<64x3xf32>, vector<4096x64xf32> -> vector<4096x64xf32>
    %get3A_12 = arith.constant 0 : index
    %get3A_13 = arith.constant 0 : index
    %get3A_14 = vector.load %arg6[%get3A_12, %get3A_13] : memref<1x64xf32, #tpu.memory_space<vmem>>, vector<1x64xf32>
    %add3A = vector.broadcast %get3A_14 : vector<1x64xf32> to vector<4096x64xf32>
    %add3A_15 = arith.addf %dot_general3A_11, %add3A : vector<4096x64xf32>
    %get3A_16 = arith.constant 0 : index
    %get3A_17 = arith.constant 0 : index
    %get3A_18 = vector.load %arg4[%get3A_16, %get3A_17] : memref<2x64xf32, #tpu.memory_space<vmem>>, vector<1x64xf32>
    %div3A = arith.constant 2.621440e+05 : f32
    %div3A_19 = vector.broadcast %div3A : f32 to vector<1x64xf32>
    %div3A_20 = arith.divf %get3A_18, %div3A_19 : vector<1x64xf32>
    %get3A_21 = arith.constant 1 : index
    %get3A_22 = arith.constant 0 : index
    %get3A_23 = vector.load %arg4[%get3A_21, %get3A_22] : memref<2x64xf32, #tpu.memory_space<vmem>>, vector<1x64xf32>
    %div3A_24 = arith.constant 2.621440e+05 : f32
    %div3A_25 = vector.broadcast %div3A_24 : f32 to vector<1x64xf32>
    %div3A_26 = arith.divf %get3A_23, %div3A_25 : vector<1x64xf32>
    %mul3A = arith.mulf %div3A_20, %div3A_20 : vector<1x64xf32>
    %sub3A_27 = arith.subf %div3A_26, %mul3A : vector<1x64xf32>
    %sub3A_28 = vector.broadcast %div3A_20 : vector<1x64xf32> to vector<4096x64xf32>
    %sub3A_29 = arith.subf %add3A_15, %sub3A_28 : vector<4096x64xf32>
    %add3A_30 = arith.constant 9.99999974E-6 : f32
    %add3A_31 = vector.broadcast %add3A_30 : f32 to vector<1x64xf32>
    %add3A_32 = arith.addf %sub3A_27, %add3A_31 : vector<1x64xf32>
    %sqrt3A = math.sqrt %add3A_32 : vector<1x64xf32>
    %div3A_33 = vector.broadcast %sqrt3A : vector<1x64xf32> to vector<4096x64xf32>
    %div3A_34 = arith.divf %sub3A_29, %div3A_33 : vector<4096x64xf32>
    %get3A_35 = arith.constant 0 : index
    %get3A_36 = arith.constant 0 : index
    %get3A_37 = vector.load %arg7[%get3A_35, %get3A_36] : memref<1x64xf32, #tpu.memory_space<vmem>>, vector<1x64xf32>
    %mul3A_38 = vector.broadcast %get3A_37 : vector<1x64xf32> to vector<4096x64xf32>
    %mul3A_39 = arith.mulf %div3A_34, %mul3A_38 : vector<4096x64xf32>
    %get3A_40 = arith.constant 0 : index
    %get3A_41 = arith.constant 0 : index
    %get3A_42 = vector.load %arg8[%get3A_40, %get3A_41] : memref<1x64xf32, #tpu.memory_space<vmem>>, vector<1x64xf32>
    %add3A_43 = vector.broadcast %get3A_42 : vector<1x64xf32> to vector<4096x64xf32>
    %add3A_44 = arith.addf %mul3A_39, %add3A_43 : vector<4096x64xf32>
    %logistic3A = arith.negf %add3A_44 : vector<4096x64xf32>
    %logistic3A_45 = math.exp %logistic3A : vector<4096x64xf32>
    %logistic3A_46 = arith.constant 1.000000e+00 : f32
    %logistic3A_47 = vector.broadcast %logistic3A_46 : f32 to vector<4096x64xf32>
    %logistic3A_48 = arith.addf %logistic3A_47, %logistic3A_45 : vector<4096x64xf32>
    %logistic3A_49 = arith.divf %logistic3A_47, %logistic3A_48 : vector<4096x64xf32>
    %mul3A_50 = arith.mulf %add3A_44, %logistic3A_49 : vector<4096x64xf32>
    %get3A_51 = arith.constant 0 : index
    %get3A_52 = arith.constant 128 : index
    %get3A_53 = vector.load %arg9[%get3A_51, %get3A_52] : memref<128x256xf32, #tpu.memory_space<vmem>>, vector<128x128xf32>
    %get3A_54 = arith.constant 0 : index
    %get3A_55 = arith.constant 0 : index
    %get3A_56 = vector.load %arg10[%get3A_54, %get3A_55] : memref<128x64xf32, #tpu.memory_space<vmem>>, vector<128x64xf32>
    %dot_general3A_57 = arith.constant dense<0.000000e+00> : vector<128x64xf32>
    %dot_general3A_58 = tpu.matmul %get3A_53, %get3A_56, %dot_general3A_57 {dimension_numbers = #tpu.dot_dimension_numbers<[1], [0], [0], [1], [0, 0, 1, 1], [], []>, transpose_lhs_hint = false} : vector<128x128xf32>, vector<128x64xf32>, vector<128x64xf32> -> vector<128x64xf32>
    %get3A_59 = arith.constant 0 : index
    %get3A_60 = arith.constant 0 : index
    %get3A_61 = vector.load %arg11[%get3A_59, %get3A_60] : memref<1x128xf32, #tpu.memory_space<vmem>>, vector<1x128xf32>
    %get3A_62 = arith.constant 0 : index
    %get3A_63 = arith.constant 128 : index
    %get3A_64 = vector.load %arg9[%get3A_62, %get3A_63] : memref<128x256xf32, #tpu.memory_space<vmem>>, vector<128x128xf32>
    %dot_general3A_65 = arith.constant dense<0.000000e+00> : vector<1x128xf32>
    %dot_general3A_66 = tpu.matmul %get3A_61, %get3A_64, %dot_general3A_65 {dimension_numbers = #tpu.dot_dimension_numbers<[1], [1], [0], [0], [0, 0, 1, 0], [], []>, transpose_lhs_hint = false} : vector<1x128xf32>, vector<128x128xf32>, vector<1x128xf32> -> vector<1x128xf32>
    %get3A_67 = arith.constant 0 : index
    %get3A_68 = arith.constant 0 : index
    %get3A_69 = vector.load %arg1[%get3A_67, %get3A_68] : memref<4096x128xf32, #tpu.memory_space<vmem>>, vector<4096x128xf32>
    %dot_general3A_70 = arith.constant dense<0.000000e+00> : vector<4096x128xf32>
    %dot_general3A_71 = tpu.matmul %mul3A_50, %dot_general3A_58, %dot_general3A_70 {dimension_numbers = #tpu.dot_dimension_numbers<[1], [1], [0], [0], [0, 0, 1, 0], [], []>, transpose_lhs_hint = false} : vector<4096x64xf32>, vector<128x64xf32>, vector<4096x128xf32> -> vector<4096x128xf32>
    %add3A_72 = arith.addf %get3A_69, %dot_general3A_71 : vector<4096x128xf32>
    %add3A_73 = vector.broadcast %dot_general3A_66 : vector<1x128xf32> to vector<4096x128xf32>
    %add3A_74 = arith.addf %add3A_72, %add3A_73 : vector<4096x128xf32>
    %get3A_75 = arith.constant 0 : index
    %get3A_76 = arith.constant 0 : index
    %get3A_77 = vector.load %arg12[%get3A_75, %get3A_76] : memref<1x128xf32, #tpu.memory_space<vmem>>, vector<1x128xf32>
    %add3A_78 = vector.broadcast %get3A_77 : vector<1x128xf32> to vector<4096x128xf32>
    %add3A_79 = arith.addf %add3A_74, %add3A_78 : vector<4096x128xf32>
    %reduce_sum3A = arith.constant dense<0.000000e+00> : vector<4096xf32>
    %reduce_sum3A_80 = vector.multi_reduction <add>, %add3A_79, %reduce_sum3A [1] : vector<4096x128xf32> to vector<4096xf32>
    %broadcast_in_dim3A = vector.shape_cast %reduce_sum3A_80 : vector<4096xf32> to vector<4096x1xf32>
    %div3A_81 = arith.constant 1.280000e+02 : f32
    %div3A_82 = vector.broadcast %div3A_81 : f32 to vector<4096x1xf32>
    %div3A_83 = arith.divf %broadcast_in_dim3A, %div3A_82 : vector<4096x1xf32>
    %sub3A_84 = vector.broadcast %div3A_83 : vector<4096x1xf32> to vector<4096x128xf32>
    %sub3A_85 = arith.subf %add3A_79, %sub3A_84 : vector<4096x128xf32>
    %integer_pow3A = arith.mulf %sub3A_85, %sub3A_85 : vector<4096x128xf32>
    %reduce_sum3A_86 = arith.constant dense<0.000000e+00> : vector<4096xf32>
    %reduce_sum3A_87 = vector.multi_reduction <add>, %integer_pow3A, %reduce_sum3A_86 [1] : vector<4096x128xf32> to vector<4096xf32>
    %broadcast_in_dim3A_88 = vector.shape_cast %reduce_sum3A_87 : vector<4096xf32> to vector<4096x1xf32>
    %div3A_89 = arith.constant 1.280000e+02 : f32
    %div3A_90 = vector.broadcast %div3A_89 : f32 to vector<4096x1xf32>
    %div3A_91 = arith.divf %broadcast_in_dim3A_88, %div3A_90 : vector<4096x1xf32>
    %sub3A_92 = vector.broadcast %div3A_83 : vector<4096x1xf32> to vector<4096x128xf32>
    %sub3A_93 = arith.subf %add3A_79, %sub3A_92 : vector<4096x128xf32>
    %add3A_94 = arith.constant 9.99999974E-6 : f32
    %add3A_95 = vector.broadcast %add3A_94 : f32 to vector<4096x1xf32>
    %add3A_96 = arith.addf %div3A_91, %add3A_95 : vector<4096x1xf32>
    %sqrt3A_97 = math.sqrt %add3A_96 : vector<4096x1xf32>
    %div3A_98 = vector.broadcast %sqrt3A_97 : vector<4096x1xf32> to vector<4096x128xf32>
    %div3A_99 = arith.divf %sub3A_93, %div3A_98 : vector<4096x128xf32>
    %get3A_100 = arith.constant 0 : index
    %get3A_101 = arith.constant 0 : index
    %get3A_102 = vector.load %arg13[%get3A_100, %get3A_101] : memref<1x128xf32, #tpu.memory_space<vmem>>, vector<1x128xf32>
    %mul3A_103 = vector.broadcast %get3A_102 : vector<1x128xf32> to vector<4096x128xf32>
    %mul3A_104 = arith.mulf %div3A_99, %mul3A_103 : vector<4096x128xf32>
    %get3A_105 = arith.constant 0 : index
    %get3A_106 = arith.constant 0 : index
    %get3A_107 = vector.load %arg14[%get3A_105, %get3A_106] : memref<1x128xf32, #tpu.memory_space<vmem>>, vector<1x128xf32>
    %add3A_108 = vector.broadcast %get3A_107 : vector<1x128xf32> to vector<4096x128xf32>
    %add3A_109 = arith.addf %mul3A_104, %add3A_108 : vector<4096x128xf32>
    %logistic3A_110 = arith.negf %add3A_109 : vector<4096x128xf32>
    %logistic3A_111 = math.exp %logistic3A_110 : vector<4096x128xf32>
    %logistic3A_112 = arith.constant 1.000000e+00 : f32
    %logistic3A_113 = vector.broadcast %logistic3A_112 : f32 to vector<4096x128xf32>
    %logistic3A_114 = arith.addf %logistic3A_113, %logistic3A_111 : vector<4096x128xf32>
    %logistic3A_115 = arith.divf %logistic3A_113, %logistic3A_114 : vector<4096x128xf32>
    %mul3A_116 = arith.mulf %add3A_109, %logistic3A_115 : vector<4096x128xf32>
    %get3A_117 = arith.constant 0 : index
    %get3A_118 = arith.constant 0 : index
    %get3A_119 = vector.load %arg15[%get3A_117, %get3A_118] : memref<1x128xf32, #tpu.memory_space<vmem>>, vector<1x128xf32>
    %mul3A_120 = vector.broadcast %get3A_119 : vector<1x128xf32> to vector<4096x128xf32>
    %mul3A_121 = arith.mulf %mul3A_120, %mul3A_116 : vector<4096x128xf32>
    %get3A_122 = arith.constant 0 : index
    %get3A_123 = arith.constant 0 : index
    %get3A_124 = vector.load %arg16[%get3A_122, %get3A_123] : memref<1x128xf32, #tpu.memory_space<vmem>>, vector<1x128xf32>
    %add3A_125 = vector.broadcast %get3A_124 : vector<1x128xf32> to vector<4096x128xf32>
    %add3A_126 = arith.addf %mul3A_121, %add3A_125 : vector<4096x128xf32>
    %reshape3A_127 = vector.shape_cast %add3A_126 : vector<4096x128xf32> to vector<256x16x128xf32>
    %reduce_sum3A_128 = arith.constant dense<0.000000e+00> : vector<256x16xf32>
    %reduce_sum3A_129 = vector.multi_reduction <add>, %reshape3A_127, %reduce_sum3A_128 [2] : vector<256x16x128xf32> to vector<256x16xf32>
    %reduce_max3A = arith.constant dense<0xFF800000> : vector<256xf32>
    %reduce_max3A_130 = vector.multi_reduction <maximumf>, %reduce_sum3A_129, %reduce_max3A [1] : vector<256x16xf32> to vector<256xf32>
    %broadcast_in_dim3A_131 = vector.shape_cast %reduce_max3A_130 : vector<256xf32> to vector<256x1xf32>
    %sub3A_132 = vector.broadcast %broadcast_in_dim3A_131 : vector<256x1xf32> to vector<256x16xf32>
    %sub3A_133 = arith.subf %reduce_sum3A_129, %sub3A_132 : vector<256x16xf32>
    %exp3A = math.exp %sub3A_133 : vector<256x16xf32>
    %reduce_sum3A_134 = arith.constant dense<0.000000e+00> : vector<256xf32>
    %reduce_sum3A_135 = vector.multi_reduction <add>, %exp3A, %reduce_sum3A_134 [1] : vector<256x16xf32> to vector<256xf32>
    %broadcast_in_dim3A_136 = vector.shape_cast %reduce_sum3A_135 : vector<256xf32> to vector<256x1xf32>
    %div3A_137 = vector.broadcast %broadcast_in_dim3A_136 : vector<256x1xf32> to vector<256x16xf32>
    %div3A_138 = arith.divf %exp3A, %div3A_137 : vector<256x16xf32>
    %broadcast_in_dim3A_139 = vector.shape_cast %div3A_138 : vector<256x16xf32> to vector<256x16x1xf32>
    %mul3A_140 = vector.broadcast %broadcast_in_dim3A_139 : vector<256x16x1xf32> to vector<256x16x128xf32>
    %mul3A_141 = arith.mulf %reshape3A_127, %mul3A_140 : vector<256x16x128xf32>
    %reduce_sum3A_142 = arith.constant dense<0.000000e+00> : vector<256x128xf32>
    %reduce_sum3A_143 = vector.multi_reduction <add>, %mul3A_141, %reduce_sum3A_142 [1] : vector<256x16x128xf32> to vector<256x128xf32>
    %swap3A = arith.constant 0 : index
    %swap3A_144 = arith.constant 0 : index
    %swap3A_145 = vector.load %arg17[%swap3A, %swap3A_144] : memref<256x128xf32, #tpu.memory_space<vmem>>, vector<256x128xf32>
    tpu.vector_store %arg17[%swap3A, %swap3A_144], %reduce_sum3A_143 {strides = array<i32>} : memref<256x128xf32, #tpu.memory_space<vmem>>, vector<256x128xf32>,
    return
  }
  func.func @transform_0(%arg0: i32) -> (i32, i32) {
    %c0_i32 = arith.constant 0 : i32
    %c0_i32_0 = arith.constant 0 : i32
    return %arg0, %c0_i32 : i32, i32
  }
  func.func @transform_1(%arg0: i32) -> (i32, i32) {
    %c0_i32 = arith.constant 0 : i32
    %c0_i32_0 = arith.constant 0 : i32
    return %arg0, %c0_i32 : i32, i32
  }
  func.func @transform_2(%arg0: i32) -> (i32, i32) {
    %c0_i32 = arith.constant 0 : i32
    %c0_i32_0 = arith.constant 0 : i32
    return %arg0, %c0_i32 : i32, i32
  }
  func.func @transform_3(%arg0: i32) -> (i32, i32) {
    %c0_i32 = arith.constant 0 : i32
    %c0_i32_0 = arith.constant 0 : i32
    %c0_i32_1 = arith.constant 0 : i32
    return %c0_i32, %c0_i32_0 : i32, i32
  }
  func.func @transform_4(%arg0: i32) -> (i32, i32) {
    %c0_i32 = arith.constant 0 : i32
    %c0_i32_0 = arith.constant 0 : i32
    %c0_i32_1 = arith.constant 0 : i32
    return %c0_i32, %c0_i32_0 : i32, i32
  }
  func.func @transform_5(%arg0: i32) -> (i32, i32) {
    %c0_i32 = arith.constant 0 : i32
    %c0_i32_0 = arith.constant 0 : i32
    %c0_i32_1 = arith.constant 0 : i32
    return %c0_i32, %c0_i32_0 : i32, i32
  }
  func.func @transform_6(%arg0: i32) -> (i32, i32) {
    %c0_i32 = arith.constant 0 : i32
    %c0_i32_0 = arith.constant 0 : i32
    %c0_i32_1 = arith.constant 0 : i32
    return %c0_i32, %c0_i32_0 : i32, i32
  }
  func.func @transform_7(%arg0: i32) -> (i32, i32) {
    %c0_i32 = arith.constant 0 : i32
    %c0_i32_0 = arith.constant 0 : i32
    %c0_i32_1 = arith.constant 0 : i32
    return %c0_i32, %c0_i32_0 : i32, i32
  }
  func.func @transform_8(%arg0: i32) -> (i32, i32) {
    %c0_i32 = arith.constant 0 : i32
    %c0_i32_0 = arith.constant 0 : i32
    %c0_i32_1 = arith.constant 0 : i32
    return %c0_i32, %c0_i32_0 : i32, i32
  }
  func.func @transform_9(%arg0: i32) -> (i32, i32) {
    %c0_i32 = arith.constant 0 : i32
    %c0_i32_0 = arith.constant 0 : i32
    %c0_i32_1 = arith.constant 0 : i32
    return %c0_i32, %c0_i32_0 : i32, i32
  }
  func.func @transform_10(%arg0: i32) -> (i32, i32) {
    %c0_i32 = arith.constant 0 : i32
    %c0_i32_0 = arith.constant 0 : i32
    %c0_i32_1 = arith.constant 0 : i32
    return %c0_i32, %c0_i32_0 : i32, i32
  }
  func.func @transform_11(%arg0: i32) -> (i32, i32) {
    %c0_i32 = arith.constant 0 : i32
    %c0_i32_0 = arith.constant 0 : i32
    %c0_i32_1 = arith.constant 0 : i32
    return %c0_i32, %c0_i32_0 : i32, i32
  }
  func.func @transform_12(%arg0: i32) -> (i32, i32) {
    %c0_i32 = arith.constant 0 : i32
    %c0_i32_0 = arith.constant 0 : i32
    %c0_i32_1 = arith.constant 0 : i32
    return %c0_i32, %c0_i32_0 : i32, i32
  }
  func.func @transform_13(%arg0: i32) -> (i32, i32) {
    %c0_i32 = arith.constant 0 : i32
    %c0_i32_0 = arith.constant 0 : i32
    %c0_i32_1 = arith.constant 0 : i32
    return %c0_i32, %c0_i32_0 : i32, i32
  }
  func.func @transform_14(%arg0: i32) -> (i32, i32) {
    %c0_i32 = arith.constant 0 : i32
    %c0_i32_0 = arith.constant 0 : i32
    %c0_i32_1 = arith.constant 0 : i32
    return %c0_i32, %c0_i32_0 : i32, i32
  }
  func.func @transform_15(%arg0: i32) -> (i32, i32) {
    %c0_i32 = arith.constant 0 : i32
    %c0_i32_0 = arith.constant 0 : i32
    %c0_i32_1 = arith.constant 0 : i32
    return %c0_i32, %c0_i32_0 : i32, i32
  }
  func.func @transform_16(%arg0: i32) -> (i32, i32) {
    %c0_i32 = arith.constant 0 : i32
    %c0_i32_0 = arith.constant 0 : i32
    return %arg0, %c0_i32 : i32, i32
  }
}

module attributes {stable_mosaic.version = 14 : i64} {
  func.func @_fused_body(%arg0: i32, %arg1: memref<4096x128xf32, #tpu.memory_space<vmem>>, %arg2: memref<4096x128xf32, #tpu.memory_space<vmem>>, %arg3: memref<256x128xf32, #tpu.memory_space<vmem>>, %arg4: memref<2x64xf32, #tpu.memory_space<vmem>>, %arg5: memref<64x3xf32, #tpu.memory_space<vmem>>, %arg6: memref<1x64xf32, #tpu.memory_space<vmem>>, %arg7: memref<1x64xf32, #tpu.memory_space<vmem>>, %arg8: memref<1x64xf32, #tpu.memory_space<vmem>>, %arg9: memref<128x256xf32, #tpu.memory_space<vmem>>, %arg10: memref<128x64xf32, #tpu.memory_space<vmem>>, %arg11: memref<1x128xf32, #tpu.memory_space<vmem>>, %arg12: memref<1x128xf32, #tpu.memory_space<vmem>>, %arg13: memref<1x128xf32, #tpu.memory_space<vmem>>, %arg14: memref<1x128xf32, #tpu.memory_space<vmem>>, %arg15: memref<1x128xf32, #tpu.memory_space<vmem>>, %arg16: memref<1x128xf32, #tpu.memory_space<vmem>>, %arg17: memref<256x128xf32, #tpu.memory_space<vmem>>) attributes {dimension_semantics = [#tpu.dimension_semantics<arbitrary>], iteration_bounds = array<i64: 8>, scalar_prefetch = 0 : i64, scratch_operands = 0 : i64, tpu.core_type = #tpu.core_type<tc>, window_params = [{transform_indices = @transform_0, window_bounds = array<i64: 4096, 128>}, {transform_indices = @transform_1, window_bounds = array<i64: 4096, 128>}, {transform_indices = @transform_2, window_bounds = array<i64: 256, 128>}, {pipeline_mode = #tpu.pipeline_mode<synchronous>, transform_indices = @transform_3, window_bounds = array<i64: 2, 64>}, {pipeline_mode = #tpu.pipeline_mode<synchronous>, transform_indices = @transform_4, window_bounds = array<i64: 64, 3>}, {pipeline_mode = #tpu.pipeline_mode<synchronous>, transform_indices = @transform_5, window_bounds = array<i64: 1, 64>}, {pipeline_mode = #tpu.pipeline_mode<synchronous>, transform_indices = @transform_6, window_bounds = array<i64: 1, 64>}, {pipeline_mode = #tpu.pipeline_mode<synchronous>, transform_indices = @transform_7, window_bounds = array<i64: 1, 64>}, {pipeline_mode = #tpu.pipeline_mode<synchronous>, transform_indices = @transform_8, window_bounds = array<i64: 128, 256>}, {pipeline_mode = #tpu.pipeline_mode<synchronous>, transform_indices = @transform_9, window_bounds = array<i64: 128, 64>}, {pipeline_mode = #tpu.pipeline_mode<synchronous>, transform_indices = @transform_10, window_bounds = array<i64: 1, 128>}, {pipeline_mode = #tpu.pipeline_mode<synchronous>, transform_indices = @transform_11, window_bounds = array<i64: 1, 128>}, {pipeline_mode = #tpu.pipeline_mode<synchronous>, transform_indices = @transform_12, window_bounds = array<i64: 1, 128>}, {pipeline_mode = #tpu.pipeline_mode<synchronous>, transform_indices = @transform_13, window_bounds = array<i64: 1, 128>}, {pipeline_mode = #tpu.pipeline_mode<synchronous>, transform_indices = @transform_14, window_bounds = array<i64: 1, 128>}, {pipeline_mode = #tpu.pipeline_mode<synchronous>, transform_indices = @transform_15, window_bounds = array<i64: 1, 128>}, {transform_indices = @transform_16, window_bounds = array<i64: 256, 128>}]} {
    %get3A = arith.constant 0 : index
    %get3A_0 = arith.constant 0 : index
    %get3A_1 = vector.load %arg2[%get3A, %get3A_0] : memref<4096x128xf32, #tpu.memory_space<vmem>>, vector<4096x128xf32>
    %reshape3A = vector.shape_cast %get3A_1 : vector<4096x128xf32> to vector<256x16x128xf32>
    %get3A_2 = arith.constant 0 : index
    %get3A_3 = arith.constant 0 : index
    %get3A_4 = vector.load %arg3[%get3A_2, %get3A_3] : memref<256x128xf32, #tpu.memory_space<vmem>>, vector<256x128xf32>
    %reshape3A_5 = vector.shape_cast %get3A_4 : vector<256x128xf32> to vector<256x1x128xf32>
    %sub3A = vector.broadcast %reshape3A_5 : vector<256x1x128xf32> to vector<256x16x128xf32>
    %sub3A_6 = arith.subf %reshape3A, %sub3A : vector<256x16x128xf32>
    %reshape3A_7 = vector.shape_cast %sub3A_6 : vector<256x16x128xf32> to vector<4096x128xf32>
    %slice3A = vector.extract_strided_slice %reshape3A_7 {offsets = [0, 0], sizes = [4096, 3], strides = [1, 1]} : vector<4096x128xf32> to vector<4096x3xf32>
    %get3A_8 = arith.constant 0 : index
    %get3A_9 = arith.constant 0 : index
    %get3A_10 = vector.load %arg5[%get3A_8, %get3A_9] : memref<64x3xf32, #tpu.memory_space<vmem>>, vector<64x3xf32>
    %dot_general3A = arith.constant dense<0.000000e+00> : vector<4096x64xf32>
    %dot_general3A_11 = tpu.matmul %slice3A, %get3A_10, %dot_general3A {dimension_numbers = #tpu.dot_dimension_numbers<[1], [1], [0], [0], [0, 0, 1, 0], [], []>, transpose_lhs_hint = false} : vector<4096x3xf32>, vector<64x3xf32>, vector<4096x64xf32> -> vector<4096x64xf32>
    %get3A_12 = arith.constant 0 : index
    %get3A_13 = arith.constant 0 : index
    %get3A_14 = vector.load %arg6[%get3A_12, %get3A_13] : memref<1x64xf32, #tpu.memory_space<vmem>>, vector<1x64xf32>
    %add3A = vector.broadcast %get3A_14 : vector<1x64xf32> to vector<4096x64xf32>
    %add3A_15 = arith.addf %dot_general3A_11, %add3A : vector<4096x64xf32>
    %get3A_16 = arith.constant 0 : index
    %get3A_17 = arith.constant 0 : index
    %get3A_18 = vector.load %arg4[%get3A_16, %get3A_17] : memref<2x64xf32, #tpu.memory_space<vmem>>, vector<1x64xf32>
    %div3A = arith.constant 2.621440e+05 : f32
    %div3A_19 = vector.broadcast %div3A : f32 to vector<1x64xf32>
    %div3A_20 = arith.divf %get3A_18, %div3A_19 : vector<1x64xf32>
    %get3A_21 = arith.constant 1 : index
    %get3A_22 = arith.constant 0 : index
    %get3A_23 = vector.load %arg4[%get3A_21, %get3A_22] : memref<2x64xf32, #tpu.memory_space<vmem>>, vector<1x64xf32>
    %div3A_24 = arith.constant 2.621440e+05 : f32
    %div3A_25 = vector.broadcast %div3A_24 : f32 to vector<1x64xf32>
    %div3A_26 = arith.divf %get3A_23, %div3A_25 : vector<1x64xf32>
    %mul3A = arith.mulf %div3A_20, %div3A_20 : vector<1x64xf32>
    %sub3A_27 = arith.subf %div3A_26, %mul3A : vector<1x64xf32>
    %sub3A_28 = vector.broadcast %div3A_20 : vector<1x64xf32> to vector<4096x64xf32>
    %sub3A_29 = arith.subf %add3A_15, %sub3A_28 : vector<4096x64xf32>
    %add3A_30 = arith.constant 9.99999974E-6 : f32
    %add3A_31 = vector.broadcast %add3A_30 : f32 to vector<1x64xf32>
    %add3A_32 = arith.addf %sub3A_27, %add3A_31 : vector<1x64xf32>
    %sqrt3A = math.sqrt %add3A_32 : vector<1x64xf32>
    %div3A_33 = vector.broadcast %sqrt3A : vector<1x64xf32> to vector<4096x64xf32>
    %div3A_34 = arith.divf %sub3A_29, %div3A_33 : vector<4096x64xf32>
    %get3A_35 = arith.constant 0 : index
    %get3A_36 = arith.constant 0 : index
    %get3A_37 = vector.load %arg7[%get3A_35, %get3A_36] : memref<1x64xf32, #tpu.memory_space<vmem>>, vector<1x64xf32>
    %mul3A_38 = vector.broadcast %get3A_37 : vector<1x64xf32> to vector<4096x64xf32>
    %mul3A_39 = arith.mulf %div3A_34, %mul3A_38 : vector<4096x64xf32>
    %get3A_40 = arith.constant 0 : index
    %get3A_41 = arith.constant 0 : index
    %get3A_42 = vector.load %arg8[%get3A_40, %get3A_41] : memref<1x64xf32, #tpu.memory_space<vmem>>, vector<1x64xf32>
    %add3A_43 = vector.broadcast %get3A_42 : vector<1x64xf32> to vector<4096x64xf32>
    %add3A_44 = arith.addf %mul3A_39, %add3A_43 : vector<4096x64xf32>
    %logistic3A = arith.negf %add3A_44 : vector<4096x64xf32>
    %logistic3A_45 = math.exp %logistic3A : vector<4096x64xf32>
    %logistic3A_46 = arith.constant 1.000000e+00 : f32
    %logistic3A_47 = vector.broadcast %logistic3A_46 : f32 to vector<4096x64xf32>
    %logistic3A_48 = arith.addf %logistic3A_47, %logistic3A_45 : vector<4096x64xf32>
    %logistic3A_49 = arith.divf %logistic3A_47, %logistic3A_48 : vector<4096x64xf32>
    %mul3A_50 = arith.mulf %add3A_44, %logistic3A_49 : vector<4096x64xf32>
    %get3A_51 = arith.constant 0 : index
    %get3A_52 = arith.constant 128 : index
    %get3A_53 = vector.load %arg9[%get3A_51, %get3A_52] : memref<128x256xf32, #tpu.memory_space<vmem>>, vector<128x128xf32>
    %get3A_54 = arith.constant 0 : index
    %get3A_55 = arith.constant 0 : index
    %get3A_56 = vector.load %arg10[%get3A_54, %get3A_55] : memref<128x64xf32, #tpu.memory_space<vmem>>, vector<128x64xf32>
    %dot_general3A_57 = arith.constant dense<0.000000e+00> : vector<128x64xf32>
    %dot_general3A_58 = tpu.matmul %get3A_53, %get3A_56, %dot_general3A_57 {dimension_numbers = #tpu.dot_dimension_numbers<[1], [0], [0], [1], [0, 0, 1, 1], [], []>, transpose_lhs_hint = false} : vector<128x128xf32>, vector<128x64xf32>, vector<128x64xf32> -> vector<128x64xf32>
    %get3A_59 = arith.constant 0 : index
    %get3A_60 = arith.constant 0 : index
    %get3A_61 = vector.load %arg11[%get3A_59, %get3A_60] : memref<1x128xf32, #tpu.memory_space<vmem>>, vector<1x128xf32>
    %get3A_62 = arith.constant 0 : index
    %get3A_63 = arith.constant 128 : index
    %get3A_64 = vector.load %arg9[%get3A_62, %get3A_63] : memref<128x256xf32, #tpu.memory_space<vmem>>, vector<128x128xf32>
    %dot_general3A_65 = arith.constant dense<0.000000e+00> : vector<1x128xf32>
    %dot_general3A_66 = tpu.matmul %get3A_61, %get3A_64, %dot_general3A_65 {dimension_numbers = #tpu.dot_dimension_numbers<[1], [1], [0], [0], [0, 0, 1, 0], [], []>, transpose_lhs_hint = false} : vector<1x128xf32>, vector<128x128xf32>, vector<1x128xf32> -> vector<1x128xf32>
    %get3A_67 = arith.constant 0 : index
    %get3A_68 = arith.constant 0 : index
    %get3A_69 = vector.load %arg1[%get3A_67, %get3A_68] : memref<4096x128xf32, #tpu.memory_space<vmem>>, vector<4096x128xf32>
    %dot_general3A_70 = arith.constant dense<0.000000e+00> : vector<4096x128xf32>
    %dot_general3A_71 = tpu.matmul %mul3A_50, %dot_general3A_58, %dot_general3A_70 {dimension_numbers = #tpu.dot_dimension_numbers<[1], [1], [0], [0], [0, 0, 1, 0], [], []>, transpose_lhs_hint = false} : vector<4096x64xf32>, vector<128x64xf32>, vector<4096x128xf32> -> vector<4096x128xf32>
    %add3A_72 = arith.addf %get3A_69, %dot_general3A_71 : vector<4096x128xf32>
    %add3A_73 = vector.broadcast %dot_general3A_66 : vector<1x128xf32> to vector<4096x128xf32>
    %add3A_74 = arith.addf %add3A_72, %add3A_73 : vector<4096x128xf32>
    %get3A_75 = arith.constant 0 : index
    %get3A_76 = arith.constant 0 : index
    %get3A_77 = vector.load %arg12[%get3A_75, %get3A_76] : memref<1x128xf32, #tpu.memory_space<vmem>>, vector<1x128xf32>
    %add3A_78 = vector.broadcast %get3A_77 : vector<1x128xf32> to vector<4096x128xf32>
    %add3A_79 = arith.addf %add3A_74, %add3A_78 : vector<4096x128xf32>
    %reduce_sum3A = arith.constant dense<0.000000e+00> : vector<4096xf32>
    %reduce_sum3A_80 = vector.multi_reduction <add>, %add3A_79, %reduce_sum3A [1] : vector<4096x128xf32> to vector<4096xf32>
    %broadcast_in_dim3A = vector.shape_cast %reduce_sum3A_80 : vector<4096xf32> to vector<4096x1xf32>
    %div3A_81 = arith.constant 1.280000e+02 : f32
    %div3A_82 = vector.broadcast %div3A_81 : f32 to vector<4096x1xf32>
    %div3A_83 = arith.divf %broadcast_in_dim3A, %div3A_82 : vector<4096x1xf32>
    %sub3A_84 = vector.broadcast %div3A_83 : vector<4096x1xf32> to vector<4096x128xf32>
    %sub3A_85 = arith.subf %add3A_79, %sub3A_84 : vector<4096x128xf32>
    %integer_pow3A = arith.mulf %sub3A_85, %sub3A_85 : vector<4096x128xf32>
    %reduce_sum3A_86 = arith.constant dense<0.000000e+00> : vector<4096xf32>
    %reduce_sum3A_87 = vector.multi_reduction <add>, %integer_pow3A, %reduce_sum3A_86 [1] : vector<4096x128xf32> to vector<4096xf32>
    %broadcast_in_dim3A_88 = vector.shape_cast %reduce_sum3A_87 : vector<4096xf32> to vector<4096x1xf32>
    %div3A_89 = arith.constant 1.280000e+02 : f32
    %div3A_90 = vector.broadcast %div3A_89 : f32 to vector<4096x1xf32>
    %div3A_91 = arith.divf %broadcast_in_dim3A_88, %div3A_90 : vector<4096x1xf32>
    %sub3A_92 = vector.broadcast %div3A_83 : vector<4096x1xf32> to vector<4096x128xf32>
    %sub3A_93 = arith.subf %add3A_79, %sub3A_92 : vector<4096x128xf32>
    %add3A_94 = arith.constant 9.99999974E-6 : f32
    %add3A_95 = vector.broadcast %add3A_94 : f32 to vector<4096x1xf32>
    %add3A_96 = arith.addf %div3A_91, %add3A_95 : vector<4096x1xf32>
    %sqrt3A_97 = math.sqrt %add3A_96 : vector<4096x1xf32>
    %div3A_98 = vector.broadcast %sqrt3A_97 : vector<4096x1xf32> to vector<4096x128xf32>
    %div3A_99 = arith.divf %sub3A_93, %div3A_98 : vector<4096x128xf32>
    %get3A_100 = arith.constant 0 : index
    %get3A_101 = arith.constant 0 : index
    %get3A_102 = vector.load %arg13[%get3A_100, %get3A_101] : memref<1x128xf32, #tpu.memory_space<vmem>>, vector<1x128xf32>
    %mul3A_103 = vector.broadcast %get3A_102 : vector<1x128xf32> to vector<4096x128xf32>
    %mul3A_104 = arith.mulf %div3A_99, %mul3A_103 : vector<4096x128xf32>
    %get3A_105 = arith.constant 0 : index
    %get3A_106 = arith.constant 0 : index
    %get3A_107 = vector.load %arg14[%get3A_105, %get3A_106] : memref<1x128xf32, #tpu.memory_space<vmem>>, vector<1x128xf32>
    %add3A_108 = vector.broadcast %get3A_107 : vector<1x128xf32> to vector<4096x128xf32>
    %add3A_109 = arith.addf %mul3A_104, %add3A_108 : vector<4096x128xf32>
    %logistic3A_110 = arith.negf %add3A_109 : vector<4096x128xf32>
    %logistic3A_111 = math.exp %logistic3A_110 : vector<4096x128xf32>
    %logistic3A_112 = arith.constant 1.000000e+00 : f32
    %logistic3A_113 = vector.broadcast %logistic3A_112 : f32 to vector<4096x128xf32>
    %logistic3A_114 = arith.addf %logistic3A_113, %logistic3A_111 : vector<4096x128xf32>
    %logistic3A_115 = arith.divf %logistic3A_113, %logistic3A_114 : vector<4096x128xf32>
    %mul3A_116 = arith.mulf %add3A_109, %logistic3A_115 : vector<4096x128xf32>
    %get3A_117 = arith.constant 0 : index
    %get3A_118 = arith.constant 0 : index
    %get3A_119 = vector.load %arg15[%get3A_117, %get3A_118] : memref<1x128xf32, #tpu.memory_space<vmem>>, vector<1x128xf32>
    %mul3A_120 = vector.broadcast %get3A_119 : vector<1x128xf32> to vector<4096x128xf32>
    %mul3A_121 = arith.mulf %mul3A_120, %mul3A_116 : vector<4096x128xf32>
    %get3A_122 = arith.constant 0 : index
    %get3A_123 = arith.constant 0 : index
    %get3A_124 = vector.load %arg16[%get3A_122, %get3A_123] : memref<1x128xf32, #tpu.memory_space<vmem>>, vector<1x128xf32>
    %add3A_125 = vector.broadcast %get3A_124 : vector<1x128xf32> to vector<4096x128xf32>
    %add3A_126 = arith.addf %mul3A_121, %add3A_125 : vector<4096x128xf32>
    %reshape3A_127 = vector.shape_cast %add3A_126 : vector<4096x128xf32> to vector<256x16x128xf32>
    %reduce_sum3A_128 = arith.constant dense<0.000000e+00> : vector<256x16xf32>
    %reduce_sum3A_129 = vector.multi_reduction <add>, %reshape3A_127, %reduce_sum3A_128 [2] : vector<256x16x128xf32> to vector<256x16xf32>
    %reduce_max3A = arith.constant dense<0xFF800000> : vector<256xf32>
    %reduce_max3A_130 = vector.multi_reduction <maximumf>, %reduce_sum3A_129, %reduce_max3A [1] : vector<256x16xf32> to vector<256xf32>
    %broadcast_in_dim3A_131 = vector.shape_cast %reduce_max3A_130 : vector<256xf32> to vector<256x1xf32>
    %sub3A_132 = vector.broadcast %broadcast_in_dim3A_131 : vector<256x1xf32> to vector<256x16xf32>
    %sub3A_133 = arith.subf %reduce_sum3A_129, %sub3A_132 : vector<256x16xf32>
    %exp3A = math.exp %sub3A_133 : vector<256x16xf32>
    %reduce_sum3A_134 = arith.constant dense<0.000000e+00> : vector<256xf32>
    %reduce_sum3A_135 = vector.multi_reduction <add>, %exp3A, %reduce_sum3A_134 [1] : vector<256x16xf32> to vector<256xf32>
    %broadcast_in_dim3A_136 = vector.shape_cast %reduce_sum3A_135 : vector<256xf32> to vector<256x1xf32>
    %div3A_137 = vector.broadcast %broadcast_in_dim3A_136 : vector<256x1xf32> to vector<256x16xf32>
    %div3A_138 = arith.divf %exp3A, %div3A_137 : vector<256x16xf32>
    %broadcast_in_dim3A_139 = vector.shape_cast %div3A_138 : vector<256x16xf32> to vector<256x16x1xf32>
    %mul3A_140 = vector.broadcast %broadcast_in_dim3A_139 : vector<256x16x1xf32> to vector<256x16x128xf32>
    %mul3A_141 = arith.mulf %reshape3A_127, %mul3A_140 : vector<256x16x128xf32>
    %reduce_sum3A_142 = arith.constant dense<0.000000e+00> : vector<256x128xf32>
    %reduce_sum3A_143 = vector.multi_reduction <add>, %mul3A_141, %reduce_sum3A_142 [1] : vector<256x16x128xf32> to vector<256x128xf32>
    %swap3A = arith.constant 0 : index
    %swap3A_144 = arith.constant 0 : index
    %swap3A_145 = vector.load %arg17[%swap3A, %swap3A_144] : memref<256x128xf32, #tpu.memory_space<vmem>>, vector<256x128xf32>
    tpu.vector_store %arg17[%swap3A, %swap3A_144], %reduce_sum3A_143 {strides = array<i32>} : memref<256x128xf32, #tpu.memory_space<vmem>>, vector<256x128xf32>,
    return
  }
  func.func @transform_0(%arg0: i32) -> (i32, i32) {
    %c0_i32 = arith.constant 0 : i32
    %c0_i32_0 = arith.constant 0 : i32
    return %arg0, %c0_i32 : i32, i32
  }
  func.func @transform_1(%arg0: i32) -> (i32, i32) {
    %c0_i32 = arith.constant 0 : i32
    %c0_i32_0 = arith.constant 0 : i32
    return %arg0, %c0_i32 : i32, i32
  }
  func.func @transform_2(%arg0: i32) -> (i32, i32) {
    %c0_i32 = arith.constant 0 : i32
    %c0_i32_0 = arith.constant 0 : i32
    return %arg0, %c0_i32 : i32, i32
  }
  func.func @transform_3(%arg0: i32) -> (i32, i32) {
    %c0_i32 = arith.constant 0 : i32
    %c0_i32_0 = arith.constant 0 : i32
    %c0_i32_1 = arith.constant 0 : i32
    return %c0_i32, %c0_i32_0 : i32, i32
  }
  func.func @transform_4(%arg0: i32) -> (i32, i32) {
    %c0_i32 = arith.constant 0 : i32
    %c0_i32_0 = arith.constant 0 : i32
    %c0_i32_1 = arith.constant 0 : i32
    return %c0_i32, %c0_i32_0 : i32, i32
  }
  func.func @transform_5(%arg0: i32) -> (i32, i32) {
    %c0_i32 = arith.constant 0 : i32
    %c0_i32_0 = arith.constant 0 : i32
    %c0_i32_1 = arith.constant 0 : i32
    return %c0_i32, %c0_i32_0 : i32, i32
  }
  func.func @transform_6(%arg0: i32) -> (i32, i32) {
    %c0_i32 = arith.constant 0 : i32
    %c0_i32_0 = arith.constant 0 : i32
    %c0_i32_1 = arith.constant 0 : i32
    return %c0_i32, %c0_i32_0 : i32, i32
  }
  func.func @transform_7(%arg0: i32) -> (i32, i32) {
    %c0_i32 = arith.constant 0 : i32
    %c0_i32_0 = arith.constant 0 : i32
    %c0_i32_1 = arith.constant 0 : i32
    return %c0_i32, %c0_i32_0 : i32, i32
  }
  func.func @transform_8(%arg0: i32) -> (i32, i32) {
    %c0_i32 = arith.constant 0 : i32
    %c0_i32_0 = arith.constant 0 : i32
    %c0_i32_1 = arith.constant 0 : i32
    return %c0_i32, %c0_i32_0 : i32, i32
  }
  func.func @transform_9(%arg0: i32) -> (i32, i32) {
    %c0_i32 = arith.constant 0 : i32
    %c0_i32_0 = arith.constant 0 : i32
    %c0_i32_1 = arith.constant 0 : i32
    return %c0_i32, %c0_i32_0 : i32, i32
  }
  func.func @transform_10(%arg0: i32) -> (i32, i32) {
    %c0_i32 = arith.constant 0 : i32
    %c0_i32_0 = arith.constant 0 : i32
    %c0_i32_1 = arith.constant 0 : i32
    return %c0_i32, %c0_i32_0 : i32, i32
  }
  func.func @transform_11(%arg0: i32) -> (i32, i32) {
    %c0_i32 = arith.constant 0 : i32
    %c0_i32_0 = arith.constant 0 : i32
    %c0_i32_1 = arith.constant 0 : i32
    return %c0_i32, %c0_i32_0 : i32, i32
  }
  func.func @transform_12(%arg0: i32) -> (i32, i32) {
    %c0_i32 = arith.constant 0 : i32
    %c0_i32_0 = arith.constant 0 : i32
    %c0_i32_1 = arith.constant 0 : i32
    return %c0_i32, %c0_i32_0 : i32, i32
  }
  func.func @transform_13(%arg0: i32) -> (i32, i32) {
    %c0_i32 = arith.constant 0 : i32
    %c0_i32_0 = arith.constant 0 : i32
    %c0_i32_1 = arith.constant 0 : i32
    return %c0_i32, %c0_i32_0 : i32, i32
  }
  func.func @transform_14(%arg0: i32) -> (i32, i32) {
    %c0_i32 = arith.constant 0 : i32
    %c0_i32_0 = arith.constant 0 : i32
    %c0_i32_1 = arith.constant 0 : i32
    return %c0_i32, %c0_i32_0 : i32, i32
  }
  func.func @transform_15(%arg0: i32) -> (i32, i32) {
    %c0_i32 = arith.constant 0 : i32
    %c0_i32_0 = arith.constant 0 : i32
    %c0_i32_1 = arith.constant 0 : i32
    return %c0_i32, %c0_i32_0 : i32, i32
  }
  func.func @transform_16(%arg0: i32) -> (i32, i32) {
    %c0_i32 = arith.constant 0 : i32
    %c0_i32_0 = arith.constant 0 : i32
    return %arg0, %c0_i32 : i32, i32
  }
}

module attributes {stable_mosaic.version = 14 : i64} {
  func.func @_fused_body(%arg0: i32, %arg1: memref<4096x128xf32, #tpu.memory_space<vmem>>, %arg2: memref<4096x128xf32, #tpu.memory_space<vmem>>, %arg3: memref<256x128xf32, #tpu.memory_space<vmem>>, %arg4: memref<2x64xf32, #tpu.memory_space<vmem>>, %arg5: memref<64x3xf32, #tpu.memory_space<vmem>>, %arg6: memref<1x64xf32, #tpu.memory_space<vmem>>, %arg7: memref<1x64xf32, #tpu.memory_space<vmem>>, %arg8: memref<1x64xf32, #tpu.memory_space<vmem>>, %arg9: memref<128x256xf32, #tpu.memory_space<vmem>>, %arg10: memref<128x64xf32, #tpu.memory_space<vmem>>, %arg11: memref<1x128xf32, #tpu.memory_space<vmem>>, %arg12: memref<1x128xf32, #tpu.memory_space<vmem>>, %arg13: memref<1x128xf32, #tpu.memory_space<vmem>>, %arg14: memref<1x128xf32, #tpu.memory_space<vmem>>, %arg15: memref<1x128xf32, #tpu.memory_space<vmem>>, %arg16: memref<1x128xf32, #tpu.memory_space<vmem>>, %arg17: memref<256x128xf32, #tpu.memory_space<vmem>>) attributes {dimension_semantics = [#tpu.dimension_semantics<arbitrary>], iteration_bounds = array<i64: 8>, scalar_prefetch = 0 : i64, scratch_operands = 0 : i64, tpu.core_type = #tpu.core_type<tc>, window_params = [{transform_indices = @transform_0, window_bounds = array<i64: 4096, 128>}, {transform_indices = @transform_1, window_bounds = array<i64: 4096, 128>}, {transform_indices = @transform_2, window_bounds = array<i64: 256, 128>}, {pipeline_mode = #tpu.pipeline_mode<synchronous>, transform_indices = @transform_3, window_bounds = array<i64: 2, 64>}, {pipeline_mode = #tpu.pipeline_mode<synchronous>, transform_indices = @transform_4, window_bounds = array<i64: 64, 3>}, {pipeline_mode = #tpu.pipeline_mode<synchronous>, transform_indices = @transform_5, window_bounds = array<i64: 1, 64>}, {pipeline_mode = #tpu.pipeline_mode<synchronous>, transform_indices = @transform_6, window_bounds = array<i64: 1, 64>}, {pipeline_mode = #tpu.pipeline_mode<synchronous>, transform_indices = @transform_7, window_bounds = array<i64: 1, 64>}, {pipeline_mode = #tpu.pipeline_mode<synchronous>, transform_indices = @transform_8, window_bounds = array<i64: 128, 256>}, {pipeline_mode = #tpu.pipeline_mode<synchronous>, transform_indices = @transform_9, window_bounds = array<i64: 128, 64>}, {pipeline_mode = #tpu.pipeline_mode<synchronous>, transform_indices = @transform_10, window_bounds = array<i64: 1, 128>}, {pipeline_mode = #tpu.pipeline_mode<synchronous>, transform_indices = @transform_11, window_bounds = array<i64: 1, 128>}, {pipeline_mode = #tpu.pipeline_mode<synchronous>, transform_indices = @transform_12, window_bounds = array<i64: 1, 128>}, {pipeline_mode = #tpu.pipeline_mode<synchronous>, transform_indices = @transform_13, window_bounds = array<i64: 1, 128>}, {pipeline_mode = #tpu.pipeline_mode<synchronous>, transform_indices = @transform_14, window_bounds = array<i64: 1, 128>}, {pipeline_mode = #tpu.pipeline_mode<synchronous>, transform_indices = @transform_15, window_bounds = array<i64: 1, 128>}, {transform_indices = @transform_16, window_bounds = array<i64: 256, 128>}]} {
    %get3A = arith.constant 0 : index
    %get3A_0 = arith.constant 0 : index
    %get3A_1 = vector.load %arg2[%get3A, %get3A_0] : memref<4096x128xf32, #tpu.memory_space<vmem>>, vector<4096x128xf32>
    %reshape3A = vector.shape_cast %get3A_1 : vector<4096x128xf32> to vector<256x16x128xf32>
    %get3A_2 = arith.constant 0 : index
    %get3A_3 = arith.constant 0 : index
    %get3A_4 = vector.load %arg3[%get3A_2, %get3A_3] : memref<256x128xf32, #tpu.memory_space<vmem>>, vector<256x128xf32>
    %reshape3A_5 = vector.shape_cast %get3A_4 : vector<256x128xf32> to vector<256x1x128xf32>
    %sub3A = vector.broadcast %reshape3A_5 : vector<256x1x128xf32> to vector<256x16x128xf32>
    %sub3A_6 = arith.subf %reshape3A, %sub3A : vector<256x16x128xf32>
    %reshape3A_7 = vector.shape_cast %sub3A_6 : vector<256x16x128xf32> to vector<4096x128xf32>
    %slice3A = vector.extract_strided_slice %reshape3A_7 {offsets = [0, 0], sizes = [4096, 3], strides = [1, 1]} : vector<4096x128xf32> to vector<4096x3xf32>
    %get3A_8 = arith.constant 0 : index
    %get3A_9 = arith.constant 0 : index
    %get3A_10 = vector.load %arg5[%get3A_8, %get3A_9] : memref<64x3xf32, #tpu.memory_space<vmem>>, vector<64x3xf32>
    %dot_general3A = arith.constant dense<0.000000e+00> : vector<4096x64xf32>
    %dot_general3A_11 = tpu.matmul %slice3A, %get3A_10, %dot_general3A {dimension_numbers = #tpu.dot_dimension_numbers<[1], [1], [0], [0], [0, 0, 1, 0], [], []>, transpose_lhs_hint = false} : vector<4096x3xf32>, vector<64x3xf32>, vector<4096x64xf32> -> vector<4096x64xf32>
    %get3A_12 = arith.constant 0 : index
    %get3A_13 = arith.constant 0 : index
    %get3A_14 = vector.load %arg6[%get3A_12, %get3A_13] : memref<1x64xf32, #tpu.memory_space<vmem>>, vector<1x64xf32>
    %add3A = vector.broadcast %get3A_14 : vector<1x64xf32> to vector<4096x64xf32>
    %add3A_15 = arith.addf %dot_general3A_11, %add3A : vector<4096x64xf32>
    %get3A_16 = arith.constant 0 : index
    %get3A_17 = arith.constant 0 : index
    %get3A_18 = vector.load %arg4[%get3A_16, %get3A_17] : memref<2x64xf32, #tpu.memory_space<vmem>>, vector<1x64xf32>
    %div3A = arith.constant 2.621440e+05 : f32
    %div3A_19 = vector.broadcast %div3A : f32 to vector<1x64xf32>
    %div3A_20 = arith.divf %get3A_18, %div3A_19 : vector<1x64xf32>
    %get3A_21 = arith.constant 1 : index
    %get3A_22 = arith.constant 0 : index
    %get3A_23 = vector.load %arg4[%get3A_21, %get3A_22] : memref<2x64xf32, #tpu.memory_space<vmem>>, vector<1x64xf32>
    %div3A_24 = arith.constant 2.621440e+05 : f32
    %div3A_25 = vector.broadcast %div3A_24 : f32 to vector<1x64xf32>
    %div3A_26 = arith.divf %get3A_23, %div3A_25 : vector<1x64xf32>
    %mul3A = arith.mulf %div3A_20, %div3A_20 : vector<1x64xf32>
    %sub3A_27 = arith.subf %div3A_26, %mul3A : vector<1x64xf32>
    %sub3A_28 = vector.broadcast %div3A_20 : vector<1x64xf32> to vector<4096x64xf32>
    %sub3A_29 = arith.subf %add3A_15, %sub3A_28 : vector<4096x64xf32>
    %add3A_30 = arith.constant 9.99999974E-6 : f32
    %add3A_31 = vector.broadcast %add3A_30 : f32 to vector<1x64xf32>
    %add3A_32 = arith.addf %sub3A_27, %add3A_31 : vector<1x64xf32>
    %sqrt3A = math.sqrt %add3A_32 : vector<1x64xf32>
    %div3A_33 = vector.broadcast %sqrt3A : vector<1x64xf32> to vector<4096x64xf32>
    %div3A_34 = arith.divf %sub3A_29, %div3A_33 : vector<4096x64xf32>
    %get3A_35 = arith.constant 0 : index
    %get3A_36 = arith.constant 0 : index
    %get3A_37 = vector.load %arg7[%get3A_35, %get3A_36] : memref<1x64xf32, #tpu.memory_space<vmem>>, vector<1x64xf32>
    %mul3A_38 = vector.broadcast %get3A_37 : vector<1x64xf32> to vector<4096x64xf32>
    %mul3A_39 = arith.mulf %div3A_34, %mul3A_38 : vector<4096x64xf32>
    %get3A_40 = arith.constant 0 : index
    %get3A_41 = arith.constant 0 : index
    %get3A_42 = vector.load %arg8[%get3A_40, %get3A_41] : memref<1x64xf32, #tpu.memory_space<vmem>>, vector<1x64xf32>
    %add3A_43 = vector.broadcast %get3A_42 : vector<1x64xf32> to vector<4096x64xf32>
    %add3A_44 = arith.addf %mul3A_39, %add3A_43 : vector<4096x64xf32>
    %logistic3A = arith.negf %add3A_44 : vector<4096x64xf32>
    %logistic3A_45 = math.exp %logistic3A : vector<4096x64xf32>
    %logistic3A_46 = arith.constant 1.000000e+00 : f32
    %logistic3A_47 = vector.broadcast %logistic3A_46 : f32 to vector<4096x64xf32>
    %logistic3A_48 = arith.addf %logistic3A_47, %logistic3A_45 : vector<4096x64xf32>
    %logistic3A_49 = arith.divf %logistic3A_47, %logistic3A_48 : vector<4096x64xf32>
    %mul3A_50 = arith.mulf %add3A_44, %logistic3A_49 : vector<4096x64xf32>
    %get3A_51 = arith.constant 0 : index
    %get3A_52 = arith.constant 128 : index
    %get3A_53 = vector.load %arg9[%get3A_51, %get3A_52] : memref<128x256xf32, #tpu.memory_space<vmem>>, vector<128x128xf32>
    %get3A_54 = arith.constant 0 : index
    %get3A_55 = arith.constant 0 : index
    %get3A_56 = vector.load %arg10[%get3A_54, %get3A_55] : memref<128x64xf32, #tpu.memory_space<vmem>>, vector<128x64xf32>
    %dot_general3A_57 = arith.constant dense<0.000000e+00> : vector<128x64xf32>
    %dot_general3A_58 = tpu.matmul %get3A_53, %get3A_56, %dot_general3A_57 {dimension_numbers = #tpu.dot_dimension_numbers<[1], [0], [0], [1], [0, 0, 1, 1], [], []>, transpose_lhs_hint = false} : vector<128x128xf32>, vector<128x64xf32>, vector<128x64xf32> -> vector<128x64xf32>
    %get3A_59 = arith.constant 0 : index
    %get3A_60 = arith.constant 0 : index
    %get3A_61 = vector.load %arg11[%get3A_59, %get3A_60] : memref<1x128xf32, #tpu.memory_space<vmem>>, vector<1x128xf32>
    %get3A_62 = arith.constant 0 : index
    %get3A_63 = arith.constant 128 : index
    %get3A_64 = vector.load %arg9[%get3A_62, %get3A_63] : memref<128x256xf32, #tpu.memory_space<vmem>>, vector<128x128xf32>
    %dot_general3A_65 = arith.constant dense<0.000000e+00> : vector<1x128xf32>
    %dot_general3A_66 = tpu.matmul %get3A_61, %get3A_64, %dot_general3A_65 {dimension_numbers = #tpu.dot_dimension_numbers<[1], [1], [0], [0], [0, 0, 1, 0], [], []>, transpose_lhs_hint = false} : vector<1x128xf32>, vector<128x128xf32>, vector<1x128xf32> -> vector<1x128xf32>
    %get3A_67 = arith.constant 0 : index
    %get3A_68 = arith.constant 0 : index
    %get3A_69 = vector.load %arg1[%get3A_67, %get3A_68] : memref<4096x128xf32, #tpu.memory_space<vmem>>, vector<4096x128xf32>
    %dot_general3A_70 = arith.constant dense<0.000000e+00> : vector<4096x128xf32>
    %dot_general3A_71 = tpu.matmul %mul3A_50, %dot_general3A_58, %dot_general3A_70 {dimension_numbers = #tpu.dot_dimension_numbers<[1], [1], [0], [0], [0, 0, 1, 0], [], []>, transpose_lhs_hint = false} : vector<4096x64xf32>, vector<128x64xf32>, vector<4096x128xf32> -> vector<4096x128xf32>
    %add3A_72 = arith.addf %get3A_69, %dot_general3A_71 : vector<4096x128xf32>
    %add3A_73 = vector.broadcast %dot_general3A_66 : vector<1x128xf32> to vector<4096x128xf32>
    %add3A_74 = arith.addf %add3A_72, %add3A_73 : vector<4096x128xf32>
    %get3A_75 = arith.constant 0 : index
    %get3A_76 = arith.constant 0 : index
    %get3A_77 = vector.load %arg12[%get3A_75, %get3A_76] : memref<1x128xf32, #tpu.memory_space<vmem>>, vector<1x128xf32>
    %add3A_78 = vector.broadcast %get3A_77 : vector<1x128xf32> to vector<4096x128xf32>
    %add3A_79 = arith.addf %add3A_74, %add3A_78 : vector<4096x128xf32>
    %reduce_sum3A = arith.constant dense<0.000000e+00> : vector<4096xf32>
    %reduce_sum3A_80 = vector.multi_reduction <add>, %add3A_79, %reduce_sum3A [1] : vector<4096x128xf32> to vector<4096xf32>
    %broadcast_in_dim3A = vector.shape_cast %reduce_sum3A_80 : vector<4096xf32> to vector<4096x1xf32>
    %div3A_81 = arith.constant 1.280000e+02 : f32
    %div3A_82 = vector.broadcast %div3A_81 : f32 to vector<4096x1xf32>
    %div3A_83 = arith.divf %broadcast_in_dim3A, %div3A_82 : vector<4096x1xf32>
    %sub3A_84 = vector.broadcast %div3A_83 : vector<4096x1xf32> to vector<4096x128xf32>
    %sub3A_85 = arith.subf %add3A_79, %sub3A_84 : vector<4096x128xf32>
    %integer_pow3A = arith.mulf %sub3A_85, %sub3A_85 : vector<4096x128xf32>
    %reduce_sum3A_86 = arith.constant dense<0.000000e+00> : vector<4096xf32>
    %reduce_sum3A_87 = vector.multi_reduction <add>, %integer_pow3A, %reduce_sum3A_86 [1] : vector<4096x128xf32> to vector<4096xf32>
    %broadcast_in_dim3A_88 = vector.shape_cast %reduce_sum3A_87 : vector<4096xf32> to vector<4096x1xf32>
    %div3A_89 = arith.constant 1.280000e+02 : f32
    %div3A_90 = vector.broadcast %div3A_89 : f32 to vector<4096x1xf32>
    %div3A_91 = arith.divf %broadcast_in_dim3A_88, %div3A_90 : vector<4096x1xf32>
    %sub3A_92 = vector.broadcast %div3A_83 : vector<4096x1xf32> to vector<4096x128xf32>
    %sub3A_93 = arith.subf %add3A_79, %sub3A_92 : vector<4096x128xf32>
    %add3A_94 = arith.constant 9.99999974E-6 : f32
    %add3A_95 = vector.broadcast %add3A_94 : f32 to vector<4096x1xf32>
    %add3A_96 = arith.addf %div3A_91, %add3A_95 : vector<4096x1xf32>
    %sqrt3A_97 = math.sqrt %add3A_96 : vector<4096x1xf32>
    %div3A_98 = vector.broadcast %sqrt3A_97 : vector<4096x1xf32> to vector<4096x128xf32>
    %div3A_99 = arith.divf %sub3A_93, %div3A_98 : vector<4096x128xf32>
    %get3A_100 = arith.constant 0 : index
    %get3A_101 = arith.constant 0 : index
    %get3A_102 = vector.load %arg13[%get3A_100, %get3A_101] : memref<1x128xf32, #tpu.memory_space<vmem>>, vector<1x128xf32>
    %mul3A_103 = vector.broadcast %get3A_102 : vector<1x128xf32> to vector<4096x128xf32>
    %mul3A_104 = arith.mulf %div3A_99, %mul3A_103 : vector<4096x128xf32>
    %get3A_105 = arith.constant 0 : index
    %get3A_106 = arith.constant 0 : index
    %get3A_107 = vector.load %arg14[%get3A_105, %get3A_106] : memref<1x128xf32, #tpu.memory_space<vmem>>, vector<1x128xf32>
    %add3A_108 = vector.broadcast %get3A_107 : vector<1x128xf32> to vector<4096x128xf32>
    %add3A_109 = arith.addf %mul3A_104, %add3A_108 : vector<4096x128xf32>
    %logistic3A_110 = arith.negf %add3A_109 : vector<4096x128xf32>
    %logistic3A_111 = math.exp %logistic3A_110 : vector<4096x128xf32>
    %logistic3A_112 = arith.constant 1.000000e+00 : f32
    %logistic3A_113 = vector.broadcast %logistic3A_112 : f32 to vector<4096x128xf32>
    %logistic3A_114 = arith.addf %logistic3A_113, %logistic3A_111 : vector<4096x128xf32>
    %logistic3A_115 = arith.divf %logistic3A_113, %logistic3A_114 : vector<4096x128xf32>
    %mul3A_116 = arith.mulf %add3A_109, %logistic3A_115 : vector<4096x128xf32>
    %get3A_117 = arith.constant 0 : index
    %get3A_118 = arith.constant 0 : index
    %get3A_119 = vector.load %arg15[%get3A_117, %get3A_118] : memref<1x128xf32, #tpu.memory_space<vmem>>, vector<1x128xf32>
    %mul3A_120 = vector.broadcast %get3A_119 : vector<1x128xf32> to vector<4096x128xf32>
    %mul3A_121 = arith.mulf %mul3A_120, %mul3A_116 : vector<4096x128xf32>
    %get3A_122 = arith.constant 0 : index
    %get3A_123 = arith.constant 0 : index
    %get3A_124 = vector.load %arg16[%get3A_122, %get3A_123] : memref<1x128xf32, #tpu.memory_space<vmem>>, vector<1x128xf32>
    %add3A_125 = vector.broadcast %get3A_124 : vector<1x128xf32> to vector<4096x128xf32>
    %add3A_126 = arith.addf %mul3A_121, %add3A_125 : vector<4096x128xf32>
    %reshape3A_127 = vector.shape_cast %add3A_126 : vector<4096x128xf32> to vector<256x16x128xf32>
    %reduce_sum3A_128 = arith.constant dense<0.000000e+00> : vector<256x16xf32>
    %reduce_sum3A_129 = vector.multi_reduction <add>, %reshape3A_127, %reduce_sum3A_128 [2] : vector<256x16x128xf32> to vector<256x16xf32>
    %reduce_max3A = arith.constant dense<0xFF800000> : vector<256xf32>
    %reduce_max3A_130 = vector.multi_reduction <maximumf>, %reduce_sum3A_129, %reduce_max3A [1] : vector<256x16xf32> to vector<256xf32>
    %broadcast_in_dim3A_131 = vector.shape_cast %reduce_max3A_130 : vector<256xf32> to vector<256x1xf32>
    %sub3A_132 = vector.broadcast %broadcast_in_dim3A_131 : vector<256x1xf32> to vector<256x16xf32>
    %sub3A_133 = arith.subf %reduce_sum3A_129, %sub3A_132 : vector<256x16xf32>
    %exp3A = math.exp %sub3A_133 : vector<256x16xf32>
    %reduce_sum3A_134 = arith.constant dense<0.000000e+00> : vector<256xf32>
    %reduce_sum3A_135 = vector.multi_reduction <add>, %exp3A, %reduce_sum3A_134 [1] : vector<256x16xf32> to vector<256xf32>
    %broadcast_in_dim3A_136 = vector.shape_cast %reduce_sum3A_135 : vector<256xf32> to vector<256x1xf32>
    %div3A_137 = vector.broadcast %broadcast_in_dim3A_136 : vector<256x1xf32> to vector<256x16xf32>
    %div3A_138 = arith.divf %exp3A, %div3A_137 : vector<256x16xf32>
    %broadcast_in_dim3A_139 = vector.shape_cast %div3A_138 : vector<256x16xf32> to vector<256x16x1xf32>
    %mul3A_140 = vector.broadcast %broadcast_in_dim3A_139 : vector<256x16x1xf32> to vector<256x16x128xf32>
    %mul3A_141 = arith.mulf %reshape3A_127, %mul3A_140 : vector<256x16x128xf32>
    %reduce_sum3A_142 = arith.constant dense<0.000000e+00> : vector<256x128xf32>
    %reduce_sum3A_143 = vector.multi_reduction <add>, %mul3A_141, %reduce_sum3A_142 [1] : vector<256x16x128xf32> to vector<256x128xf32>
    %swap3A = arith.constant 0 : index
    %swap3A_144 = arith.constant 0 : index
    %swap3A_145 = vector.load %arg17[%swap3A, %swap3A_144] : memref<256x128xf32, #tpu.memory_space<vmem>>, vector<256x128xf32>
    tpu.vector_store %arg17[%swap3A, %swap3A_144], %reduce_sum3A_143 {strides = array<i32>} : memref<256x128xf32, #tpu.memory_space<vmem>>, vector<256x128xf32>,
    return
  }
  func.func @transform_0(%arg0: i32) -> (i32, i32) {
    %c0_i32 = arith.constant 0 : i32
    %c0_i32_0 = arith.constant 0 : i32
    return %arg0, %c0_i32 : i32, i32
  }
  func.func @transform_1(%arg0: i32) -> (i32, i32) {
    %c0_i32 = arith.constant 0 : i32
    %c0_i32_0 = arith.constant 0 : i32
    return %arg0, %c0_i32 : i32, i32
  }
  func.func @transform_2(%arg0: i32) -> (i32, i32) {
    %c0_i32 = arith.constant 0 : i32
    %c0_i32_0 = arith.constant 0 : i32
    return %arg0, %c0_i32 : i32, i32
  }
  func.func @transform_3(%arg0: i32) -> (i32, i32) {
    %c0_i32 = arith.constant 0 : i32
    %c0_i32_0 = arith.constant 0 : i32
    %c0_i32_1 = arith.constant 0 : i32
    return %c0_i32, %c0_i32_0 : i32, i32
  }
  func.func @transform_4(%arg0: i32) -> (i32, i32) {
    %c0_i32 = arith.constant 0 : i32
    %c0_i32_0 = arith.constant 0 : i32
    %c0_i32_1 = arith.constant 0 : i32
    return %c0_i32, %c0_i32_0 : i32, i32
  }
  func.func @transform_5(%arg0: i32) -> (i32, i32) {
    %c0_i32 = arith.constant 0 : i32
    %c0_i32_0 = arith.constant 0 : i32
    %c0_i32_1 = arith.constant 0 : i32
    return %c0_i32, %c0_i32_0 : i32, i32
  }
  func.func @transform_6(%arg0: i32) -> (i32, i32) {
    %c0_i32 = arith.constant 0 : i32
    %c0_i32_0 = arith.constant 0 : i32
    %c0_i32_1 = arith.constant 0 : i32
    return %c0_i32, %c0_i32_0 : i32, i32
  }
  func.func @transform_7(%arg0: i32) -> (i32, i32) {
    %c0_i32 = arith.constant 0 : i32
    %c0_i32_0 = arith.constant 0 : i32
    %c0_i32_1 = arith.constant 0 : i32
    return %c0_i32, %c0_i32_0 : i32, i32
  }
  func.func @transform_8(%arg0: i32) -> (i32, i32) {
    %c0_i32 = arith.constant 0 : i32
    %c0_i32_0 = arith.constant 0 : i32
    %c0_i32_1 = arith.constant 0 : i32
    return %c0_i32, %c0_i32_0 : i32, i32
  }
  func.func @transform_9(%arg0: i32) -> (i32, i32) {
    %c0_i32 = arith.constant 0 : i32
    %c0_i32_0 = arith.constant 0 : i32
    %c0_i32_1 = arith.constant 0 : i32
    return %c0_i32, %c0_i32_0 : i32, i32
  }
  func.func @transform_10(%arg0: i32) -> (i32, i32) {
    %c0_i32 = arith.constant 0 : i32
    %c0_i32_0 = arith.constant 0 : i32
    %c0_i32_1 = arith.constant 0 : i32
    return %c0_i32, %c0_i32_0 : i32, i32
  }
  func.func @transform_11(%arg0: i32) -> (i32, i32) {
    %c0_i32 = arith.constant 0 : i32
    %c0_i32_0 = arith.constant 0 : i32
    %c0_i32_1 = arith.constant 0 : i32
    return %c0_i32, %c0_i32_0 : i32, i32
  }
  func.func @transform_12(%arg0: i32) -> (i32, i32) {
    %c0_i32 = arith.constant 0 : i32
    %c0_i32_0 = arith.constant 0 : i32
    %c0_i32_1 = arith.constant 0 : i32
    return %c0_i32, %c0_i32_0 : i32, i32
  }
  func.func @transform_13(%arg0: i32) -> (i32, i32) {
    %c0_i32 = arith.constant 0 : i32
    %c0_i32_0 = arith.constant 0 : i32
    %c0_i32_1 = arith.constant 0 : i32
    return %c0_i32, %c0_i32_0 : i32, i32
  }
  func.func @transform_14(%arg0: i32) -> (i32, i32) {
    %c0_i32 = arith.constant 0 : i32
    %c0_i32_0 = arith.constant 0 : i32
    %c0_i32_1 = arith.constant 0 : i32
    return %c0_i32, %c0_i32_0 : i32, i32
  }
  func.func @transform_15(%arg0: i32) -> (i32, i32) {
    %c0_i32 = arith.constant 0 : i32
    %c0_i32_0 = arith.constant 0 : i32
    %c0_i32_1 = arith.constant 0 : i32
    return %c0_i32, %c0_i32_0 : i32, i32
  }
  func.func @transform_16(%arg0: i32) -> (i32, i32) {
    %c0_i32 = arith.constant 0 : i32
    %c0_i32_0 = arith.constant 0 : i32
    return %arg0, %c0_i32 : i32, i32
  }
}

module attributes {stable_mosaic.version = 14 : i64} {
  func.func @_fused_body(%arg0: i32, %arg1: memref<4096x128xf32, #tpu.memory_space<vmem>>, %arg2: memref<4096x128xf32, #tpu.memory_space<vmem>>, %arg3: memref<256x128xf32, #tpu.memory_space<vmem>>, %arg4: memref<2x64xf32, #tpu.memory_space<vmem>>, %arg5: memref<64x3xf32, #tpu.memory_space<vmem>>, %arg6: memref<1x64xf32, #tpu.memory_space<vmem>>, %arg7: memref<1x64xf32, #tpu.memory_space<vmem>>, %arg8: memref<1x64xf32, #tpu.memory_space<vmem>>, %arg9: memref<128x256xf32, #tpu.memory_space<vmem>>, %arg10: memref<128x64xf32, #tpu.memory_space<vmem>>, %arg11: memref<1x128xf32, #tpu.memory_space<vmem>>, %arg12: memref<1x128xf32, #tpu.memory_space<vmem>>, %arg13: memref<1x128xf32, #tpu.memory_space<vmem>>, %arg14: memref<1x128xf32, #tpu.memory_space<vmem>>, %arg15: memref<1x128xf32, #tpu.memory_space<vmem>>, %arg16: memref<1x128xf32, #tpu.memory_space<vmem>>, %arg17: memref<256x128xf32, #tpu.memory_space<vmem>>) attributes {dimension_semantics = [#tpu.dimension_semantics<arbitrary>], iteration_bounds = array<i64: 8>, scalar_prefetch = 0 : i64, scratch_operands = 0 : i64, tpu.core_type = #tpu.core_type<tc>, window_params = [{transform_indices = @transform_0, window_bounds = array<i64: 4096, 128>}, {transform_indices = @transform_1, window_bounds = array<i64: 4096, 128>}, {transform_indices = @transform_2, window_bounds = array<i64: 256, 128>}, {pipeline_mode = #tpu.pipeline_mode<synchronous>, transform_indices = @transform_3, window_bounds = array<i64: 2, 64>}, {pipeline_mode = #tpu.pipeline_mode<synchronous>, transform_indices = @transform_4, window_bounds = array<i64: 64, 3>}, {pipeline_mode = #tpu.pipeline_mode<synchronous>, transform_indices = @transform_5, window_bounds = array<i64: 1, 64>}, {pipeline_mode = #tpu.pipeline_mode<synchronous>, transform_indices = @transform_6, window_bounds = array<i64: 1, 64>}, {pipeline_mode = #tpu.pipeline_mode<synchronous>, transform_indices = @transform_7, window_bounds = array<i64: 1, 64>}, {pipeline_mode = #tpu.pipeline_mode<synchronous>, transform_indices = @transform_8, window_bounds = array<i64: 128, 256>}, {pipeline_mode = #tpu.pipeline_mode<synchronous>, transform_indices = @transform_9, window_bounds = array<i64: 128, 64>}, {pipeline_mode = #tpu.pipeline_mode<synchronous>, transform_indices = @transform_10, window_bounds = array<i64: 1, 128>}, {pipeline_mode = #tpu.pipeline_mode<synchronous>, transform_indices = @transform_11, window_bounds = array<i64: 1, 128>}, {pipeline_mode = #tpu.pipeline_mode<synchronous>, transform_indices = @transform_12, window_bounds = array<i64: 1, 128>}, {pipeline_mode = #tpu.pipeline_mode<synchronous>, transform_indices = @transform_13, window_bounds = array<i64: 1, 128>}, {pipeline_mode = #tpu.pipeline_mode<synchronous>, transform_indices = @transform_14, window_bounds = array<i64: 1, 128>}, {pipeline_mode = #tpu.pipeline_mode<synchronous>, transform_indices = @transform_15, window_bounds = array<i64: 1, 128>}, {transform_indices = @transform_16, window_bounds = array<i64: 256, 128>}]} {
    %get3A = arith.constant 0 : index
    %get3A_0 = arith.constant 0 : index
    %get3A_1 = vector.load %arg2[%get3A, %get3A_0] : memref<4096x128xf32, #tpu.memory_space<vmem>>, vector<4096x128xf32>
    %reshape3A = vector.shape_cast %get3A_1 : vector<4096x128xf32> to vector<256x16x128xf32>
    %get3A_2 = arith.constant 0 : index
    %get3A_3 = arith.constant 0 : index
    %get3A_4 = vector.load %arg3[%get3A_2, %get3A_3] : memref<256x128xf32, #tpu.memory_space<vmem>>, vector<256x128xf32>
    %reshape3A_5 = vector.shape_cast %get3A_4 : vector<256x128xf32> to vector<256x1x128xf32>
    %sub3A = vector.broadcast %reshape3A_5 : vector<256x1x128xf32> to vector<256x16x128xf32>
    %sub3A_6 = arith.subf %reshape3A, %sub3A : vector<256x16x128xf32>
    %reshape3A_7 = vector.shape_cast %sub3A_6 : vector<256x16x128xf32> to vector<4096x128xf32>
    %slice3A = vector.extract_strided_slice %reshape3A_7 {offsets = [0, 0], sizes = [4096, 3], strides = [1, 1]} : vector<4096x128xf32> to vector<4096x3xf32>
    %get3A_8 = arith.constant 0 : index
    %get3A_9 = arith.constant 0 : index
    %get3A_10 = vector.load %arg5[%get3A_8, %get3A_9] : memref<64x3xf32, #tpu.memory_space<vmem>>, vector<64x3xf32>
    %dot_general3A = arith.constant dense<0.000000e+00> : vector<4096x64xf32>
    %dot_general3A_11 = tpu.matmul %slice3A, %get3A_10, %dot_general3A {dimension_numbers = #tpu.dot_dimension_numbers<[1], [1], [0], [0], [0, 0, 1, 0], [], []>, transpose_lhs_hint = false} : vector<4096x3xf32>, vector<64x3xf32>, vector<4096x64xf32> -> vector<4096x64xf32>
    %get3A_12 = arith.constant 0 : index
    %get3A_13 = arith.constant 0 : index
    %get3A_14 = vector.load %arg6[%get3A_12, %get3A_13] : memref<1x64xf32, #tpu.memory_space<vmem>>, vector<1x64xf32>
    %add3A = vector.broadcast %get3A_14 : vector<1x64xf32> to vector<4096x64xf32>
    %add3A_15 = arith.addf %dot_general3A_11, %add3A : vector<4096x64xf32>
    %get3A_16 = arith.constant 0 : index
    %get3A_17 = arith.constant 0 : index
    %get3A_18 = vector.load %arg4[%get3A_16, %get3A_17] : memref<2x64xf32, #tpu.memory_space<vmem>>, vector<1x64xf32>
    %div3A = arith.constant 2.621440e+05 : f32
    %div3A_19 = vector.broadcast %div3A : f32 to vector<1x64xf32>
    %div3A_20 = arith.divf %get3A_18, %div3A_19 : vector<1x64xf32>
    %get3A_21 = arith.constant 1 : index
    %get3A_22 = arith.constant 0 : index
    %get3A_23 = vector.load %arg4[%get3A_21, %get3A_22] : memref<2x64xf32, #tpu.memory_space<vmem>>, vector<1x64xf32>
    %div3A_24 = arith.constant 2.621440e+05 : f32
    %div3A_25 = vector.broadcast %div3A_24 : f32 to vector<1x64xf32>
    %div3A_26 = arith.divf %get3A_23, %div3A_25 : vector<1x64xf32>
    %mul3A = arith.mulf %div3A_20, %div3A_20 : vector<1x64xf32>
    %sub3A_27 = arith.subf %div3A_26, %mul3A : vector<1x64xf32>
    %sub3A_28 = vector.broadcast %div3A_20 : vector<1x64xf32> to vector<4096x64xf32>
    %sub3A_29 = arith.subf %add3A_15, %sub3A_28 : vector<4096x64xf32>
    %add3A_30 = arith.constant 9.99999974E-6 : f32
    %add3A_31 = vector.broadcast %add3A_30 : f32 to vector<1x64xf32>
    %add3A_32 = arith.addf %sub3A_27, %add3A_31 : vector<1x64xf32>
    %sqrt3A = math.sqrt %add3A_32 : vector<1x64xf32>
    %div3A_33 = vector.broadcast %sqrt3A : vector<1x64xf32> to vector<4096x64xf32>
    %div3A_34 = arith.divf %sub3A_29, %div3A_33 : vector<4096x64xf32>
    %get3A_35 = arith.constant 0 : index
    %get3A_36 = arith.constant 0 : index
    %get3A_37 = vector.load %arg7[%get3A_35, %get3A_36] : memref<1x64xf32, #tpu.memory_space<vmem>>, vector<1x64xf32>
    %mul3A_38 = vector.broadcast %get3A_37 : vector<1x64xf32> to vector<4096x64xf32>
    %mul3A_39 = arith.mulf %div3A_34, %mul3A_38 : vector<4096x64xf32>
    %get3A_40 = arith.constant 0 : index
    %get3A_41 = arith.constant 0 : index
    %get3A_42 = vector.load %arg8[%get3A_40, %get3A_41] : memref<1x64xf32, #tpu.memory_space<vmem>>, vector<1x64xf32>
    %add3A_43 = vector.broadcast %get3A_42 : vector<1x64xf32> to vector<4096x64xf32>
    %add3A_44 = arith.addf %mul3A_39, %add3A_43 : vector<4096x64xf32>
    %logistic3A = arith.negf %add3A_44 : vector<4096x64xf32>
    %logistic3A_45 = math.exp %logistic3A : vector<4096x64xf32>
    %logistic3A_46 = arith.constant 1.000000e+00 : f32
    %logistic3A_47 = vector.broadcast %logistic3A_46 : f32 to vector<4096x64xf32>
    %logistic3A_48 = arith.addf %logistic3A_47, %logistic3A_45 : vector<4096x64xf32>
    %logistic3A_49 = arith.divf %logistic3A_47, %logistic3A_48 : vector<4096x64xf32>
    %mul3A_50 = arith.mulf %add3A_44, %logistic3A_49 : vector<4096x64xf32>
    %get3A_51 = arith.constant 0 : index
    %get3A_52 = arith.constant 128 : index
    %get3A_53 = vector.load %arg9[%get3A_51, %get3A_52] : memref<128x256xf32, #tpu.memory_space<vmem>>, vector<128x128xf32>
    %get3A_54 = arith.constant 0 : index
    %get3A_55 = arith.constant 0 : index
    %get3A_56 = vector.load %arg10[%get3A_54, %get3A_55] : memref<128x64xf32, #tpu.memory_space<vmem>>, vector<128x64xf32>
    %dot_general3A_57 = arith.constant dense<0.000000e+00> : vector<128x64xf32>
    %dot_general3A_58 = tpu.matmul %get3A_53, %get3A_56, %dot_general3A_57 {dimension_numbers = #tpu.dot_dimension_numbers<[1], [0], [0], [1], [0, 0, 1, 1], [], []>, transpose_lhs_hint = false} : vector<128x128xf32>, vector<128x64xf32>, vector<128x64xf32> -> vector<128x64xf32>
    %get3A_59 = arith.constant 0 : index
    %get3A_60 = arith.constant 0 : index
    %get3A_61 = vector.load %arg11[%get3A_59, %get3A_60] : memref<1x128xf32, #tpu.memory_space<vmem>>, vector<1x128xf32>
    %get3A_62 = arith.constant 0 : index
    %get3A_63 = arith.constant 128 : index
    %get3A_64 = vector.load %arg9[%get3A_62, %get3A_63] : memref<128x256xf32, #tpu.memory_space<vmem>>, vector<128x128xf32>
    %dot_general3A_65 = arith.constant dense<0.000000e+00> : vector<1x128xf32>
    %dot_general3A_66 = tpu.matmul %get3A_61, %get3A_64, %dot_general3A_65 {dimension_numbers = #tpu.dot_dimension_numbers<[1], [1], [0], [0], [0, 0, 1, 0], [], []>, transpose_lhs_hint = false} : vector<1x128xf32>, vector<128x128xf32>, vector<1x128xf32> -> vector<1x128xf32>
    %get3A_67 = arith.constant 0 : index
    %get3A_68 = arith.constant 0 : index
    %get3A_69 = vector.load %arg1[%get3A_67, %get3A_68] : memref<4096x128xf32, #tpu.memory_space<vmem>>, vector<4096x128xf32>
    %dot_general3A_70 = arith.constant dense<0.000000e+00> : vector<4096x128xf32>
    %dot_general3A_71 = tpu.matmul %mul3A_50, %dot_general3A_58, %dot_general3A_70 {dimension_numbers = #tpu.dot_dimension_numbers<[1], [1], [0], [0], [0, 0, 1, 0], [], []>, transpose_lhs_hint = false} : vector<4096x64xf32>, vector<128x64xf32>, vector<4096x128xf32> -> vector<4096x128xf32>
    %add3A_72 = arith.addf %get3A_69, %dot_general3A_71 : vector<4096x128xf32>
    %add3A_73 = vector.broadcast %dot_general3A_66 : vector<1x128xf32> to vector<4096x128xf32>
    %add3A_74 = arith.addf %add3A_72, %add3A_73 : vector<4096x128xf32>
    %get3A_75 = arith.constant 0 : index
    %get3A_76 = arith.constant 0 : index
    %get3A_77 = vector.load %arg12[%get3A_75, %get3A_76] : memref<1x128xf32, #tpu.memory_space<vmem>>, vector<1x128xf32>
    %add3A_78 = vector.broadcast %get3A_77 : vector<1x128xf32> to vector<4096x128xf32>
    %add3A_79 = arith.addf %add3A_74, %add3A_78 : vector<4096x128xf32>
    %reduce_sum3A = arith.constant dense<0.000000e+00> : vector<4096xf32>
    %reduce_sum3A_80 = vector.multi_reduction <add>, %add3A_79, %reduce_sum3A [1] : vector<4096x128xf32> to vector<4096xf32>
    %broadcast_in_dim3A = vector.shape_cast %reduce_sum3A_80 : vector<4096xf32> to vector<4096x1xf32>
    %div3A_81 = arith.constant 1.280000e+02 : f32
    %div3A_82 = vector.broadcast %div3A_81 : f32 to vector<4096x1xf32>
    %div3A_83 = arith.divf %broadcast_in_dim3A, %div3A_82 : vector<4096x1xf32>
    %sub3A_84 = vector.broadcast %div3A_83 : vector<4096x1xf32> to vector<4096x128xf32>
    %sub3A_85 = arith.subf %add3A_79, %sub3A_84 : vector<4096x128xf32>
    %integer_pow3A = arith.mulf %sub3A_85, %sub3A_85 : vector<4096x128xf32>
    %reduce_sum3A_86 = arith.constant dense<0.000000e+00> : vector<4096xf32>
    %reduce_sum3A_87 = vector.multi_reduction <add>, %integer_pow3A, %reduce_sum3A_86 [1] : vector<4096x128xf32> to vector<4096xf32>
    %broadcast_in_dim3A_88 = vector.shape_cast %reduce_sum3A_87 : vector<4096xf32> to vector<4096x1xf32>
    %div3A_89 = arith.constant 1.280000e+02 : f32
    %div3A_90 = vector.broadcast %div3A_89 : f32 to vector<4096x1xf32>
    %div3A_91 = arith.divf %broadcast_in_dim3A_88, %div3A_90 : vector<4096x1xf32>
    %sub3A_92 = vector.broadcast %div3A_83 : vector<4096x1xf32> to vector<4096x128xf32>
    %sub3A_93 = arith.subf %add3A_79, %sub3A_92 : vector<4096x128xf32>
    %add3A_94 = arith.constant 9.99999974E-6 : f32
    %add3A_95 = vector.broadcast %add3A_94 : f32 to vector<4096x1xf32>
    %add3A_96 = arith.addf %div3A_91, %add3A_95 : vector<4096x1xf32>
    %sqrt3A_97 = math.sqrt %add3A_96 : vector<4096x1xf32>
    %div3A_98 = vector.broadcast %sqrt3A_97 : vector<4096x1xf32> to vector<4096x128xf32>
    %div3A_99 = arith.divf %sub3A_93, %div3A_98 : vector<4096x128xf32>
    %get3A_100 = arith.constant 0 : index
    %get3A_101 = arith.constant 0 : index
    %get3A_102 = vector.load %arg13[%get3A_100, %get3A_101] : memref<1x128xf32, #tpu.memory_space<vmem>>, vector<1x128xf32>
    %mul3A_103 = vector.broadcast %get3A_102 : vector<1x128xf32> to vector<4096x128xf32>
    %mul3A_104 = arith.mulf %div3A_99, %mul3A_103 : vector<4096x128xf32>
    %get3A_105 = arith.constant 0 : index
    %get3A_106 = arith.constant 0 : index
    %get3A_107 = vector.load %arg14[%get3A_105, %get3A_106] : memref<1x128xf32, #tpu.memory_space<vmem>>, vector<1x128xf32>
    %add3A_108 = vector.broadcast %get3A_107 : vector<1x128xf32> to vector<4096x128xf32>
    %add3A_109 = arith.addf %mul3A_104, %add3A_108 : vector<4096x128xf32>
    %logistic3A_110 = arith.negf %add3A_109 : vector<4096x128xf32>
    %logistic3A_111 = math.exp %logistic3A_110 : vector<4096x128xf32>
    %logistic3A_112 = arith.constant 1.000000e+00 : f32
    %logistic3A_113 = vector.broadcast %logistic3A_112 : f32 to vector<4096x128xf32>
    %logistic3A_114 = arith.addf %logistic3A_113, %logistic3A_111 : vector<4096x128xf32>
    %logistic3A_115 = arith.divf %logistic3A_113, %logistic3A_114 : vector<4096x128xf32>
    %mul3A_116 = arith.mulf %add3A_109, %logistic3A_115 : vector<4096x128xf32>
    %get3A_117 = arith.constant 0 : index
    %get3A_118 = arith.constant 0 : index
    %get3A_119 = vector.load %arg15[%get3A_117, %get3A_118] : memref<1x128xf32, #tpu.memory_space<vmem>>, vector<1x128xf32>
    %mul3A_120 = vector.broadcast %get3A_119 : vector<1x128xf32> to vector<4096x128xf32>
    %mul3A_121 = arith.mulf %mul3A_120, %mul3A_116 : vector<4096x128xf32>
    %get3A_122 = arith.constant 0 : index
    %get3A_123 = arith.constant 0 : index
    %get3A_124 = vector.load %arg16[%get3A_122, %get3A_123] : memref<1x128xf32, #tpu.memory_space<vmem>>, vector<1x128xf32>
    %add3A_125 = vector.broadcast %get3A_124 : vector<1x128xf32> to vector<4096x128xf32>
    %add3A_126 = arith.addf %mul3A_121, %add3A_125 : vector<4096x128xf32>
    %reshape3A_127 = vector.shape_cast %add3A_126 : vector<4096x128xf32> to vector<256x16x128xf32>
    %reduce_sum3A_128 = arith.constant dense<0.000000e+00> : vector<256x16xf32>
    %reduce_sum3A_129 = vector.multi_reduction <add>, %reshape3A_127, %reduce_sum3A_128 [2] : vector<256x16x128xf32> to vector<256x16xf32>
    %reduce_max3A = arith.constant dense<0xFF800000> : vector<256xf32>
    %reduce_max3A_130 = vector.multi_reduction <maximumf>, %reduce_sum3A_129, %reduce_max3A [1] : vector<256x16xf32> to vector<256xf32>
    %broadcast_in_dim3A_131 = vector.shape_cast %reduce_max3A_130 : vector<256xf32> to vector<256x1xf32>
    %sub3A_132 = vector.broadcast %broadcast_in_dim3A_131 : vector<256x1xf32> to vector<256x16xf32>
    %sub3A_133 = arith.subf %reduce_sum3A_129, %sub3A_132 : vector<256x16xf32>
    %exp3A = math.exp %sub3A_133 : vector<256x16xf32>
    %reduce_sum3A_134 = arith.constant dense<0.000000e+00> : vector<256xf32>
    %reduce_sum3A_135 = vector.multi_reduction <add>, %exp3A, %reduce_sum3A_134 [1] : vector<256x16xf32> to vector<256xf32>
    %broadcast_in_dim3A_136 = vector.shape_cast %reduce_sum3A_135 : vector<256xf32> to vector<256x1xf32>
    %div3A_137 = vector.broadcast %broadcast_in_dim3A_136 : vector<256x1xf32> to vector<256x16xf32>
    %div3A_138 = arith.divf %exp3A, %div3A_137 : vector<256x16xf32>
    %broadcast_in_dim3A_139 = vector.shape_cast %div3A_138 : vector<256x16xf32> to vector<256x16x1xf32>
    %mul3A_140 = vector.broadcast %broadcast_in_dim3A_139 : vector<256x16x1xf32> to vector<256x16x128xf32>
    %mul3A_141 = arith.mulf %reshape3A_127, %mul3A_140 : vector<256x16x128xf32>
    %reduce_sum3A_142 = arith.constant dense<0.000000e+00> : vector<256x128xf32>
    %reduce_sum3A_143 = vector.multi_reduction <add>, %mul3A_141, %reduce_sum3A_142 [1] : vector<256x16x128xf32> to vector<256x128xf32>
    %swap3A = arith.constant 0 : index
    %swap3A_144 = arith.constant 0 : index
    %swap3A_145 = vector.load %arg17[%swap3A, %swap3A_144] : memref<256x128xf32, #tpu.memory_space<vmem>>, vector<256x128xf32>
    tpu.vector_store %arg17[%swap3A, %swap3A_144], %reduce_sum3A_143 {strides = array<i32>} : memref<256x128xf32, #tpu.memory_space<vmem>>, vector<256x128xf32>,
    return
  }
  func.func @transform_0(%arg0: i32) -> (i32, i32) {
    %c0_i32 = arith.constant 0 : i32
    %c0_i32_0 = arith.constant 0 : i32
    return %arg0, %c0_i32 : i32, i32
  }
  func.func @transform_1(%arg0: i32) -> (i32, i32) {
    %c0_i32 = arith.constant 0 : i32
    %c0_i32_0 = arith.constant 0 : i32
    return %arg0, %c0_i32 : i32, i32
  }
  func.func @transform_2(%arg0: i32) -> (i32, i32) {
    %c0_i32 = arith.constant 0 : i32
    %c0_i32_0 = arith.constant 0 : i32
    return %arg0, %c0_i32 : i32, i32
  }
  func.func @transform_3(%arg0: i32) -> (i32, i32) {
    %c0_i32 = arith.constant 0 : i32
    %c0_i32_0 = arith.constant 0 : i32
    %c0_i32_1 = arith.constant 0 : i32
    return %c0_i32, %c0_i32_0 : i32, i32
  }
  func.func @transform_4(%arg0: i32) -> (i32, i32) {
    %c0_i32 = arith.constant 0 : i32
    %c0_i32_0 = arith.constant 0 : i32
    %c0_i32_1 = arith.constant 0 : i32
    return %c0_i32, %c0_i32_0 : i32, i32
  }
  func.func @transform_5(%arg0: i32) -> (i32, i32) {
    %c0_i32 = arith.constant 0 : i32
    %c0_i32_0 = arith.constant 0 : i32
    %c0_i32_1 = arith.constant 0 : i32
    return %c0_i32, %c0_i32_0 : i32, i32
  }
  func.func @transform_6(%arg0: i32) -> (i32, i32) {
    %c0_i32 = arith.constant 0 : i32
    %c0_i32_0 = arith.constant 0 : i32
    %c0_i32_1 = arith.constant 0 : i32
    return %c0_i32, %c0_i32_0 : i32, i32
  }
  func.func @transform_7(%arg0: i32) -> (i32, i32) {
    %c0_i32 = arith.constant 0 : i32
    %c0_i32_0 = arith.constant 0 : i32
    %c0_i32_1 = arith.constant 0 : i32
    return %c0_i32, %c0_i32_0 : i32, i32
  }
  func.func @transform_8(%arg0: i32) -> (i32, i32) {
    %c0_i32 = arith.constant 0 : i32
    %c0_i32_0 = arith.constant 0 : i32
    %c0_i32_1 = arith.constant 0 : i32
    return %c0_i32, %c0_i32_0 : i32, i32
  }
  func.func @transform_9(%arg0: i32) -> (i32, i32) {
    %c0_i32 = arith.constant 0 : i32
    %c0_i32_0 = arith.constant 0 : i32
    %c0_i32_1 = arith.constant 0 : i32
    return %c0_i32, %c0_i32_0 : i32, i32
  }
  func.func @transform_10(%arg0: i32) -> (i32, i32) {
    %c0_i32 = arith.constant 0 : i32
    %c0_i32_0 = arith.constant 0 : i32
    %c0_i32_1 = arith.constant 0 : i32
    return %c0_i32, %c0_i32_0 : i32, i32
  }
  func.func @transform_11(%arg0: i32) -> (i32, i32) {
    %c0_i32 = arith.constant 0 : i32
    %c0_i32_0 = arith.constant 0 : i32
    %c0_i32_1 = arith.constant 0 : i32
    return %c0_i32, %c0_i32_0 : i32, i32
  }
  func.func @transform_12(%arg0: i32) -> (i32, i32) {
    %c0_i32 = arith.constant 0 : i32
    %c0_i32_0 = arith.constant 0 : i32
    %c0_i32_1 = arith.constant 0 : i32
    return %c0_i32, %c0_i32_0 : i32, i32
  }
  func.func @transform_13(%arg0: i32) -> (i32, i32) {
    %c0_i32 = arith.constant 0 : i32
    %c0_i32_0 = arith.constant 0 : i32
    %c0_i32_1 = arith.constant 0 : i32
    return %c0_i32, %c0_i32_0 : i32, i32
  }
  func.func @transform_14(%arg0: i32) -> (i32, i32) {
    %c0_i32 = arith.constant 0 : i32
    %c0_i32_0 = arith.constant 0 : i32
    %c0_i32_1 = arith.constant 0 : i32
    return %c0_i32, %c0_i32_0 : i32, i32
  }
  func.func @transform_15(%arg0: i32) -> (i32, i32) {
    %c0_i32 = arith.constant 0 : i32
    %c0_i32_0 = arith.constant 0 : i32
    %c0_i32_1 = arith.constant 0 : i32
    return %c0_i32, %c0_i32_0 : i32, i32
  }
  func.func @transform_16(%arg0: i32) -> (i32, i32) {
    %c0_i32 = arith.constant 0 : i32
    %c0_i32_0 = arith.constant 0 : i32
    return %arg0, %c0_i32 : i32, i32
  }
}

module attributes {stable_mosaic.version = 14 : i64} {
  func.func @_fused_body(%arg0: i32, %arg1: memref<4096x128xf32, #tpu.memory_space<vmem>>, %arg2: memref<4096x128xf32, #tpu.memory_space<vmem>>, %arg3: memref<256x128xf32, #tpu.memory_space<vmem>>, %arg4: memref<2x64xf32, #tpu.memory_space<vmem>>, %arg5: memref<64x3xf32, #tpu.memory_space<vmem>>, %arg6: memref<1x64xf32, #tpu.memory_space<vmem>>, %arg7: memref<1x64xf32, #tpu.memory_space<vmem>>, %arg8: memref<1x64xf32, #tpu.memory_space<vmem>>, %arg9: memref<128x256xf32, #tpu.memory_space<vmem>>, %arg10: memref<128x64xf32, #tpu.memory_space<vmem>>, %arg11: memref<1x128xf32, #tpu.memory_space<vmem>>, %arg12: memref<1x128xf32, #tpu.memory_space<vmem>>, %arg13: memref<1x128xf32, #tpu.memory_space<vmem>>, %arg14: memref<1x128xf32, #tpu.memory_space<vmem>>, %arg15: memref<1x128xf32, #tpu.memory_space<vmem>>, %arg16: memref<1x128xf32, #tpu.memory_space<vmem>>, %arg17: memref<256x128xf32, #tpu.memory_space<vmem>>) attributes {dimension_semantics = [#tpu.dimension_semantics<arbitrary>], iteration_bounds = array<i64: 8>, scalar_prefetch = 0 : i64, scratch_operands = 0 : i64, tpu.core_type = #tpu.core_type<tc>, window_params = [{transform_indices = @transform_0, window_bounds = array<i64: 4096, 128>}, {transform_indices = @transform_1, window_bounds = array<i64: 4096, 128>}, {transform_indices = @transform_2, window_bounds = array<i64: 256, 128>}, {pipeline_mode = #tpu.pipeline_mode<synchronous>, transform_indices = @transform_3, window_bounds = array<i64: 2, 64>}, {pipeline_mode = #tpu.pipeline_mode<synchronous>, transform_indices = @transform_4, window_bounds = array<i64: 64, 3>}, {pipeline_mode = #tpu.pipeline_mode<synchronous>, transform_indices = @transform_5, window_bounds = array<i64: 1, 64>}, {pipeline_mode = #tpu.pipeline_mode<synchronous>, transform_indices = @transform_6, window_bounds = array<i64: 1, 64>}, {pipeline_mode = #tpu.pipeline_mode<synchronous>, transform_indices = @transform_7, window_bounds = array<i64: 1, 64>}, {pipeline_mode = #tpu.pipeline_mode<synchronous>, transform_indices = @transform_8, window_bounds = array<i64: 128, 256>}, {pipeline_mode = #tpu.pipeline_mode<synchronous>, transform_indices = @transform_9, window_bounds = array<i64: 128, 64>}, {pipeline_mode = #tpu.pipeline_mode<synchronous>, transform_indices = @transform_10, window_bounds = array<i64: 1, 128>}, {pipeline_mode = #tpu.pipeline_mode<synchronous>, transform_indices = @transform_11, window_bounds = array<i64: 1, 128>}, {pipeline_mode = #tpu.pipeline_mode<synchronous>, transform_indices = @transform_12, window_bounds = array<i64: 1, 128>}, {pipeline_mode = #tpu.pipeline_mode<synchronous>, transform_indices = @transform_13, window_bounds = array<i64: 1, 128>}, {pipeline_mode = #tpu.pipeline_mode<synchronous>, transform_indices = @transform_14, window_bounds = array<i64: 1, 128>}, {pipeline_mode = #tpu.pipeline_mode<synchronous>, transform_indices = @transform_15, window_bounds = array<i64: 1, 128>}, {transform_indices = @transform_16, window_bounds = array<i64: 256, 128>}]} {
    %get3A = arith.constant 0 : index
    %get3A_0 = arith.constant 0 : index
    %get3A_1 = vector.load %arg2[%get3A, %get3A_0] : memref<4096x128xf32, #tpu.memory_space<vmem>>, vector<4096x128xf32>
    %reshape3A = vector.shape_cast %get3A_1 : vector<4096x128xf32> to vector<256x16x128xf32>
    %get3A_2 = arith.constant 0 : index
    %get3A_3 = arith.constant 0 : index
    %get3A_4 = vector.load %arg3[%get3A_2, %get3A_3] : memref<256x128xf32, #tpu.memory_space<vmem>>, vector<256x128xf32>
    %reshape3A_5 = vector.shape_cast %get3A_4 : vector<256x128xf32> to vector<256x1x128xf32>
    %sub3A = vector.broadcast %reshape3A_5 : vector<256x1x128xf32> to vector<256x16x128xf32>
    %sub3A_6 = arith.subf %reshape3A, %sub3A : vector<256x16x128xf32>
    %reshape3A_7 = vector.shape_cast %sub3A_6 : vector<256x16x128xf32> to vector<4096x128xf32>
    %slice3A = vector.extract_strided_slice %reshape3A_7 {offsets = [0, 0], sizes = [4096, 3], strides = [1, 1]} : vector<4096x128xf32> to vector<4096x3xf32>
    %get3A_8 = arith.constant 0 : index
    %get3A_9 = arith.constant 0 : index
    %get3A_10 = vector.load %arg5[%get3A_8, %get3A_9] : memref<64x3xf32, #tpu.memory_space<vmem>>, vector<64x3xf32>
    %dot_general3A = arith.constant dense<0.000000e+00> : vector<4096x64xf32>
    %dot_general3A_11 = tpu.matmul %slice3A, %get3A_10, %dot_general3A {dimension_numbers = #tpu.dot_dimension_numbers<[1], [1], [0], [0], [0, 0, 1, 0], [], []>, transpose_lhs_hint = false} : vector<4096x3xf32>, vector<64x3xf32>, vector<4096x64xf32> -> vector<4096x64xf32>
    %get3A_12 = arith.constant 0 : index
    %get3A_13 = arith.constant 0 : index
    %get3A_14 = vector.load %arg6[%get3A_12, %get3A_13] : memref<1x64xf32, #tpu.memory_space<vmem>>, vector<1x64xf32>
    %add3A = vector.broadcast %get3A_14 : vector<1x64xf32> to vector<4096x64xf32>
    %add3A_15 = arith.addf %dot_general3A_11, %add3A : vector<4096x64xf32>
    %get3A_16 = arith.constant 0 : index
    %get3A_17 = arith.constant 0 : index
    %get3A_18 = vector.load %arg4[%get3A_16, %get3A_17] : memref<2x64xf32, #tpu.memory_space<vmem>>, vector<1x64xf32>
    %div3A = arith.constant 2.621440e+05 : f32
    %div3A_19 = vector.broadcast %div3A : f32 to vector<1x64xf32>
    %div3A_20 = arith.divf %get3A_18, %div3A_19 : vector<1x64xf32>
    %get3A_21 = arith.constant 1 : index
    %get3A_22 = arith.constant 0 : index
    %get3A_23 = vector.load %arg4[%get3A_21, %get3A_22] : memref<2x64xf32, #tpu.memory_space<vmem>>, vector<1x64xf32>
    %div3A_24 = arith.constant 2.621440e+05 : f32
    %div3A_25 = vector.broadcast %div3A_24 : f32 to vector<1x64xf32>
    %div3A_26 = arith.divf %get3A_23, %div3A_25 : vector<1x64xf32>
    %mul3A = arith.mulf %div3A_20, %div3A_20 : vector<1x64xf32>
    %sub3A_27 = arith.subf %div3A_26, %mul3A : vector<1x64xf32>
    %sub3A_28 = vector.broadcast %div3A_20 : vector<1x64xf32> to vector<4096x64xf32>
    %sub3A_29 = arith.subf %add3A_15, %sub3A_28 : vector<4096x64xf32>
    %add3A_30 = arith.constant 9.99999974E-6 : f32
    %add3A_31 = vector.broadcast %add3A_30 : f32 to vector<1x64xf32>
    %add3A_32 = arith.addf %sub3A_27, %add3A_31 : vector<1x64xf32>
    %sqrt3A = math.sqrt %add3A_32 : vector<1x64xf32>
    %div3A_33 = vector.broadcast %sqrt3A : vector<1x64xf32> to vector<4096x64xf32>
    %div3A_34 = arith.divf %sub3A_29, %div3A_33 : vector<4096x64xf32>
    %get3A_35 = arith.constant 0 : index
    %get3A_36 = arith.constant 0 : index
    %get3A_37 = vector.load %arg7[%get3A_35, %get3A_36] : memref<1x64xf32, #tpu.memory_space<vmem>>, vector<1x64xf32>
    %mul3A_38 = vector.broadcast %get3A_37 : vector<1x64xf32> to vector<4096x64xf32>
    %mul3A_39 = arith.mulf %div3A_34, %mul3A_38 : vector<4096x64xf32>
    %get3A_40 = arith.constant 0 : index
    %get3A_41 = arith.constant 0 : index
    %get3A_42 = vector.load %arg8[%get3A_40, %get3A_41] : memref<1x64xf32, #tpu.memory_space<vmem>>, vector<1x64xf32>
    %add3A_43 = vector.broadcast %get3A_42 : vector<1x64xf32> to vector<4096x64xf32>
    %add3A_44 = arith.addf %mul3A_39, %add3A_43 : vector<4096x64xf32>
    %logistic3A = arith.negf %add3A_44 : vector<4096x64xf32>
    %logistic3A_45 = math.exp %logistic3A : vector<4096x64xf32>
    %logistic3A_46 = arith.constant 1.000000e+00 : f32
    %logistic3A_47 = vector.broadcast %logistic3A_46 : f32 to vector<4096x64xf32>
    %logistic3A_48 = arith.addf %logistic3A_47, %logistic3A_45 : vector<4096x64xf32>
    %logistic3A_49 = arith.divf %logistic3A_47, %logistic3A_48 : vector<4096x64xf32>
    %mul3A_50 = arith.mulf %add3A_44, %logistic3A_49 : vector<4096x64xf32>
    %get3A_51 = arith.constant 0 : index
    %get3A_52 = arith.constant 128 : index
    %get3A_53 = vector.load %arg9[%get3A_51, %get3A_52] : memref<128x256xf32, #tpu.memory_space<vmem>>, vector<128x128xf32>
    %get3A_54 = arith.constant 0 : index
    %get3A_55 = arith.constant 0 : index
    %get3A_56 = vector.load %arg10[%get3A_54, %get3A_55] : memref<128x64xf32, #tpu.memory_space<vmem>>, vector<128x64xf32>
    %dot_general3A_57 = arith.constant dense<0.000000e+00> : vector<128x64xf32>
    %dot_general3A_58 = tpu.matmul %get3A_53, %get3A_56, %dot_general3A_57 {dimension_numbers = #tpu.dot_dimension_numbers<[1], [0], [0], [1], [0, 0, 1, 1], [], []>, transpose_lhs_hint = false} : vector<128x128xf32>, vector<128x64xf32>, vector<128x64xf32> -> vector<128x64xf32>
    %get3A_59 = arith.constant 0 : index
    %get3A_60 = arith.constant 0 : index
    %get3A_61 = vector.load %arg11[%get3A_59, %get3A_60] : memref<1x128xf32, #tpu.memory_space<vmem>>, vector<1x128xf32>
    %get3A_62 = arith.constant 0 : index
    %get3A_63 = arith.constant 128 : index
    %get3A_64 = vector.load %arg9[%get3A_62, %get3A_63] : memref<128x256xf32, #tpu.memory_space<vmem>>, vector<128x128xf32>
    %dot_general3A_65 = arith.constant dense<0.000000e+00> : vector<1x128xf32>
    %dot_general3A_66 = tpu.matmul %get3A_61, %get3A_64, %dot_general3A_65 {dimension_numbers = #tpu.dot_dimension_numbers<[1], [1], [0], [0], [0, 0, 1, 0], [], []>, transpose_lhs_hint = false} : vector<1x128xf32>, vector<128x128xf32>, vector<1x128xf32> -> vector<1x128xf32>
    %get3A_67 = arith.constant 0 : index
    %get3A_68 = arith.constant 0 : index
    %get3A_69 = vector.load %arg1[%get3A_67, %get3A_68] : memref<4096x128xf32, #tpu.memory_space<vmem>>, vector<4096x128xf32>
    %dot_general3A_70 = arith.constant dense<0.000000e+00> : vector<4096x128xf32>
    %dot_general3A_71 = tpu.matmul %mul3A_50, %dot_general3A_58, %dot_general3A_70 {dimension_numbers = #tpu.dot_dimension_numbers<[1], [1], [0], [0], [0, 0, 1, 0], [], []>, transpose_lhs_hint = false} : vector<4096x64xf32>, vector<128x64xf32>, vector<4096x128xf32> -> vector<4096x128xf32>
    %add3A_72 = arith.addf %get3A_69, %dot_general3A_71 : vector<4096x128xf32>
    %add3A_73 = vector.broadcast %dot_general3A_66 : vector<1x128xf32> to vector<4096x128xf32>
    %add3A_74 = arith.addf %add3A_72, %add3A_73 : vector<4096x128xf32>
    %get3A_75 = arith.constant 0 : index
    %get3A_76 = arith.constant 0 : index
    %get3A_77 = vector.load %arg12[%get3A_75, %get3A_76] : memref<1x128xf32, #tpu.memory_space<vmem>>, vector<1x128xf32>
    %add3A_78 = vector.broadcast %get3A_77 : vector<1x128xf32> to vector<4096x128xf32>
    %add3A_79 = arith.addf %add3A_74, %add3A_78 : vector<4096x128xf32>
    %reduce_sum3A = arith.constant dense<0.000000e+00> : vector<4096xf32>
    %reduce_sum3A_80 = vector.multi_reduction <add>, %add3A_79, %reduce_sum3A [1] : vector<4096x128xf32> to vector<4096xf32>
    %broadcast_in_dim3A = vector.shape_cast %reduce_sum3A_80 : vector<4096xf32> to vector<4096x1xf32>
    %div3A_81 = arith.constant 1.280000e+02 : f32
    %div3A_82 = vector.broadcast %div3A_81 : f32 to vector<4096x1xf32>
    %div3A_83 = arith.divf %broadcast_in_dim3A, %div3A_82 : vector<4096x1xf32>
    %sub3A_84 = vector.broadcast %div3A_83 : vector<4096x1xf32> to vector<4096x128xf32>
    %sub3A_85 = arith.subf %add3A_79, %sub3A_84 : vector<4096x128xf32>
    %integer_pow3A = arith.mulf %sub3A_85, %sub3A_85 : vector<4096x128xf32>
    %reduce_sum3A_86 = arith.constant dense<0.000000e+00> : vector<4096xf32>
    %reduce_sum3A_87 = vector.multi_reduction <add>, %integer_pow3A, %reduce_sum3A_86 [1] : vector<4096x128xf32> to vector<4096xf32>
    %broadcast_in_dim3A_88 = vector.shape_cast %reduce_sum3A_87 : vector<4096xf32> to vector<4096x1xf32>
    %div3A_89 = arith.constant 1.280000e+02 : f32
    %div3A_90 = vector.broadcast %div3A_89 : f32 to vector<4096x1xf32>
    %div3A_91 = arith.divf %broadcast_in_dim3A_88, %div3A_90 : vector<4096x1xf32>
    %sub3A_92 = vector.broadcast %div3A_83 : vector<4096x1xf32> to vector<4096x128xf32>
    %sub3A_93 = arith.subf %add3A_79, %sub3A_92 : vector<4096x128xf32>
    %add3A_94 = arith.constant 9.99999974E-6 : f32
    %add3A_95 = vector.broadcast %add3A_94 : f32 to vector<4096x1xf32>
    %add3A_96 = arith.addf %div3A_91, %add3A_95 : vector<4096x1xf32>
    %sqrt3A_97 = math.sqrt %add3A_96 : vector<4096x1xf32>
    %div3A_98 = vector.broadcast %sqrt3A_97 : vector<4096x1xf32> to vector<4096x128xf32>
    %div3A_99 = arith.divf %sub3A_93, %div3A_98 : vector<4096x128xf32>
    %get3A_100 = arith.constant 0 : index
    %get3A_101 = arith.constant 0 : index
    %get3A_102 = vector.load %arg13[%get3A_100, %get3A_101] : memref<1x128xf32, #tpu.memory_space<vmem>>, vector<1x128xf32>
    %mul3A_103 = vector.broadcast %get3A_102 : vector<1x128xf32> to vector<4096x128xf32>
    %mul3A_104 = arith.mulf %div3A_99, %mul3A_103 : vector<4096x128xf32>
    %get3A_105 = arith.constant 0 : index
    %get3A_106 = arith.constant 0 : index
    %get3A_107 = vector.load %arg14[%get3A_105, %get3A_106] : memref<1x128xf32, #tpu.memory_space<vmem>>, vector<1x128xf32>
    %add3A_108 = vector.broadcast %get3A_107 : vector<1x128xf32> to vector<4096x128xf32>
    %add3A_109 = arith.addf %mul3A_104, %add3A_108 : vector<4096x128xf32>
    %logistic3A_110 = arith.negf %add3A_109 : vector<4096x128xf32>
    %logistic3A_111 = math.exp %logistic3A_110 : vector<4096x128xf32>
    %logistic3A_112 = arith.constant 1.000000e+00 : f32
    %logistic3A_113 = vector.broadcast %logistic3A_112 : f32 to vector<4096x128xf32>
    %logistic3A_114 = arith.addf %logistic3A_113, %logistic3A_111 : vector<4096x128xf32>
    %logistic3A_115 = arith.divf %logistic3A_113, %logistic3A_114 : vector<4096x128xf32>
    %mul3A_116 = arith.mulf %add3A_109, %logistic3A_115 : vector<4096x128xf32>
    %get3A_117 = arith.constant 0 : index
    %get3A_118 = arith.constant 0 : index
    %get3A_119 = vector.load %arg15[%get3A_117, %get3A_118] : memref<1x128xf32, #tpu.memory_space<vmem>>, vector<1x128xf32>
    %mul3A_120 = vector.broadcast %get3A_119 : vector<1x128xf32> to vector<4096x128xf32>
    %mul3A_121 = arith.mulf %mul3A_120, %mul3A_116 : vector<4096x128xf32>
    %get3A_122 = arith.constant 0 : index
    %get3A_123 = arith.constant 0 : index
    %get3A_124 = vector.load %arg16[%get3A_122, %get3A_123] : memref<1x128xf32, #tpu.memory_space<vmem>>, vector<1x128xf32>
    %add3A_125 = vector.broadcast %get3A_124 : vector<1x128xf32> to vector<4096x128xf32>
    %add3A_126 = arith.addf %mul3A_121, %add3A_125 : vector<4096x128xf32>
    %reshape3A_127 = vector.shape_cast %add3A_126 : vector<4096x128xf32> to vector<256x16x128xf32>
    %reduce_sum3A_128 = arith.constant dense<0.000000e+00> : vector<256x16xf32>
    %reduce_sum3A_129 = vector.multi_reduction <add>, %reshape3A_127, %reduce_sum3A_128 [2] : vector<256x16x128xf32> to vector<256x16xf32>
    %reduce_max3A = arith.constant dense<0xFF800000> : vector<256xf32>
    %reduce_max3A_130 = vector.multi_reduction <maximumf>, %reduce_sum3A_129, %reduce_max3A [1] : vector<256x16xf32> to vector<256xf32>
    %broadcast_in_dim3A_131 = vector.shape_cast %reduce_max3A_130 : vector<256xf32> to vector<256x1xf32>
    %sub3A_132 = vector.broadcast %broadcast_in_dim3A_131 : vector<256x1xf32> to vector<256x16xf32>
    %sub3A_133 = arith.subf %reduce_sum3A_129, %sub3A_132 : vector<256x16xf32>
    %exp3A = math.exp %sub3A_133 : vector<256x16xf32>
    %reduce_sum3A_134 = arith.constant dense<0.000000e+00> : vector<256xf32>
    %reduce_sum3A_135 = vector.multi_reduction <add>, %exp3A, %reduce_sum3A_134 [1] : vector<256x16xf32> to vector<256xf32>
    %broadcast_in_dim3A_136 = vector.shape_cast %reduce_sum3A_135 : vector<256xf32> to vector<256x1xf32>
    %div3A_137 = vector.broadcast %broadcast_in_dim3A_136 : vector<256x1xf32> to vector<256x16xf32>
    %div3A_138 = arith.divf %exp3A, %div3A_137 : vector<256x16xf32>
    %broadcast_in_dim3A_139 = vector.shape_cast %div3A_138 : vector<256x16xf32> to vector<256x16x1xf32>
    %mul3A_140 = vector.broadcast %broadcast_in_dim3A_139 : vector<256x16x1xf32> to vector<256x16x128xf32>
    %mul3A_141 = arith.mulf %reshape3A_127, %mul3A_140 : vector<256x16x128xf32>
    %reduce_sum3A_142 = arith.constant dense<0.000000e+00> : vector<256x128xf32>
    %reduce_sum3A_143 = vector.multi_reduction <add>, %mul3A_141, %reduce_sum3A_142 [1] : vector<256x16x128xf32> to vector<256x128xf32>
    %swap3A = arith.constant 0 : index
    %swap3A_144 = arith.constant 0 : index
    %swap3A_145 = vector.load %arg17[%swap3A, %swap3A_144] : memref<256x128xf32, #tpu.memory_space<vmem>>, vector<256x128xf32>
    tpu.vector_store %arg17[%swap3A, %swap3A_144], %reduce_sum3A_143 {strides = array<i32>} : memref<256x128xf32, #tpu.memory_space<vmem>>, vector<256x128xf32>,
    return
  }
  func.func @transform_0(%arg0: i32) -> (i32, i32) {
    %c0_i32 = arith.constant 0 : i32
    %c0_i32_0 = arith.constant 0 : i32
    return %arg0, %c0_i32 : i32, i32
  }
  func.func @transform_1(%arg0: i32) -> (i32, i32) {
    %c0_i32 = arith.constant 0 : i32
    %c0_i32_0 = arith.constant 0 : i32
    return %arg0, %c0_i32 : i32, i32
  }
  func.func @transform_2(%arg0: i32) -> (i32, i32) {
    %c0_i32 = arith.constant 0 : i32
    %c0_i32_0 = arith.constant 0 : i32
    return %arg0, %c0_i32 : i32, i32
  }
  func.func @transform_3(%arg0: i32) -> (i32, i32) {
    %c0_i32 = arith.constant 0 : i32
    %c0_i32_0 = arith.constant 0 : i32
    %c0_i32_1 = arith.constant 0 : i32
    return %c0_i32, %c0_i32_0 : i32, i32
  }
  func.func @transform_4(%arg0: i32) -> (i32, i32) {
    %c0_i32 = arith.constant 0 : i32
    %c0_i32_0 = arith.constant 0 : i32
    %c0_i32_1 = arith.constant 0 : i32
    return %c0_i32, %c0_i32_0 : i32, i32
  }
  func.func @transform_5(%arg0: i32) -> (i32, i32) {
    %c0_i32 = arith.constant 0 : i32
    %c0_i32_0 = arith.constant 0 : i32
    %c0_i32_1 = arith.constant 0 : i32
    return %c0_i32, %c0_i32_0 : i32, i32
  }
  func.func @transform_6(%arg0: i32) -> (i32, i32) {
    %c0_i32 = arith.constant 0 : i32
    %c0_i32_0 = arith.constant 0 : i32
    %c0_i32_1 = arith.constant 0 : i32
    return %c0_i32, %c0_i32_0 : i32, i32
  }
  func.func @transform_7(%arg0: i32) -> (i32, i32) {
    %c0_i32 = arith.constant 0 : i32
    %c0_i32_0 = arith.constant 0 : i32
    %c0_i32_1 = arith.constant 0 : i32
    return %c0_i32, %c0_i32_0 : i32, i32
  }
  func.func @transform_8(%arg0: i32) -> (i32, i32) {
    %c0_i32 = arith.constant 0 : i32
    %c0_i32_0 = arith.constant 0 : i32
    %c0_i32_1 = arith.constant 0 : i32
    return %c0_i32, %c0_i32_0 : i32, i32
  }
  func.func @transform_9(%arg0: i32) -> (i32, i32) {
    %c0_i32 = arith.constant 0 : i32
    %c0_i32_0 = arith.constant 0 : i32
    %c0_i32_1 = arith.constant 0 : i32
    return %c0_i32, %c0_i32_0 : i32, i32
  }
  func.func @transform_10(%arg0: i32) -> (i32, i32) {
    %c0_i32 = arith.constant 0 : i32
    %c0_i32_0 = arith.constant 0 : i32
    %c0_i32_1 = arith.constant 0 : i32
    return %c0_i32, %c0_i32_0 : i32, i32
  }
  func.func @transform_11(%arg0: i32) -> (i32, i32) {
    %c0_i32 = arith.constant 0 : i32
    %c0_i32_0 = arith.constant 0 : i32
    %c0_i32_1 = arith.constant 0 : i32
    return %c0_i32, %c0_i32_0 : i32, i32
  }
  func.func @transform_12(%arg0: i32) -> (i32, i32) {
    %c0_i32 = arith.constant 0 : i32
    %c0_i32_0 = arith.constant 0 : i32
    %c0_i32_1 = arith.constant 0 : i32
    return %c0_i32, %c0_i32_0 : i32, i32
  }
  func.func @transform_13(%arg0: i32) -> (i32, i32) {
    %c0_i32 = arith.constant 0 : i32
    %c0_i32_0 = arith.constant 0 : i32
    %c0_i32_1 = arith.constant 0 : i32
    return %c0_i32, %c0_i32_0 : i32, i32
  }
  func.func @transform_14(%arg0: i32) -> (i32, i32) {
    %c0_i32 = arith.constant 0 : i32
    %c0_i32_0 = arith.constant 0 : i32
    %c0_i32_1 = arith.constant 0 : i32
    return %c0_i32, %c0_i32_0 : i32, i32
  }
  func.func @transform_15(%arg0: i32) -> (i32, i32) {
    %c0_i32 = arith.constant 0 : i32
    %c0_i32_0 = arith.constant 0 : i32
    %c0_i32_1 = arith.constant 0 : i32
    return %c0_i32, %c0_i32_0 : i32, i32
  }
  func.func @transform_16(%arg0: i32) -> (i32, i32) {
    %c0_i32 = arith.constant 0 : i32
    %c0_i32_0 = arith.constant 0 : i32
    return %arg0, %c0_i32 : i32, i32
  }
}

module attributes {stable_mosaic.version = 14 : i64} {
  func.func @_fused_body(%arg0: i32, %arg1: memref<4096x128xf32, #tpu.memory_space<vmem>>, %arg2: memref<4096x128xf32, #tpu.memory_space<vmem>>, %arg3: memref<256x128xf32, #tpu.memory_space<vmem>>, %arg4: memref<2x64xf32, #tpu.memory_space<vmem>>, %arg5: memref<64x3xf32, #tpu.memory_space<vmem>>, %arg6: memref<1x64xf32, #tpu.memory_space<vmem>>, %arg7: memref<1x64xf32, #tpu.memory_space<vmem>>, %arg8: memref<1x64xf32, #tpu.memory_space<vmem>>, %arg9: memref<128x256xf32, #tpu.memory_space<vmem>>, %arg10: memref<128x64xf32, #tpu.memory_space<vmem>>, %arg11: memref<1x128xf32, #tpu.memory_space<vmem>>, %arg12: memref<1x128xf32, #tpu.memory_space<vmem>>, %arg13: memref<1x128xf32, #tpu.memory_space<vmem>>, %arg14: memref<1x128xf32, #tpu.memory_space<vmem>>, %arg15: memref<1x128xf32, #tpu.memory_space<vmem>>, %arg16: memref<1x128xf32, #tpu.memory_space<vmem>>, %arg17: memref<256x128xf32, #tpu.memory_space<vmem>>) attributes {dimension_semantics = [#tpu.dimension_semantics<arbitrary>], iteration_bounds = array<i64: 8>, scalar_prefetch = 0 : i64, scratch_operands = 0 : i64, tpu.core_type = #tpu.core_type<tc>, window_params = [{transform_indices = @transform_0, window_bounds = array<i64: 4096, 128>}, {transform_indices = @transform_1, window_bounds = array<i64: 4096, 128>}, {transform_indices = @transform_2, window_bounds = array<i64: 256, 128>}, {pipeline_mode = #tpu.pipeline_mode<synchronous>, transform_indices = @transform_3, window_bounds = array<i64: 2, 64>}, {pipeline_mode = #tpu.pipeline_mode<synchronous>, transform_indices = @transform_4, window_bounds = array<i64: 64, 3>}, {pipeline_mode = #tpu.pipeline_mode<synchronous>, transform_indices = @transform_5, window_bounds = array<i64: 1, 64>}, {pipeline_mode = #tpu.pipeline_mode<synchronous>, transform_indices = @transform_6, window_bounds = array<i64: 1, 64>}, {pipeline_mode = #tpu.pipeline_mode<synchronous>, transform_indices = @transform_7, window_bounds = array<i64: 1, 64>}, {pipeline_mode = #tpu.pipeline_mode<synchronous>, transform_indices = @transform_8, window_bounds = array<i64: 128, 256>}, {pipeline_mode = #tpu.pipeline_mode<synchronous>, transform_indices = @transform_9, window_bounds = array<i64: 128, 64>}, {pipeline_mode = #tpu.pipeline_mode<synchronous>, transform_indices = @transform_10, window_bounds = array<i64: 1, 128>}, {pipeline_mode = #tpu.pipeline_mode<synchronous>, transform_indices = @transform_11, window_bounds = array<i64: 1, 128>}, {pipeline_mode = #tpu.pipeline_mode<synchronous>, transform_indices = @transform_12, window_bounds = array<i64: 1, 128>}, {pipeline_mode = #tpu.pipeline_mode<synchronous>, transform_indices = @transform_13, window_bounds = array<i64: 1, 128>}, {pipeline_mode = #tpu.pipeline_mode<synchronous>, transform_indices = @transform_14, window_bounds = array<i64: 1, 128>}, {pipeline_mode = #tpu.pipeline_mode<synchronous>, transform_indices = @transform_15, window_bounds = array<i64: 1, 128>}, {transform_indices = @transform_16, window_bounds = array<i64: 256, 128>}]} {
    %get3A = arith.constant 0 : index
    %get3A_0 = arith.constant 0 : index
    %get3A_1 = vector.load %arg2[%get3A, %get3A_0] : memref<4096x128xf32, #tpu.memory_space<vmem>>, vector<4096x128xf32>
    %reshape3A = vector.shape_cast %get3A_1 : vector<4096x128xf32> to vector<256x16x128xf32>
    %get3A_2 = arith.constant 0 : index
    %get3A_3 = arith.constant 0 : index
    %get3A_4 = vector.load %arg3[%get3A_2, %get3A_3] : memref<256x128xf32, #tpu.memory_space<vmem>>, vector<256x128xf32>
    %reshape3A_5 = vector.shape_cast %get3A_4 : vector<256x128xf32> to vector<256x1x128xf32>
    %sub3A = vector.broadcast %reshape3A_5 : vector<256x1x128xf32> to vector<256x16x128xf32>
    %sub3A_6 = arith.subf %reshape3A, %sub3A : vector<256x16x128xf32>
    %reshape3A_7 = vector.shape_cast %sub3A_6 : vector<256x16x128xf32> to vector<4096x128xf32>
    %slice3A = vector.extract_strided_slice %reshape3A_7 {offsets = [0, 0], sizes = [4096, 3], strides = [1, 1]} : vector<4096x128xf32> to vector<4096x3xf32>
    %get3A_8 = arith.constant 0 : index
    %get3A_9 = arith.constant 0 : index
    %get3A_10 = vector.load %arg5[%get3A_8, %get3A_9] : memref<64x3xf32, #tpu.memory_space<vmem>>, vector<64x3xf32>
    %dot_general3A = arith.constant dense<0.000000e+00> : vector<4096x64xf32>
    %dot_general3A_11 = tpu.matmul %slice3A, %get3A_10, %dot_general3A {dimension_numbers = #tpu.dot_dimension_numbers<[1], [1], [0], [0], [0, 0, 1, 0], [], []>, transpose_lhs_hint = false} : vector<4096x3xf32>, vector<64x3xf32>, vector<4096x64xf32> -> vector<4096x64xf32>
    %get3A_12 = arith.constant 0 : index
    %get3A_13 = arith.constant 0 : index
    %get3A_14 = vector.load %arg6[%get3A_12, %get3A_13] : memref<1x64xf32, #tpu.memory_space<vmem>>, vector<1x64xf32>
    %add3A = vector.broadcast %get3A_14 : vector<1x64xf32> to vector<4096x64xf32>
    %add3A_15 = arith.addf %dot_general3A_11, %add3A : vector<4096x64xf32>
    %get3A_16 = arith.constant 0 : index
    %get3A_17 = arith.constant 0 : index
    %get3A_18 = vector.load %arg4[%get3A_16, %get3A_17] : memref<2x64xf32, #tpu.memory_space<vmem>>, vector<1x64xf32>
    %div3A = arith.constant 2.621440e+05 : f32
    %div3A_19 = vector.broadcast %div3A : f32 to vector<1x64xf32>
    %div3A_20 = arith.divf %get3A_18, %div3A_19 : vector<1x64xf32>
    %get3A_21 = arith.constant 1 : index
    %get3A_22 = arith.constant 0 : index
    %get3A_23 = vector.load %arg4[%get3A_21, %get3A_22] : memref<2x64xf32, #tpu.memory_space<vmem>>, vector<1x64xf32>
    %div3A_24 = arith.constant 2.621440e+05 : f32
    %div3A_25 = vector.broadcast %div3A_24 : f32 to vector<1x64xf32>
    %div3A_26 = arith.divf %get3A_23, %div3A_25 : vector<1x64xf32>
    %mul3A = arith.mulf %div3A_20, %div3A_20 : vector<1x64xf32>
    %sub3A_27 = arith.subf %div3A_26, %mul3A : vector<1x64xf32>
    %sub3A_28 = vector.broadcast %div3A_20 : vector<1x64xf32> to vector<4096x64xf32>
    %sub3A_29 = arith.subf %add3A_15, %sub3A_28 : vector<4096x64xf32>
    %add3A_30 = arith.constant 9.99999974E-6 : f32
    %add3A_31 = vector.broadcast %add3A_30 : f32 to vector<1x64xf32>
    %add3A_32 = arith.addf %sub3A_27, %add3A_31 : vector<1x64xf32>
    %sqrt3A = math.sqrt %add3A_32 : vector<1x64xf32>
    %div3A_33 = vector.broadcast %sqrt3A : vector<1x64xf32> to vector<4096x64xf32>
    %div3A_34 = arith.divf %sub3A_29, %div3A_33 : vector<4096x64xf32>
    %get3A_35 = arith.constant 0 : index
    %get3A_36 = arith.constant 0 : index
    %get3A_37 = vector.load %arg7[%get3A_35, %get3A_36] : memref<1x64xf32, #tpu.memory_space<vmem>>, vector<1x64xf32>
    %mul3A_38 = vector.broadcast %get3A_37 : vector<1x64xf32> to vector<4096x64xf32>
    %mul3A_39 = arith.mulf %div3A_34, %mul3A_38 : vector<4096x64xf32>
    %get3A_40 = arith.constant 0 : index
    %get3A_41 = arith.constant 0 : index
    %get3A_42 = vector.load %arg8[%get3A_40, %get3A_41] : memref<1x64xf32, #tpu.memory_space<vmem>>, vector<1x64xf32>
    %add3A_43 = vector.broadcast %get3A_42 : vector<1x64xf32> to vector<4096x64xf32>
    %add3A_44 = arith.addf %mul3A_39, %add3A_43 : vector<4096x64xf32>
    %logistic3A = arith.negf %add3A_44 : vector<4096x64xf32>
    %logistic3A_45 = math.exp %logistic3A : vector<4096x64xf32>
    %logistic3A_46 = arith.constant 1.000000e+00 : f32
    %logistic3A_47 = vector.broadcast %logistic3A_46 : f32 to vector<4096x64xf32>
    %logistic3A_48 = arith.addf %logistic3A_47, %logistic3A_45 : vector<4096x64xf32>
    %logistic3A_49 = arith.divf %logistic3A_47, %logistic3A_48 : vector<4096x64xf32>
    %mul3A_50 = arith.mulf %add3A_44, %logistic3A_49 : vector<4096x64xf32>
    %get3A_51 = arith.constant 0 : index
    %get3A_52 = arith.constant 128 : index
    %get3A_53 = vector.load %arg9[%get3A_51, %get3A_52] : memref<128x256xf32, #tpu.memory_space<vmem>>, vector<128x128xf32>
    %get3A_54 = arith.constant 0 : index
    %get3A_55 = arith.constant 0 : index
    %get3A_56 = vector.load %arg10[%get3A_54, %get3A_55] : memref<128x64xf32, #tpu.memory_space<vmem>>, vector<128x64xf32>
    %dot_general3A_57 = arith.constant dense<0.000000e+00> : vector<128x64xf32>
    %dot_general3A_58 = tpu.matmul %get3A_53, %get3A_56, %dot_general3A_57 {dimension_numbers = #tpu.dot_dimension_numbers<[1], [0], [0], [1], [0, 0, 1, 1], [], []>, transpose_lhs_hint = false} : vector<128x128xf32>, vector<128x64xf32>, vector<128x64xf32> -> vector<128x64xf32>
    %get3A_59 = arith.constant 0 : index
    %get3A_60 = arith.constant 0 : index
    %get3A_61 = vector.load %arg11[%get3A_59, %get3A_60] : memref<1x128xf32, #tpu.memory_space<vmem>>, vector<1x128xf32>
    %get3A_62 = arith.constant 0 : index
    %get3A_63 = arith.constant 128 : index
    %get3A_64 = vector.load %arg9[%get3A_62, %get3A_63] : memref<128x256xf32, #tpu.memory_space<vmem>>, vector<128x128xf32>
    %dot_general3A_65 = arith.constant dense<0.000000e+00> : vector<1x128xf32>
    %dot_general3A_66 = tpu.matmul %get3A_61, %get3A_64, %dot_general3A_65 {dimension_numbers = #tpu.dot_dimension_numbers<[1], [1], [0], [0], [0, 0, 1, 0], [], []>, transpose_lhs_hint = false} : vector<1x128xf32>, vector<128x128xf32>, vector<1x128xf32> -> vector<1x128xf32>
    %get3A_67 = arith.constant 0 : index
    %get3A_68 = arith.constant 0 : index
    %get3A_69 = vector.load %arg1[%get3A_67, %get3A_68] : memref<4096x128xf32, #tpu.memory_space<vmem>>, vector<4096x128xf32>
    %dot_general3A_70 = arith.constant dense<0.000000e+00> : vector<4096x128xf32>
    %dot_general3A_71 = tpu.matmul %mul3A_50, %dot_general3A_58, %dot_general3A_70 {dimension_numbers = #tpu.dot_dimension_numbers<[1], [1], [0], [0], [0, 0, 1, 0], [], []>, transpose_lhs_hint = false} : vector<4096x64xf32>, vector<128x64xf32>, vector<4096x128xf32> -> vector<4096x128xf32>
    %add3A_72 = arith.addf %get3A_69, %dot_general3A_71 : vector<4096x128xf32>
    %add3A_73 = vector.broadcast %dot_general3A_66 : vector<1x128xf32> to vector<4096x128xf32>
    %add3A_74 = arith.addf %add3A_72, %add3A_73 : vector<4096x128xf32>
    %get3A_75 = arith.constant 0 : index
    %get3A_76 = arith.constant 0 : index
    %get3A_77 = vector.load %arg12[%get3A_75, %get3A_76] : memref<1x128xf32, #tpu.memory_space<vmem>>, vector<1x128xf32>
    %add3A_78 = vector.broadcast %get3A_77 : vector<1x128xf32> to vector<4096x128xf32>
    %add3A_79 = arith.addf %add3A_74, %add3A_78 : vector<4096x128xf32>
    %reduce_sum3A = arith.constant dense<0.000000e+00> : vector<4096xf32>
    %reduce_sum3A_80 = vector.multi_reduction <add>, %add3A_79, %reduce_sum3A [1] : vector<4096x128xf32> to vector<4096xf32>
    %broadcast_in_dim3A = vector.shape_cast %reduce_sum3A_80 : vector<4096xf32> to vector<4096x1xf32>
    %div3A_81 = arith.constant 1.280000e+02 : f32
    %div3A_82 = vector.broadcast %div3A_81 : f32 to vector<4096x1xf32>
    %div3A_83 = arith.divf %broadcast_in_dim3A, %div3A_82 : vector<4096x1xf32>
    %sub3A_84 = vector.broadcast %div3A_83 : vector<4096x1xf32> to vector<4096x128xf32>
    %sub3A_85 = arith.subf %add3A_79, %sub3A_84 : vector<4096x128xf32>
    %integer_pow3A = arith.mulf %sub3A_85, %sub3A_85 : vector<4096x128xf32>
    %reduce_sum3A_86 = arith.constant dense<0.000000e+00> : vector<4096xf32>
    %reduce_sum3A_87 = vector.multi_reduction <add>, %integer_pow3A, %reduce_sum3A_86 [1] : vector<4096x128xf32> to vector<4096xf32>
    %broadcast_in_dim3A_88 = vector.shape_cast %reduce_sum3A_87 : vector<4096xf32> to vector<4096x1xf32>
    %div3A_89 = arith.constant 1.280000e+02 : f32
    %div3A_90 = vector.broadcast %div3A_89 : f32 to vector<4096x1xf32>
    %div3A_91 = arith.divf %broadcast_in_dim3A_88, %div3A_90 : vector<4096x1xf32>
    %sub3A_92 = vector.broadcast %div3A_83 : vector<4096x1xf32> to vector<4096x128xf32>
    %sub3A_93 = arith.subf %add3A_79, %sub3A_92 : vector<4096x128xf32>
    %add3A_94 = arith.constant 9.99999974E-6 : f32
    %add3A_95 = vector.broadcast %add3A_94 : f32 to vector<4096x1xf32>
    %add3A_96 = arith.addf %div3A_91, %add3A_95 : vector<4096x1xf32>
    %sqrt3A_97 = math.sqrt %add3A_96 : vector<4096x1xf32>
    %div3A_98 = vector.broadcast %sqrt3A_97 : vector<4096x1xf32> to vector<4096x128xf32>
    %div3A_99 = arith.divf %sub3A_93, %div3A_98 : vector<4096x128xf32>
    %get3A_100 = arith.constant 0 : index
    %get3A_101 = arith.constant 0 : index
    %get3A_102 = vector.load %arg13[%get3A_100, %get3A_101] : memref<1x128xf32, #tpu.memory_space<vmem>>, vector<1x128xf32>
    %mul3A_103 = vector.broadcast %get3A_102 : vector<1x128xf32> to vector<4096x128xf32>
    %mul3A_104 = arith.mulf %div3A_99, %mul3A_103 : vector<4096x128xf32>
    %get3A_105 = arith.constant 0 : index
    %get3A_106 = arith.constant 0 : index
    %get3A_107 = vector.load %arg14[%get3A_105, %get3A_106] : memref<1x128xf32, #tpu.memory_space<vmem>>, vector<1x128xf32>
    %add3A_108 = vector.broadcast %get3A_107 : vector<1x128xf32> to vector<4096x128xf32>
    %add3A_109 = arith.addf %mul3A_104, %add3A_108 : vector<4096x128xf32>
    %logistic3A_110 = arith.negf %add3A_109 : vector<4096x128xf32>
    %logistic3A_111 = math.exp %logistic3A_110 : vector<4096x128xf32>
    %logistic3A_112 = arith.constant 1.000000e+00 : f32
    %logistic3A_113 = vector.broadcast %logistic3A_112 : f32 to vector<4096x128xf32>
    %logistic3A_114 = arith.addf %logistic3A_113, %logistic3A_111 : vector<4096x128xf32>
    %logistic3A_115 = arith.divf %logistic3A_113, %logistic3A_114 : vector<4096x128xf32>
    %mul3A_116 = arith.mulf %add3A_109, %logistic3A_115 : vector<4096x128xf32>
    %get3A_117 = arith.constant 0 : index
    %get3A_118 = arith.constant 0 : index
    %get3A_119 = vector.load %arg15[%get3A_117, %get3A_118] : memref<1x128xf32, #tpu.memory_space<vmem>>, vector<1x128xf32>
    %mul3A_120 = vector.broadcast %get3A_119 : vector<1x128xf32> to vector<4096x128xf32>
    %mul3A_121 = arith.mulf %mul3A_120, %mul3A_116 : vector<4096x128xf32>
    %get3A_122 = arith.constant 0 : index
    %get3A_123 = arith.constant 0 : index
    %get3A_124 = vector.load %arg16[%get3A_122, %get3A_123] : memref<1x128xf32, #tpu.memory_space<vmem>>, vector<1x128xf32>
    %add3A_125 = vector.broadcast %get3A_124 : vector<1x128xf32> to vector<4096x128xf32>
    %add3A_126 = arith.addf %mul3A_121, %add3A_125 : vector<4096x128xf32>
    %reshape3A_127 = vector.shape_cast %add3A_126 : vector<4096x128xf32> to vector<256x16x128xf32>
    %reduce_sum3A_128 = arith.constant dense<0.000000e+00> : vector<256x16xf32>
    %reduce_sum3A_129 = vector.multi_reduction <add>, %reshape3A_127, %reduce_sum3A_128 [2] : vector<256x16x128xf32> to vector<256x16xf32>
    %reduce_max3A = arith.constant dense<0xFF800000> : vector<256xf32>
    %reduce_max3A_130 = vector.multi_reduction <maximumf>, %reduce_sum3A_129, %reduce_max3A [1] : vector<256x16xf32> to vector<256xf32>
    %broadcast_in_dim3A_131 = vector.shape_cast %reduce_max3A_130 : vector<256xf32> to vector<256x1xf32>
    %sub3A_132 = vector.broadcast %broadcast_in_dim3A_131 : vector<256x1xf32> to vector<256x16xf32>
    %sub3A_133 = arith.subf %reduce_sum3A_129, %sub3A_132 : vector<256x16xf32>
    %exp3A = math.exp %sub3A_133 : vector<256x16xf32>
    %reduce_sum3A_134 = arith.constant dense<0.000000e+00> : vector<256xf32>
    %reduce_sum3A_135 = vector.multi_reduction <add>, %exp3A, %reduce_sum3A_134 [1] : vector<256x16xf32> to vector<256xf32>
    %broadcast_in_dim3A_136 = vector.shape_cast %reduce_sum3A_135 : vector<256xf32> to vector<256x1xf32>
    %div3A_137 = vector.broadcast %broadcast_in_dim3A_136 : vector<256x1xf32> to vector<256x16xf32>
    %div3A_138 = arith.divf %exp3A, %div3A_137 : vector<256x16xf32>
    %broadcast_in_dim3A_139 = vector.shape_cast %div3A_138 : vector<256x16xf32> to vector<256x16x1xf32>
    %mul3A_140 = vector.broadcast %broadcast_in_dim3A_139 : vector<256x16x1xf32> to vector<256x16x128xf32>
    %mul3A_141 = arith.mulf %reshape3A_127, %mul3A_140 : vector<256x16x128xf32>
    %reduce_sum3A_142 = arith.constant dense<0.000000e+00> : vector<256x128xf32>
    %reduce_sum3A_143 = vector.multi_reduction <add>, %mul3A_141, %reduce_sum3A_142 [1] : vector<256x16x128xf32> to vector<256x128xf32>
    %swap3A = arith.constant 0 : index
    %swap3A_144 = arith.constant 0 : index
    %swap3A_145 = vector.load %arg17[%swap3A, %swap3A_144] : memref<256x128xf32, #tpu.memory_space<vmem>>, vector<256x128xf32>
    tpu.vector_store %arg17[%swap3A, %swap3A_144], %reduce_sum3A_143 {strides = array<i32>} : memref<256x128xf32, #tpu.memory_space<vmem>>, vector<256x128xf32>,
    return
  }
  func.func @transform_0(%arg0: i32) -> (i32, i32) {
    %c0_i32 = arith.constant 0 : i32
    %c0_i32_0 = arith.constant 0 : i32
    return %arg0, %c0_i32 : i32, i32
  }
  func.func @transform_1(%arg0: i32) -> (i32, i32) {
    %c0_i32 = arith.constant 0 : i32
    %c0_i32_0 = arith.constant 0 : i32
    return %arg0, %c0_i32 : i32, i32
  }
  func.func @transform_2(%arg0: i32) -> (i32, i32) {
    %c0_i32 = arith.constant 0 : i32
    %c0_i32_0 = arith.constant 0 : i32
    return %arg0, %c0_i32 : i32, i32
  }
  func.func @transform_3(%arg0: i32) -> (i32, i32) {
    %c0_i32 = arith.constant 0 : i32
    %c0_i32_0 = arith.constant 0 : i32
    %c0_i32_1 = arith.constant 0 : i32
    return %c0_i32, %c0_i32_0 : i32, i32
  }
  func.func @transform_4(%arg0: i32) -> (i32, i32) {
    %c0_i32 = arith.constant 0 : i32
    %c0_i32_0 = arith.constant 0 : i32
    %c0_i32_1 = arith.constant 0 : i32
    return %c0_i32, %c0_i32_0 : i32, i32
  }
  func.func @transform_5(%arg0: i32) -> (i32, i32) {
    %c0_i32 = arith.constant 0 : i32
    %c0_i32_0 = arith.constant 0 : i32
    %c0_i32_1 = arith.constant 0 : i32
    return %c0_i32, %c0_i32_0 : i32, i32
  }
  func.func @transform_6(%arg0: i32) -> (i32, i32) {
    %c0_i32 = arith.constant 0 : i32
    %c0_i32_0 = arith.constant 0 : i32
    %c0_i32_1 = arith.constant 0 : i32
    return %c0_i32, %c0_i32_0 : i32, i32
  }
  func.func @transform_7(%arg0: i32) -> (i32, i32) {
    %c0_i32 = arith.constant 0 : i32
    %c0_i32_0 = arith.constant 0 : i32
    %c0_i32_1 = arith.constant 0 : i32
    return %c0_i32, %c0_i32_0 : i32, i32
  }
  func.func @transform_8(%arg0: i32) -> (i32, i32) {
    %c0_i32 = arith.constant 0 : i32
    %c0_i32_0 = arith.constant 0 : i32
    %c0_i32_1 = arith.constant 0 : i32
    return %c0_i32, %c0_i32_0 : i32, i32
  }
  func.func @transform_9(%arg0: i32) -> (i32, i32) {
    %c0_i32 = arith.constant 0 : i32
    %c0_i32_0 = arith.constant 0 : i32
    %c0_i32_1 = arith.constant 0 : i32
    return %c0_i32, %c0_i32_0 : i32, i32
  }
  func.func @transform_10(%arg0: i32) -> (i32, i32) {
    %c0_i32 = arith.constant 0 : i32
    %c0_i32_0 = arith.constant 0 : i32
    %c0_i32_1 = arith.constant 0 : i32
    return %c0_i32, %c0_i32_0 : i32, i32
  }
  func.func @transform_11(%arg0: i32) -> (i32, i32) {
    %c0_i32 = arith.constant 0 : i32
    %c0_i32_0 = arith.constant 0 : i32
    %c0_i32_1 = arith.constant 0 : i32
    return %c0_i32, %c0_i32_0 : i32, i32
  }
  func.func @transform_12(%arg0: i32) -> (i32, i32) {
    %c0_i32 = arith.constant 0 : i32
    %c0_i32_0 = arith.constant 0 : i32
    %c0_i32_1 = arith.constant 0 : i32
    return %c0_i32, %c0_i32_0 : i32, i32
  }
  func.func @transform_13(%arg0: i32) -> (i32, i32) {
    %c0_i32 = arith.constant 0 : i32
    %c0_i32_0 = arith.constant 0 : i32
    %c0_i32_1 = arith.constant 0 : i32
    return %c0_i32, %c0_i32_0 : i32, i32
  }
  func.func @transform_14(%arg0: i32) -> (i32, i32) {
    %c0_i32 = arith.constant 0 : i32
    %c0_i32_0 = arith.constant 0 : i32
    %c0_i32_1 = arith.constant 0 : i32
    return %c0_i32, %c0_i32_0 : i32, i32
  }
  func.func @transform_15(%arg0: i32) -> (i32, i32) {
    %c0_i32 = arith.constant 0 : i32
    %c0_i32_0 = arith.constant 0 : i32
    %c0_i32_1 = arith.constant 0 : i32
    return %c0_i32, %c0_i32_0 : i32, i32
  }
  func.func @transform_16(%arg0: i32) -> (i32, i32) {
    %c0_i32 = arith.constant 0 : i32
    %c0_i32_0 = arith.constant 0 : i32
    return %arg0, %c0_i32 : i32, i32
  }
}

module attributes {stable_mosaic.version = 14 : i64} {
  func.func @_fused_body(%arg0: i32, %arg1: memref<4096x128xf32, #tpu.memory_space<vmem>>, %arg2: memref<4096x128xf32, #tpu.memory_space<vmem>>, %arg3: memref<256x128xf32, #tpu.memory_space<vmem>>, %arg4: memref<2x64xf32, #tpu.memory_space<vmem>>, %arg5: memref<64x3xf32, #tpu.memory_space<vmem>>, %arg6: memref<1x64xf32, #tpu.memory_space<vmem>>, %arg7: memref<1x64xf32, #tpu.memory_space<vmem>>, %arg8: memref<1x64xf32, #tpu.memory_space<vmem>>, %arg9: memref<128x256xf32, #tpu.memory_space<vmem>>, %arg10: memref<128x64xf32, #tpu.memory_space<vmem>>, %arg11: memref<1x128xf32, #tpu.memory_space<vmem>>, %arg12: memref<1x128xf32, #tpu.memory_space<vmem>>, %arg13: memref<1x128xf32, #tpu.memory_space<vmem>>, %arg14: memref<1x128xf32, #tpu.memory_space<vmem>>, %arg15: memref<1x128xf32, #tpu.memory_space<vmem>>, %arg16: memref<1x128xf32, #tpu.memory_space<vmem>>, %arg17: memref<256x128xf32, #tpu.memory_space<vmem>>) attributes {dimension_semantics = [#tpu.dimension_semantics<arbitrary>], iteration_bounds = array<i64: 8>, scalar_prefetch = 0 : i64, scratch_operands = 0 : i64, tpu.core_type = #tpu.core_type<tc>, window_params = [{transform_indices = @transform_0, window_bounds = array<i64: 4096, 128>}, {transform_indices = @transform_1, window_bounds = array<i64: 4096, 128>}, {transform_indices = @transform_2, window_bounds = array<i64: 256, 128>}, {pipeline_mode = #tpu.pipeline_mode<synchronous>, transform_indices = @transform_3, window_bounds = array<i64: 2, 64>}, {pipeline_mode = #tpu.pipeline_mode<synchronous>, transform_indices = @transform_4, window_bounds = array<i64: 64, 3>}, {pipeline_mode = #tpu.pipeline_mode<synchronous>, transform_indices = @transform_5, window_bounds = array<i64: 1, 64>}, {pipeline_mode = #tpu.pipeline_mode<synchronous>, transform_indices = @transform_6, window_bounds = array<i64: 1, 64>}, {pipeline_mode = #tpu.pipeline_mode<synchronous>, transform_indices = @transform_7, window_bounds = array<i64: 1, 64>}, {pipeline_mode = #tpu.pipeline_mode<synchronous>, transform_indices = @transform_8, window_bounds = array<i64: 128, 256>}, {pipeline_mode = #tpu.pipeline_mode<synchronous>, transform_indices = @transform_9, window_bounds = array<i64: 128, 64>}, {pipeline_mode = #tpu.pipeline_mode<synchronous>, transform_indices = @transform_10, window_bounds = array<i64: 1, 128>}, {pipeline_mode = #tpu.pipeline_mode<synchronous>, transform_indices = @transform_11, window_bounds = array<i64: 1, 128>}, {pipeline_mode = #tpu.pipeline_mode<synchronous>, transform_indices = @transform_12, window_bounds = array<i64: 1, 128>}, {pipeline_mode = #tpu.pipeline_mode<synchronous>, transform_indices = @transform_13, window_bounds = array<i64: 1, 128>}, {pipeline_mode = #tpu.pipeline_mode<synchronous>, transform_indices = @transform_14, window_bounds = array<i64: 1, 128>}, {pipeline_mode = #tpu.pipeline_mode<synchronous>, transform_indices = @transform_15, window_bounds = array<i64: 1, 128>}, {transform_indices = @transform_16, window_bounds = array<i64: 256, 128>}]} {
    %get3A = arith.constant 0 : index
    %get3A_0 = arith.constant 0 : index
    %get3A_1 = vector.load %arg2[%get3A, %get3A_0] : memref<4096x128xf32, #tpu.memory_space<vmem>>, vector<4096x128xf32>
    %reshape3A = vector.shape_cast %get3A_1 : vector<4096x128xf32> to vector<256x16x128xf32>
    %get3A_2 = arith.constant 0 : index
    %get3A_3 = arith.constant 0 : index
    %get3A_4 = vector.load %arg3[%get3A_2, %get3A_3] : memref<256x128xf32, #tpu.memory_space<vmem>>, vector<256x128xf32>
    %reshape3A_5 = vector.shape_cast %get3A_4 : vector<256x128xf32> to vector<256x1x128xf32>
    %sub3A = vector.broadcast %reshape3A_5 : vector<256x1x128xf32> to vector<256x16x128xf32>
    %sub3A_6 = arith.subf %reshape3A, %sub3A : vector<256x16x128xf32>
    %reshape3A_7 = vector.shape_cast %sub3A_6 : vector<256x16x128xf32> to vector<4096x128xf32>
    %slice3A = vector.extract_strided_slice %reshape3A_7 {offsets = [0, 0], sizes = [4096, 3], strides = [1, 1]} : vector<4096x128xf32> to vector<4096x3xf32>
    %get3A_8 = arith.constant 0 : index
    %get3A_9 = arith.constant 0 : index
    %get3A_10 = vector.load %arg5[%get3A_8, %get3A_9] : memref<64x3xf32, #tpu.memory_space<vmem>>, vector<64x3xf32>
    %dot_general3A = arith.constant dense<0.000000e+00> : vector<4096x64xf32>
    %dot_general3A_11 = tpu.matmul %slice3A, %get3A_10, %dot_general3A {dimension_numbers = #tpu.dot_dimension_numbers<[1], [1], [0], [0], [0, 0, 1, 0], [], []>, transpose_lhs_hint = false} : vector<4096x3xf32>, vector<64x3xf32>, vector<4096x64xf32> -> vector<4096x64xf32>
    %get3A_12 = arith.constant 0 : index
    %get3A_13 = arith.constant 0 : index
    %get3A_14 = vector.load %arg6[%get3A_12, %get3A_13] : memref<1x64xf32, #tpu.memory_space<vmem>>, vector<1x64xf32>
    %add3A = vector.broadcast %get3A_14 : vector<1x64xf32> to vector<4096x64xf32>
    %add3A_15 = arith.addf %dot_general3A_11, %add3A : vector<4096x64xf32>
    %get3A_16 = arith.constant 0 : index
    %get3A_17 = arith.constant 0 : index
    %get3A_18 = vector.load %arg4[%get3A_16, %get3A_17] : memref<2x64xf32, #tpu.memory_space<vmem>>, vector<1x64xf32>
    %div3A = arith.constant 2.621440e+05 : f32
    %div3A_19 = vector.broadcast %div3A : f32 to vector<1x64xf32>
    %div3A_20 = arith.divf %get3A_18, %div3A_19 : vector<1x64xf32>
    %get3A_21 = arith.constant 1 : index
    %get3A_22 = arith.constant 0 : index
    %get3A_23 = vector.load %arg4[%get3A_21, %get3A_22] : memref<2x64xf32, #tpu.memory_space<vmem>>, vector<1x64xf32>
    %div3A_24 = arith.constant 2.621440e+05 : f32
    %div3A_25 = vector.broadcast %div3A_24 : f32 to vector<1x64xf32>
    %div3A_26 = arith.divf %get3A_23, %div3A_25 : vector<1x64xf32>
    %mul3A = arith.mulf %div3A_20, %div3A_20 : vector<1x64xf32>
    %sub3A_27 = arith.subf %div3A_26, %mul3A : vector<1x64xf32>
    %sub3A_28 = vector.broadcast %div3A_20 : vector<1x64xf32> to vector<4096x64xf32>
    %sub3A_29 = arith.subf %add3A_15, %sub3A_28 : vector<4096x64xf32>
    %add3A_30 = arith.constant 9.99999974E-6 : f32
    %add3A_31 = vector.broadcast %add3A_30 : f32 to vector<1x64xf32>
    %add3A_32 = arith.addf %sub3A_27, %add3A_31 : vector<1x64xf32>
    %sqrt3A = math.sqrt %add3A_32 : vector<1x64xf32>
    %div3A_33 = vector.broadcast %sqrt3A : vector<1x64xf32> to vector<4096x64xf32>
    %div3A_34 = arith.divf %sub3A_29, %div3A_33 : vector<4096x64xf32>
    %get3A_35 = arith.constant 0 : index
    %get3A_36 = arith.constant 0 : index
    %get3A_37 = vector.load %arg7[%get3A_35, %get3A_36] : memref<1x64xf32, #tpu.memory_space<vmem>>, vector<1x64xf32>
    %mul3A_38 = vector.broadcast %get3A_37 : vector<1x64xf32> to vector<4096x64xf32>
    %mul3A_39 = arith.mulf %div3A_34, %mul3A_38 : vector<4096x64xf32>
    %get3A_40 = arith.constant 0 : index
    %get3A_41 = arith.constant 0 : index
    %get3A_42 = vector.load %arg8[%get3A_40, %get3A_41] : memref<1x64xf32, #tpu.memory_space<vmem>>, vector<1x64xf32>
    %add3A_43 = vector.broadcast %get3A_42 : vector<1x64xf32> to vector<4096x64xf32>
    %add3A_44 = arith.addf %mul3A_39, %add3A_43 : vector<4096x64xf32>
    %logistic3A = arith.negf %add3A_44 : vector<4096x64xf32>
    %logistic3A_45 = math.exp %logistic3A : vector<4096x64xf32>
    %logistic3A_46 = arith.constant 1.000000e+00 : f32
    %logistic3A_47 = vector.broadcast %logistic3A_46 : f32 to vector<4096x64xf32>
    %logistic3A_48 = arith.addf %logistic3A_47, %logistic3A_45 : vector<4096x64xf32>
    %logistic3A_49 = arith.divf %logistic3A_47, %logistic3A_48 : vector<4096x64xf32>
    %mul3A_50 = arith.mulf %add3A_44, %logistic3A_49 : vector<4096x64xf32>
    %get3A_51 = arith.constant 0 : index
    %get3A_52 = arith.constant 128 : index
    %get3A_53 = vector.load %arg9[%get3A_51, %get3A_52] : memref<128x256xf32, #tpu.memory_space<vmem>>, vector<128x128xf32>
    %get3A_54 = arith.constant 0 : index
    %get3A_55 = arith.constant 0 : index
    %get3A_56 = vector.load %arg10[%get3A_54, %get3A_55] : memref<128x64xf32, #tpu.memory_space<vmem>>, vector<128x64xf32>
    %dot_general3A_57 = arith.constant dense<0.000000e+00> : vector<128x64xf32>
    %dot_general3A_58 = tpu.matmul %get3A_53, %get3A_56, %dot_general3A_57 {dimension_numbers = #tpu.dot_dimension_numbers<[1], [0], [0], [1], [0, 0, 1, 1], [], []>, transpose_lhs_hint = false} : vector<128x128xf32>, vector<128x64xf32>, vector<128x64xf32> -> vector<128x64xf32>
    %get3A_59 = arith.constant 0 : index
    %get3A_60 = arith.constant 0 : index
    %get3A_61 = vector.load %arg11[%get3A_59, %get3A_60] : memref<1x128xf32, #tpu.memory_space<vmem>>, vector<1x128xf32>
    %get3A_62 = arith.constant 0 : index
    %get3A_63 = arith.constant 128 : index
    %get3A_64 = vector.load %arg9[%get3A_62, %get3A_63] : memref<128x256xf32, #tpu.memory_space<vmem>>, vector<128x128xf32>
    %dot_general3A_65 = arith.constant dense<0.000000e+00> : vector<1x128xf32>
    %dot_general3A_66 = tpu.matmul %get3A_61, %get3A_64, %dot_general3A_65 {dimension_numbers = #tpu.dot_dimension_numbers<[1], [1], [0], [0], [0, 0, 1, 0], [], []>, transpose_lhs_hint = false} : vector<1x128xf32>, vector<128x128xf32>, vector<1x128xf32> -> vector<1x128xf32>
    %get3A_67 = arith.constant 0 : index
    %get3A_68 = arith.constant 0 : index
    %get3A_69 = vector.load %arg1[%get3A_67, %get3A_68] : memref<4096x128xf32, #tpu.memory_space<vmem>>, vector<4096x128xf32>
    %dot_general3A_70 = arith.constant dense<0.000000e+00> : vector<4096x128xf32>
    %dot_general3A_71 = tpu.matmul %mul3A_50, %dot_general3A_58, %dot_general3A_70 {dimension_numbers = #tpu.dot_dimension_numbers<[1], [1], [0], [0], [0, 0, 1, 0], [], []>, transpose_lhs_hint = false} : vector<4096x64xf32>, vector<128x64xf32>, vector<4096x128xf32> -> vector<4096x128xf32>
    %add3A_72 = arith.addf %get3A_69, %dot_general3A_71 : vector<4096x128xf32>
    %add3A_73 = vector.broadcast %dot_general3A_66 : vector<1x128xf32> to vector<4096x128xf32>
    %add3A_74 = arith.addf %add3A_72, %add3A_73 : vector<4096x128xf32>
    %get3A_75 = arith.constant 0 : index
    %get3A_76 = arith.constant 0 : index
    %get3A_77 = vector.load %arg12[%get3A_75, %get3A_76] : memref<1x128xf32, #tpu.memory_space<vmem>>, vector<1x128xf32>
    %add3A_78 = vector.broadcast %get3A_77 : vector<1x128xf32> to vector<4096x128xf32>
    %add3A_79 = arith.addf %add3A_74, %add3A_78 : vector<4096x128xf32>
    %reduce_sum3A = arith.constant dense<0.000000e+00> : vector<4096xf32>
    %reduce_sum3A_80 = vector.multi_reduction <add>, %add3A_79, %reduce_sum3A [1] : vector<4096x128xf32> to vector<4096xf32>
    %broadcast_in_dim3A = vector.shape_cast %reduce_sum3A_80 : vector<4096xf32> to vector<4096x1xf32>
    %div3A_81 = arith.constant 1.280000e+02 : f32
    %div3A_82 = vector.broadcast %div3A_81 : f32 to vector<4096x1xf32>
    %div3A_83 = arith.divf %broadcast_in_dim3A, %div3A_82 : vector<4096x1xf32>
    %sub3A_84 = vector.broadcast %div3A_83 : vector<4096x1xf32> to vector<4096x128xf32>
    %sub3A_85 = arith.subf %add3A_79, %sub3A_84 : vector<4096x128xf32>
    %integer_pow3A = arith.mulf %sub3A_85, %sub3A_85 : vector<4096x128xf32>
    %reduce_sum3A_86 = arith.constant dense<0.000000e+00> : vector<4096xf32>
    %reduce_sum3A_87 = vector.multi_reduction <add>, %integer_pow3A, %reduce_sum3A_86 [1] : vector<4096x128xf32> to vector<4096xf32>
    %broadcast_in_dim3A_88 = vector.shape_cast %reduce_sum3A_87 : vector<4096xf32> to vector<4096x1xf32>
    %div3A_89 = arith.constant 1.280000e+02 : f32
    %div3A_90 = vector.broadcast %div3A_89 : f32 to vector<4096x1xf32>
    %div3A_91 = arith.divf %broadcast_in_dim3A_88, %div3A_90 : vector<4096x1xf32>
    %sub3A_92 = vector.broadcast %div3A_83 : vector<4096x1xf32> to vector<4096x128xf32>
    %sub3A_93 = arith.subf %add3A_79, %sub3A_92 : vector<4096x128xf32>
    %add3A_94 = arith.constant 9.99999974E-6 : f32
    %add3A_95 = vector.broadcast %add3A_94 : f32 to vector<4096x1xf32>
    %add3A_96 = arith.addf %div3A_91, %add3A_95 : vector<4096x1xf32>
    %sqrt3A_97 = math.sqrt %add3A_96 : vector<4096x1xf32>
    %div3A_98 = vector.broadcast %sqrt3A_97 : vector<4096x1xf32> to vector<4096x128xf32>
    %div3A_99 = arith.divf %sub3A_93, %div3A_98 : vector<4096x128xf32>
    %get3A_100 = arith.constant 0 : index
    %get3A_101 = arith.constant 0 : index
    %get3A_102 = vector.load %arg13[%get3A_100, %get3A_101] : memref<1x128xf32, #tpu.memory_space<vmem>>, vector<1x128xf32>
    %mul3A_103 = vector.broadcast %get3A_102 : vector<1x128xf32> to vector<4096x128xf32>
    %mul3A_104 = arith.mulf %div3A_99, %mul3A_103 : vector<4096x128xf32>
    %get3A_105 = arith.constant 0 : index
    %get3A_106 = arith.constant 0 : index
    %get3A_107 = vector.load %arg14[%get3A_105, %get3A_106] : memref<1x128xf32, #tpu.memory_space<vmem>>, vector<1x128xf32>
    %add3A_108 = vector.broadcast %get3A_107 : vector<1x128xf32> to vector<4096x128xf32>
    %add3A_109 = arith.addf %mul3A_104, %add3A_108 : vector<4096x128xf32>
    %logistic3A_110 = arith.negf %add3A_109 : vector<4096x128xf32>
    %logistic3A_111 = math.exp %logistic3A_110 : vector<4096x128xf32>
    %logistic3A_112 = arith.constant 1.000000e+00 : f32
    %logistic3A_113 = vector.broadcast %logistic3A_112 : f32 to vector<4096x128xf32>
    %logistic3A_114 = arith.addf %logistic3A_113, %logistic3A_111 : vector<4096x128xf32>
    %logistic3A_115 = arith.divf %logistic3A_113, %logistic3A_114 : vector<4096x128xf32>
    %mul3A_116 = arith.mulf %add3A_109, %logistic3A_115 : vector<4096x128xf32>
    %get3A_117 = arith.constant 0 : index
    %get3A_118 = arith.constant 0 : index
    %get3A_119 = vector.load %arg15[%get3A_117, %get3A_118] : memref<1x128xf32, #tpu.memory_space<vmem>>, vector<1x128xf32>
    %mul3A_120 = vector.broadcast %get3A_119 : vector<1x128xf32> to vector<4096x128xf32>
    %mul3A_121 = arith.mulf %mul3A_120, %mul3A_116 : vector<4096x128xf32>
    %get3A_122 = arith.constant 0 : index
    %get3A_123 = arith.constant 0 : index
    %get3A_124 = vector.load %arg16[%get3A_122, %get3A_123] : memref<1x128xf32, #tpu.memory_space<vmem>>, vector<1x128xf32>
    %add3A_125 = vector.broadcast %get3A_124 : vector<1x128xf32> to vector<4096x128xf32>
    %add3A_126 = arith.addf %mul3A_121, %add3A_125 : vector<4096x128xf32>
    %reshape3A_127 = vector.shape_cast %add3A_126 : vector<4096x128xf32> to vector<256x16x128xf32>
    %reduce_sum3A_128 = arith.constant dense<0.000000e+00> : vector<256x16xf32>
    %reduce_sum3A_129 = vector.multi_reduction <add>, %reshape3A_127, %reduce_sum3A_128 [2] : vector<256x16x128xf32> to vector<256x16xf32>
    %reduce_max3A = arith.constant dense<0xFF800000> : vector<256xf32>
    %reduce_max3A_130 = vector.multi_reduction <maximumf>, %reduce_sum3A_129, %reduce_max3A [1] : vector<256x16xf32> to vector<256xf32>
    %broadcast_in_dim3A_131 = vector.shape_cast %reduce_max3A_130 : vector<256xf32> to vector<256x1xf32>
    %sub3A_132 = vector.broadcast %broadcast_in_dim3A_131 : vector<256x1xf32> to vector<256x16xf32>
    %sub3A_133 = arith.subf %reduce_sum3A_129, %sub3A_132 : vector<256x16xf32>
    %exp3A = math.exp %sub3A_133 : vector<256x16xf32>
    %reduce_sum3A_134 = arith.constant dense<0.000000e+00> : vector<256xf32>
    %reduce_sum3A_135 = vector.multi_reduction <add>, %exp3A, %reduce_sum3A_134 [1] : vector<256x16xf32> to vector<256xf32>
    %broadcast_in_dim3A_136 = vector.shape_cast %reduce_sum3A_135 : vector<256xf32> to vector<256x1xf32>
    %div3A_137 = vector.broadcast %broadcast_in_dim3A_136 : vector<256x1xf32> to vector<256x16xf32>
    %div3A_138 = arith.divf %exp3A, %div3A_137 : vector<256x16xf32>
    %broadcast_in_dim3A_139 = vector.shape_cast %div3A_138 : vector<256x16xf32> to vector<256x16x1xf32>
    %mul3A_140 = vector.broadcast %broadcast_in_dim3A_139 : vector<256x16x1xf32> to vector<256x16x128xf32>
    %mul3A_141 = arith.mulf %reshape3A_127, %mul3A_140 : vector<256x16x128xf32>
    %reduce_sum3A_142 = arith.constant dense<0.000000e+00> : vector<256x128xf32>
    %reduce_sum3A_143 = vector.multi_reduction <add>, %mul3A_141, %reduce_sum3A_142 [1] : vector<256x16x128xf32> to vector<256x128xf32>
    %swap3A = arith.constant 0 : index
    %swap3A_144 = arith.constant 0 : index
    %swap3A_145 = vector.load %arg17[%swap3A, %swap3A_144] : memref<256x128xf32, #tpu.memory_space<vmem>>, vector<256x128xf32>
    tpu.vector_store %arg17[%swap3A, %swap3A_144], %reduce_sum3A_143 {strides = array<i32>} : memref<256x128xf32, #tpu.memory_space<vmem>>, vector<256x128xf32>,
    return
  }
  func.func @transform_0(%arg0: i32) -> (i32, i32) {
    %c0_i32 = arith.constant 0 : i32
    %c0_i32_0 = arith.constant 0 : i32
    return %arg0, %c0_i32 : i32, i32
  }
  func.func @transform_1(%arg0: i32) -> (i32, i32) {
    %c0_i32 = arith.constant 0 : i32
    %c0_i32_0 = arith.constant 0 : i32
    return %arg0, %c0_i32 : i32, i32
  }
  func.func @transform_2(%arg0: i32) -> (i32, i32) {
    %c0_i32 = arith.constant 0 : i32
    %c0_i32_0 = arith.constant 0 : i32
    return %arg0, %c0_i32 : i32, i32
  }
  func.func @transform_3(%arg0: i32) -> (i32, i32) {
    %c0_i32 = arith.constant 0 : i32
    %c0_i32_0 = arith.constant 0 : i32
    %c0_i32_1 = arith.constant 0 : i32
    return %c0_i32, %c0_i32_0 : i32, i32
  }
  func.func @transform_4(%arg0: i32) -> (i32, i32) {
    %c0_i32 = arith.constant 0 : i32
    %c0_i32_0 = arith.constant 0 : i32
    %c0_i32_1 = arith.constant 0 : i32
    return %c0_i32, %c0_i32_0 : i32, i32
  }
  func.func @transform_5(%arg0: i32) -> (i32, i32) {
    %c0_i32 = arith.constant 0 : i32
    %c0_i32_0 = arith.constant 0 : i32
    %c0_i32_1 = arith.constant 0 : i32
    return %c0_i32, %c0_i32_0 : i32, i32
  }
  func.func @transform_6(%arg0: i32) -> (i32, i32) {
    %c0_i32 = arith.constant 0 : i32
    %c0_i32_0 = arith.constant 0 : i32
    %c0_i32_1 = arith.constant 0 : i32
    return %c0_i32, %c0_i32_0 : i32, i32
  }
  func.func @transform_7(%arg0: i32) -> (i32, i32) {
    %c0_i32 = arith.constant 0 : i32
    %c0_i32_0 = arith.constant 0 : i32
    %c0_i32_1 = arith.constant 0 : i32
    return %c0_i32, %c0_i32_0 : i32, i32
  }
  func.func @transform_8(%arg0: i32) -> (i32, i32) {
    %c0_i32 = arith.constant 0 : i32
    %c0_i32_0 = arith.constant 0 : i32
    %c0_i32_1 = arith.constant 0 : i32
    return %c0_i32, %c0_i32_0 : i32, i32
  }
  func.func @transform_9(%arg0: i32) -> (i32, i32) {
    %c0_i32 = arith.constant 0 : i32
    %c0_i32_0 = arith.constant 0 : i32
    %c0_i32_1 = arith.constant 0 : i32
    return %c0_i32, %c0_i32_0 : i32, i32
  }
  func.func @transform_10(%arg0: i32) -> (i32, i32) {
    %c0_i32 = arith.constant 0 : i32
    %c0_i32_0 = arith.constant 0 : i32
    %c0_i32_1 = arith.constant 0 : i32
    return %c0_i32, %c0_i32_0 : i32, i32
  }
  func.func @transform_11(%arg0: i32) -> (i32, i32) {
    %c0_i32 = arith.constant 0 : i32
    %c0_i32_0 = arith.constant 0 : i32
    %c0_i32_1 = arith.constant 0 : i32
    return %c0_i32, %c0_i32_0 : i32, i32
  }
  func.func @transform_12(%arg0: i32) -> (i32, i32) {
    %c0_i32 = arith.constant 0 : i32
    %c0_i32_0 = arith.constant 0 : i32
    %c0_i32_1 = arith.constant 0 : i32
    return %c0_i32, %c0_i32_0 : i32, i32
  }
  func.func @transform_13(%arg0: i32) -> (i32, i32) {
    %c0_i32 = arith.constant 0 : i32
    %c0_i32_0 = arith.constant 0 : i32
    %c0_i32_1 = arith.constant 0 : i32
    return %c0_i32, %c0_i32_0 : i32, i32
  }
  func.func @transform_14(%arg0: i32) -> (i32, i32) {
    %c0_i32 = arith.constant 0 : i32
    %c0_i32_0 = arith.constant 0 : i32
    %c0_i32_1 = arith.constant 0 : i32
    return %c0_i32, %c0_i32_0 : i32, i32
  }
  func.func @transform_15(%arg0: i32) -> (i32, i32) {
    %c0_i32 = arith.constant 0 : i32
    %c0_i32_0 = arith.constant 0 : i32
    %c0_i32_1 = arith.constant 0 : i32
    return %c0_i32, %c0_i32_0 : i32, i32
  }
  func.func @transform_16(%arg0: i32) -> (i32, i32) {
    %c0_i32 = arith.constant 0 : i32
    %c0_i32_0 = arith.constant 0 : i32
    return %arg0, %c0_i32 : i32, i32
  }
}

module attributes {stable_mosaic.version = 14 : i64} {
  func.func @_fused_body(%arg0: i32, %arg1: memref<4096x128xf32, #tpu.memory_space<vmem>>, %arg2: memref<4096x128xf32, #tpu.memory_space<vmem>>, %arg3: memref<256x128xf32, #tpu.memory_space<vmem>>, %arg4: memref<2x64xf32, #tpu.memory_space<vmem>>, %arg5: memref<64x3xf32, #tpu.memory_space<vmem>>, %arg6: memref<1x64xf32, #tpu.memory_space<vmem>>, %arg7: memref<1x64xf32, #tpu.memory_space<vmem>>, %arg8: memref<1x64xf32, #tpu.memory_space<vmem>>, %arg9: memref<128x256xf32, #tpu.memory_space<vmem>>, %arg10: memref<128x64xf32, #tpu.memory_space<vmem>>, %arg11: memref<1x128xf32, #tpu.memory_space<vmem>>, %arg12: memref<1x128xf32, #tpu.memory_space<vmem>>, %arg13: memref<1x128xf32, #tpu.memory_space<vmem>>, %arg14: memref<1x128xf32, #tpu.memory_space<vmem>>, %arg15: memref<1x128xf32, #tpu.memory_space<vmem>>, %arg16: memref<1x128xf32, #tpu.memory_space<vmem>>, %arg17: memref<256x128xf32, #tpu.memory_space<vmem>>) attributes {dimension_semantics = [#tpu.dimension_semantics<arbitrary>], iteration_bounds = array<i64: 8>, scalar_prefetch = 0 : i64, scratch_operands = 0 : i64, tpu.core_type = #tpu.core_type<tc>, window_params = [{transform_indices = @transform_0, window_bounds = array<i64: 4096, 128>}, {transform_indices = @transform_1, window_bounds = array<i64: 4096, 128>}, {transform_indices = @transform_2, window_bounds = array<i64: 256, 128>}, {pipeline_mode = #tpu.pipeline_mode<synchronous>, transform_indices = @transform_3, window_bounds = array<i64: 2, 64>}, {pipeline_mode = #tpu.pipeline_mode<synchronous>, transform_indices = @transform_4, window_bounds = array<i64: 64, 3>}, {pipeline_mode = #tpu.pipeline_mode<synchronous>, transform_indices = @transform_5, window_bounds = array<i64: 1, 64>}, {pipeline_mode = #tpu.pipeline_mode<synchronous>, transform_indices = @transform_6, window_bounds = array<i64: 1, 64>}, {pipeline_mode = #tpu.pipeline_mode<synchronous>, transform_indices = @transform_7, window_bounds = array<i64: 1, 64>}, {pipeline_mode = #tpu.pipeline_mode<synchronous>, transform_indices = @transform_8, window_bounds = array<i64: 128, 256>}, {pipeline_mode = #tpu.pipeline_mode<synchronous>, transform_indices = @transform_9, window_bounds = array<i64: 128, 64>}, {pipeline_mode = #tpu.pipeline_mode<synchronous>, transform_indices = @transform_10, window_bounds = array<i64: 1, 128>}, {pipeline_mode = #tpu.pipeline_mode<synchronous>, transform_indices = @transform_11, window_bounds = array<i64: 1, 128>}, {pipeline_mode = #tpu.pipeline_mode<synchronous>, transform_indices = @transform_12, window_bounds = array<i64: 1, 128>}, {pipeline_mode = #tpu.pipeline_mode<synchronous>, transform_indices = @transform_13, window_bounds = array<i64: 1, 128>}, {pipeline_mode = #tpu.pipeline_mode<synchronous>, transform_indices = @transform_14, window_bounds = array<i64: 1, 128>}, {pipeline_mode = #tpu.pipeline_mode<synchronous>, transform_indices = @transform_15, window_bounds = array<i64: 1, 128>}, {transform_indices = @transform_16, window_bounds = array<i64: 256, 128>}]} {
    %get3A = arith.constant 0 : index
    %get3A_0 = arith.constant 0 : index
    %get3A_1 = vector.load %arg2[%get3A, %get3A_0] : memref<4096x128xf32, #tpu.memory_space<vmem>>, vector<4096x128xf32>
    %reshape3A = vector.shape_cast %get3A_1 : vector<4096x128xf32> to vector<256x16x128xf32>
    %get3A_2 = arith.constant 0 : index
    %get3A_3 = arith.constant 0 : index
    %get3A_4 = vector.load %arg3[%get3A_2, %get3A_3] : memref<256x128xf32, #tpu.memory_space<vmem>>, vector<256x128xf32>
    %reshape3A_5 = vector.shape_cast %get3A_4 : vector<256x128xf32> to vector<256x1x128xf32>
    %sub3A = vector.broadcast %reshape3A_5 : vector<256x1x128xf32> to vector<256x16x128xf32>
    %sub3A_6 = arith.subf %reshape3A, %sub3A : vector<256x16x128xf32>
    %reshape3A_7 = vector.shape_cast %sub3A_6 : vector<256x16x128xf32> to vector<4096x128xf32>
    %slice3A = vector.extract_strided_slice %reshape3A_7 {offsets = [0, 0], sizes = [4096, 3], strides = [1, 1]} : vector<4096x128xf32> to vector<4096x3xf32>
    %get3A_8 = arith.constant 0 : index
    %get3A_9 = arith.constant 0 : index
    %get3A_10 = vector.load %arg5[%get3A_8, %get3A_9] : memref<64x3xf32, #tpu.memory_space<vmem>>, vector<64x3xf32>
    %dot_general3A = arith.constant dense<0.000000e+00> : vector<4096x64xf32>
    %dot_general3A_11 = tpu.matmul %slice3A, %get3A_10, %dot_general3A {dimension_numbers = #tpu.dot_dimension_numbers<[1], [1], [0], [0], [0, 0, 1, 0], [], []>, transpose_lhs_hint = false} : vector<4096x3xf32>, vector<64x3xf32>, vector<4096x64xf32> -> vector<4096x64xf32>
    %get3A_12 = arith.constant 0 : index
    %get3A_13 = arith.constant 0 : index
    %get3A_14 = vector.load %arg6[%get3A_12, %get3A_13] : memref<1x64xf32, #tpu.memory_space<vmem>>, vector<1x64xf32>
    %add3A = vector.broadcast %get3A_14 : vector<1x64xf32> to vector<4096x64xf32>
    %add3A_15 = arith.addf %dot_general3A_11, %add3A : vector<4096x64xf32>
    %get3A_16 = arith.constant 0 : index
    %get3A_17 = arith.constant 0 : index
    %get3A_18 = vector.load %arg4[%get3A_16, %get3A_17] : memref<2x64xf32, #tpu.memory_space<vmem>>, vector<1x64xf32>
    %div3A = arith.constant 2.621440e+05 : f32
    %div3A_19 = vector.broadcast %div3A : f32 to vector<1x64xf32>
    %div3A_20 = arith.divf %get3A_18, %div3A_19 : vector<1x64xf32>
    %get3A_21 = arith.constant 1 : index
    %get3A_22 = arith.constant 0 : index
    %get3A_23 = vector.load %arg4[%get3A_21, %get3A_22] : memref<2x64xf32, #tpu.memory_space<vmem>>, vector<1x64xf32>
    %div3A_24 = arith.constant 2.621440e+05 : f32
    %div3A_25 = vector.broadcast %div3A_24 : f32 to vector<1x64xf32>
    %div3A_26 = arith.divf %get3A_23, %div3A_25 : vector<1x64xf32>
    %mul3A = arith.mulf %div3A_20, %div3A_20 : vector<1x64xf32>
    %sub3A_27 = arith.subf %div3A_26, %mul3A : vector<1x64xf32>
    %sub3A_28 = vector.broadcast %div3A_20 : vector<1x64xf32> to vector<4096x64xf32>
    %sub3A_29 = arith.subf %add3A_15, %sub3A_28 : vector<4096x64xf32>
    %add3A_30 = arith.constant 9.99999974E-6 : f32
    %add3A_31 = vector.broadcast %add3A_30 : f32 to vector<1x64xf32>
    %add3A_32 = arith.addf %sub3A_27, %add3A_31 : vector<1x64xf32>
    %sqrt3A = math.sqrt %add3A_32 : vector<1x64xf32>
    %div3A_33 = vector.broadcast %sqrt3A : vector<1x64xf32> to vector<4096x64xf32>
    %div3A_34 = arith.divf %sub3A_29, %div3A_33 : vector<4096x64xf32>
    %get3A_35 = arith.constant 0 : index
    %get3A_36 = arith.constant 0 : index
    %get3A_37 = vector.load %arg7[%get3A_35, %get3A_36] : memref<1x64xf32, #tpu.memory_space<vmem>>, vector<1x64xf32>
    %mul3A_38 = vector.broadcast %get3A_37 : vector<1x64xf32> to vector<4096x64xf32>
    %mul3A_39 = arith.mulf %div3A_34, %mul3A_38 : vector<4096x64xf32>
    %get3A_40 = arith.constant 0 : index
    %get3A_41 = arith.constant 0 : index
    %get3A_42 = vector.load %arg8[%get3A_40, %get3A_41] : memref<1x64xf32, #tpu.memory_space<vmem>>, vector<1x64xf32>
    %add3A_43 = vector.broadcast %get3A_42 : vector<1x64xf32> to vector<4096x64xf32>
    %add3A_44 = arith.addf %mul3A_39, %add3A_43 : vector<4096x64xf32>
    %logistic3A = arith.negf %add3A_44 : vector<4096x64xf32>
    %logistic3A_45 = math.exp %logistic3A : vector<4096x64xf32>
    %logistic3A_46 = arith.constant 1.000000e+00 : f32
    %logistic3A_47 = vector.broadcast %logistic3A_46 : f32 to vector<4096x64xf32>
    %logistic3A_48 = arith.addf %logistic3A_47, %logistic3A_45 : vector<4096x64xf32>
    %logistic3A_49 = arith.divf %logistic3A_47, %logistic3A_48 : vector<4096x64xf32>
    %mul3A_50 = arith.mulf %add3A_44, %logistic3A_49 : vector<4096x64xf32>
    %get3A_51 = arith.constant 0 : index
    %get3A_52 = arith.constant 128 : index
    %get3A_53 = vector.load %arg9[%get3A_51, %get3A_52] : memref<128x256xf32, #tpu.memory_space<vmem>>, vector<128x128xf32>
    %get3A_54 = arith.constant 0 : index
    %get3A_55 = arith.constant 0 : index
    %get3A_56 = vector.load %arg10[%get3A_54, %get3A_55] : memref<128x64xf32, #tpu.memory_space<vmem>>, vector<128x64xf32>
    %dot_general3A_57 = arith.constant dense<0.000000e+00> : vector<128x64xf32>
    %dot_general3A_58 = tpu.matmul %get3A_53, %get3A_56, %dot_general3A_57 {dimension_numbers = #tpu.dot_dimension_numbers<[1], [0], [0], [1], [0, 0, 1, 1], [], []>, transpose_lhs_hint = false} : vector<128x128xf32>, vector<128x64xf32>, vector<128x64xf32> -> vector<128x64xf32>
    %get3A_59 = arith.constant 0 : index
    %get3A_60 = arith.constant 0 : index
    %get3A_61 = vector.load %arg11[%get3A_59, %get3A_60] : memref<1x128xf32, #tpu.memory_space<vmem>>, vector<1x128xf32>
    %get3A_62 = arith.constant 0 : index
    %get3A_63 = arith.constant 128 : index
    %get3A_64 = vector.load %arg9[%get3A_62, %get3A_63] : memref<128x256xf32, #tpu.memory_space<vmem>>, vector<128x128xf32>
    %dot_general3A_65 = arith.constant dense<0.000000e+00> : vector<1x128xf32>
    %dot_general3A_66 = tpu.matmul %get3A_61, %get3A_64, %dot_general3A_65 {dimension_numbers = #tpu.dot_dimension_numbers<[1], [1], [0], [0], [0, 0, 1, 0], [], []>, transpose_lhs_hint = false} : vector<1x128xf32>, vector<128x128xf32>, vector<1x128xf32> -> vector<1x128xf32>
    %get3A_67 = arith.constant 0 : index
    %get3A_68 = arith.constant 0 : index
    %get3A_69 = vector.load %arg1[%get3A_67, %get3A_68] : memref<4096x128xf32, #tpu.memory_space<vmem>>, vector<4096x128xf32>
    %dot_general3A_70 = arith.constant dense<0.000000e+00> : vector<4096x128xf32>
    %dot_general3A_71 = tpu.matmul %mul3A_50, %dot_general3A_58, %dot_general3A_70 {dimension_numbers = #tpu.dot_dimension_numbers<[1], [1], [0], [0], [0, 0, 1, 0], [], []>, transpose_lhs_hint = false} : vector<4096x64xf32>, vector<128x64xf32>, vector<4096x128xf32> -> vector<4096x128xf32>
    %add3A_72 = arith.addf %get3A_69, %dot_general3A_71 : vector<4096x128xf32>
    %add3A_73 = vector.broadcast %dot_general3A_66 : vector<1x128xf32> to vector<4096x128xf32>
    %add3A_74 = arith.addf %add3A_72, %add3A_73 : vector<4096x128xf32>
    %get3A_75 = arith.constant 0 : index
    %get3A_76 = arith.constant 0 : index
    %get3A_77 = vector.load %arg12[%get3A_75, %get3A_76] : memref<1x128xf32, #tpu.memory_space<vmem>>, vector<1x128xf32>
    %add3A_78 = vector.broadcast %get3A_77 : vector<1x128xf32> to vector<4096x128xf32>
    %add3A_79 = arith.addf %add3A_74, %add3A_78 : vector<4096x128xf32>
    %reduce_sum3A = arith.constant dense<0.000000e+00> : vector<4096xf32>
    %reduce_sum3A_80 = vector.multi_reduction <add>, %add3A_79, %reduce_sum3A [1] : vector<4096x128xf32> to vector<4096xf32>
    %broadcast_in_dim3A = vector.shape_cast %reduce_sum3A_80 : vector<4096xf32> to vector<4096x1xf32>
    %div3A_81 = arith.constant 1.280000e+02 : f32
    %div3A_82 = vector.broadcast %div3A_81 : f32 to vector<4096x1xf32>
    %div3A_83 = arith.divf %broadcast_in_dim3A, %div3A_82 : vector<4096x1xf32>
    %sub3A_84 = vector.broadcast %div3A_83 : vector<4096x1xf32> to vector<4096x128xf32>
    %sub3A_85 = arith.subf %add3A_79, %sub3A_84 : vector<4096x128xf32>
    %integer_pow3A = arith.mulf %sub3A_85, %sub3A_85 : vector<4096x128xf32>
    %reduce_sum3A_86 = arith.constant dense<0.000000e+00> : vector<4096xf32>
    %reduce_sum3A_87 = vector.multi_reduction <add>, %integer_pow3A, %reduce_sum3A_86 [1] : vector<4096x128xf32> to vector<4096xf32>
    %broadcast_in_dim3A_88 = vector.shape_cast %reduce_sum3A_87 : vector<4096xf32> to vector<4096x1xf32>
    %div3A_89 = arith.constant 1.280000e+02 : f32
    %div3A_90 = vector.broadcast %div3A_89 : f32 to vector<4096x1xf32>
    %div3A_91 = arith.divf %broadcast_in_dim3A_88, %div3A_90 : vector<4096x1xf32>
    %sub3A_92 = vector.broadcast %div3A_83 : vector<4096x1xf32> to vector<4096x128xf32>
    %sub3A_93 = arith.subf %add3A_79, %sub3A_92 : vector<4096x128xf32>
    %add3A_94 = arith.constant 9.99999974E-6 : f32
    %add3A_95 = vector.broadcast %add3A_94 : f32 to vector<4096x1xf32>
    %add3A_96 = arith.addf %div3A_91, %add3A_95 : vector<4096x1xf32>
    %sqrt3A_97 = math.sqrt %add3A_96 : vector<4096x1xf32>
    %div3A_98 = vector.broadcast %sqrt3A_97 : vector<4096x1xf32> to vector<4096x128xf32>
    %div3A_99 = arith.divf %sub3A_93, %div3A_98 : vector<4096x128xf32>
    %get3A_100 = arith.constant 0 : index
    %get3A_101 = arith.constant 0 : index
    %get3A_102 = vector.load %arg13[%get3A_100, %get3A_101] : memref<1x128xf32, #tpu.memory_space<vmem>>, vector<1x128xf32>
    %mul3A_103 = vector.broadcast %get3A_102 : vector<1x128xf32> to vector<4096x128xf32>
    %mul3A_104 = arith.mulf %div3A_99, %mul3A_103 : vector<4096x128xf32>
    %get3A_105 = arith.constant 0 : index
    %get3A_106 = arith.constant 0 : index
    %get3A_107 = vector.load %arg14[%get3A_105, %get3A_106] : memref<1x128xf32, #tpu.memory_space<vmem>>, vector<1x128xf32>
    %add3A_108 = vector.broadcast %get3A_107 : vector<1x128xf32> to vector<4096x128xf32>
    %add3A_109 = arith.addf %mul3A_104, %add3A_108 : vector<4096x128xf32>
    %logistic3A_110 = arith.negf %add3A_109 : vector<4096x128xf32>
    %logistic3A_111 = math.exp %logistic3A_110 : vector<4096x128xf32>
    %logistic3A_112 = arith.constant 1.000000e+00 : f32
    %logistic3A_113 = vector.broadcast %logistic3A_112 : f32 to vector<4096x128xf32>
    %logistic3A_114 = arith.addf %logistic3A_113, %logistic3A_111 : vector<4096x128xf32>
    %logistic3A_115 = arith.divf %logistic3A_113, %logistic3A_114 : vector<4096x128xf32>
    %mul3A_116 = arith.mulf %add3A_109, %logistic3A_115 : vector<4096x128xf32>
    %get3A_117 = arith.constant 0 : index
    %get3A_118 = arith.constant 0 : index
    %get3A_119 = vector.load %arg15[%get3A_117, %get3A_118] : memref<1x128xf32, #tpu.memory_space<vmem>>, vector<1x128xf32>
    %mul3A_120 = vector.broadcast %get3A_119 : vector<1x128xf32> to vector<4096x128xf32>
    %mul3A_121 = arith.mulf %mul3A_120, %mul3A_116 : vector<4096x128xf32>
    %get3A_122 = arith.constant 0 : index
    %get3A_123 = arith.constant 0 : index
    %get3A_124 = vector.load %arg16[%get3A_122, %get3A_123] : memref<1x128xf32, #tpu.memory_space<vmem>>, vector<1x128xf32>
    %add3A_125 = vector.broadcast %get3A_124 : vector<1x128xf32> to vector<4096x128xf32>
    %add3A_126 = arith.addf %mul3A_121, %add3A_125 : vector<4096x128xf32>
    %reshape3A_127 = vector.shape_cast %add3A_126 : vector<4096x128xf32> to vector<256x16x128xf32>
    %reduce_sum3A_128 = arith.constant dense<0.000000e+00> : vector<256x16xf32>
    %reduce_sum3A_129 = vector.multi_reduction <add>, %reshape3A_127, %reduce_sum3A_128 [2] : vector<256x16x128xf32> to vector<256x16xf32>
    %reduce_max3A = arith.constant dense<0xFF800000> : vector<256xf32>
    %reduce_max3A_130 = vector.multi_reduction <maximumf>, %reduce_sum3A_129, %reduce_max3A [1] : vector<256x16xf32> to vector<256xf32>
    %broadcast_in_dim3A_131 = vector.shape_cast %reduce_max3A_130 : vector<256xf32> to vector<256x1xf32>
    %sub3A_132 = vector.broadcast %broadcast_in_dim3A_131 : vector<256x1xf32> to vector<256x16xf32>
    %sub3A_133 = arith.subf %reduce_sum3A_129, %sub3A_132 : vector<256x16xf32>
    %exp3A = math.exp %sub3A_133 : vector<256x16xf32>
    %reduce_sum3A_134 = arith.constant dense<0.000000e+00> : vector<256xf32>
    %reduce_sum3A_135 = vector.multi_reduction <add>, %exp3A, %reduce_sum3A_134 [1] : vector<256x16xf32> to vector<256xf32>
    %broadcast_in_dim3A_136 = vector.shape_cast %reduce_sum3A_135 : vector<256xf32> to vector<256x1xf32>
    %div3A_137 = vector.broadcast %broadcast_in_dim3A_136 : vector<256x1xf32> to vector<256x16xf32>
    %div3A_138 = arith.divf %exp3A, %div3A_137 : vector<256x16xf32>
    %broadcast_in_dim3A_139 = vector.shape_cast %div3A_138 : vector<256x16xf32> to vector<256x16x1xf32>
    %mul3A_140 = vector.broadcast %broadcast_in_dim3A_139 : vector<256x16x1xf32> to vector<256x16x128xf32>
    %mul3A_141 = arith.mulf %reshape3A_127, %mul3A_140 : vector<256x16x128xf32>
    %reduce_sum3A_142 = arith.constant dense<0.000000e+00> : vector<256x128xf32>
    %reduce_sum3A_143 = vector.multi_reduction <add>, %mul3A_141, %reduce_sum3A_142 [1] : vector<256x16x128xf32> to vector<256x128xf32>
    %swap3A = arith.constant 0 : index
    %swap3A_144 = arith.constant 0 : index
    %swap3A_145 = vector.load %arg17[%swap3A, %swap3A_144] : memref<256x128xf32, #tpu.memory_space<vmem>>, vector<256x128xf32>
    tpu.vector_store %arg17[%swap3A, %swap3A_144], %reduce_sum3A_143 {strides = array<i32>} : memref<256x128xf32, #tpu.memory_space<vmem>>, vector<256x128xf32>,
    return
  }
  func.func @transform_0(%arg0: i32) -> (i32, i32) {
    %c0_i32 = arith.constant 0 : i32
    %c0_i32_0 = arith.constant 0 : i32
    return %arg0, %c0_i32 : i32, i32
  }
  func.func @transform_1(%arg0: i32) -> (i32, i32) {
    %c0_i32 = arith.constant 0 : i32
    %c0_i32_0 = arith.constant 0 : i32
    return %arg0, %c0_i32 : i32, i32
  }
  func.func @transform_2(%arg0: i32) -> (i32, i32) {
    %c0_i32 = arith.constant 0 : i32
    %c0_i32_0 = arith.constant 0 : i32
    return %arg0, %c0_i32 : i32, i32
  }
  func.func @transform_3(%arg0: i32) -> (i32, i32) {
    %c0_i32 = arith.constant 0 : i32
    %c0_i32_0 = arith.constant 0 : i32
    %c0_i32_1 = arith.constant 0 : i32
    return %c0_i32, %c0_i32_0 : i32, i32
  }
  func.func @transform_4(%arg0: i32) -> (i32, i32) {
    %c0_i32 = arith.constant 0 : i32
    %c0_i32_0 = arith.constant 0 : i32
    %c0_i32_1 = arith.constant 0 : i32
    return %c0_i32, %c0_i32_0 : i32, i32
  }
  func.func @transform_5(%arg0: i32) -> (i32, i32) {
    %c0_i32 = arith.constant 0 : i32
    %c0_i32_0 = arith.constant 0 : i32
    %c0_i32_1 = arith.constant 0 : i32
    return %c0_i32, %c0_i32_0 : i32, i32
  }
  func.func @transform_6(%arg0: i32) -> (i32, i32) {
    %c0_i32 = arith.constant 0 : i32
    %c0_i32_0 = arith.constant 0 : i32
    %c0_i32_1 = arith.constant 0 : i32
    return %c0_i32, %c0_i32_0 : i32, i32
  }
  func.func @transform_7(%arg0: i32) -> (i32, i32) {
    %c0_i32 = arith.constant 0 : i32
    %c0_i32_0 = arith.constant 0 : i32
    %c0_i32_1 = arith.constant 0 : i32
    return %c0_i32, %c0_i32_0 : i32, i32
  }
  func.func @transform_8(%arg0: i32) -> (i32, i32) {
    %c0_i32 = arith.constant 0 : i32
    %c0_i32_0 = arith.constant 0 : i32
    %c0_i32_1 = arith.constant 0 : i32
    return %c0_i32, %c0_i32_0 : i32, i32
  }
  func.func @transform_9(%arg0: i32) -> (i32, i32) {
    %c0_i32 = arith.constant 0 : i32
    %c0_i32_0 = arith.constant 0 : i32
    %c0_i32_1 = arith.constant 0 : i32
    return %c0_i32, %c0_i32_0 : i32, i32
  }
  func.func @transform_10(%arg0: i32) -> (i32, i32) {
    %c0_i32 = arith.constant 0 : i32
    %c0_i32_0 = arith.constant 0 : i32
    %c0_i32_1 = arith.constant 0 : i32
    return %c0_i32, %c0_i32_0 : i32, i32
  }
  func.func @transform_11(%arg0: i32) -> (i32, i32) {
    %c0_i32 = arith.constant 0 : i32
    %c0_i32_0 = arith.constant 0 : i32
    %c0_i32_1 = arith.constant 0 : i32
    return %c0_i32, %c0_i32_0 : i32, i32
  }
  func.func @transform_12(%arg0: i32) -> (i32, i32) {
    %c0_i32 = arith.constant 0 : i32
    %c0_i32_0 = arith.constant 0 : i32
    %c0_i32_1 = arith.constant 0 : i32
    return %c0_i32, %c0_i32_0 : i32, i32
  }
  func.func @transform_13(%arg0: i32) -> (i32, i32) {
    %c0_i32 = arith.constant 0 : i32
    %c0_i32_0 = arith.constant 0 : i32
    %c0_i32_1 = arith.constant 0 : i32
    return %c0_i32, %c0_i32_0 : i32, i32
  }
  func.func @transform_14(%arg0: i32) -> (i32, i32) {
    %c0_i32 = arith.constant 0 : i32
    %c0_i32_0 = arith.constant 0 : i32
    %c0_i32_1 = arith.constant 0 : i32
    return %c0_i32, %c0_i32_0 : i32, i32
  }
  func.func @transform_15(%arg0: i32) -> (i32, i32) {
    %c0_i32 = arith.constant 0 : i32
    %c0_i32_0 = arith.constant 0 : i32
    %c0_i32_1 = arith.constant 0 : i32
    return %c0_i32, %c0_i32_0 : i32, i32
  }
  func.func @transform_16(%arg0: i32) -> (i32, i32) {
    %c0_i32 = arith.constant 0 : i32
    %c0_i32_0 = arith.constant 0 : i32
    return %arg0, %c0_i32 : i32, i32
  }
}

</mosaic_0001>

<sc_bundles>
// kernel: kernel.42.cloned.1.call-start
scs
__scs_entry_jumppad:
0x0: {  	(pc) =	sbr.rel $0x88, $3  }
0x1: {  	(tag) =	ssettag $0x0;
	lr =	simm.s32 $0x1  }
0x2: {  	[smem:$0x3F8F] =	sst lr;
	_ =	strace $0xD0000000  }
0x3: {  	_ = 	snop  }
0x4: {  	_ = 	snop  }
0x5: {  	_ = 	snop  }
0x6: {  	_ = 	snop  }
0x7: {  	_ = 	snop  }
__scs_overlays_trampoline_lowered:
0x8: {  	[smem:$0x3F9E] =	sst s0  }
0x9: {  	[smem:$0x3F9F] =	sst s1  }
0xa: {  	[smem:$0x3FA0] =	sst s2  }
0xb: {  	[smem:$0x3FA1] =	sst s3  }
0xc: {  	[smem:$0x3FA2] =	sst s4  }
0xd: {  	[smem:$0x3FA3] =	sst s5  }
0xe: {  	[smem:$0x3FA4] =	sst s6  }
0xf: {  	[smem:$0x3FA5] =	sst s7  }
0x10: {  	[smem:$0x3FA6] =	sst s8  }
0x11: {  	[smem:$0x3FA7] =	sst s9;
	s0 =	simm.s32 @!p0 $0x0  }
0x12: {  	s1 =	sld [smem:$0x3F8D];
	s0 =	simm.s32 @p0 $0x1  }
0x13: {  	[smem:$0x3FA8] =	sst s0;
	s0 =	simm.s32 @!p1 $0x0  }
0x14: {  	s2 =	sld [smem:$0x3F8C];
	s0 =	simm.s32 @p1 $0x1  }
0x15: {  	[smem:$0x3FA9] =	sst s0;
	s0 =	simm.s32 @!p2 $0x0  }
0x16: {  	s3 =	sld [smem:$0x3FDB];
	s0 =	simm.s32 @p2 $0x1  }
0x17: {  	s4 =	simm.s32 $0x1BF5;
	[smem:$0x3FAB] =	sst s0  }
0x18: {  	s0 =	sld [smem:$0x3F8E];
	_ =	swait.ge [sflag:s4], $0x0  }
0x19: {  	s7 =	sld [smem:$0x3F8F]  }
0x1a: {  	s8 =	sadd.s32 $0xFFFFE003, lr  }
0x1b: {  	s9 =	sadd.s32 $0xFFFFFEF7, lr;
	s5 =	simm.s32 $0xFFFFFFFF;
	p2 =	slt.u32 s8, $0xFFFFF086  }
0x1c: {  	p1 =	slt.u32 s9, $0xF7A;
	s5 =	simm.s32 @!p2 $0x0  }
0x1d: {  	s5 =	simm.s32 @p1 $0x1;
	p0 =	seq.s32 s7, s2  }
0x1e: {  	s7 =	smul.u32 @!p0 $0xF7A, s2;
	p2 =	seq.s32 @!p0 s5, $0x0  }
0x1f: {  	s9 =	smul.u32 $0xF7A, s1;
	s8 =	simm.s32 @!p0 $0x1BF5;
	p2 =	por !p2, p0  }
0x20: {  	[sflag:s8] =	ssyncset.s32 @!p0 $0xFFFFF086;
	s6 =	sadd.s32 @!p0 s3, s7;
	s7 =	simm.s32 @!p0 $0x108  }
0x21: {  	s3 =	sadd.s32 s3, s9;
	s6 =	sadd.s32 @!p0 $0x88, s6;
	s7 =	simm.s32 @p2 $0x1082  }
0x22: {  	[simem:s7], [sflag:s8] =	dma.local @!p0 [hbm:s6], $0xF7A  }
0x23: {  	s9 =	sor.u32 $0xD0000000, s2;
	s6 =	simm.s32 $0x108;
	_ =	swait.ge @!p0 [sflag:s8], $0x0  }
0x24: {  	s3 =	sadd.s32 $0x88, s3;
	s6 =	simm.s32 @!p1 $0x1082;
	[sflag:s4] =	ssyncset.s32 $0xFFFFF086  }
0x25: {  	[simem:s6], [sflag:s4] =	dma.local [hbm:s3], $0xF7A  }
0x26: {  	[smem:$0x3F8F] =	sst s1;
	(tag) =	ssettag s2;
	_ =	strace s9  }
0x27: {  	s1 =	sld [smem:$0x3F9F]  }
0x28: {  	s2 =	sld [smem:$0x3FA0]  }
0x29: {  	s4 =	sld [smem:$0x3FA2]  }
0x2a: {  	p0 =	seq.s32 s5, $0x0;
	s5 =	sld [smem:$0x3FA3]  }
0x2b: {  	s6 =	sld [smem:$0x3FA4]  }
0x2c: {  	s7 =	sld [smem:$0x3FA5]  }
0x2d: {  	s3 =	simm.s32 $0x108;
	s8 =	sld [smem:$0x3FA6]  }
0x2e: {  	s3 =	simm.s32 @!p0 $0x1082;
	s9 =	sld [smem:$0x3FA7]  }
0x2f: {  	lr =	sadd.s32 s0, s3;
	s0 =	sld [smem:$0x3F9E]  }
0x30: {  	s3 =	sld [smem:$0x3FA1]  }
0x31: {  	[smem:$0x3FAA] =	sst s10  }
0x32: {  	s10 =	sld [smem:$0x3FA8];
	_ =	sdelay $0x3  }
0x33: {  	p0 =	seq.s32 s10, $0x1;
	s10 =	sld [smem:$0x3FAA];
	_ =	sdelay $0x3  }
0x34: {  	[smem:$0x3FAA] =	sst s10  }
0x35: {  	s10 =	sld [smem:$0x3FA9];
	_ =	sdelay $0x3  }
0x36: {  	p1 =	seq.s32 s10, $0x1;
	s10 =	sld [smem:$0x3FAA];
	_ =	sdelay $0x3  }
0x37: {  	[smem:$0x3FAA] =	sst s10  }
0x38: {  	s10 =	sld [smem:$0x3FAB]  }
0x39: {  	_ = 	snop;
	(pc) =	sbr.ind lr, $3  }
0x3a: {  	_ = 	snop  }
0x3b: {  	_ = 	snop  }
0x3c: {  	p2 =	seq.s32 s10, $0x1;
	s10 =	sld [smem:$0x3FAA]  }
0x3d: {  	_ =	shalt  }
0x3e: {  	_ =	shalt  }
0x3f: {  	_ =	shalt  }
0x40: {  	_ =	shalt  }
0x41: {  	_ =	shalt  }
0x42: {  	_ =	shalt  }
0x43: {  	_ =	shalt  }
0x44: {  	_ =	shalt  }
0x45: {  	_ =	shalt  }
0x46: {  	_ =	shalt  }
0x47: {  	_ =	shalt  }
0x48: {  	_ =	shalt  }
0x49: {  	_ =	shalt  }
0x4a: {  	_ =	shalt  }
0x4b: {  	_ =	shalt  }
0x4c: {  	_ =	shalt  }
0x4d: {  	_ =	shalt  }
0x4e: {  	_ =	shalt  }
0x4f: {  	_ =	shalt  }
0x50: {  	_ =	shalt  }
0x51: {  	_ =	shalt  }
0x52: {  	_ =	shalt  }
0x53: {  	_ =	shalt  }
0x54: {  	_ =	shalt  }
0x55: {  	_ =	shalt  }
0x56: {  	_ =	shalt  }
0x57: {  	_ =	shalt  }
0x58: {  	_ =	shalt  }
0x59: {  	_ =	shalt  }
0x5a: {  	_ =	shalt  }
0x5b: {  	_ =	shalt  }
0x5c: {  	_ =	shalt  }
0x5d: {  	_ =	shalt  }
0x5e: {  	_ =	shalt  }
0x5f: {  	_ =	shalt  }
0x60: {  	_ =	shalt  }
0x61: {  	_ =	shalt  }
0x62: {  	_ =	shalt  }
0x63: {  	_ =	shalt  }
0x64: {  	_ =	shalt  }
0x65: {  	_ =	shalt  }
0x66: {  	_ =	shalt  }
0x67: {  	_ =	shalt  }
0x68: {  	_ =	shalt  }
0x69: {  	_ =	shalt  }
0x6a: {  	_ =	shalt  }
0x6b: {  	_ =	shalt  }
0x6c: {  	_ =	shalt  }
0x6d: {  	_ =	shalt  }
0x6e: {  	_ =	shalt  }
0x6f: {  	_ =	shalt  }
0x70: {  	_ =	shalt  }
0x71: {  	_ =	shalt  }
0x72: {  	_ =	shalt  }
0x73: {  	_ =	shalt  }
0x74: {  	_ =	shalt  }
0x75: {  	_ =	shalt  }
0x76: {  	_ =	shalt  }
0x77: {  	_ =	shalt  }
0x78: {  	_ =	shalt  }
0x79: {  	_ =	shalt  }
0x7a: {  	_ =	shalt  }
0x7b: {  	_ =	shalt  }
0x7c: {  	_ =	shalt  }
0x7d: {  	_ =	shalt  }
0x7e: {  	_ =	shalt  }
0x7f: {  	_ =	shalt  }
0x80: {  	_ =	shalt  }
0x81: {  	_ =	shalt  }
0x82: {  	_ =	shalt  }
0x83: {  	_ =	shalt  }
0x84: {  	_ =	shalt  }
0x85: {  	_ =	shalt  }
0x86: {  	_ =	shalt  }
0x87: {  	_ =	shalt  }
.Lfunc_end0:
.L_simem_size_0:
called_computation_lowered:
.L_overlay_start_0:
0x88: {  	s2 =	sld [smem:$0x3FD9]  }
0x89: {  	s3 =	sld [smem:$0x3FFE];
	_ =	sdelay $0x1  }
0x8a: {  	s1 =	srdreg.scid  }
0x8b: {  	s0 =	sand.u32 $0x1, s1  }
0x8c: {  	s17 =	sshll.u32 s0, $0xA;
	s2 =	sadd.s32 s3, s2  }
0x8d: {  	s2 =	sadd.s32 s2, s17  }
0x8e: {  	[smem:$0x3FB6] =	sst s2  }
0x8f: {  	_ = 	snop  }
0x90: {  	s18 =	sld [smem:$0x3FD0];
	(tm) =	ssettm $0x1  }
0x91: {  	s19 =	sld [smem:$0x3FFB];
	_ =	sdelay $0x3  }
0x92: {  	_ =	strace s19  }
0x93: {  	s2 =	sld [smem:$0x3FFC];
	_ =	sdelay $0x3  }
0x94: {  	_ =	strace s2  }
0x95: {  	s2 =	sld [smem:$0x3FFD];
	_ =	sdelay $0x3  }
0x96: {  	_ =	strace s2  }
0x97: {  	_ =	strace $0x8FFFFFFF  }
0x98: {  	s20 =	sld [smem:$0x3FDB];
	_ =	sdelay $0x1  }
0x99: {  	s4 =	simm.s32 $_scs_section_size  }
0x9a: {  	s5 =	simm.s32 $_size__tile_overlayer_lowered;
	s6 =	simm.s32 $_tile_overlayer_lowered  }
0x9b: {  	s7 =	simm.s32 $0x1BFF;
	s21 =	sshll.u32 s6, $0x1;
	s4 =	sadd.s32 s4, s20  }
0x9c: {  	s22 =	simm.s32 $0x0;
	s5 =	sshll.u32 s5, $0x1;
	s6 =	sadd.s32 s21, s4  }
0x9d: {  	[timem:s22], [sflag:s7] =	dma.local [hbm:s6], s5  }
0x9e: {  	_ =	swait.ge [sflag:s7], s5  }
0x9f: {  	s5 =	ssub.s32 $0x0, s5;
	[sflag:s7] =	ssyncset.done $0x0  }
0xa0: {  	[sflag:s7] =	ssyncadd.s32 s5;
	_ =	sdelay $0x1  }
0xa1: {  	s23 =	simm.s32 $0x1B8B  }
0xa2: {  	_ =	swait.ge [sflag:s23], $0x1  }
0xa3: {  	[sflag:s23] =	ssyncset.done $0x0  }
0xa4: {  	[sflag:s23] =	ssyncadd.s32 $0xFFFFFFFF  }
0xa5: {  	s5 =	sld [smem:$0x0]  }
0xa6: {  	s6 =	sand.u32 $0xFFFFFFFE, s1  }
0xa7: {  	p0 =	sne.s32 s1, s6  }
0xa8: {  	s6 =	sshll.u32 @p0 s6, $0xE  }
0xa9: {  	s6 =	sadd.s32 @p0 $0x11B8D, s6;
	s7 =	sshll.u32 @p0 s5, $0x11  }
0xaa: {  	s6 =	sor.u32 @p0 s7, s6  }
0xab: {  	[sflag:s6] =	ssyncadd.remote.s32 @p0 $0x1;
	_ =	sdelay $0x1  }
0xac: {  	s6 =	simm.s32 @p0 $0x1B8D  }
0xad: {  	_ =	swait.eq @p0 [sflag:s6], $0x1  }
0xae: {  	[sflag:s6] =	ssyncadd.s32 @p0 $0xFFFFFFFF  }
0xaf: {  	s7 =	sshll.u32 @!p0 s1, $0xE  }
0xb0: {  	s7 =	sor.u32 @!p0 $0x4000, s7;
	s6 =	simm.s32 @!p0 $0x1B8D  }
0xb1: {  	s5 =	sshll.u32 @!p0 s5, $0x11;
	s7 =	sadd.s32 @!p0 $0x11B8D, s7;
	_ =	swait.eq @!p0 [sflag:s6], $0x1  }
0xb2: {  	s5 =	sor.u32 @!p0 s5, s7;
	[sflag:s6] =	ssyncadd.s32 @!p0 $0xFFFFFFFF  }
0xb3: {  	s25 =	simm.s32 $0x1B8E;
	s24 =	sld [smem:$0x3FFE];
	[sflag:s5] =	ssyncadd.remote.s32 @!p0 $0x1  }
0xb4: {  	s26 =	simm.s32 $execute0_lowered;
	[smem:$0x3FD2] =	sst s25  }
0xb5: {  	s6 =	sshll.u32 s26, $0x1;
	_ =	strace $0x80000058;
	[dreg:$0x1] =	wrdreg $0xFFFFFFFF  }
0xb6: {  	s28 =	simm.s32 $_size_execute0_lowered;
	s4 =	sadd.s32 s4, s6;
	[dreg:$0x0] =	wrdreg $0x0  }
0xb7: {  	s6 =	sshll.u32 s28, $0x1;
	[dreg:$0x2] =	wrdreg s4  }
0xb8: {  	[dreg:$0x3] =	wrdreg s6  }
0xb9: {  	[dreg:$0x4] =	wrdreg $0xC0  }
0xba: {  	_ =	task [dreg:s22], $0x5FFFF  }
0xbb: {  	[dreg:$0x1] =	wrdreg $0xFFFFFFFF  }
0xbc: {  	[dreg:$0x0] =	wrdreg $0x60  }
0xbd: {  	[dreg:$0x2] =	wrdreg s24  }
0xbe: {  	[dreg:$0x3] =	wrdreg s18  }
0xbf: {  	[dreg:$0x4] =	wrdreg $0x9  }
0xc0: {  	_ =	task.clear_ibuf [dreg:s22], $0x5FFFF;
	_ =	strace $0x90000058  }
0xc1: {  	s29 =	simm.s32 $0x9;
	_ =	strace $0x8000005A  }
0xc2: {  	_ =	swait.ge [sflag:s29], $0x1  }
0xc3: {  	[sflag:s29] =	ssyncadd.s32 $0xFFFFFFFF  }
0xc4: {  	_ =	strace $0x9000005A  }
0xc5: {  	_ =	sfence  }
0xc6: {  	s30 =	sld [smem:$0x0];
	_ =	sdelay $0x2  }
0xc7: {  	s31 =	sshll.u32 s1, $0xD;
	s1 =	sshrl.u32 s1, $0x2  }
0xc8: {  	s4 =	sand.u32 $0x4000, s31;
	s1 =	sadd.s32 s1, s30  }
0xc9: {  	s0 =	sor.u32 s4, s0;
	s1 =	sshll.u32 s1, $0x11  }
0xca: {  	s0 =	sor.u32 s1, s0  }
0xcb: {  	s0 =	sadd.s32 $0x8F2B, s0  }
0xcc: {  	[sflag:s0] =	ssyncadd.remote.s32 $0x1  }
0xcd: {  	_ =	sfence.sel $0xFFFF  }
0xce: {  	[dreg:$0x0] =	wrdreg $0xFFFFFFFF;
	(pc) =	sbr.abs _section_cstart, $3  }
0xcf: {  	[dreg:$0x1] =	wrdreg $0xFFFFFFFF  }
0xd0: {  	_ =	task.clear_ibuf [dreg:s22], $0x2FFFF;
	_ =	strace $0x9FFFFFFF  }
0xd1: {  	(tm) =	ssettm $0x7FFFFFFF  }
tec
execute0_lowered:
.L_overlay_start_1:
0x0: {  	(tag) =	ssettag $0x1  }
0x1: {  	s5 =	rddreg [dreg:$0x0]  }
0x2: {  	s6 =	rddreg [dreg:$0x1]  }
0x3: {  	s0 =	rddreg [dreg:$0x2]  }
0x4: {  	s2 =	simm.s32 $0x0;
	s1 =	stileid.u32;
	s7 =	srdreg.scid  }
0x5: {  	s12 =	simm.s32 $0x4400;
	s13 =	simm.s32 $0x1;
	s14 =	simm.s32 $0x2  }
0x6: {  	s15 =	simm.s32 $0x0;
	[smem:$0x7FF] =	sst s2;
	s3 =	sadd.s32 $0x6D400, s5  }
0x7: {  	s4 =	sadd.s32 $0x75400, s5;
	s8 =	sshll.u32 s1, $0xF;
	s7 =	sand.u32 $0x1, s7  }
0x8: {  	s10 =	sshll.u32 s1, $0xB;
	_ =	strace $0x80000059;
	s9 =	ssub.s32 $0x2, s7  }
0x9: {  	s11 =	sshll.u32 s7, $0xA;
	s8 =	sadd.s32 s8, s5;
	s7 =	sshll.u32 s7, $0xE  }
0xa: {  	s30 =	sshrl.u32 s9, $0x1;
	s10 =	sor.u32 s11, s10;
	s8 =	sadd.s32 s7, s8  }
0xb: {  	s11 =	simm.s32 $0x400;
	s9 =	ssub.s32 s9, s30;
	s31 =	sshrl.u32 s10, $0x3  }
0xc: {  	s7 =	sadd.s32 $0x692400, s8;
	s8 =	sadd.s32 $0x712400, s8;
	s10 =	simm.s32 $0x80  }
0xd: {  	s5 =	sadd.s32 s6, s31;
	s6 =	smax.u32 s9, $0x1;
	s9 =	simm.s32 $0x3  }
.LBB2_1:
0xe: {  	[tilespmem:s2], [sflag:$0x3] =	stream.linear.gather [hbm4b:s5+s2], $0x400, $0x38;
	[tilespmem:$0x8400] =	vst v63  }
0xf: {  	_ =	swait.ge [sflag:s9], $0x400  }
0x10: {  	[sflag:s9] =	ssyncset.done $0x0  }
0x11: {  	[sflag:s9] =	ssyncadd.s32 $0xFFFFFC00  }
0x12: {  	[tilespmem:s11], [sflag:$0x1] =	stream.indirect.gather [hbm4b:s3+s10], $0x80, s2, s10, $0xb8;
	[tilespmem:$0x8400] =	vst v63  }
0x13: {  	_ = 	snop  }
0x14: {  	[tilespmem:s12], [sflag:$0x2] =	stream.indirect.gather [hbm4b:s4+s10], $0x80, s2, s10, $0xb8;
	[tilespmem:$0x8400] =	vst v63  }
0x15: {  	_ =	swait.ge [sflag:s13], $0x4000  }
0x16: {  	[sflag:s13] =	ssyncset.done $0x0  }
0x17: {  	[sflag:s13] =	ssyncadd.s32 $0xFFFFC000  }
0x18: {  	_ =	swait.ge [sflag:s14], $0x4000  }
0x19: {  	[sflag:s14] =	ssyncset.done $0x0  }
0x1a: {  	s16 =	sadd.s32 $0x0, s7;
	[sflag:s14] =	ssyncadd.s32 $0xFFFFC000  }
0x1b: {  	[hbm4b:s16+s2] =	stream.linear.scatter [tilespmem:s11], [sflag:$0x3], $0x4000, $0x38;
	[tilespmem:$0x8400] =	vst v63  }
0x1c: {  	_ =	swait.ge [sflag:s9], $0x4000  }
0x1d: {  	[sflag:s9] =	ssyncset.done $0x0  }
0x1e: {  	s31 =	sadd.s32 $0x0, s8;
	[sflag:s9] =	ssyncadd.s32 $0xFFFFC000  }
0x1f: {  	[hbm4b:s31+s2] =	stream.linear.scatter [tilespmem:s12], [sflag:$0x3], $0x4000, $0x38;
	[tilespmem:$0x8400] =	vst v63  }
0x20: {  	_ =	swait.ge [sflag:s9], $0x4000  }
0x21: {  	s17 =	simm.s32 $0x0;
	s16 =	simm.s32 $0x800;
	[sflag:s9] =	ssyncset.done $0x0  }
.LBB2_2:
0x22: {  	p0 =	sne.s32 s16, $0x3800;
	[sflag:s9] =	ssyncadd.s32 $0xFFFFC000;
	s17 =	sadd.s32 $0x80, s17  }
0x23: {  	[tilespmem:s11], [sflag:$0x1] =	stream.indirect.gather [hbm4b:s3+s10], $0x80, s17, s10, $0xb8;
	[tilespmem:$0x8400] =	vst v63  }
0x24: {  	s18 =	smov.u32 s16;
	s16 =	sadd.s32 $0x800, s16  }
0x25: {  	[tilespmem:s12], [sflag:$0x2] =	stream.indirect.gather [hbm4b:s4+s10], $0x80, s17, s10, $0xb8;
	[tilespmem:$0x8400] =	vst v63  }
0x26: {  	_ =	swait.ge [sflag:s13], $0x4000  }
0x27: {  	[sflag:s13] =	ssyncset.done $0x0  }
0x28: {  	[sflag:s13] =	ssyncadd.s32 $0xFFFFC000  }
0x29: {  	_ =	swait.ge [sflag:s14], $0x4000  }
0x2a: {  	[sflag:s14] =	ssyncset.done $0x0  }
0x2b: {  	s19 =	sadd.s32 s18, s7;
	[sflag:s14] =	ssyncadd.s32 $0xFFFFC000  }
0x2c: {  	[hbm4b:s19+s2] =	stream.linear.scatter [tilespmem:s11], [sflag:$0x3], $0x4000, $0x38;
	[tilespmem:$0x8400] =	vst v63  }
0x2d: {  	_ =	swait.ge [sflag:s9], $0x4000  }
.Ltmp0:
0x2e: {  	[sflag:s9] =	ssyncset.done $0x0;
	(pc) =	sbr.rel @p0 .LBB2_2-.Ltmp0, $4  }
0x2f: {  	s18 =	sadd.s32 s18, s8;
	[sflag:s9] =	ssyncadd.s32 $0xFFFFC000  }
0x30: {  	[hbm4b:s18+s2] =	stream.linear.scatter [tilespmem:s12], [sflag:$0x3], $0x4000, $0x38;
	[tilespmem:$0x8400] =	vst v63  }
0x31: {  	_ =	swait.ge [sflag:s9], $0x4000  }
0x32: {  	[sflag:s9] =	ssyncset.done $0x0  }
0x33: {  	s15 =	sadd.s32 $0x1, s15  }
0x34: {  	p0 =	sne.s32 s15, s6  }
.Ltmp1:
0x35: {  	_ = 	snop;
	(pc) =	sbr.rel @p0 .LBB2_1-.Ltmp1, $2  }
0x36: {  	_ =	sdelay $0x2  }
0x37: {  	[sflag:s9] =	ssyncadd.s32 $0xFFFFC000  }
0x38: {  	_ =	sfence.sel $0x180000  }
0x39: {  	[bflag:$0x0] =	sbarrier.arrive $0xFFFF  }
0x3a: {  	p0 =	sne.s32 s1, $0x0;
	_ =	strace $0x90000059  }
0x3b: {  	s0 =	sadd.s32 @!p0 $0x100000, s0;
	[bflag:$0x2] =	sbarrier.arrive $0xFFFF  }
0x3c: {  	[sflag:s0] =	ssyncadd.tile.s32 @!p0 $0x1;
	_ =	shalt  }
.Lfunc_end2:
_tile_overlayer_lowered:
.L_overlay_start_2:
0x3d: {  	(tag) =	ssettag $0x2  }
0x3e: {  	s0 =	rddreg [dreg:$0x0];
	s2 =	stileid.u32  }
0x3f: {  	s1 =	rddreg [dreg:$0x1];
	p0 =	sne.s32 s2, $0x0  }
0x40: {  	s3 =	rddreg [dreg:$0x2];
	[bflag:$0x3] =	sbarrier.arrive $0xFFFF;
	s2 =	simm.s32 @!p0 $0x1C03  }
0x41: {  	[timem:s3], [sflag:s2] =	dma.local @!p0 [hbm:s0], s1  }
0x42: {  	s0 =	simm.s32 @!p0 $0x3  }
0x43: {  	_ =	swait.ge @!p0 [sflag:s0], s1  }
0x44: {  	s1 =	ssub.s32 @!p0 $0x0, s1;
	[sflag:s0] =	ssyncset.done @!p0 $0x0  }
0x45: {  	[sflag:s0] =	ssyncadd.s32 @!p0 s1  }
0x46: {  	[bflag:$0x3] =	sbarrier.arrive $0xFFFF  }
0x47: {  	_ =	shalt  }

// kernel: kernel.45.cloned.1.call-start
scs
__scs_entry_jumppad:
0x0: {  	(pc) =	sbr.rel $0x88, $3  }
0x1: {  	(tag) =	ssettag $0x0;
	lr =	simm.s32 $0x1  }
0x2: {  	[smem:$0x3F8F] =	sst lr;
	_ =	strace $0xD0000000  }
0x3: {  	_ = 	snop  }
0x4: {  	_ = 	snop  }
0x5: {  	_ = 	snop  }
0x6: {  	_ = 	snop  }
0x7: {  	_ = 	snop  }
__scs_overlays_trampoline_lowered:
0x8: {  	[smem:$0x3F9E] =	sst s0  }
0x9: {  	[smem:$0x3F9F] =	sst s1  }
0xa: {  	[smem:$0x3FA0] =	sst s2  }
0xb: {  	[smem:$0x3FA1] =	sst s3  }
0xc: {  	[smem:$0x3FA2] =	sst s4  }
0xd: {  	[smem:$0x3FA3] =	sst s5  }
0xe: {  	[smem:$0x3FA4] =	sst s6  }
0xf: {  	[smem:$0x3FA5] =	sst s7  }
0x10: {  	[smem:$0x3FA6] =	sst s8  }
0x11: {  	[smem:$0x3FA7] =	sst s9;
	s0 =	simm.s32 @!p0 $0x0  }
0x12: {  	s1 =	sld [smem:$0x3F8D];
	s0 =	simm.s32 @p0 $0x1  }
0x13: {  	[smem:$0x3FA8] =	sst s0;
	s0 =	simm.s32 @!p1 $0x0  }
0x14: {  	s2 =	sld [smem:$0x3F8C];
	s0 =	simm.s32 @p1 $0x1  }
0x15: {  	[smem:$0x3FA9] =	sst s0;
	s0 =	simm.s32 @!p2 $0x0  }
0x16: {  	s3 =	sld [smem:$0x3FDB];
	s0 =	simm.s32 @p2 $0x1  }
0x17: {  	s4 =	simm.s32 $0x1BF5;
	[smem:$0x3FAB] =	sst s0  }
0x18: {  	s0 =	sld [smem:$0x3F8E];
	_ =	swait.ge [sflag:s4], $0x0  }
0x19: {  	s7 =	sld [smem:$0x3F8F]  }
0x1a: {  	s8 =	sadd.s32 $0xFFFFE003, lr  }
0x1b: {  	s9 =	sadd.s32 $0xFFFFFEF7, lr;
	s5 =	simm.s32 $0xFFFFFFFF;
	p2 =	slt.u32 s8, $0xFFFFF086  }
0x1c: {  	p1 =	slt.u32 s9, $0xF7A;
	s5 =	simm.s32 @!p2 $0x0  }
0x1d: {  	s5 =	simm.s32 @p1 $0x1;
	p0 =	seq.s32 s7, s2  }
0x1e: {  	s7 =	smul.u32 @!p0 $0xF7A, s2;
	p2 =	seq.s32 @!p0 s5, $0x0  }
0x1f: {  	s9 =	smul.u32 $0xF7A, s1;
	s8 =	simm.s32 @!p0 $0x1BF5;
	p2 =	por !p2, p0  }
0x20: {  	[sflag:s8] =	ssyncset.s32 @!p0 $0xFFFFF086;
	s6 =	sadd.s32 @!p0 s3, s7;
	s7 =	simm.s32 @!p0 $0x108  }
0x21: {  	s3 =	sadd.s32 s3, s9;
	s6 =	sadd.s32 @!p0 $0x88, s6;
	s7 =	simm.s32 @p2 $0x1082  }
0x22: {  	[simem:s7], [sflag:s8] =	dma.local @!p0 [hbm:s6], $0xF7A  }
0x23: {  	s9 =	sor.u32 $0xD0000000, s2;
	s6 =	simm.s32 $0x108;
	_ =	swait.ge @!p0 [sflag:s8], $0x0  }
0x24: {  	s3 =	sadd.s32 $0x88, s3;
	s6 =	simm.s32 @!p1 $0x1082;
	[sflag:s4] =	ssyncset.s32 $0xFFFFF086  }
0x25: {  	[simem:s6], [sflag:s4] =	dma.local [hbm:s3], $0xF7A  }
0x26: {  	[smem:$0x3F8F] =	sst s1;
	(tag) =	ssettag s2;
	_ =	strace s9  }
0x27: {  	s1 =	sld [smem:$0x3F9F]  }
0x28: {  	s2 =	sld [smem:$0x3FA0]  }
0x29: {  	s4 =	sld [smem:$0x3FA2]  }
0x2a: {  	p0 =	seq.s32 s5, $0x0;
	s5 =	sld [smem:$0x3FA3]  }
0x2b: {  	s6 =	sld [smem:$0x3FA4]  }
0x2c: {  	s7 =	sld [smem:$0x3FA5]  }
0x2d: {  	s3 =	simm.s32 $0x108;
	s8 =	sld [smem:$0x3FA6]  }
0x2e: {  	s3 =	simm.s32 @!p0 $0x1082;
	s9 =	sld [smem:$0x3FA7]  }
0x2f: {  	lr =	sadd.s32 s0, s3;
	s0 =	sld [smem:$0x3F9E]  }
0x30: {  	s3 =	sld [smem:$0x3FA1]  }
0x31: {  	[smem:$0x3FAA] =	sst s10  }
0x32: {  	s10 =	sld [smem:$0x3FA8];
	_ =	sdelay $0x3  }
0x33: {  	p0 =	seq.s32 s10, $0x1;
	s10 =	sld [smem:$0x3FAA];
	_ =	sdelay $0x3  }
0x34: {  	[smem:$0x3FAA] =	sst s10  }
0x35: {  	s10 =	sld [smem:$0x3FA9];
	_ =	sdelay $0x3  }
0x36: {  	p1 =	seq.s32 s10, $0x1;
	s10 =	sld [smem:$0x3FAA];
	_ =	sdelay $0x3  }
0x37: {  	[smem:$0x3FAA] =	sst s10  }
0x38: {  	s10 =	sld [smem:$0x3FAB]  }
0x39: {  	_ = 	snop;
	(pc) =	sbr.ind lr, $3  }
0x3a: {  	_ = 	snop  }
0x3b: {  	_ = 	snop  }
0x3c: {  	p2 =	seq.s32 s10, $0x1;
	s10 =	sld [smem:$0x3FAA]  }
0x3d: {  	_ =	shalt  }
0x3e: {  	_ =	shalt  }
0x3f: {  	_ =	shalt  }
0x40: {  	_ =	shalt  }
0x41: {  	_ =	shalt  }
0x42: {  	_ =	shalt  }
0x43: {  	_ =	shalt  }
0x44: {  	_ =	shalt  }
0x45: {  	_ =	shalt  }
0x46: {  	_ =	shalt  }
0x47: {  	_ =	shalt  }
0x48: {  	_ =	shalt  }
0x49: {  	_ =	shalt  }
0x4a: {  	_ =	shalt  }
0x4b: {  	_ =	shalt  }
0x4c: {  	_ =	shalt  }
0x4d: {  	_ =	shalt  }
0x4e: {  	_ =	shalt  }
0x4f: {  	_ =	shalt  }
0x50: {  	_ =	shalt  }
0x51: {  	_ =	shalt  }
0x52: {  	_ =	shalt  }
0x53: {  	_ =	shalt  }
0x54: {  	_ =	shalt  }
0x55: {  	_ =	shalt  }
0x56: {  	_ =	shalt  }
0x57: {  	_ =	shalt  }
0x58: {  	_ =	shalt  }
0x59: {  	_ =	shalt  }
0x5a: {  	_ =	shalt  }
0x5b: {  	_ =	shalt  }
0x5c: {  	_ =	shalt  }
0x5d: {  	_ =	shalt  }
0x5e: {  	_ =	shalt  }
0x5f: {  	_ =	shalt  }
0x60: {  	_ =	shalt  }
0x61: {  	_ =	shalt  }
0x62: {  	_ =	shalt  }
0x63: {  	_ =	shalt  }
0x64: {  	_ =	shalt  }
0x65: {  	_ =	shalt  }
0x66: {  	_ =	shalt  }
0x67: {  	_ =	shalt  }
0x68: {  	_ =	shalt  }
0x69: {  	_ =	shalt  }
0x6a: {  	_ =	shalt  }
0x6b: {  	_ =	shalt  }
0x6c: {  	_ =	shalt  }
0x6d: {  	_ =	shalt  }
0x6e: {  	_ =	shalt  }
0x6f: {  	_ =	shalt  }
0x70: {  	_ =	shalt  }
0x71: {  	_ =	shalt  }
0x72: {  	_ =	shalt  }
0x73: {  	_ =	shalt  }
0x74: {  	_ =	shalt  }
0x75: {  	_ =	shalt  }
0x76: {  	_ =	shalt  }
0x77: {  	_ =	shalt  }
0x78: {  	_ =	shalt  }
0x79: {  	_ =	shalt  }
0x7a: {  	_ =	shalt  }
0x7b: {  	_ =	shalt  }
0x7c: {  	_ =	shalt  }
0x7d: {  	_ =	shalt  }
0x7e: {  	_ =	shalt  }
0x7f: {  	_ =	shalt  }
0x80: {  	_ =	shalt  }
0x81: {  	_ =	shalt  }
0x82: {  	_ =	shalt  }
0x83: {  	_ =	shalt  }
0x84: {  	_ =	shalt  }
0x85: {  	_ =	shalt  }
0x86: {  	_ =	shalt  }
0x87: {  	_ =	shalt  }
.Lfunc_end0:
.L_simem_size_0:
called_computation.1_lowered:
.L_overlay_start_0:
0x88: {  	s2 =	sld [smem:$0x3FD9]  }
0x89: {  	s3 =	sld [smem:$0x3FFE];
	_ =	sdelay $0x1  }
0x8a: {  	s1 =	srdreg.scid  }
0x8b: {  	s0 =	sand.u32 $0x1, s1  }
0x8c: {  	s17 =	sshll.u32 s0, $0xA;
	s2 =	sadd.s32 s3, s2  }
0x8d: {  	s2 =	sadd.s32 s2, s17  }
0x8e: {  	[smem:$0x3FB6] =	sst s2  }
0x8f: {  	_ = 	snop  }
0x90: {  	(tm) =	ssettm $0x1  }
0x91: {  	s18 =	sld [smem:$0x3FFB];
	_ =	sdelay $0x3  }
0x92: {  	_ =	strace s18  }
0x93: {  	s2 =	sld [smem:$0x3FFC];
	_ =	sdelay $0x3  }
0x94: {  	_ =	strace s2  }
0x95: {  	s2 =	sld [smem:$0x3FFD];
	_ =	sdelay $0x3  }
0x96: {  	_ =	strace s2  }
0x97: {  	_ =	strace $0x8FFFFFFF  }
0x98: {  	s19 =	sld [smem:$0x3FDB];
	_ =	sdelay $0x1  }
0x99: {  	s20 =	simm.s32 $_scs_section_size  }
0x9a: {  	s4 =	simm.s32 $_size__tile_overlayer_lowered;
	s5 =	simm.s32 $_tile_overlayer_lowered  }
0x9b: {  	s6 =	simm.s32 $0x1BFF;
	s21 =	sshll.u32 s5, $0x1;
	s3 =	sadd.s32 s20, s19  }
0x9c: {  	s22 =	simm.s32 $0x0;
	s4 =	sshll.u32 s4, $0x1;
	s5 =	sadd.s32 s21, s3  }
0x9d: {  	[timem:s22], [sflag:s6] =	dma.local [hbm:s5], s4  }
0x9e: {  	_ =	swait.ge [sflag:s6], s4  }
0x9f: {  	s4 =	ssub.s32 $0x0, s4;
	[sflag:s6] =	ssyncset.done $0x0  }
0xa0: {  	[sflag:s6] =	ssyncadd.s32 s4;
	_ =	sdelay $0x1  }
0xa1: {  	s23 =	simm.s32 $0x1B8B  }
0xa2: {  	_ =	swait.ge [sflag:s23], $0x1  }
0xa3: {  	[sflag:s23] =	ssyncset.done $0x0  }
0xa4: {  	[sflag:s23] =	ssyncadd.s32 $0xFFFFFFFF  }
0xa5: {  	s4 =	sld [smem:$0x0]  }
0xa6: {  	s5 =	sand.u32 $0xFFFFFFFE, s1  }
0xa7: {  	p0 =	sne.s32 s1, s5  }
0xa8: {  	s5 =	sshll.u32 @p0 s5, $0xE  }
0xa9: {  	s5 =	sadd.s32 @p0 $0x11B8D, s5;
	s6 =	sshll.u32 @p0 s4, $0x11  }
0xaa: {  	s5 =	sor.u32 @p0 s6, s5  }
0xab: {  	[sflag:s5] =	ssyncadd.remote.s32 @p0 $0x1;
	_ =	sdelay $0x1  }
0xac: {  	s5 =	simm.s32 @p0 $0x1B8D  }
0xad: {  	_ =	swait.eq @p0 [sflag:s5], $0x1  }
0xae: {  	[sflag:s5] =	ssyncadd.s32 @p0 $0xFFFFFFFF  }
0xaf: {  	s6 =	sshll.u32 @!p0 s1, $0xE  }
0xb0: {  	s6 =	sor.u32 @!p0 $0x4000, s6;
	s5 =	simm.s32 @!p0 $0x1B8D  }
0xb1: {  	s4 =	sshll.u32 @!p0 s4, $0x11;
	s6 =	sadd.s32 @!p0 $0x11B8D, s6;
	_ =	swait.eq @!p0 [sflag:s5], $0x1  }
0xb2: {  	s4 =	sor.u32 @!p0 s4, s6;
	[sflag:s5] =	ssyncadd.s32 @!p0 $0xFFFFFFFF  }
0xb3: {  	s25 =	simm.s32 $0x1B8E;
	s24 =	sld [smem:$0x3FFE];
	[sflag:s4] =	ssyncadd.remote.s32 @!p0 $0x1  }
0xb4: {  	s26 =	simm.s32 $execute0_lowered;
	[smem:$0x3FD2] =	sst s25  }
0xb5: {  	s5 =	sshll.u32 s26, $0x1;
	_ =	strace $0x8000005B;
	[dreg:$0x1] =	wrdreg $0xFFFFFFFF  }
0xb6: {  	s28 =	simm.s32 $_size_execute0_lowered;
	s3 =	sadd.s32 s3, s5;
	[dreg:$0x0] =	wrdreg $0x0  }
0xb7: {  	s5 =	sshll.u32 s28, $0x1;
	[dreg:$0x2] =	wrdreg s3  }
0xb8: {  	[dreg:$0x3] =	wrdreg s5  }
0xb9: {  	[dreg:$0x4] =	wrdreg $0xC0  }
0xba: {  	_ =	task [dreg:s22], $0x5FFFF  }
0xbb: {  	[dreg:$0x1] =	wrdreg $0xFFFFFFFF  }
0xbc: {  	[dreg:$0x0] =	wrdreg $0x60  }
0xbd: {  	[dreg:$0x2] =	wrdreg s24  }
0xbe: {  	[dreg:$0x3] =	wrdreg $0xA  }
0xbf: {  	_ =	task.clear_ibuf [dreg:s22], $0x4FFFF;
	_ =	strace $0x9000005B  }
0xc0: {  	s29 =	simm.s32 $0xA;
	_ =	strace $0x8000005D  }
0xc1: {  	_ =	swait.ge [sflag:s29], $0x1  }
0xc2: {  	[sflag:s29] =	ssyncadd.s32 $0xFFFFFFFF  }
0xc3: {  	_ =	strace $0x9000005D  }
0xc4: {  	_ =	sfence  }
0xc5: {  	s30 =	sld [smem:$0x0];
	_ =	sdelay $0x2  }
0xc6: {  	s31 =	sshll.u32 s1, $0xD;
	s1 =	sshrl.u32 s1, $0x2  }
0xc7: {  	s4 =	sand.u32 $0x4000, s31;
	s1 =	sadd.s32 s1, s30  }
0xc8: {  	s0 =	sor.u32 s4, s0;
	s1 =	sshll.u32 s1, $0x11  }
0xc9: {  	s0 =	sor.u32 s1, s0  }
0xca: {  	s0 =	sadd.s32 $0x8F2B, s0  }
0xcb: {  	[sflag:s0] =	ssyncadd.remote.s32 $0x1  }
0xcc: {  	_ =	sfence.sel $0xFFFF  }
0xcd: {  	[dreg:$0x0] =	wrdreg $0xFFFFFFFF;
	(pc) =	sbr.abs _section_cstart, $3  }
0xce: {  	[dreg:$0x1] =	wrdreg $0xFFFFFFFF  }
0xcf: {  	_ =	task.clear_ibuf [dreg:s22], $0x2FFFF;
	_ =	strace $0x9FFFFFFF  }
0xd0: {  	(tm) =	ssettm $0x7FFFFFFF  }
0xd1: {  	_ =	shalt  }
tec
execute0_lowered:
.L_overlay_start_1:
0x0: {  	(tag) =	ssettag $0x1  }
0x1: {  	s5 =	rddreg [dreg:$0x0]  }
0x2: {  	s0 =	rddreg [dreg:$0x1];
	s3 =	srdreg.scid  }
0x3: {  	s2 =	simm.s32 $0x0;
	s1 =	stileid.u32;
	s11 =	simm.s32 $0x400  }
0x4: {  	s12 =	simm.s32 $0x4400;
	s13 =	simm.s32 $0x1;
	s14 =	simm.s32 $0x2  }
0x5: {  	s15 =	simm.s32 $0x0;
	s6 =	sand.u32 $0x1, s3;
	[smem:$0x7FF] =	sst s2  }
0x6: {  	s4 =	sshll.u32 s1, $0xB;
	s3 =	sadd.s32 $0x7D400, s5;
	s9 =	sshll.u32 s1, $0xF  }
0x7: {  	s7 =	sshll.u32 s6, $0xA;
	_ =	strace $0x8000005C;
	s8 =	ssub.s32 $0x2, s6  }
0x8: {  	s9 =	sadd.s32 s9, s5;
	s30 =	sshll.u32 s6, $0xE;
	s7 =	sor.u32 s7, s4  }
0x9: {  	s4 =	sadd.s32 $0x85400, s5;
	s10 =	sshrl.u32 s8, $0x1;
	s31 =	sadd.s32 s30, s9  }
0xa: {  	s9 =	simm.s32 $0x3;
	s7 =	sshrl.u32 s7, $0x3;
	s8 =	ssub.s32 s8, s10  }
0xb: {  	s7 =	sadd.s32 s7, s5;
	s6 =	smax.u32 s8, $0x1;
	s8 =	sadd.s32 $0x813400, s31  }
0xc: {  	s10 =	simm.s32 $0x80;
	s5 =	sadd.s32 $0x792400, s7;
	s7 =	sadd.s32 $0x793400, s31  }
.LBB2_1:
0xd: {  	[tilespmem:s2], [sflag:$0x3] =	stream.linear.gather [hbm4b:s5+s2], $0x400, $0x38;
	[tilespmem:$0x8400] =	vst v63  }
0xe: {  	_ =	swait.ge [sflag:s9], $0x400  }
0xf: {  	[sflag:s9] =	ssyncset.done $0x0  }
0x10: {  	[sflag:s9] =	ssyncadd.s32 $0xFFFFFC00  }
0x11: {  	[tilespmem:s11], [sflag:$0x1] =	stream.indirect.gather [hbm4b:s3+s10], $0x80, s2, s10, $0xb8;
	[tilespmem:$0x8400] =	vst v63  }
0x12: {  	_ = 	snop  }
0x13: {  	[tilespmem:s12], [sflag:$0x2] =	stream.indirect.gather [hbm4b:s4+s10], $0x80, s2, s10, $0xb8;
	[tilespmem:$0x8400] =	vst v63  }
0x14: {  	_ =	swait.ge [sflag:s13], $0x4000  }
0x15: {  	[sflag:s13] =	ssyncset.done $0x0  }
0x16: {  	[sflag:s13] =	ssyncadd.s32 $0xFFFFC000  }
0x17: {  	_ =	swait.ge [sflag:s14], $0x4000  }
0x18: {  	[sflag:s14] =	ssyncset.done $0x0  }
0x19: {  	s16 =	sadd.s32 $0x0, s7;
	[sflag:s14] =	ssyncadd.s32 $0xFFFFC000  }
0x1a: {  	[hbm4b:s16+s2] =	stream.linear.scatter [tilespmem:s11], [sflag:$0x3], $0x4000, $0x38;
	[tilespmem:$0x8400] =	vst v63  }
0x1b: {  	_ =	swait.ge [sflag:s9], $0x4000  }
0x1c: {  	[sflag:s9] =	ssyncset.done $0x0  }
0x1d: {  	s31 =	sadd.s32 $0x0, s8;
	[sflag:s9] =	ssyncadd.s32 $0xFFFFC000  }
0x1e: {  	[hbm4b:s31+s2] =	stream.linear.scatter [tilespmem:s12], [sflag:$0x3], $0x4000, $0x38;
	[tilespmem:$0x8400] =	vst v63  }
0x1f: {  	_ =	swait.ge [sflag:s9], $0x4000  }
0x20: {  	s17 =	simm.s32 $0x0;
	s16 =	simm.s32 $0x800;
	[sflag:s9] =	ssyncset.done $0x0  }
.LBB2_2:
0x21: {  	p0 =	sne.s32 s16, $0x3800;
	[sflag:s9] =	ssyncadd.s32 $0xFFFFC000;
	s17 =	sadd.s32 $0x80, s17  }
0x22: {  	[tilespmem:s11], [sflag:$0x1] =	stream.indirect.gather [hbm4b:s3+s10], $0x80, s17, s10, $0xb8;
	[tilespmem:$0x8400] =	vst v63  }
0x23: {  	s18 =	smov.u32 s16;
	s16 =	sadd.s32 $0x800, s16  }
0x24: {  	[tilespmem:s12], [sflag:$0x2] =	stream.indirect.gather [hbm4b:s4+s10], $0x80, s17, s10, $0xb8;
	[tilespmem:$0x8400] =	vst v63  }
0x25: {  	_ =	swait.ge [sflag:s13], $0x4000  }
0x26: {  	[sflag:s13] =	ssyncset.done $0x0  }
0x27: {  	[sflag:s13] =	ssyncadd.s32 $0xFFFFC000  }
0x28: {  	_ =	swait.ge [sflag:s14], $0x4000  }
0x29: {  	[sflag:s14] =	ssyncset.done $0x0  }
0x2a: {  	s19 =	sadd.s32 s18, s7;
	[sflag:s14] =	ssyncadd.s32 $0xFFFFC000  }
0x2b: {  	[hbm4b:s19+s2] =	stream.linear.scatter [tilespmem:s11], [sflag:$0x3], $0x4000, $0x38;
	[tilespmem:$0x8400] =	vst v63  }
0x2c: {  	_ =	swait.ge [sflag:s9], $0x4000  }
.Ltmp0:
0x2d: {  	[sflag:s9] =	ssyncset.done $0x0;
	(pc) =	sbr.rel @p0 .LBB2_2-.Ltmp0, $4  }
0x2e: {  	s18 =	sadd.s32 s18, s8;
	[sflag:s9] =	ssyncadd.s32 $0xFFFFC000  }
0x2f: {  	[hbm4b:s18+s2] =	stream.linear.scatter [tilespmem:s12], [sflag:$0x3], $0x4000, $0x38;
	[tilespmem:$0x8400] =	vst v63  }
0x30: {  	_ =	swait.ge [sflag:s9], $0x4000  }
0x31: {  	[sflag:s9] =	ssyncset.done $0x0  }
0x32: {  	s15 =	sadd.s32 $0x1, s15  }
0x33: {  	p0 =	sne.s32 s15, s6  }
.Ltmp1:
0x34: {  	_ = 	snop;
	(pc) =	sbr.rel @p0 .LBB2_1-.Ltmp1, $2  }
0x35: {  	_ =	sdelay $0x2  }
0x36: {  	[sflag:s9] =	ssyncadd.s32 $0xFFFFC000  }
0x37: {  	_ =	sfence.sel $0x180000  }
0x38: {  	[bflag:$0x0] =	sbarrier.arrive $0xFFFF  }
0x39: {  	p0 =	sne.s32 s1, $0x0;
	_ =	strace $0x9000005C  }
0x3a: {  	s0 =	sadd.s32 @!p0 $0x100000, s0;
	[bflag:$0x2] =	sbarrier.arrive $0xFFFF  }
0x3b: {  	[sflag:s0] =	ssyncadd.tile.s32 @!p0 $0x1;
	_ =	shalt  }
.Lfunc_end2:
_tile_overlayer_lowered:
.L_overlay_start_2:
0x3c: {  	(tag) =	ssettag $0x2  }
0x3d: {  	s0 =	rddreg [dreg:$0x0];
	s2 =	stileid.u32  }
0x3e: {  	s1 =	rddreg [dreg:$0x1];
	p0 =	sne.s32 s2, $0x0  }
0x3f: {  	s3 =	rddreg [dreg:$0x2];
	[bflag:$0x3] =	sbarrier.arrive $0xFFFF;
	s2 =	simm.s32 @!p0 $0x1C03  }
0x40: {  	[timem:s3], [sflag:s2] =	dma.local @!p0 [hbm:s0], s1  }
0x41: {  	s0 =	simm.s32 @!p0 $0x3  }
0x42: {  	_ =	swait.ge @!p0 [sflag:s0], s1  }
0x43: {  	s1 =	ssub.s32 @!p0 $0x0, s1;
	[sflag:s0] =	ssyncset.done @!p0 $0x0  }
0x44: {  	[sflag:s0] =	ssyncadd.s32 @!p0 s1  }
0x45: {  	[bflag:$0x3] =	sbarrier.arrive $0xFFFF  }
0x46: {  	_ =	shalt  }

// kernel: kernel.48.cloned.1.call-start
scs
__scs_entry_jumppad:
0x0: {  	(pc) =	sbr.rel $0x88, $3  }
0x1: {  	(tag) =	ssettag $0x0;
	lr =	simm.s32 $0x1  }
0x2: {  	[smem:$0x3F8F] =	sst lr;
	_ =	strace $0xD0000000  }
0x3: {  	_ = 	snop  }
0x4: {  	_ = 	snop  }
0x5: {  	_ = 	snop  }
0x6: {  	_ = 	snop  }
0x7: {  	_ = 	snop  }
__scs_overlays_trampoline_lowered:
0x8: {  	[smem:$0x3F9E] =	sst s0  }
0x9: {  	[smem:$0x3F9F] =	sst s1  }
0xa: {  	[smem:$0x3FA0] =	sst s2  }
0xb: {  	[smem:$0x3FA1] =	sst s3  }
0xc: {  	[smem:$0x3FA2] =	sst s4  }
0xd: {  	[smem:$0x3FA3] =	sst s5  }
0xe: {  	[smem:$0x3FA4] =	sst s6  }
0xf: {  	[smem:$0x3FA5] =	sst s7  }
0x10: {  	[smem:$0x3FA6] =	sst s8  }
0x11: {  	[smem:$0x3FA7] =	sst s9;
	s0 =	simm.s32 @!p0 $0x0  }
0x12: {  	s1 =	sld [smem:$0x3F8D];
	s0 =	simm.s32 @p0 $0x1  }
0x13: {  	[smem:$0x3FA8] =	sst s0;
	s0 =	simm.s32 @!p1 $0x0  }
0x14: {  	s2 =	sld [smem:$0x3F8C];
	s0 =	simm.s32 @p1 $0x1  }
0x15: {  	[smem:$0x3FA9] =	sst s0;
	s0 =	simm.s32 @!p2 $0x0  }
0x16: {  	s3 =	sld [smem:$0x3FDB];
	s0 =	simm.s32 @p2 $0x1  }
0x17: {  	s4 =	simm.s32 $0x1BF5;
	[smem:$0x3FAB] =	sst s0  }
0x18: {  	s0 =	sld [smem:$0x3F8E];
	_ =	swait.ge [sflag:s4], $0x0  }
0x19: {  	s7 =	sld [smem:$0x3F8F]  }
0x1a: {  	s8 =	sadd.s32 $0xFFFFE003, lr  }
0x1b: {  	s9 =	sadd.s32 $0xFFFFFEF7, lr;
	s5 =	simm.s32 $0xFFFFFFFF;
	p2 =	slt.u32 s8, $0xFFFFF086  }
0x1c: {  	p1 =	slt.u32 s9, $0xF7A;
	s5 =	simm.s32 @!p2 $0x0  }
0x1d: {  	s5 =	simm.s32 @p1 $0x1;
	p0 =	seq.s32 s7, s2  }
0x1e: {  	s7 =	smul.u32 @!p0 $0xF7A, s2;
	p2 =	seq.s32 @!p0 s5, $0x0  }
0x1f: {  	s9 =	smul.u32 $0xF7A, s1;
	s8 =	simm.s32 @!p0 $0x1BF5;
	p2 =	por !p2, p0  }
0x20: {  	[sflag:s8] =	ssyncset.s32 @!p0 $0xFFFFF086;
	s6 =	sadd.s32 @!p0 s3, s7;
	s7 =	simm.s32 @!p0 $0x108  }
0x21: {  	s3 =	sadd.s32 s3, s9;
	s6 =	sadd.s32 @!p0 $0x88, s6;
	s7 =	simm.s32 @p2 $0x1082  }
0x22: {  	[simem:s7], [sflag:s8] =	dma.local @!p0 [hbm:s6], $0xF7A  }
0x23: {  	s9 =	sor.u32 $0xD0000000, s2;
	s6 =	simm.s32 $0x108;
	_ =	swait.ge @!p0 [sflag:s8], $0x0  }
0x24: {  	s3 =	sadd.s32 $0x88, s3;
	s6 =	simm.s32 @!p1 $0x1082;
	[sflag:s4] =	ssyncset.s32 $0xFFFFF086  }
0x25: {  	[simem:s6], [sflag:s4] =	dma.local [hbm:s3], $0xF7A  }
0x26: {  	[smem:$0x3F8F] =	sst s1;
	(tag) =	ssettag s2;
	_ =	strace s9  }
0x27: {  	s1 =	sld [smem:$0x3F9F]  }
0x28: {  	s2 =	sld [smem:$0x3FA0]  }
0x29: {  	s4 =	sld [smem:$0x3FA2]  }
0x2a: {  	p0 =	seq.s32 s5, $0x0;
	s5 =	sld [smem:$0x3FA3]  }
0x2b: {  	s6 =	sld [smem:$0x3FA4]  }
0x2c: {  	s7 =	sld [smem:$0x3FA5]  }
0x2d: {  	s3 =	simm.s32 $0x108;
	s8 =	sld [smem:$0x3FA6]  }
0x2e: {  	s3 =	simm.s32 @!p0 $0x1082;
	s9 =	sld [smem:$0x3FA7]  }
0x2f: {  	lr =	sadd.s32 s0, s3;
	s0 =	sld [smem:$0x3F9E]  }
0x30: {  	s3 =	sld [smem:$0x3FA1]  }
0x31: {  	[smem:$0x3FAA] =	sst s10  }
0x32: {  	s10 =	sld [smem:$0x3FA8];
	_ =	sdelay $0x3  }
0x33: {  	p0 =	seq.s32 s10, $0x1;
	s10 =	sld [smem:$0x3FAA];
	_ =	sdelay $0x3  }
0x34: {  	[smem:$0x3FAA] =	sst s10  }
0x35: {  	s10 =	sld [smem:$0x3FA9];
	_ =	sdelay $0x3  }
0x36: {  	p1 =	seq.s32 s10, $0x1;
	s10 =	sld [smem:$0x3FAA];
	_ =	sdelay $0x3  }
0x37: {  	[smem:$0x3FAA] =	sst s10  }
0x38: {  	s10 =	sld [smem:$0x3FAB]  }
0x39: {  	_ = 	snop;
	(pc) =	sbr.ind lr, $3  }
0x3a: {  	_ = 	snop  }
0x3b: {  	_ = 	snop  }
0x3c: {  	p2 =	seq.s32 s10, $0x1;
	s10 =	sld [smem:$0x3FAA]  }
0x3d: {  	_ =	shalt  }
0x3e: {  	_ =	shalt  }
0x3f: {  	_ =	shalt  }
0x40: {  	_ =	shalt  }
0x41: {  	_ =	shalt  }
0x42: {  	_ =	shalt  }
0x43: {  	_ =	shalt  }
0x44: {  	_ =	shalt  }
0x45: {  	_ =	shalt  }
0x46: {  	_ =	shalt  }
0x47: {  	_ =	shalt  }
0x48: {  	_ =	shalt  }
0x49: {  	_ =	shalt  }
0x4a: {  	_ =	shalt  }
0x4b: {  	_ =	shalt  }
0x4c: {  	_ =	shalt  }
0x4d: {  	_ =	shalt  }
0x4e: {  	_ =	shalt  }
0x4f: {  	_ =	shalt  }
0x50: {  	_ =	shalt  }
0x51: {  	_ =	shalt  }
0x52: {  	_ =	shalt  }
0x53: {  	_ =	shalt  }
0x54: {  	_ =	shalt  }
0x55: {  	_ =	shalt  }
0x56: {  	_ =	shalt  }
0x57: {  	_ =	shalt  }
0x58: {  	_ =	shalt  }
0x59: {  	_ =	shalt  }
0x5a: {  	_ =	shalt  }
0x5b: {  	_ =	shalt  }
0x5c: {  	_ =	shalt  }
0x5d: {  	_ =	shalt  }
0x5e: {  	_ =	shalt  }
0x5f: {  	_ =	shalt  }
0x60: {  	_ =	shalt  }
0x61: {  	_ =	shalt  }
0x62: {  	_ =	shalt  }
0x63: {  	_ =	shalt  }
0x64: {  	_ =	shalt  }
0x65: {  	_ =	shalt  }
0x66: {  	_ =	shalt  }
0x67: {  	_ =	shalt  }
0x68: {  	_ =	shalt  }
0x69: {  	_ =	shalt  }
0x6a: {  	_ =	shalt  }
0x6b: {  	_ =	shalt  }
0x6c: {  	_ =	shalt  }
0x6d: {  	_ =	shalt  }
0x6e: {  	_ =	shalt  }
0x6f: {  	_ =	shalt  }
0x70: {  	_ =	shalt  }
0x71: {  	_ =	shalt  }
0x72: {  	_ =	shalt  }
0x73: {  	_ =	shalt  }
0x74: {  	_ =	shalt  }
0x75: {  	_ =	shalt  }
0x76: {  	_ =	shalt  }
0x77: {  	_ =	shalt  }
0x78: {  	_ =	shalt  }
0x79: {  	_ =	shalt  }
0x7a: {  	_ =	shalt  }
0x7b: {  	_ =	shalt  }
0x7c: {  	_ =	shalt  }
0x7d: {  	_ =	shalt  }
0x7e: {  	_ =	shalt  }
0x7f: {  	_ =	shalt  }
0x80: {  	_ =	shalt  }
0x81: {  	_ =	shalt  }
0x82: {  	_ =	shalt  }
0x83: {  	_ =	shalt  }
0x84: {  	_ =	shalt  }
0x85: {  	_ =	shalt  }
0x86: {  	_ =	shalt  }
0x87: {  	_ =	shalt  }
.Lfunc_end0:
.L_simem_size_0:
called_computation.2_lowered:
.L_overlay_start_0:
0x88: {  	s2 =	sld [smem:$0x3FD9]  }
0x89: {  	s3 =	sld [smem:$0x3FFE];
	_ =	sdelay $0x1  }
0x8a: {  	s1 =	srdreg.scid  }
0x8b: {  	s0 =	sand.u32 $0x1, s1  }
0x8c: {  	s17 =	sshll.u32 s0, $0xA;
	s2 =	sadd.s32 s3, s2  }
0x8d: {  	s2 =	sadd.s32 s2, s17  }
0x8e: {  	[smem:$0x3FB6] =	sst s2  }
0x8f: {  	_ = 	snop  }
0x90: {  	(tm) =	ssettm $0x1  }
0x91: {  	s18 =	sld [smem:$0x3FFB];
	_ =	sdelay $0x3  }
0x92: {  	_ =	strace s18  }
0x93: {  	s2 =	sld [smem:$0x3FFC];
	_ =	sdelay $0x3  }
0x94: {  	_ =	strace s2  }
0x95: {  	s2 =	sld [smem:$0x3FFD];
	_ =	sdelay $0x3  }
0x96: {  	_ =	strace s2  }
0x97: {  	_ =	strace $0x8FFFFFFF  }
0x98: {  	s19 =	sld [smem:$0x3FDB];
	_ =	sdelay $0x1  }
0x99: {  	s20 =	simm.s32 $_scs_section_size  }
0x9a: {  	s4 =	simm.s32 $_size__tile_overlayer_lowered;
	s5 =	simm.s32 $_tile_overlayer_lowered  }
0x9b: {  	s6 =	simm.s32 $0x1BFF;
	s21 =	sshll.u32 s5, $0x1;
	s3 =	sadd.s32 s20, s19  }
0x9c: {  	s22 =	simm.s32 $0x0;
	s4 =	sshll.u32 s4, $0x1;
	s5 =	sadd.s32 s21, s3  }
0x9d: {  	[timem:s22], [sflag:s6] =	dma.local [hbm:s5], s4  }
0x9e: {  	_ =	swait.ge [sflag:s6], s4  }
0x9f: {  	s4 =	ssub.s32 $0x0, s4;
	[sflag:s6] =	ssyncset.done $0x0  }
0xa0: {  	[sflag:s6] =	ssyncadd.s32 s4;
	_ =	sdelay $0x1  }
0xa1: {  	s23 =	simm.s32 $0x1B8B  }
0xa2: {  	_ =	swait.ge [sflag:s23], $0x1  }
0xa3: {  	[sflag:s23] =	ssyncset.done $0x0  }
0xa4: {  	[sflag:s23] =	ssyncadd.s32 $0xFFFFFFFF  }
0xa5: {  	s4 =	sld [smem:$0x0]  }
0xa6: {  	s5 =	sand.u32 $0xFFFFFFFE, s1  }
0xa7: {  	p0 =	sne.s32 s1, s5  }
0xa8: {  	s5 =	sshll.u32 @p0 s5, $0xE  }
0xa9: {  	s5 =	sadd.s32 @p0 $0x11B8D, s5;
	s6 =	sshll.u32 @p0 s4, $0x11  }
0xaa: {  	s5 =	sor.u32 @p0 s6, s5  }
0xab: {  	[sflag:s5] =	ssyncadd.remote.s32 @p0 $0x1;
	_ =	sdelay $0x1  }
0xac: {  	s5 =	simm.s32 @p0 $0x1B8D  }
0xad: {  	_ =	swait.eq @p0 [sflag:s5], $0x1  }
0xae: {  	[sflag:s5] =	ssyncadd.s32 @p0 $0xFFFFFFFF  }
0xaf: {  	s6 =	sshll.u32 @!p0 s1, $0xE  }
0xb0: {  	s6 =	sor.u32 @!p0 $0x4000, s6;
	s5 =	simm.s32 @!p0 $0x1B8D  }
0xb1: {  	s4 =	sshll.u32 @!p0 s4, $0x11;
	s6 =	sadd.s32 @!p0 $0x11B8D, s6;
	_ =	swait.eq @!p0 [sflag:s5], $0x1  }
0xb2: {  	s4 =	sor.u32 @!p0 s4, s6;
	[sflag:s5] =	ssyncadd.s32 @!p0 $0xFFFFFFFF  }
0xb3: {  	s25 =	simm.s32 $0x1B8E;
	s24 =	sld [smem:$0x3FFE];
	[sflag:s4] =	ssyncadd.remote.s32 @!p0 $0x1  }
0xb4: {  	s26 =	simm.s32 $execute0_lowered;
	[smem:$0x3FD2] =	sst s25  }
0xb5: {  	s5 =	sshll.u32 s26, $0x1;
	_ =	strace $0x80000055;
	[dreg:$0x1] =	wrdreg $0xFFFFFFFF  }
0xb6: {  	s28 =	simm.s32 $_size_execute0_lowered;
	s3 =	sadd.s32 s3, s5;
	[dreg:$0x0] =	wrdreg $0x0  }
0xb7: {  	s5 =	sshll.u32 s28, $0x1;
	[dreg:$0x2] =	wrdreg s3  }
0xb8: {  	[dreg:$0x3] =	wrdreg s5  }
0xb9: {  	[dreg:$0x4] =	wrdreg $0xC0  }
0xba: {  	_ =	task [dreg:s22], $0x5FFFF  }
0xbb: {  	[dreg:$0x1] =	wrdreg $0xFFFFFFFF  }
0xbc: {  	[dreg:$0x0] =	wrdreg $0x60  }
0xbd: {  	[dreg:$0x2] =	wrdreg s24  }
0xbe: {  	[dreg:$0x3] =	wrdreg $0xB  }
0xbf: {  	_ =	task.clear_ibuf [dreg:s22], $0x4FFFF;
	_ =	strace $0x90000055  }
0xc0: {  	s29 =	simm.s32 $0xB;
	_ =	strace $0x80000057  }
0xc1: {  	_ =	swait.ge [sflag:s29], $0x1  }
0xc2: {  	[sflag:s29] =	ssyncadd.s32 $0xFFFFFFFF  }
0xc3: {  	_ =	strace $0x90000057  }
0xc4: {  	_ =	sfence  }
0xc5: {  	s30 =	sld [smem:$0x0];
	_ =	sdelay $0x2  }
0xc6: {  	s31 =	sshll.u32 s1, $0xD;
	s1 =	sshrl.u32 s1, $0x2  }
0xc7: {  	s4 =	sand.u32 $0x4000, s31;
	s1 =	sadd.s32 s1, s30  }
0xc8: {  	s0 =	sor.u32 s4, s0;
	s1 =	sshll.u32 s1, $0x11  }
0xc9: {  	s0 =	sor.u32 s1, s0  }
0xca: {  	s0 =	sadd.s32 $0x8F2B, s0  }
0xcb: {  	[sflag:s0] =	ssyncadd.remote.s32 $0x1  }
0xcc: {  	_ =	sfence.sel $0xFFFF  }
0xcd: {  	[dreg:$0x0] =	wrdreg $0xFFFFFFFF;
	(pc) =	sbr.abs _section_cstart, $3  }
0xce: {  	[dreg:$0x1] =	wrdreg $0xFFFFFFFF  }
0xcf: {  	_ =	task.clear_ibuf [dreg:s22], $0x2FFFF;
	_ =	strace $0x9FFFFFFF  }
0xd0: {  	(tm) =	ssettm $0x7FFFFFFF  }
0xd1: {  	_ =	shalt  }
tec
execute0_lowered:
.L_overlay_start_1:
0x0: {  	(tag) =	ssettag $0x1  }
0x1: {  	s5 =	rddreg [dreg:$0x0]  }
0x2: {  	s0 =	rddreg [dreg:$0x1];
	s3 =	srdreg.scid  }
0x3: {  	s2 =	simm.s32 $0x0;
	s1 =	stileid.u32;
	s11 =	simm.s32 $0x400  }
0x4: {  	s12 =	simm.s32 $0x4400;
	s13 =	simm.s32 $0x1;
	s14 =	simm.s32 $0x2  }
0x5: {  	s15 =	simm.s32 $0x0;
	s6 =	sand.u32 $0x1, s3;
	[smem:$0x7FF] =	sst s2  }
0x6: {  	s4 =	sshll.u32 s1, $0xB;
	s3 =	sadd.s32 $0x5D400, s5;
	s9 =	sshll.u32 s1, $0xF  }
0x7: {  	s7 =	sshll.u32 s6, $0xA;
	_ =	strace $0x80000056;
	s8 =	ssub.s32 $0x2, s6  }
0x8: {  	s9 =	sadd.s32 s9, s5;
	s30 =	sshll.u32 s6, $0xE;
	s7 =	sor.u32 s7, s4  }
0x9: {  	s4 =	sadd.s32 $0x65400, s5;
	s10 =	sshrl.u32 s8, $0x1;
	s31 =	sadd.s32 s30, s9  }
0xa: {  	s9 =	simm.s32 $0x3;
	s7 =	sshrl.u32 s7, $0x3;
	s8 =	ssub.s32 s8, s10  }
0xb: {  	s7 =	sadd.s32 s7, s5;
	s6 =	smax.u32 s8, $0x1;
	s8 =	sadd.s32 $0x592400, s31  }
0xc: {  	s10 =	simm.s32 $0x80;
	s5 =	sadd.s32 $0x591400, s7;
	s7 =	sadd.s32 $0x612400, s31  }
.LBB2_1:
0xd: {  	[tilespmem:s2], [sflag:$0x3] =	stream.linear.gather [hbm4b:s5+s2], $0x400, $0x38;
	[tilespmem:$0x8400] =	vst v63  }
0xe: {  	_ =	swait.ge [sflag:s9], $0x400  }
0xf: {  	[sflag:s9] =	ssyncset.done $0x0  }
0x10: {  	[sflag:s9] =	ssyncadd.s32 $0xFFFFFC00  }
0x11: {  	[tilespmem:s11], [sflag:$0x1] =	stream.indirect.gather [hbm4b:s3+s10], $0x80, s2, s10, $0xb8;
	[tilespmem:$0x8400] =	vst v63  }
0x12: {  	_ = 	snop  }
0x13: {  	[tilespmem:s12], [sflag:$0x2] =	stream.indirect.gather [hbm4b:s4+s10], $0x80, s2, s10, $0xb8;
	[tilespmem:$0x8400] =	vst v63  }
0x14: {  	_ =	swait.ge [sflag:s13], $0x4000  }
0x15: {  	[sflag:s13] =	ssyncset.done $0x0  }
0x16: {  	[sflag:s13] =	ssyncadd.s32 $0xFFFFC000  }
0x17: {  	_ =	swait.ge [sflag:s14], $0x4000  }
0x18: {  	[sflag:s14] =	ssyncset.done $0x0  }
0x19: {  	s16 =	sadd.s32 $0x0, s7;
	[sflag:s14] =	ssyncadd.s32 $0xFFFFC000  }
0x1a: {  	[hbm4b:s16+s2] =	stream.linear.scatter [tilespmem:s11], [sflag:$0x3], $0x4000, $0x38;
	[tilespmem:$0x8400] =	vst v63  }
0x1b: {  	_ =	swait.ge [sflag:s9], $0x4000  }
0x1c: {  	[sflag:s9] =	ssyncset.done $0x0  }
0x1d: {  	s31 =	sadd.s32 $0x0, s8;
	[sflag:s9] =	ssyncadd.s32 $0xFFFFC000  }
0x1e: {  	[hbm4b:s31+s2] =	stream.linear.scatter [tilespmem:s12], [sflag:$0x3], $0x4000, $0x38;
	[tilespmem:$0x8400] =	vst v63  }
0x1f: {  	_ =	swait.ge [sflag:s9], $0x4000  }
0x20: {  	s17 =	simm.s32 $0x0;
	s16 =	simm.s32 $0x800;
	[sflag:s9] =	ssyncset.done $0x0  }
.LBB2_2:
0x21: {  	p0 =	sne.s32 s16, $0x3800;
	[sflag:s9] =	ssyncadd.s32 $0xFFFFC000;
	s17 =	sadd.s32 $0x80, s17  }
0x22: {  	[tilespmem:s11], [sflag:$0x1] =	stream.indirect.gather [hbm4b:s3+s10], $0x80, s17, s10, $0xb8;
	[tilespmem:$0x8400] =	vst v63  }
0x23: {  	s18 =	smov.u32 s16;
	s16 =	sadd.s32 $0x800, s16  }
0x24: {  	[tilespmem:s12], [sflag:$0x2] =	stream.indirect.gather [hbm4b:s4+s10], $0x80, s17, s10, $0xb8;
	[tilespmem:$0x8400] =	vst v63  }
0x25: {  	_ =	swait.ge [sflag:s13], $0x4000  }
0x26: {  	[sflag:s13] =	ssyncset.done $0x0  }
0x27: {  	[sflag:s13] =	ssyncadd.s32 $0xFFFFC000  }
0x28: {  	_ =	swait.ge [sflag:s14], $0x4000  }
0x29: {  	[sflag:s14] =	ssyncset.done $0x0  }
0x2a: {  	s19 =	sadd.s32 s18, s7;
	[sflag:s14] =	ssyncadd.s32 $0xFFFFC000  }
0x2b: {  	[hbm4b:s19+s2] =	stream.linear.scatter [tilespmem:s11], [sflag:$0x3], $0x4000, $0x38;
	[tilespmem:$0x8400] =	vst v63  }
0x2c: {  	_ =	swait.ge [sflag:s9], $0x4000  }
.Ltmp0:
0x2d: {  	[sflag:s9] =	ssyncset.done $0x0;
	(pc) =	sbr.rel @p0 .LBB2_2-.Ltmp0, $4  }
0x2e: {  	s18 =	sadd.s32 s18, s8;
	[sflag:s9] =	ssyncadd.s32 $0xFFFFC000  }
0x2f: {  	[hbm4b:s18+s2] =	stream.linear.scatter [tilespmem:s12], [sflag:$0x3], $0x4000, $0x38;
	[tilespmem:$0x8400] =	vst v63  }
0x30: {  	_ =	swait.ge [sflag:s9], $0x4000  }
0x31: {  	[sflag:s9] =	ssyncset.done $0x0  }
0x32: {  	s15 =	sadd.s32 $0x1, s15  }
0x33: {  	p0 =	sne.s32 s15, s6  }
.Ltmp1:
0x34: {  	_ = 	snop;
	(pc) =	sbr.rel @p0 .LBB2_1-.Ltmp1, $2  }
0x35: {  	_ =	sdelay $0x2  }
0x36: {  	[sflag:s9] =	ssyncadd.s32 $0xFFFFC000  }
0x37: {  	_ =	sfence.sel $0x180000  }
0x38: {  	[bflag:$0x0] =	sbarrier.arrive $0xFFFF  }
0x39: {  	p0 =	sne.s32 s1, $0x0;
	_ =	strace $0x90000056  }
0x3a: {  	s0 =	sadd.s32 @!p0 $0x100000, s0;
	[bflag:$0x2] =	sbarrier.arrive $0xFFFF  }
0x3b: {  	[sflag:s0] =	ssyncadd.tile.s32 @!p0 $0x1;
	_ =	shalt  }
.Lfunc_end2:
_tile_overlayer_lowered:
.L_overlay_start_2:
0x3c: {  	(tag) =	ssettag $0x2  }
0x3d: {  	s0 =	rddreg [dreg:$0x0];
	s2 =	stileid.u32  }
0x3e: {  	s1 =	rddreg [dreg:$0x1];
	p0 =	sne.s32 s2, $0x0  }
0x3f: {  	s3 =	rddreg [dreg:$0x2];
	[bflag:$0x3] =	sbarrier.arrive $0xFFFF;
	s2 =	simm.s32 @!p0 $0x1C03  }
0x40: {  	[timem:s3], [sflag:s2] =	dma.local @!p0 [hbm:s0], s1  }
0x41: {  	s0 =	simm.s32 @!p0 $0x3  }
0x42: {  	_ =	swait.ge @!p0 [sflag:s0], s1  }
0x43: {  	s1 =	ssub.s32 @!p0 $0x0, s1;
	[sflag:s0] =	ssyncset.done @!p0 $0x0  }
0x44: {  	[sflag:s0] =	ssyncadd.s32 @!p0 s1  }
0x45: {  	[bflag:$0x3] =	sbarrier.arrive $0xFFFF  }
0x46: {  	_ =	shalt  }

// kernel: kernel.51.cloned.1.call-start
scs
__scs_entry_jumppad:
0x0: {  	(pc) =	sbr.rel $0x88, $3  }
0x1: {  	(tag) =	ssettag $0x0;
	lr =	simm.s32 $0x1  }
0x2: {  	[smem:$0x3F8F] =	sst lr;
	_ =	strace $0xD0000000  }
0x3: {  	_ = 	snop  }
0x4: {  	_ = 	snop  }
0x5: {  	_ = 	snop  }
0x6: {  	_ = 	snop  }
0x7: {  	_ = 	snop  }
__scs_overlays_trampoline_lowered:
0x8: {  	[smem:$0x3F9E] =	sst s0  }
0x9: {  	[smem:$0x3F9F] =	sst s1  }
0xa: {  	[smem:$0x3FA0] =	sst s2  }
0xb: {  	[smem:$0x3FA1] =	sst s3  }
0xc: {  	[smem:$0x3FA2] =	sst s4  }
0xd: {  	[smem:$0x3FA3] =	sst s5  }
0xe: {  	[smem:$0x3FA4] =	sst s6  }
0xf: {  	[smem:$0x3FA5] =	sst s7  }
0x10: {  	[smem:$0x3FA6] =	sst s8  }
0x11: {  	[smem:$0x3FA7] =	sst s9;
	s0 =	simm.s32 @!p0 $0x0  }
0x12: {  	s1 =	sld [smem:$0x3F8D];
	s0 =	simm.s32 @p0 $0x1  }
0x13: {  	[smem:$0x3FA8] =	sst s0;
	s0 =	simm.s32 @!p1 $0x0  }
0x14: {  	s2 =	sld [smem:$0x3F8C];
	s0 =	simm.s32 @p1 $0x1  }
0x15: {  	[smem:$0x3FA9] =	sst s0;
	s0 =	simm.s32 @!p2 $0x0  }
0x16: {  	s3 =	sld [smem:$0x3FDB];
	s0 =	simm.s32 @p2 $0x1  }
0x17: {  	s4 =	simm.s32 $0x1BF5;
	[smem:$0x3FAB] =	sst s0  }
0x18: {  	s0 =	sld [smem:$0x3F8E];
	_ =	swait.ge [sflag:s4], $0x0  }
0x19: {  	s7 =	sld [smem:$0x3F8F]  }
0x1a: {  	s8 =	sadd.s32 $0xFFFFE003, lr  }
0x1b: {  	s9 =	sadd.s32 $0xFFFFFEF7, lr;
	s5 =	simm.s32 $0xFFFFFFFF;
	p2 =	slt.u32 s8, $0xFFFFF086  }
0x1c: {  	p1 =	slt.u32 s9, $0xF7A;
	s5 =	simm.s32 @!p2 $0x0  }
0x1d: {  	s5 =	simm.s32 @p1 $0x1;
	p0 =	seq.s32 s7, s2  }
0x1e: {  	s7 =	smul.u32 @!p0 $0xF7A, s2;
	p2 =	seq.s32 @!p0 s5, $0x0  }
0x1f: {  	s9 =	smul.u32 $0xF7A, s1;
	s8 =	simm.s32 @!p0 $0x1BF5;
	p2 =	por !p2, p0  }
0x20: {  	[sflag:s8] =	ssyncset.s32 @!p0 $0xFFFFF086;
	s6 =	sadd.s32 @!p0 s3, s7;
	s7 =	simm.s32 @!p0 $0x108  }
0x21: {  	s3 =	sadd.s32 s3, s9;
	s6 =	sadd.s32 @!p0 $0x88, s6;
	s7 =	simm.s32 @p2 $0x1082  }
0x22: {  	[simem:s7], [sflag:s8] =	dma.local @!p0 [hbm:s6], $0xF7A  }
0x23: {  	s9 =	sor.u32 $0xD0000000, s2;
	s6 =	simm.s32 $0x108;
	_ =	swait.ge @!p0 [sflag:s8], $0x0  }
0x24: {  	s3 =	sadd.s32 $0x88, s3;
	s6 =	simm.s32 @!p1 $0x1082;
	[sflag:s4] =	ssyncset.s32 $0xFFFFF086  }
0x25: {  	[simem:s6], [sflag:s4] =	dma.local [hbm:s3], $0xF7A  }
0x26: {  	[smem:$0x3F8F] =	sst s1;
	(tag) =	ssettag s2;
	_ =	strace s9  }
0x27: {  	s1 =	sld [smem:$0x3F9F]  }
0x28: {  	s2 =	sld [smem:$0x3FA0]  }
0x29: {  	s4 =	sld [smem:$0x3FA2]  }
0x2a: {  	p0 =	seq.s32 s5, $0x0;
	s5 =	sld [smem:$0x3FA3]  }
0x2b: {  	s6 =	sld [smem:$0x3FA4]  }
0x2c: {  	s7 =	sld [smem:$0x3FA5]  }
0x2d: {  	s3 =	simm.s32 $0x108;
	s8 =	sld [smem:$0x3FA6]  }
0x2e: {  	s3 =	simm.s32 @!p0 $0x1082;
	s9 =	sld [smem:$0x3FA7]  }
0x2f: {  	lr =	sadd.s32 s0, s3;
	s0 =	sld [smem:$0x3F9E]  }
0x30: {  	s3 =	sld [smem:$0x3FA1]  }
0x31: {  	[smem:$0x3FAA] =	sst s10  }
0x32: {  	s10 =	sld [smem:$0x3FA8];
	_ =	sdelay $0x3  }
0x33: {  	p0 =	seq.s32 s10, $0x1;
	s10 =	sld [smem:$0x3FAA];
	_ =	sdelay $0x3  }
0x34: {  	[smem:$0x3FAA] =	sst s10  }
0x35: {  	s10 =	sld [smem:$0x3FA9];
	_ =	sdelay $0x3  }
0x36: {  	p1 =	seq.s32 s10, $0x1;
	s10 =	sld [smem:$0x3FAA];
	_ =	sdelay $0x3  }
0x37: {  	[smem:$0x3FAA] =	sst s10  }
0x38: {  	s10 =	sld [smem:$0x3FAB]  }
0x39: {  	_ = 	snop;
	(pc) =	sbr.ind lr, $3  }
0x3a: {  	_ = 	snop  }
0x3b: {  	_ = 	snop  }
0x3c: {  	p2 =	seq.s32 s10, $0x1;
	s10 =	sld [smem:$0x3FAA]  }
0x3d: {  	_ =	shalt  }
0x3e: {  	_ =	shalt  }
0x3f: {  	_ =	shalt  }
0x40: {  	_ =	shalt  }
0x41: {  	_ =	shalt  }
0x42: {  	_ =	shalt  }
0x43: {  	_ =	shalt  }
0x44: {  	_ =	shalt  }
0x45: {  	_ =	shalt  }
0x46: {  	_ =	shalt  }
0x47: {  	_ =	shalt  }
0x48: {  	_ =	shalt  }
0x49: {  	_ =	shalt  }
0x4a: {  	_ =	shalt  }
0x4b: {  	_ =	shalt  }
0x4c: {  	_ =	shalt  }
0x4d: {  	_ =	shalt  }
0x4e: {  	_ =	shalt  }
0x4f: {  	_ =	shalt  }
0x50: {  	_ =	shalt  }
0x51: {  	_ =	shalt  }
0x52: {  	_ =	shalt  }
0x53: {  	_ =	shalt  }
0x54: {  	_ =	shalt  }
0x55: {  	_ =	shalt  }
0x56: {  	_ =	shalt  }
0x57: {  	_ =	shalt  }
0x58: {  	_ =	shalt  }
0x59: {  	_ =	shalt  }
0x5a: {  	_ =	shalt  }
0x5b: {  	_ =	shalt  }
0x5c: {  	_ =	shalt  }
0x5d: {  	_ =	shalt  }
0x5e: {  	_ =	shalt  }
0x5f: {  	_ =	shalt  }
0x60: {  	_ =	shalt  }
0x61: {  	_ =	shalt  }
0x62: {  	_ =	shalt  }
0x63: {  	_ =	shalt  }
0x64: {  	_ =	shalt  }
0x65: {  	_ =	shalt  }
0x66: {  	_ =	shalt  }
0x67: {  	_ =	shalt  }
0x68: {  	_ =	shalt  }
0x69: {  	_ =	shalt  }
0x6a: {  	_ =	shalt  }
0x6b: {  	_ =	shalt  }
0x6c: {  	_ =	shalt  }
0x6d: {  	_ =	shalt  }
0x6e: {  	_ =	shalt  }
0x6f: {  	_ =	shalt  }
0x70: {  	_ =	shalt  }
0x71: {  	_ =	shalt  }
0x72: {  	_ =	shalt  }
0x73: {  	_ =	shalt  }
0x74: {  	_ =	shalt  }
0x75: {  	_ =	shalt  }
0x76: {  	_ =	shalt  }
0x77: {  	_ =	shalt  }
0x78: {  	_ =	shalt  }
0x79: {  	_ =	shalt  }
0x7a: {  	_ =	shalt  }
0x7b: {  	_ =	shalt  }
0x7c: {  	_ =	shalt  }
0x7d: {  	_ =	shalt  }
0x7e: {  	_ =	shalt  }
0x7f: {  	_ =	shalt  }
0x80: {  	_ =	shalt  }
0x81: {  	_ =	shalt  }
0x82: {  	_ =	shalt  }
0x83: {  	_ =	shalt  }
0x84: {  	_ =	shalt  }
0x85: {  	_ =	shalt  }
0x86: {  	_ =	shalt  }
0x87: {  	_ =	shalt  }
.Lfunc_end0:
.L_simem_size_0:
called_computation.3_lowered:
.L_overlay_start_0:
0x88: {  	s2 =	sld [smem:$0x3FD9]  }
0x89: {  	s3 =	sld [smem:$0x3FFE];
	_ =	sdelay $0x1  }
0x8a: {  	s1 =	srdreg.scid  }
0x8b: {  	s0 =	sand.u32 $0x1, s1  }
0x8c: {  	s17 =	sshll.u32 s0, $0xA;
	s2 =	sadd.s32 s3, s2  }
0x8d: {  	s2 =	sadd.s32 s2, s17  }
0x8e: {  	[smem:$0x3FB6] =	sst s2  }
0x8f: {  	_ = 	snop  }
0x90: {  	(tm) =	ssettm $0x1  }
0x91: {  	s18 =	sld [smem:$0x3FFB];
	_ =	sdelay $0x3  }
0x92: {  	_ =	strace s18  }
0x93: {  	s2 =	sld [smem:$0x3FFC];
	_ =	sdelay $0x3  }
0x94: {  	_ =	strace s2  }
0x95: {  	s2 =	sld [smem:$0x3FFD];
	_ =	sdelay $0x3  }
0x96: {  	_ =	strace s2  }
0x97: {  	_ =	strace $0x8FFFFFFF  }
0x98: {  	s19 =	sld [smem:$0x3FDB];
	_ =	sdelay $0x1  }
0x99: {  	s20 =	simm.s32 $_scs_section_size  }
0x9a: {  	s4 =	simm.s32 $_size__tile_overlayer_lowered;
	s5 =	simm.s32 $_tile_overlayer_lowered  }
0x9b: {  	s6 =	simm.s32 $0x1BFF;
	s21 =	sshll.u32 s5, $0x1;
	s3 =	sadd.s32 s20, s19  }
0x9c: {  	s22 =	simm.s32 $0x0;
	s4 =	sshll.u32 s4, $0x1;
	s5 =	sadd.s32 s21, s3  }
0x9d: {  	[timem:s22], [sflag:s6] =	dma.local [hbm:s5], s4  }
0x9e: {  	_ =	swait.ge [sflag:s6], s4  }
0x9f: {  	s4 =	ssub.s32 $0x0, s4;
	[sflag:s6] =	ssyncset.done $0x0  }
0xa0: {  	[sflag:s6] =	ssyncadd.s32 s4;
	_ =	sdelay $0x1  }
0xa1: {  	s23 =	simm.s32 $0x1B8B  }
0xa2: {  	_ =	swait.ge [sflag:s23], $0x1  }
0xa3: {  	[sflag:s23] =	ssyncset.done $0x0  }
0xa4: {  	[sflag:s23] =	ssyncadd.s32 $0xFFFFFFFF  }
0xa5: {  	s4 =	sld [smem:$0x0]  }
0xa6: {  	s5 =	sand.u32 $0xFFFFFFFE, s1  }
0xa7: {  	p0 =	sne.s32 s1, s5  }
0xa8: {  	s5 =	sshll.u32 @p0 s5, $0xE  }
0xa9: {  	s5 =	sadd.s32 @p0 $0x11B8D, s5;
	s6 =	sshll.u32 @p0 s4, $0x11  }
0xaa: {  	s5 =	sor.u32 @p0 s6, s5  }
0xab: {  	[sflag:s5] =	ssyncadd.remote.s32 @p0 $0x1;
	_ =	sdelay $0x1  }
0xac: {  	s5 =	simm.s32 @p0 $0x1B8D  }
0xad: {  	_ =	swait.eq @p0 [sflag:s5], $0x1  }
0xae: {  	[sflag:s5] =	ssyncadd.s32 @p0 $0xFFFFFFFF  }
0xaf: {  	s6 =	sshll.u32 @!p0 s1, $0xE  }
0xb0: {  	s6 =	sor.u32 @!p0 $0x4000, s6;
	s5 =	simm.s32 @!p0 $0x1B8D  }
0xb1: {  	s4 =	sshll.u32 @!p0 s4, $0x11;
	s6 =	sadd.s32 @!p0 $0x11B8D, s6;
	_ =	swait.eq @!p0 [sflag:s5], $0x1  }
0xb2: {  	s4 =	sor.u32 @!p0 s4, s6;
	[sflag:s5] =	ssyncadd.s32 @!p0 $0xFFFFFFFF  }
0xb3: {  	s25 =	simm.s32 $0x1B8E;
	s24 =	sld [smem:$0x3FFE];
	[sflag:s4] =	ssyncadd.remote.s32 @!p0 $0x1  }
0xb4: {  	s26 =	simm.s32 $execute0_lowered;
	[smem:$0x3FD2] =	sst s25  }
0xb5: {  	s5 =	sshll.u32 s26, $0x1;
	_ =	strace $0x80000052;
	[dreg:$0x1] =	wrdreg $0xFFFFFFFF  }
0xb6: {  	s28 =	simm.s32 $_size_execute0_lowered;
	s3 =	sadd.s32 s3, s5;
	[dreg:$0x0] =	wrdreg $0x0  }
0xb7: {  	s5 =	sshll.u32 s28, $0x1;
	[dreg:$0x2] =	wrdreg s3  }
0xb8: {  	[dreg:$0x3] =	wrdreg s5  }
0xb9: {  	[dreg:$0x4] =	wrdreg $0xC0  }
0xba: {  	_ =	task [dreg:s22], $0x5FFFF  }
0xbb: {  	[dreg:$0x1] =	wrdreg $0xFFFFFFFF  }
0xbc: {  	[dreg:$0x0] =	wrdreg $0x60  }
0xbd: {  	[dreg:$0x2] =	wrdreg s24  }
0xbe: {  	[dreg:$0x3] =	wrdreg $0xC  }
0xbf: {  	_ =	task.clear_ibuf [dreg:s22], $0x4FFFF;
	_ =	strace $0x90000052  }
0xc0: {  	s29 =	simm.s32 $0xC;
	_ =	strace $0x80000054  }
0xc1: {  	_ =	swait.ge [sflag:s29], $0x1  }
0xc2: {  	[sflag:s29] =	ssyncadd.s32 $0xFFFFFFFF  }
0xc3: {  	_ =	strace $0x90000054  }
0xc4: {  	_ =	sfence  }
0xc5: {  	s30 =	sld [smem:$0x0];
	_ =	sdelay $0x2  }
0xc6: {  	s31 =	sshll.u32 s1, $0xD;
	s1 =	sshrl.u32 s1, $0x2  }
0xc7: {  	s4 =	sand.u32 $0x4000, s31;
	s1 =	sadd.s32 s1, s30  }
0xc8: {  	s0 =	sor.u32 s4, s0;
	s1 =	sshll.u32 s1, $0x11  }
0xc9: {  	s0 =	sor.u32 s1, s0  }
0xca: {  	s0 =	sadd.s32 $0x8F2B, s0  }
0xcb: {  	[sflag:s0] =	ssyncadd.remote.s32 $0x1  }
0xcc: {  	_ =	sfence.sel $0xFFFF  }
0xcd: {  	[dreg:$0x0] =	wrdreg $0xFFFFFFFF;
	(pc) =	sbr.abs _section_cstart, $3  }
0xce: {  	[dreg:$0x1] =	wrdreg $0xFFFFFFFF  }
0xcf: {  	_ =	task.clear_ibuf [dreg:s22], $0x2FFFF;
	_ =	strace $0x9FFFFFFF  }
0xd0: {  	(tm) =	ssettm $0x7FFFFFFF  }
0xd1: {  	_ =	shalt  }
tec
execute0_lowered:
.L_overlay_start_1:
0x0: {  	(tag) =	ssettag $0x1  }
0x1: {  	s5 =	rddreg [dreg:$0x0]  }
0x2: {  	s0 =	rddreg [dreg:$0x1];
	s3 =	srdreg.scid  }
0x3: {  	s2 =	simm.s32 $0x0;
	s1 =	stileid.u32;
	s11 =	simm.s32 $0x400  }
0x4: {  	s12 =	simm.s32 $0x4400;
	s13 =	simm.s32 $0x1;
	s14 =	simm.s32 $0x2  }
0x5: {  	s15 =	simm.s32 $0x0;
	s6 =	sand.u32 $0x1, s3;
	[smem:$0x7FF] =	sst s2  }
0x6: {  	s4 =	sshll.u32 s1, $0xB;
	s3 =	sadd.s32 $0x4D400, s5;
	s9 =	sshll.u32 s1, $0xF  }
0x7: {  	s7 =	sshll.u32 s6, $0xA;
	_ =	strace $0x80000053;
	s8 =	ssub.s32 $0x2, s6  }
0x8: {  	s9 =	sadd.s32 s9, s5;
	s30 =	sshll.u32 s6, $0xE;
	s7 =	sor.u32 s7, s4  }
0x9: {  	s4 =	sadd.s32 $0x55400, s5;
	s10 =	sshrl.u32 s8, $0x1;
	s31 =	sadd.s32 s30, s9  }
0xa: {  	s9 =	simm.s32 $0x3;
	s7 =	sshrl.u32 s7, $0x3;
	s8 =	ssub.s32 s8, s10  }
0xb: {  	s7 =	sadd.s32 s7, s5;
	s6 =	smax.u32 s8, $0x1;
	s8 =	sadd.s32 $0x511400, s31  }
0xc: {  	s10 =	simm.s32 $0x80;
	s5 =	sadd.s32 $0x490400, s7;
	s7 =	sadd.s32 $0x491400, s31  }
.LBB2_1:
0xd: {  	[tilespmem:s2], [sflag:$0x3] =	stream.linear.gather [hbm4b:s5+s2], $0x400, $0x38;
	[tilespmem:$0x8400] =	vst v63  }
0xe: {  	_ =	swait.ge [sflag:s9], $0x400  }
0xf: {  	[sflag:s9] =	ssyncset.done $0x0  }
0x10: {  	[sflag:s9] =	ssyncadd.s32 $0xFFFFFC00  }
0x11: {  	[tilespmem:s11], [sflag:$0x1] =	stream.indirect.gather [hbm4b:s3+s10], $0x80, s2, s10, $0xb8;
	[tilespmem:$0x8400] =	vst v63  }
0x12: {  	_ = 	snop  }
0x13: {  	[tilespmem:s12], [sflag:$0x2] =	stream.indirect.gather [hbm4b:s4+s10], $0x80, s2, s10, $0xb8;
	[tilespmem:$0x8400] =	vst v63  }
0x14: {  	_ =	swait.ge [sflag:s13], $0x4000  }
0x15: {  	[sflag:s13] =	ssyncset.done $0x0  }
0x16: {  	[sflag:s13] =	ssyncadd.s32 $0xFFFFC000  }
0x17: {  	_ =	swait.ge [sflag:s14], $0x4000  }
0x18: {  	[sflag:s14] =	ssyncset.done $0x0  }
0x19: {  	s16 =	sadd.s32 $0x0, s7;
	[sflag:s14] =	ssyncadd.s32 $0xFFFFC000  }
0x1a: {  	[hbm4b:s16+s2] =	stream.linear.scatter [tilespmem:s11], [sflag:$0x3], $0x4000, $0x38;
	[tilespmem:$0x8400] =	vst v63  }
0x1b: {  	_ =	swait.ge [sflag:s9], $0x4000  }
0x1c: {  	[sflag:s9] =	ssyncset.done $0x0  }
0x1d: {  	s31 =	sadd.s32 $0x0, s8;
	[sflag:s9] =	ssyncadd.s32 $0xFFFFC000  }
0x1e: {  	[hbm4b:s31+s2] =	stream.linear.scatter [tilespmem:s12], [sflag:$0x3], $0x4000, $0x38;
	[tilespmem:$0x8400] =	vst v63  }
0x1f: {  	_ =	swait.ge [sflag:s9], $0x4000  }
0x20: {  	s17 =	simm.s32 $0x0;
	s16 =	simm.s32 $0x800;
	[sflag:s9] =	ssyncset.done $0x0  }
.LBB2_2:
0x21: {  	p0 =	sne.s32 s16, $0x3800;
	[sflag:s9] =	ssyncadd.s32 $0xFFFFC000;
	s17 =	sadd.s32 $0x80, s17  }
0x22: {  	[tilespmem:s11], [sflag:$0x1] =	stream.indirect.gather [hbm4b:s3+s10], $0x80, s17, s10, $0xb8;
	[tilespmem:$0x8400] =	vst v63  }
0x23: {  	s18 =	smov.u32 s16;
	s16 =	sadd.s32 $0x800, s16  }
0x24: {  	[tilespmem:s12], [sflag:$0x2] =	stream.indirect.gather [hbm4b:s4+s10], $0x80, s17, s10, $0xb8;
	[tilespmem:$0x8400] =	vst v63  }
0x25: {  	_ =	swait.ge [sflag:s13], $0x4000  }
0x26: {  	[sflag:s13] =	ssyncset.done $0x0  }
0x27: {  	[sflag:s13] =	ssyncadd.s32 $0xFFFFC000  }
0x28: {  	_ =	swait.ge [sflag:s14], $0x4000  }
0x29: {  	[sflag:s14] =	ssyncset.done $0x0  }
0x2a: {  	s19 =	sadd.s32 s18, s7;
	[sflag:s14] =	ssyncadd.s32 $0xFFFFC000  }
0x2b: {  	[hbm4b:s19+s2] =	stream.linear.scatter [tilespmem:s11], [sflag:$0x3], $0x4000, $0x38;
	[tilespmem:$0x8400] =	vst v63  }
0x2c: {  	_ =	swait.ge [sflag:s9], $0x4000  }
.Ltmp0:
0x2d: {  	[sflag:s9] =	ssyncset.done $0x0;
	(pc) =	sbr.rel @p0 .LBB2_2-.Ltmp0, $4  }
0x2e: {  	s18 =	sadd.s32 s18, s8;
	[sflag:s9] =	ssyncadd.s32 $0xFFFFC000  }
0x2f: {  	[hbm4b:s18+s2] =	stream.linear.scatter [tilespmem:s12], [sflag:$0x3], $0x4000, $0x38;
	[tilespmem:$0x8400] =	vst v63  }
0x30: {  	_ =	swait.ge [sflag:s9], $0x4000  }
0x31: {  	[sflag:s9] =	ssyncset.done $0x0  }
0x32: {  	s15 =	sadd.s32 $0x1, s15  }
0x33: {  	p0 =	sne.s32 s15, s6  }
.Ltmp1:
0x34: {  	_ = 	snop;
	(pc) =	sbr.rel @p0 .LBB2_1-.Ltmp1, $2  }
0x35: {  	_ =	sdelay $0x2  }
0x36: {  	[sflag:s9] =	ssyncadd.s32 $0xFFFFC000  }
0x37: {  	_ =	sfence.sel $0x180000  }
0x38: {  	[bflag:$0x0] =	sbarrier.arrive $0xFFFF  }
0x39: {  	p0 =	sne.s32 s1, $0x0;
	_ =	strace $0x90000053  }
0x3a: {  	s0 =	sadd.s32 @!p0 $0x100000, s0;
	[bflag:$0x2] =	sbarrier.arrive $0xFFFF  }
0x3b: {  	[sflag:s0] =	ssyncadd.tile.s32 @!p0 $0x1;
	_ =	shalt  }
.Lfunc_end2:
_tile_overlayer_lowered:
.L_overlay_start_2:
0x3c: {  	(tag) =	ssettag $0x2  }
0x3d: {  	s0 =	rddreg [dreg:$0x0];
	s2 =	stileid.u32  }
0x3e: {  	s1 =	rddreg [dreg:$0x1];
	p0 =	sne.s32 s2, $0x0  }
0x3f: {  	s3 =	rddreg [dreg:$0x2];
	[bflag:$0x3] =	sbarrier.arrive $0xFFFF;
	s2 =	simm.s32 @!p0 $0x1C03  }
0x40: {  	[timem:s3], [sflag:s2] =	dma.local @!p0 [hbm:s0], s1  }
0x41: {  	s0 =	simm.s32 @!p0 $0x3  }
0x42: {  	_ =	swait.ge @!p0 [sflag:s0], s1  }
0x43: {  	s1 =	ssub.s32 @!p0 $0x0, s1;
	[sflag:s0] =	ssyncset.done @!p0 $0x0  }
0x44: {  	[sflag:s0] =	ssyncadd.s32 @!p0 s1  }
0x45: {  	[bflag:$0x3] =	sbarrier.arrive $0xFFFF  }
0x46: {  	_ =	shalt  }

// kernel: kernel.54.cloned.1.call-start
scs
__scs_entry_jumppad:
0x0: {  	(pc) =	sbr.rel $0x88, $3  }
0x1: {  	(tag) =	ssettag $0x0;
	lr =	simm.s32 $0x1  }
0x2: {  	[smem:$0x3F8F] =	sst lr;
	_ =	strace $0xD0000000  }
0x3: {  	_ = 	snop  }
0x4: {  	_ = 	snop  }
0x5: {  	_ = 	snop  }
0x6: {  	_ = 	snop  }
0x7: {  	_ = 	snop  }
__scs_overlays_trampoline_lowered:
0x8: {  	[smem:$0x3F9E] =	sst s0  }
0x9: {  	[smem:$0x3F9F] =	sst s1  }
0xa: {  	[smem:$0x3FA0] =	sst s2  }
0xb: {  	[smem:$0x3FA1] =	sst s3  }
0xc: {  	[smem:$0x3FA2] =	sst s4  }
0xd: {  	[smem:$0x3FA3] =	sst s5  }
0xe: {  	[smem:$0x3FA4] =	sst s6  }
0xf: {  	[smem:$0x3FA5] =	sst s7  }
0x10: {  	[smem:$0x3FA6] =	sst s8  }
0x11: {  	[smem:$0x3FA7] =	sst s9;
	s0 =	simm.s32 @!p0 $0x0  }
0x12: {  	s1 =	sld [smem:$0x3F8D];
	s0 =	simm.s32 @p0 $0x1  }
0x13: {  	[smem:$0x3FA8] =	sst s0;
	s0 =	simm.s32 @!p1 $0x0  }
0x14: {  	s2 =	sld [smem:$0x3F8C];
	s0 =	simm.s32 @p1 $0x1  }
0x15: {  	[smem:$0x3FA9] =	sst s0;
	s0 =	simm.s32 @!p2 $0x0  }
0x16: {  	s3 =	sld [smem:$0x3FDB];
	s0 =	simm.s32 @p2 $0x1  }
0x17: {  	s4 =	simm.s32 $0x1BF5;
	[smem:$0x3FAB] =	sst s0  }
0x18: {  	s0 =	sld [smem:$0x3F8E];
	_ =	swait.ge [sflag:s4], $0x0  }
0x19: {  	s7 =	sld [smem:$0x3F8F]  }
0x1a: {  	s8 =	sadd.s32 $0xFFFFE003, lr  }
0x1b: {  	s9 =	sadd.s32 $0xFFFFFEF7, lr;
	s5 =	simm.s32 $0xFFFFFFFF;
	p2 =	slt.u32 s8, $0xFFFFF086  }
0x1c: {  	p1 =	slt.u32 s9, $0xF7A;
	s5 =	simm.s32 @!p2 $0x0  }
0x1d: {  	s5 =	simm.s32 @p1 $0x1;
	p0 =	seq.s32 s7, s2  }
0x1e: {  	s7 =	smul.u32 @!p0 $0xF7A, s2;
	p2 =	seq.s32 @!p0 s5, $0x0  }
0x1f: {  	s9 =	smul.u32 $0xF7A, s1;
	s8 =	simm.s32 @!p0 $0x1BF5;
	p2 =	por !p2, p0  }
0x20: {  	[sflag:s8] =	ssyncset.s32 @!p0 $0xFFFFF086;
	s6 =	sadd.s32 @!p0 s3, s7;
	s7 =	simm.s32 @!p0 $0x108  }
0x21: {  	s3 =	sadd.s32 s3, s9;
	s6 =	sadd.s32 @!p0 $0x88, s6;
	s7 =	simm.s32 @p2 $0x1082  }
0x22: {  	[simem:s7], [sflag:s8] =	dma.local @!p0 [hbm:s6], $0xF7A  }
0x23: {  	s9 =	sor.u32 $0xD0000000, s2;
	s6 =	simm.s32 $0x108;
	_ =	swait.ge @!p0 [sflag:s8], $0x0  }
0x24: {  	s3 =	sadd.s32 $0x88, s3;
	s6 =	simm.s32 @!p1 $0x1082;
	[sflag:s4] =	ssyncset.s32 $0xFFFFF086  }
0x25: {  	[simem:s6], [sflag:s4] =	dma.local [hbm:s3], $0xF7A  }
0x26: {  	[smem:$0x3F8F] =	sst s1;
	(tag) =	ssettag s2;
	_ =	strace s9  }
0x27: {  	s1 =	sld [smem:$0x3F9F]  }
0x28: {  	s2 =	sld [smem:$0x3FA0]  }
0x29: {  	s4 =	sld [smem:$0x3FA2]  }
0x2a: {  	p0 =	seq.s32 s5, $0x0;
	s5 =	sld [smem:$0x3FA3]  }
0x2b: {  	s6 =	sld [smem:$0x3FA4]  }
0x2c: {  	s7 =	sld [smem:$0x3FA5]  }
0x2d: {  	s3 =	simm.s32 $0x108;
	s8 =	sld [smem:$0x3FA6]  }
0x2e: {  	s3 =	simm.s32 @!p0 $0x1082;
	s9 =	sld [smem:$0x3FA7]  }
0x2f: {  	lr =	sadd.s32 s0, s3;
	s0 =	sld [smem:$0x3F9E]  }
0x30: {  	s3 =	sld [smem:$0x3FA1]  }
0x31: {  	[smem:$0x3FAA] =	sst s10  }
0x32: {  	s10 =	sld [smem:$0x3FA8];
	_ =	sdelay $0x3  }
0x33: {  	p0 =	seq.s32 s10, $0x1;
	s10 =	sld [smem:$0x3FAA];
	_ =	sdelay $0x3  }
0x34: {  	[smem:$0x3FAA] =	sst s10  }
0x35: {  	s10 =	sld [smem:$0x3FA9];
	_ =	sdelay $0x3  }
0x36: {  	p1 =	seq.s32 s10, $0x1;
	s10 =	sld [smem:$0x3FAA];
	_ =	sdelay $0x3  }
0x37: {  	[smem:$0x3FAA] =	sst s10  }
0x38: {  	s10 =	sld [smem:$0x3FAB]  }
0x39: {  	_ = 	snop;
	(pc) =	sbr.ind lr, $3  }
0x3a: {  	_ = 	snop  }
0x3b: {  	_ = 	snop  }
0x3c: {  	p2 =	seq.s32 s10, $0x1;
	s10 =	sld [smem:$0x3FAA]  }
0x3d: {  	_ =	shalt  }
0x3e: {  	_ =	shalt  }
0x3f: {  	_ =	shalt  }
0x40: {  	_ =	shalt  }
0x41: {  	_ =	shalt  }
0x42: {  	_ =	shalt  }
0x43: {  	_ =	shalt  }
0x44: {  	_ =	shalt  }
0x45: {  	_ =	shalt  }
0x46: {  	_ =	shalt  }
0x47: {  	_ =	shalt  }
0x48: {  	_ =	shalt  }
0x49: {  	_ =	shalt  }
0x4a: {  	_ =	shalt  }
0x4b: {  	_ =	shalt  }
0x4c: {  	_ =	shalt  }
0x4d: {  	_ =	shalt  }
0x4e: {  	_ =	shalt  }
0x4f: {  	_ =	shalt  }
0x50: {  	_ =	shalt  }
0x51: {  	_ =	shalt  }
0x52: {  	_ =	shalt  }
0x53: {  	_ =	shalt  }
0x54: {  	_ =	shalt  }
0x55: {  	_ =	shalt  }
0x56: {  	_ =	shalt  }
0x57: {  	_ =	shalt  }
0x58: {  	_ =	shalt  }
0x59: {  	_ =	shalt  }
0x5a: {  	_ =	shalt  }
0x5b: {  	_ =	shalt  }
0x5c: {  	_ =	shalt  }
0x5d: {  	_ =	shalt  }
0x5e: {  	_ =	shalt  }
0x5f: {  	_ =	shalt  }
0x60: {  	_ =	shalt  }
0x61: {  	_ =	shalt  }
0x62: {  	_ =	shalt  }
0x63: {  	_ =	shalt  }
0x64: {  	_ =	shalt  }
0x65: {  	_ =	shalt  }
0x66: {  	_ =	shalt  }
0x67: {  	_ =	shalt  }
0x68: {  	_ =	shalt  }
0x69: {  	_ =	shalt  }
0x6a: {  	_ =	shalt  }
0x6b: {  	_ =	shalt  }
0x6c: {  	_ =	shalt  }
0x6d: {  	_ =	shalt  }
0x6e: {  	_ =	shalt  }
0x6f: {  	_ =	shalt  }
0x70: {  	_ =	shalt  }
0x71: {  	_ =	shalt  }
0x72: {  	_ =	shalt  }
0x73: {  	_ =	shalt  }
0x74: {  	_ =	shalt  }
0x75: {  	_ =	shalt  }
0x76: {  	_ =	shalt  }
0x77: {  	_ =	shalt  }
0x78: {  	_ =	shalt  }
0x79: {  	_ =	shalt  }
0x7a: {  	_ =	shalt  }
0x7b: {  	_ =	shalt  }
0x7c: {  	_ =	shalt  }
0x7d: {  	_ =	shalt  }
0x7e: {  	_ =	shalt  }
0x7f: {  	_ =	shalt  }
0x80: {  	_ =	shalt  }
0x81: {  	_ =	shalt  }
0x82: {  	_ =	shalt  }
0x83: {  	_ =	shalt  }
0x84: {  	_ =	shalt  }
0x85: {  	_ =	shalt  }
0x86: {  	_ =	shalt  }
0x87: {  	_ =	shalt  }
.Lfunc_end0:
.L_simem_size_0:
called_computation.4_lowered:
.L_overlay_start_0:
0x88: {  	s2 =	sld [smem:$0x3FD9]  }
0x89: {  	s3 =	sld [smem:$0x3FFE];
	_ =	sdelay $0x1  }
0x8a: {  	s1 =	srdreg.scid  }
0x8b: {  	s0 =	sand.u32 $0x1, s1  }
0x8c: {  	s17 =	sshll.u32 s0, $0xA;
	s2 =	sadd.s32 s3, s2  }
0x8d: {  	s2 =	sadd.s32 s2, s17  }
0x8e: {  	[smem:$0x3FB6] =	sst s2  }
0x8f: {  	_ = 	snop  }
0x90: {  	(tm) =	ssettm $0x1  }
0x91: {  	s18 =	sld [smem:$0x3FFB];
	_ =	sdelay $0x3  }
0x92: {  	_ =	strace s18  }
0x93: {  	s2 =	sld [smem:$0x3FFC];
	_ =	sdelay $0x3  }
0x94: {  	_ =	strace s2  }
0x95: {  	s2 =	sld [smem:$0x3FFD];
	_ =	sdelay $0x3  }
0x96: {  	_ =	strace s2  }
0x97: {  	_ =	strace $0x8FFFFFFF  }
0x98: {  	s19 =	sld [smem:$0x3FDB];
	_ =	sdelay $0x1  }
0x99: {  	s20 =	simm.s32 $_scs_section_size  }
0x9a: {  	s4 =	simm.s32 $_size__tile_overlayer_lowered;
	s5 =	simm.s32 $_tile_overlayer_lowered  }
0x9b: {  	s6 =	simm.s32 $0x1BFF;
	s21 =	sshll.u32 s5, $0x1;
	s3 =	sadd.s32 s20, s19  }
0x9c: {  	s22 =	simm.s32 $0x0;
	s4 =	sshll.u32 s4, $0x1;
	s5 =	sadd.s32 s21, s3  }
0x9d: {  	[timem:s22], [sflag:s6] =	dma.local [hbm:s5], s4  }
0x9e: {  	_ =	swait.ge [sflag:s6], s4  }
0x9f: {  	s4 =	ssub.s32 $0x0, s4;
	[sflag:s6] =	ssyncset.done $0x0  }
0xa0: {  	[sflag:s6] =	ssyncadd.s32 s4;
	_ =	sdelay $0x1  }
0xa1: {  	s23 =	simm.s32 $0x1B8B  }
0xa2: {  	_ =	swait.ge [sflag:s23], $0x1  }
0xa3: {  	[sflag:s23] =	ssyncset.done $0x0  }
0xa4: {  	[sflag:s23] =	ssyncadd.s32 $0xFFFFFFFF  }
0xa5: {  	s4 =	sld [smem:$0x0]  }
0xa6: {  	s5 =	sand.u32 $0xFFFFFFFE, s1  }
0xa7: {  	p0 =	sne.s32 s1, s5  }
0xa8: {  	s5 =	sshll.u32 @p0 s5, $0xE  }
0xa9: {  	s5 =	sadd.s32 @p0 $0x11B8D, s5;
	s6 =	sshll.u32 @p0 s4, $0x11  }
0xaa: {  	s5 =	sor.u32 @p0 s6, s5  }
0xab: {  	[sflag:s5] =	ssyncadd.remote.s32 @p0 $0x1;
	_ =	sdelay $0x1  }
0xac: {  	s5 =	simm.s32 @p0 $0x1B8D  }
0xad: {  	_ =	swait.eq @p0 [sflag:s5], $0x1  }
0xae: {  	[sflag:s5] =	ssyncadd.s32 @p0 $0xFFFFFFFF  }
0xaf: {  	s6 =	sshll.u32 @!p0 s1, $0xE  }
0xb0: {  	s6 =	sor.u32 @!p0 $0x4000, s6;
	s5 =	simm.s32 @!p0 $0x1B8D  }
0xb1: {  	s4 =	sshll.u32 @!p0 s4, $0x11;
	s6 =	sadd.s32 @!p0 $0x11B8D, s6;
	_ =	swait.eq @!p0 [sflag:s5], $0x1  }
0xb2: {  	s4 =	sor.u32 @!p0 s4, s6;
	[sflag:s5] =	ssyncadd.s32 @!p0 $0xFFFFFFFF  }
0xb3: {  	s25 =	simm.s32 $0x1B8E;
	s24 =	sld [smem:$0x3FFE];
	[sflag:s4] =	ssyncadd.remote.s32 @!p0 $0x1  }
0xb4: {  	s26 =	simm.s32 $execute0_lowered;
	[smem:$0x3FD2] =	sst s25  }
0xb5: {  	s5 =	sshll.u32 s26, $0x1;
	_ =	strace $0x8000004F;
	[dreg:$0x1] =	wrdreg $0xFFFFFFFF  }
0xb6: {  	s28 =	simm.s32 $_size_execute0_lowered;
	s3 =	sadd.s32 s3, s5;
	[dreg:$0x0] =	wrdreg $0x0  }
0xb7: {  	s5 =	sshll.u32 s28, $0x1;
	[dreg:$0x2] =	wrdreg s3  }
0xb8: {  	[dreg:$0x3] =	wrdreg s5  }
0xb9: {  	[dreg:$0x4] =	wrdreg $0xC0  }
0xba: {  	_ =	task [dreg:s22], $0x5FFFF  }
0xbb: {  	[dreg:$0x1] =	wrdreg $0xFFFFFFFF  }
0xbc: {  	[dreg:$0x0] =	wrdreg $0x60  }
0xbd: {  	[dreg:$0x2] =	wrdreg s24  }
0xbe: {  	[dreg:$0x3] =	wrdreg $0xD  }
0xbf: {  	_ =	task.clear_ibuf [dreg:s22], $0x4FFFF;
	_ =	strace $0x9000004F  }
0xc0: {  	s29 =	simm.s32 $0xD;
	_ =	strace $0x80000051  }
0xc1: {  	_ =	swait.ge [sflag:s29], $0x1  }
0xc2: {  	[sflag:s29] =	ssyncadd.s32 $0xFFFFFFFF  }
0xc3: {  	_ =	strace $0x90000051  }
0xc4: {  	_ =	sfence  }
0xc5: {  	s30 =	sld [smem:$0x0];
	_ =	sdelay $0x2  }
0xc6: {  	s31 =	sshll.u32 s1, $0xD;
	s1 =	sshrl.u32 s1, $0x2  }
0xc7: {  	s4 =	sand.u32 $0x4000, s31;
	s1 =	sadd.s32 s1, s30  }
0xc8: {  	s0 =	sor.u32 s4, s0;
	s1 =	sshll.u32 s1, $0x11  }
0xc9: {  	s0 =	sor.u32 s1, s0  }
0xca: {  	s0 =	sadd.s32 $0x8F2B, s0  }
0xcb: {  	[sflag:s0] =	ssyncadd.remote.s32 $0x1  }
0xcc: {  	_ =	sfence.sel $0xFFFF  }
0xcd: {  	[dreg:$0x0] =	wrdreg $0xFFFFFFFF;
	(pc) =	sbr.abs _section_cstart, $3  }
0xce: {  	[dreg:$0x1] =	wrdreg $0xFFFFFFFF  }
0xcf: {  	_ =	task.clear_ibuf [dreg:s22], $0x2FFFF;
	_ =	strace $0x9FFFFFFF  }
0xd0: {  	(tm) =	ssettm $0x7FFFFFFF  }
0xd1: {  	_ =	shalt  }
tec
execute0_lowered:
.L_overlay_start_1:
0x0: {  	(tag) =	ssettag $0x1  }
0x1: {  	s5 =	rddreg [dreg:$0x0]  }
0x2: {  	s0 =	rddreg [dreg:$0x1];
	s3 =	srdreg.scid  }
0x3: {  	s2 =	simm.s32 $0x0;
	s1 =	stileid.u32;
	s11 =	simm.s32 $0x400  }
0x4: {  	s12 =	simm.s32 $0x4400;
	s13 =	simm.s32 $0x1;
	s14 =	simm.s32 $0x2  }
0x5: {  	s15 =	simm.s32 $0x0;
	s6 =	sand.u32 $0x1, s3;
	[smem:$0x7FF] =	sst s2  }
0x6: {  	s4 =	sshll.u32 s1, $0xB;
	s3 =	sadd.s32 $0x3D400, s5;
	s9 =	sshll.u32 s1, $0xF  }
0x7: {  	s7 =	sshll.u32 s6, $0xA;
	_ =	strace $0x80000050;
	s8 =	ssub.s32 $0x2, s6  }
0x8: {  	s9 =	sadd.s32 s9, s5;
	s30 =	sshll.u32 s6, $0xE;
	s7 =	sor.u32 s7, s4  }
0x9: {  	s4 =	sadd.s32 $0x45400, s5;
	s10 =	sshrl.u32 s8, $0x1;
	s31 =	sadd.s32 s30, s9  }
0xa: {  	s9 =	simm.s32 $0x3;
	s7 =	sshrl.u32 s7, $0x3;
	s8 =	ssub.s32 s8, s10  }
0xb: {  	s7 =	sadd.s32 s7, s5;
	s6 =	smax.u32 s8, $0x1;
	s8 =	sadd.s32 $0x410400, s31  }
0xc: {  	s10 =	simm.s32 $0x80;
	s5 =	sadd.s32 $0x38F400, s7;
	s7 =	sadd.s32 $0x390400, s31  }
.LBB2_1:
0xd: {  	[tilespmem:s2], [sflag:$0x3] =	stream.linear.gather [hbm4b:s5+s2], $0x400, $0x38;
	[tilespmem:$0x8400] =	vst v63  }
0xe: {  	_ =	swait.ge [sflag:s9], $0x400  }
0xf: {  	[sflag:s9] =	ssyncset.done $0x0  }
0x10: {  	[sflag:s9] =	ssyncadd.s32 $0xFFFFFC00  }
0x11: {  	[tilespmem:s11], [sflag:$0x1] =	stream.indirect.gather [hbm4b:s3+s10], $0x80, s2, s10, $0xb8;
	[tilespmem:$0x8400] =	vst v63  }
0x12: {  	_ = 	snop  }
0x13: {  	[tilespmem:s12], [sflag:$0x2] =	stream.indirect.gather [hbm4b:s4+s10], $0x80, s2, s10, $0xb8;
	[tilespmem:$0x8400] =	vst v63  }
0x14: {  	_ =	swait.ge [sflag:s13], $0x4000  }
0x15: {  	[sflag:s13] =	ssyncset.done $0x0  }
0x16: {  	[sflag:s13] =	ssyncadd.s32 $0xFFFFC000  }
0x17: {  	_ =	swait.ge [sflag:s14], $0x4000  }
0x18: {  	[sflag:s14] =	ssyncset.done $0x0  }
0x19: {  	s16 =	sadd.s32 $0x0, s7;
	[sflag:s14] =	ssyncadd.s32 $0xFFFFC000  }
0x1a: {  	[hbm4b:s16+s2] =	stream.linear.scatter [tilespmem:s11], [sflag:$0x3], $0x4000, $0x38;
	[tilespmem:$0x8400] =	vst v63  }
0x1b: {  	_ =	swait.ge [sflag:s9], $0x4000  }
0x1c: {  	[sflag:s9] =	ssyncset.done $0x0  }
0x1d: {  	s31 =	sadd.s32 $0x0, s8;
	[sflag:s9] =	ssyncadd.s32 $0xFFFFC000  }
0x1e: {  	[hbm4b:s31+s2] =	stream.linear.scatter [tilespmem:s12], [sflag:$0x3], $0x4000, $0x38;
	[tilespmem:$0x8400] =	vst v63  }
0x1f: {  	_ =	swait.ge [sflag:s9], $0x4000  }
0x20: {  	s17 =	simm.s32 $0x0;
	s16 =	simm.s32 $0x800;
	[sflag:s9] =	ssyncset.done $0x0  }
.LBB2_2:
0x21: {  	p0 =	sne.s32 s16, $0x3800;
	[sflag:s9] =	ssyncadd.s32 $0xFFFFC000;
	s17 =	sadd.s32 $0x80, s17  }
0x22: {  	[tilespmem:s11], [sflag:$0x1] =	stream.indirect.gather [hbm4b:s3+s10], $0x80, s17, s10, $0xb8;
	[tilespmem:$0x8400] =	vst v63  }
0x23: {  	s18 =	smov.u32 s16;
	s16 =	sadd.s32 $0x800, s16  }
0x24: {  	[tilespmem:s12], [sflag:$0x2] =	stream.indirect.gather [hbm4b:s4+s10], $0x80, s17, s10, $0xb8;
	[tilespmem:$0x8400] =	vst v63  }
0x25: {  	_ =	swait.ge [sflag:s13], $0x4000  }
0x26: {  	[sflag:s13] =	ssyncset.done $0x0  }
0x27: {  	[sflag:s13] =	ssyncadd.s32 $0xFFFFC000  }
0x28: {  	_ =	swait.ge [sflag:s14], $0x4000  }
0x29: {  	[sflag:s14] =	ssyncset.done $0x0  }
0x2a: {  	s19 =	sadd.s32 s18, s7;
	[sflag:s14] =	ssyncadd.s32 $0xFFFFC000  }
0x2b: {  	[hbm4b:s19+s2] =	stream.linear.scatter [tilespmem:s11], [sflag:$0x3], $0x4000, $0x38;
	[tilespmem:$0x8400] =	vst v63  }
0x2c: {  	_ =	swait.ge [sflag:s9], $0x4000  }
.Ltmp0:
0x2d: {  	[sflag:s9] =	ssyncset.done $0x0;
	(pc) =	sbr.rel @p0 .LBB2_2-.Ltmp0, $4  }
0x2e: {  	s18 =	sadd.s32 s18, s8;
	[sflag:s9] =	ssyncadd.s32 $0xFFFFC000  }
0x2f: {  	[hbm4b:s18+s2] =	stream.linear.scatter [tilespmem:s12], [sflag:$0x3], $0x4000, $0x38;
	[tilespmem:$0x8400] =	vst v63  }
0x30: {  	_ =	swait.ge [sflag:s9], $0x4000  }
0x31: {  	[sflag:s9] =	ssyncset.done $0x0  }
0x32: {  	s15 =	sadd.s32 $0x1, s15  }
0x33: {  	p0 =	sne.s32 s15, s6  }
.Ltmp1:
0x34: {  	_ = 	snop;
	(pc) =	sbr.rel @p0 .LBB2_1-.Ltmp1, $2  }
0x35: {  	_ =	sdelay $0x2  }
0x36: {  	[sflag:s9] =	ssyncadd.s32 $0xFFFFC000  }
0x37: {  	_ =	sfence.sel $0x180000  }
0x38: {  	[bflag:$0x0] =	sbarrier.arrive $0xFFFF  }
0x39: {  	p0 =	sne.s32 s1, $0x0;
	_ =	strace $0x90000050  }
0x3a: {  	s0 =	sadd.s32 @!p0 $0x100000, s0;
	[bflag:$0x2] =	sbarrier.arrive $0xFFFF  }
0x3b: {  	[sflag:s0] =	ssyncadd.tile.s32 @!p0 $0x1;
	_ =	shalt  }
.Lfunc_end2:
_tile_overlayer_lowered:
.L_overlay_start_2:
0x3c: {  	(tag) =	ssettag $0x2  }
0x3d: {  	s0 =	rddreg [dreg:$0x0];
	s2 =	stileid.u32  }
0x3e: {  	s1 =	rddreg [dreg:$0x1];
	p0 =	sne.s32 s2, $0x0  }
0x3f: {  	s3 =	rddreg [dreg:$0x2];
	[bflag:$0x3] =	sbarrier.arrive $0xFFFF;
	s2 =	simm.s32 @!p0 $0x1C03  }
0x40: {  	[timem:s3], [sflag:s2] =	dma.local @!p0 [hbm:s0], s1  }
0x41: {  	s0 =	simm.s32 @!p0 $0x3  }
0x42: {  	_ =	swait.ge @!p0 [sflag:s0], s1  }
0x43: {  	s1 =	ssub.s32 @!p0 $0x0, s1;
	[sflag:s0] =	ssyncset.done @!p0 $0x0  }
0x44: {  	[sflag:s0] =	ssyncadd.s32 @!p0 s1  }
0x45: {  	[bflag:$0x3] =	sbarrier.arrive $0xFFFF  }
0x46: {  	_ =	shalt  }

// kernel: kernel.57.cloned.1.call-start
scs
__scs_entry_jumppad:
0x0: {  	(pc) =	sbr.rel $0x88, $3  }
0x1: {  	(tag) =	ssettag $0x0;
	lr =	simm.s32 $0x1  }
0x2: {  	[smem:$0x3F8F] =	sst lr;
	_ =	strace $0xD0000000  }
0x3: {  	_ = 	snop  }
0x4: {  	_ = 	snop  }
0x5: {  	_ = 	snop  }
0x6: {  	_ = 	snop  }
0x7: {  	_ = 	snop  }
__scs_overlays_trampoline_lowered:
0x8: {  	[smem:$0x3F9E] =	sst s0  }
0x9: {  	[smem:$0x3F9F] =	sst s1  }
0xa: {  	[smem:$0x3FA0] =	sst s2  }
0xb: {  	[smem:$0x3FA1] =	sst s3  }
0xc: {  	[smem:$0x3FA2] =	sst s4  }
0xd: {  	[smem:$0x3FA3] =	sst s5  }
0xe: {  	[smem:$0x3FA4] =	sst s6  }
0xf: {  	[smem:$0x3FA5] =	sst s7  }
0x10: {  	[smem:$0x3FA6] =	sst s8  }
0x11: {  	[smem:$0x3FA7] =	sst s9;
	s0 =	simm.s32 @!p0 $0x0  }
0x12: {  	s1 =	sld [smem:$0x3F8D];
	s0 =	simm.s32 @p0 $0x1  }
0x13: {  	[smem:$0x3FA8] =	sst s0;
	s0 =	simm.s32 @!p1 $0x0  }
0x14: {  	s2 =	sld [smem:$0x3F8C];
	s0 =	simm.s32 @p1 $0x1  }
0x15: {  	[smem:$0x3FA9] =	sst s0;
	s0 =	simm.s32 @!p2 $0x0  }
0x16: {  	s3 =	sld [smem:$0x3FDB];
	s0 =	simm.s32 @p2 $0x1  }
0x17: {  	s4 =	simm.s32 $0x1BF5;
	[smem:$0x3FAB] =	sst s0  }
0x18: {  	s0 =	sld [smem:$0x3F8E];
	_ =	swait.ge [sflag:s4], $0x0  }
0x19: {  	s7 =	sld [smem:$0x3F8F]  }
0x1a: {  	s8 =	sadd.s32 $0xFFFFE003, lr  }
0x1b: {  	s9 =	sadd.s32 $0xFFFFFEF7, lr;
	s5 =	simm.s32 $0xFFFFFFFF;
	p2 =	slt.u32 s8, $0xFFFFF086  }
0x1c: {  	p1 =	slt.u32 s9, $0xF7A;
	s5 =	simm.s32 @!p2 $0x0  }
0x1d: {  	s5 =	simm.s32 @p1 $0x1;
	p0 =	seq.s32 s7, s2  }
0x1e: {  	s7 =	smul.u32 @!p0 $0xF7A, s2;
	p2 =	seq.s32 @!p0 s5, $0x0  }
0x1f: {  	s9 =	smul.u32 $0xF7A, s1;
	s8 =	simm.s32 @!p0 $0x1BF5;
	p2 =	por !p2, p0  }
0x20: {  	[sflag:s8] =	ssyncset.s32 @!p0 $0xFFFFF086;
	s6 =	sadd.s32 @!p0 s3, s7;
	s7 =	simm.s32 @!p0 $0x108  }
0x21: {  	s3 =	sadd.s32 s3, s9;
	s6 =	sadd.s32 @!p0 $0x88, s6;
	s7 =	simm.s32 @p2 $0x1082  }
0x22: {  	[simem:s7], [sflag:s8] =	dma.local @!p0 [hbm:s6], $0xF7A  }
0x23: {  	s9 =	sor.u32 $0xD0000000, s2;
	s6 =	simm.s32 $0x108;
	_ =	swait.ge @!p0 [sflag:s8], $0x0  }
0x24: {  	s3 =	sadd.s32 $0x88, s3;
	s6 =	simm.s32 @!p1 $0x1082;
	[sflag:s4] =	ssyncset.s32 $0xFFFFF086  }
0x25: {  	[simem:s6], [sflag:s4] =	dma.local [hbm:s3], $0xF7A  }
0x26: {  	[smem:$0x3F8F] =	sst s1;
	(tag) =	ssettag s2;
	_ =	strace s9  }
0x27: {  	s1 =	sld [smem:$0x3F9F]  }
0x28: {  	s2 =	sld [smem:$0x3FA0]  }
0x29: {  	s4 =	sld [smem:$0x3FA2]  }
0x2a: {  	p0 =	seq.s32 s5, $0x0;
	s5 =	sld [smem:$0x3FA3]  }
0x2b: {  	s6 =	sld [smem:$0x3FA4]  }
0x2c: {  	s7 =	sld [smem:$0x3FA5]  }
0x2d: {  	s3 =	simm.s32 $0x108;
	s8 =	sld [smem:$0x3FA6]  }
0x2e: {  	s3 =	simm.s32 @!p0 $0x1082;
	s9 =	sld [smem:$0x3FA7]  }
0x2f: {  	lr =	sadd.s32 s0, s3;
	s0 =	sld [smem:$0x3F9E]  }
0x30: {  	s3 =	sld [smem:$0x3FA1]  }
0x31: {  	[smem:$0x3FAA] =	sst s10  }
0x32: {  	s10 =	sld [smem:$0x3FA8];
	_ =	sdelay $0x3  }
0x33: {  	p0 =	seq.s32 s10, $0x1;
	s10 =	sld [smem:$0x3FAA];
	_ =	sdelay $0x3  }
0x34: {  	[smem:$0x3FAA] =	sst s10  }
0x35: {  	s10 =	sld [smem:$0x3FA9];
	_ =	sdelay $0x3  }
0x36: {  	p1 =	seq.s32 s10, $0x1;
	s10 =	sld [smem:$0x3FAA];
	_ =	sdelay $0x3  }
0x37: {  	[smem:$0x3FAA] =	sst s10  }
0x38: {  	s10 =	sld [smem:$0x3FAB]  }
0x39: {  	_ = 	snop;
	(pc) =	sbr.ind lr, $3  }
0x3a: {  	_ = 	snop  }
0x3b: {  	_ = 	snop  }
0x3c: {  	p2 =	seq.s32 s10, $0x1;
	s10 =	sld [smem:$0x3FAA]  }
0x3d: {  	_ =	shalt  }
0x3e: {  	_ =	shalt  }
0x3f: {  	_ =	shalt  }
0x40: {  	_ =	shalt  }
0x41: {  	_ =	shalt  }
0x42: {  	_ =	shalt  }
0x43: {  	_ =	shalt  }
0x44: {  	_ =	shalt  }
0x45: {  	_ =	shalt  }
0x46: {  	_ =	shalt  }
0x47: {  	_ =	shalt  }
0x48: {  	_ =	shalt  }
0x49: {  	_ =	shalt  }
0x4a: {  	_ =	shalt  }
0x4b: {  	_ =	shalt  }
0x4c: {  	_ =	shalt  }
0x4d: {  	_ =	shalt  }
0x4e: {  	_ =	shalt  }
0x4f: {  	_ =	shalt  }
0x50: {  	_ =	shalt  }
0x51: {  	_ =	shalt  }
0x52: {  	_ =	shalt  }
0x53: {  	_ =	shalt  }
0x54: {  	_ =	shalt  }
0x55: {  	_ =	shalt  }
0x56: {  	_ =	shalt  }
0x57: {  	_ =	shalt  }
0x58: {  	_ =	shalt  }
0x59: {  	_ =	shalt  }
0x5a: {  	_ =	shalt  }
0x5b: {  	_ =	shalt  }
0x5c: {  	_ =	shalt  }
0x5d: {  	_ =	shalt  }
0x5e: {  	_ =	shalt  }
0x5f: {  	_ =	shalt  }
0x60: {  	_ =	shalt  }
0x61: {  	_ =	shalt  }
0x62: {  	_ =	shalt  }
0x63: {  	_ =	shalt  }
0x64: {  	_ =	shalt  }
0x65: {  	_ =	shalt  }
0x66: {  	_ =	shalt  }
0x67: {  	_ =	shalt  }
0x68: {  	_ =	shalt  }
0x69: {  	_ =	shalt  }
0x6a: {  	_ =	shalt  }
0x6b: {  	_ =	shalt  }
0x6c: {  	_ =	shalt  }
0x6d: {  	_ =	shalt  }
0x6e: {  	_ =	shalt  }
0x6f: {  	_ =	shalt  }
0x70: {  	_ =	shalt  }
0x71: {  	_ =	shalt  }
0x72: {  	_ =	shalt  }
0x73: {  	_ =	shalt  }
0x74: {  	_ =	shalt  }
0x75: {  	_ =	shalt  }
0x76: {  	_ =	shalt  }
0x77: {  	_ =	shalt  }
0x78: {  	_ =	shalt  }
0x79: {  	_ =	shalt  }
0x7a: {  	_ =	shalt  }
0x7b: {  	_ =	shalt  }
0x7c: {  	_ =	shalt  }
0x7d: {  	_ =	shalt  }
0x7e: {  	_ =	shalt  }
0x7f: {  	_ =	shalt  }
0x80: {  	_ =	shalt  }
0x81: {  	_ =	shalt  }
0x82: {  	_ =	shalt  }
0x83: {  	_ =	shalt  }
0x84: {  	_ =	shalt  }
0x85: {  	_ =	shalt  }
0x86: {  	_ =	shalt  }
0x87: {  	_ =	shalt  }
.Lfunc_end0:
.L_simem_size_0:
called_computation.5_lowered:
.L_overlay_start_0:
0x88: {  	s2 =	sld [smem:$0x3FD9]  }
0x89: {  	s3 =	sld [smem:$0x3FFE];
	_ =	sdelay $0x1  }
0x8a: {  	s1 =	srdreg.scid  }
0x8b: {  	s0 =	sand.u32 $0x1, s1  }
0x8c: {  	s17 =	sshll.u32 s0, $0xA;
	s2 =	sadd.s32 s3, s2  }
0x8d: {  	s2 =	sadd.s32 s2, s17  }
0x8e: {  	[smem:$0x3FB6] =	sst s2  }
0x8f: {  	_ = 	snop  }
0x90: {  	(tm) =	ssettm $0x1  }
0x91: {  	s18 =	sld [smem:$0x3FFB];
	_ =	sdelay $0x3  }
0x92: {  	_ =	strace s18  }
0x93: {  	s2 =	sld [smem:$0x3FFC];
	_ =	sdelay $0x3  }
0x94: {  	_ =	strace s2  }
0x95: {  	s2 =	sld [smem:$0x3FFD];
	_ =	sdelay $0x3  }
0x96: {  	_ =	strace s2  }
0x97: {  	_ =	strace $0x8FFFFFFF  }
0x98: {  	s19 =	sld [smem:$0x3FDB];
	_ =	sdelay $0x1  }
0x99: {  	s20 =	simm.s32 $_scs_section_size  }
0x9a: {  	s4 =	simm.s32 $_size__tile_overlayer_lowered;
	s5 =	simm.s32 $_tile_overlayer_lowered  }
0x9b: {  	s6 =	simm.s32 $0x1BFF;
	s21 =	sshll.u32 s5, $0x1;
	s3 =	sadd.s32 s20, s19  }
0x9c: {  	s22 =	simm.s32 $0x0;
	s4 =	sshll.u32 s4, $0x1;
	s5 =	sadd.s32 s21, s3  }
0x9d: {  	[timem:s22], [sflag:s6] =	dma.local [hbm:s5], s4  }
0x9e: {  	_ =	swait.ge [sflag:s6], s4  }
0x9f: {  	s4 =	ssub.s32 $0x0, s4;
	[sflag:s6] =	ssyncset.done $0x0  }
0xa0: {  	[sflag:s6] =	ssyncadd.s32 s4;
	_ =	sdelay $0x1  }
0xa1: {  	s23 =	simm.s32 $0x1B8B  }
0xa2: {  	_ =	swait.ge [sflag:s23], $0x1  }
0xa3: {  	[sflag:s23] =	ssyncset.done $0x0  }
0xa4: {  	[sflag:s23] =	ssyncadd.s32 $0xFFFFFFFF  }
0xa5: {  	s4 =	sld [smem:$0x0]  }
0xa6: {  	s5 =	sand.u32 $0xFFFFFFFE, s1  }
0xa7: {  	p0 =	sne.s32 s1, s5  }
0xa8: {  	s5 =	sshll.u32 @p0 s5, $0xE  }
0xa9: {  	s5 =	sadd.s32 @p0 $0x11B8D, s5;
	s6 =	sshll.u32 @p0 s4, $0x11  }
0xaa: {  	s5 =	sor.u32 @p0 s6, s5  }
0xab: {  	[sflag:s5] =	ssyncadd.remote.s32 @p0 $0x1;
	_ =	sdelay $0x1  }
0xac: {  	s5 =	simm.s32 @p0 $0x1B8D  }
0xad: {  	_ =	swait.eq @p0 [sflag:s5], $0x1  }
0xae: {  	[sflag:s5] =	ssyncadd.s32 @p0 $0xFFFFFFFF  }
0xaf: {  	s6 =	sshll.u32 @!p0 s1, $0xE  }
0xb0: {  	s6 =	sor.u32 @!p0 $0x4000, s6;
	s5 =	simm.s32 @!p0 $0x1B8D  }
0xb1: {  	s4 =	sshll.u32 @!p0 s4, $0x11;
	s6 =	sadd.s32 @!p0 $0x11B8D, s6;
	_ =	swait.eq @!p0 [sflag:s5], $0x1  }
0xb2: {  	s4 =	sor.u32 @!p0 s4, s6;
	[sflag:s5] =	ssyncadd.s32 @!p0 $0xFFFFFFFF  }
0xb3: {  	s25 =	simm.s32 $0x1B8E;
	s24 =	sld [smem:$0x3FFE];
	[sflag:s4] =	ssyncadd.remote.s32 @!p0 $0x1  }
0xb4: {  	s26 =	simm.s32 $execute0_lowered;
	[smem:$0x3FD2] =	sst s25  }
0xb5: {  	s5 =	sshll.u32 s26, $0x1;
	_ =	strace $0x8000004C;
	[dreg:$0x1] =	wrdreg $0xFFFFFFFF  }
0xb6: {  	s28 =	simm.s32 $_size_execute0_lowered;
	s3 =	sadd.s32 s3, s5;
	[dreg:$0x0] =	wrdreg $0x0  }
0xb7: {  	s5 =	sshll.u32 s28, $0x1;
	[dreg:$0x2] =	wrdreg s3  }
0xb8: {  	[dreg:$0x3] =	wrdreg s5  }
0xb9: {  	[dreg:$0x4] =	wrdreg $0xC0  }
0xba: {  	_ =	task [dreg:s22], $0x5FFFF  }
0xbb: {  	[dreg:$0x1] =	wrdreg $0xFFFFFFFF  }
0xbc: {  	[dreg:$0x0] =	wrdreg $0x60  }
0xbd: {  	[dreg:$0x2] =	wrdreg s24  }
0xbe: {  	[dreg:$0x3] =	wrdreg $0xE  }
0xbf: {  	_ =	task.clear_ibuf [dreg:s22], $0x4FFFF;
	_ =	strace $0x9000004C  }
0xc0: {  	s29 =	simm.s32 $0xE;
	_ =	strace $0x8000004E  }
0xc1: {  	_ =	swait.ge [sflag:s29], $0x1  }
0xc2: {  	[sflag:s29] =	ssyncadd.s32 $0xFFFFFFFF  }
0xc3: {  	_ =	strace $0x9000004E  }
0xc4: {  	_ =	sfence  }
0xc5: {  	s30 =	sld [smem:$0x0];
	_ =	sdelay $0x2  }
0xc6: {  	s31 =	sshll.u32 s1, $0xD;
	s1 =	sshrl.u32 s1, $0x2  }
0xc7: {  	s4 =	sand.u32 $0x4000, s31;
	s1 =	sadd.s32 s1, s30  }
0xc8: {  	s0 =	sor.u32 s4, s0;
	s1 =	sshll.u32 s1, $0x11  }
0xc9: {  	s0 =	sor.u32 s1, s0  }
0xca: {  	s0 =	sadd.s32 $0x8F2B, s0  }
0xcb: {  	[sflag:s0] =	ssyncadd.remote.s32 $0x1  }
0xcc: {  	_ =	sfence.sel $0xFFFF  }
0xcd: {  	[dreg:$0x0] =	wrdreg $0xFFFFFFFF;
	(pc) =	sbr.abs _section_cstart, $3  }
0xce: {  	[dreg:$0x1] =	wrdreg $0xFFFFFFFF  }
0xcf: {  	_ =	task.clear_ibuf [dreg:s22], $0x2FFFF;
	_ =	strace $0x9FFFFFFF  }
0xd0: {  	(tm) =	ssettm $0x7FFFFFFF  }
0xd1: {  	_ =	shalt  }
tec
execute0_lowered:
.L_overlay_start_1:
0x0: {  	(tag) =	ssettag $0x1  }
0x1: {  	s5 =	rddreg [dreg:$0x0]  }
0x2: {  	s0 =	rddreg [dreg:$0x1];
	s3 =	srdreg.scid  }
0x3: {  	s2 =	simm.s32 $0x0;
	s1 =	stileid.u32;
	s11 =	simm.s32 $0x400  }
0x4: {  	s12 =	simm.s32 $0x4400;
	s13 =	simm.s32 $0x1;
	s14 =	simm.s32 $0x2  }
0x5: {  	s15 =	simm.s32 $0x0;
	s6 =	sand.u32 $0x1, s3;
	[smem:$0x7FF] =	sst s2  }
0x6: {  	s4 =	sshll.u32 s1, $0xB;
	s3 =	sadd.s32 $0x2D400, s5;
	s9 =	sshll.u32 s1, $0xF  }
0x7: {  	s7 =	sshll.u32 s6, $0xA;
	_ =	strace $0x8000004D;
	s8 =	ssub.s32 $0x2, s6  }
0x8: {  	s9 =	sadd.s32 s9, s5;
	s30 =	sshll.u32 s6, $0xE;
	s7 =	sor.u32 s7, s4  }
0x9: {  	s4 =	sadd.s32 $0x35400, s5;
	s10 =	sshrl.u32 s8, $0x1;
	s31 =	sadd.s32 s30, s9  }
0xa: {  	s9 =	simm.s32 $0x3;
	s7 =	sshrl.u32 s7, $0x3;
	s8 =	ssub.s32 s8, s10  }
0xb: {  	s7 =	sadd.s32 s7, s5;
	s6 =	smax.u32 s8, $0x1;
	s8 =	sadd.s32 $0x28F400, s31  }
0xc: {  	s10 =	simm.s32 $0x80;
	s5 =	sadd.s32 $0x28E400, s7;
	s7 =	sadd.s32 $0x30F400, s31  }
.LBB2_1:
0xd: {  	[tilespmem:s2], [sflag:$0x3] =	stream.linear.gather [hbm4b:s5+s2], $0x400, $0x38;
	[tilespmem:$0x8400] =	vst v63  }
0xe: {  	_ =	swait.ge [sflag:s9], $0x400  }
0xf: {  	[sflag:s9] =	ssyncset.done $0x0  }
0x10: {  	[sflag:s9] =	ssyncadd.s32 $0xFFFFFC00  }
0x11: {  	[tilespmem:s11], [sflag:$0x1] =	stream.indirect.gather [hbm4b:s3+s10], $0x80, s2, s10, $0xb8;
	[tilespmem:$0x8400] =	vst v63  }
0x12: {  	_ = 	snop  }
0x13: {  	[tilespmem:s12], [sflag:$0x2] =	stream.indirect.gather [hbm4b:s4+s10], $0x80, s2, s10, $0xb8;
	[tilespmem:$0x8400] =	vst v63  }
0x14: {  	_ =	swait.ge [sflag:s13], $0x4000  }
0x15: {  	[sflag:s13] =	ssyncset.done $0x0  }
0x16: {  	[sflag:s13] =	ssyncadd.s32 $0xFFFFC000  }
0x17: {  	_ =	swait.ge [sflag:s14], $0x4000  }
0x18: {  	[sflag:s14] =	ssyncset.done $0x0  }
0x19: {  	s16 =	sadd.s32 $0x0, s7;
	[sflag:s14] =	ssyncadd.s32 $0xFFFFC000  }
0x1a: {  	[hbm4b:s16+s2] =	stream.linear.scatter [tilespmem:s11], [sflag:$0x3], $0x4000, $0x38;
	[tilespmem:$0x8400] =	vst v63  }
0x1b: {  	_ =	swait.ge [sflag:s9], $0x4000  }
0x1c: {  	[sflag:s9] =	ssyncset.done $0x0  }
0x1d: {  	s31 =	sadd.s32 $0x0, s8;
	[sflag:s9] =	ssyncadd.s32 $0xFFFFC000  }
0x1e: {  	[hbm4b:s31+s2] =	stream.linear.scatter [tilespmem:s12], [sflag:$0x3], $0x4000, $0x38;
	[tilespmem:$0x8400] =	vst v63  }
0x1f: {  	_ =	swait.ge [sflag:s9], $0x4000  }
0x20: {  	s17 =	simm.s32 $0x0;
	s16 =	simm.s32 $0x800;
	[sflag:s9] =	ssyncset.done $0x0  }
.LBB2_2:
0x21: {  	p0 =	sne.s32 s16, $0x3800;
	[sflag:s9] =	ssyncadd.s32 $0xFFFFC000;
	s17 =	sadd.s32 $0x80, s17  }
0x22: {  	[tilespmem:s11], [sflag:$0x1] =	stream.indirect.gather [hbm4b:s3+s10], $0x80, s17, s10, $0xb8;
	[tilespmem:$0x8400] =	vst v63  }
0x23: {  	s18 =	smov.u32 s16;
	s16 =	sadd.s32 $0x800, s16  }
0x24: {  	[tilespmem:s12], [sflag:$0x2] =	stream.indirect.gather [hbm4b:s4+s10], $0x80, s17, s10, $0xb8;
	[tilespmem:$0x8400] =	vst v63  }
0x25: {  	_ =	swait.ge [sflag:s13], $0x4000  }
0x26: {  	[sflag:s13] =	ssyncset.done $0x0  }
0x27: {  	[sflag:s13] =	ssyncadd.s32 $0xFFFFC000  }
0x28: {  	_ =	swait.ge [sflag:s14], $0x4000  }
0x29: {  	[sflag:s14] =	ssyncset.done $0x0  }
0x2a: {  	s19 =	sadd.s32 s18, s7;
	[sflag:s14] =	ssyncadd.s32 $0xFFFFC000  }
0x2b: {  	[hbm4b:s19+s2] =	stream.linear.scatter [tilespmem:s11], [sflag:$0x3], $0x4000, $0x38;
	[tilespmem:$0x8400] =	vst v63  }
0x2c: {  	_ =	swait.ge [sflag:s9], $0x4000  }
.Ltmp0:
0x2d: {  	[sflag:s9] =	ssyncset.done $0x0;
	(pc) =	sbr.rel @p0 .LBB2_2-.Ltmp0, $4  }
0x2e: {  	s18 =	sadd.s32 s18, s8;
	[sflag:s9] =	ssyncadd.s32 $0xFFFFC000  }
0x2f: {  	[hbm4b:s18+s2] =	stream.linear.scatter [tilespmem:s12], [sflag:$0x3], $0x4000, $0x38;
	[tilespmem:$0x8400] =	vst v63  }
0x30: {  	_ =	swait.ge [sflag:s9], $0x4000  }
0x31: {  	[sflag:s9] =	ssyncset.done $0x0  }
0x32: {  	s15 =	sadd.s32 $0x1, s15  }
0x33: {  	p0 =	sne.s32 s15, s6  }
.Ltmp1:
0x34: {  	_ = 	snop;
	(pc) =	sbr.rel @p0 .LBB2_1-.Ltmp1, $2  }
0x35: {  	_ =	sdelay $0x2  }
0x36: {  	[sflag:s9] =	ssyncadd.s32 $0xFFFFC000  }
0x37: {  	_ =	sfence.sel $0x180000  }
0x38: {  	[bflag:$0x0] =	sbarrier.arrive $0xFFFF  }
0x39: {  	p0 =	sne.s32 s1, $0x0;
	_ =	strace $0x9000004D  }
0x3a: {  	s0 =	sadd.s32 @!p0 $0x100000, s0;
	[bflag:$0x2] =	sbarrier.arrive $0xFFFF  }
0x3b: {  	[sflag:s0] =	ssyncadd.tile.s32 @!p0 $0x1;
	_ =	shalt  }
.Lfunc_end2:
_tile_overlayer_lowered:
.L_overlay_start_2:
0x3c: {  	(tag) =	ssettag $0x2  }
0x3d: {  	s0 =	rddreg [dreg:$0x0];
	s2 =	stileid.u32  }
0x3e: {  	s1 =	rddreg [dreg:$0x1];
	p0 =	sne.s32 s2, $0x0  }
0x3f: {  	s3 =	rddreg [dreg:$0x2];
	[bflag:$0x3] =	sbarrier.arrive $0xFFFF;
	s2 =	simm.s32 @!p0 $0x1C03  }
0x40: {  	[timem:s3], [sflag:s2] =	dma.local @!p0 [hbm:s0], s1  }
0x41: {  	s0 =	simm.s32 @!p0 $0x3  }
0x42: {  	_ =	swait.ge @!p0 [sflag:s0], s1  }
0x43: {  	s1 =	ssub.s32 @!p0 $0x0, s1;
	[sflag:s0] =	ssyncset.done @!p0 $0x0  }
0x44: {  	[sflag:s0] =	ssyncadd.s32 @!p0 s1  }
0x45: {  	[bflag:$0x3] =	sbarrier.arrive $0xFFFF  }
0x46: {  	_ =	shalt  }

// kernel: kernel.60.cloned.1.call-start
scs
__scs_entry_jumppad:
0x0: {  	(pc) =	sbr.rel $0x88, $3  }
0x1: {  	(tag) =	ssettag $0x0;
	lr =	simm.s32 $0x1  }
0x2: {  	[smem:$0x3F8F] =	sst lr;
	_ =	strace $0xD0000000  }
0x3: {  	_ = 	snop  }
0x4: {  	_ = 	snop  }
0x5: {  	_ = 	snop  }
0x6: {  	_ = 	snop  }
0x7: {  	_ = 	snop  }
__scs_overlays_trampoline_lowered:
0x8: {  	[smem:$0x3F9E] =	sst s0  }
0x9: {  	[smem:$0x3F9F] =	sst s1  }
0xa: {  	[smem:$0x3FA0] =	sst s2  }
0xb: {  	[smem:$0x3FA1] =	sst s3  }
0xc: {  	[smem:$0x3FA2] =	sst s4  }
0xd: {  	[smem:$0x3FA3] =	sst s5  }
0xe: {  	[smem:$0x3FA4] =	sst s6  }
0xf: {  	[smem:$0x3FA5] =	sst s7  }
0x10: {  	[smem:$0x3FA6] =	sst s8  }
0x11: {  	[smem:$0x3FA7] =	sst s9;
	s0 =	simm.s32 @!p0 $0x0  }
0x12: {  	s1 =	sld [smem:$0x3F8D];
	s0 =	simm.s32 @p0 $0x1  }
0x13: {  	[smem:$0x3FA8] =	sst s0;
	s0 =	simm.s32 @!p1 $0x0  }
0x14: {  	s2 =	sld [smem:$0x3F8C];
	s0 =	simm.s32 @p1 $0x1  }
0x15: {  	[smem:$0x3FA9] =	sst s0;
	s0 =	simm.s32 @!p2 $0x0  }
0x16: {  	s3 =	sld [smem:$0x3FDB];
	s0 =	simm.s32 @p2 $0x1  }
0x17: {  	s4 =	simm.s32 $0x1BF5;
	[smem:$0x3FAB] =	sst s0  }
0x18: {  	s0 =	sld [smem:$0x3F8E];
	_ =	swait.ge [sflag:s4], $0x0  }
0x19: {  	s7 =	sld [smem:$0x3F8F]  }
0x1a: {  	s8 =	sadd.s32 $0xFFFFE003, lr  }
0x1b: {  	s9 =	sadd.s32 $0xFFFFFEF7, lr;
	s5 =	simm.s32 $0xFFFFFFFF;
	p2 =	slt.u32 s8, $0xFFFFF086  }
0x1c: {  	p1 =	slt.u32 s9, $0xF7A;
	s5 =	simm.s32 @!p2 $0x0  }
0x1d: {  	s5 =	simm.s32 @p1 $0x1;
	p0 =	seq.s32 s7, s2  }
0x1e: {  	s7 =	smul.u32 @!p0 $0xF7A, s2;
	p2 =	seq.s32 @!p0 s5, $0x0  }
0x1f: {  	s9 =	smul.u32 $0xF7A, s1;
	s8 =	simm.s32 @!p0 $0x1BF5;
	p2 =	por !p2, p0  }
0x20: {  	[sflag:s8] =	ssyncset.s32 @!p0 $0xFFFFF086;
	s6 =	sadd.s32 @!p0 s3, s7;
	s7 =	simm.s32 @!p0 $0x108  }
0x21: {  	s3 =	sadd.s32 s3, s9;
	s6 =	sadd.s32 @!p0 $0x88, s6;
	s7 =	simm.s32 @p2 $0x1082  }
0x22: {  	[simem:s7], [sflag:s8] =	dma.local @!p0 [hbm:s6], $0xF7A  }
0x23: {  	s9 =	sor.u32 $0xD0000000, s2;
	s6 =	simm.s32 $0x108;
	_ =	swait.ge @!p0 [sflag:s8], $0x0  }
0x24: {  	s3 =	sadd.s32 $0x88, s3;
	s6 =	simm.s32 @!p1 $0x1082;
	[sflag:s4] =	ssyncset.s32 $0xFFFFF086  }
0x25: {  	[simem:s6], [sflag:s4] =	dma.local [hbm:s3], $0xF7A  }
0x26: {  	[smem:$0x3F8F] =	sst s1;
	(tag) =	ssettag s2;
	_ =	strace s9  }
0x27: {  	s1 =	sld [smem:$0x3F9F]  }
0x28: {  	s2 =	sld [smem:$0x3FA0]  }
0x29: {  	s4 =	sld [smem:$0x3FA2]  }
0x2a: {  	p0 =	seq.s32 s5, $0x0;
	s5 =	sld [smem:$0x3FA3]  }
0x2b: {  	s6 =	sld [smem:$0x3FA4]  }
0x2c: {  	s7 =	sld [smem:$0x3FA5]  }
0x2d: {  	s3 =	simm.s32 $0x108;
	s8 =	sld [smem:$0x3FA6]  }
0x2e: {  	s3 =	simm.s32 @!p0 $0x1082;
	s9 =	sld [smem:$0x3FA7]  }
0x2f: {  	lr =	sadd.s32 s0, s3;
	s0 =	sld [smem:$0x3F9E]  }
0x30: {  	s3 =	sld [smem:$0x3FA1]  }
0x31: {  	[smem:$0x3FAA] =	sst s10  }
0x32: {  	s10 =	sld [smem:$0x3FA8];
	_ =	sdelay $0x3  }
0x33: {  	p0 =	seq.s32 s10, $0x1;
	s10 =	sld [smem:$0x3FAA];
	_ =	sdelay $0x3  }
0x34: {  	[smem:$0x3FAA] =	sst s10  }
0x35: {  	s10 =	sld [smem:$0x3FA9];
	_ =	sdelay $0x3  }
0x36: {  	p1 =	seq.s32 s10, $0x1;
	s10 =	sld [smem:$0x3FAA];
	_ =	sdelay $0x3  }
0x37: {  	[smem:$0x3FAA] =	sst s10  }
0x38: {  	s10 =	sld [smem:$0x3FAB]  }
0x39: {  	_ = 	snop;
	(pc) =	sbr.ind lr, $3  }
0x3a: {  	_ = 	snop  }
0x3b: {  	_ = 	snop  }
0x3c: {  	p2 =	seq.s32 s10, $0x1;
	s10 =	sld [smem:$0x3FAA]  }
0x3d: {  	_ =	shalt  }
0x3e: {  	_ =	shalt  }
0x3f: {  	_ =	shalt  }
0x40: {  	_ =	shalt  }
0x41: {  	_ =	shalt  }
0x42: {  	_ =	shalt  }
0x43: {  	_ =	shalt  }
0x44: {  	_ =	shalt  }
0x45: {  	_ =	shalt  }
0x46: {  	_ =	shalt  }
0x47: {  	_ =	shalt  }
0x48: {  	_ =	shalt  }
0x49: {  	_ =	shalt  }
0x4a: {  	_ =	shalt  }
0x4b: {  	_ =	shalt  }
0x4c: {  	_ =	shalt  }
0x4d: {  	_ =	shalt  }
0x4e: {  	_ =	shalt  }
0x4f: {  	_ =	shalt  }
0x50: {  	_ =	shalt  }
0x51: {  	_ =	shalt  }
0x52: {  	_ =	shalt  }
0x53: {  	_ =	shalt  }
0x54: {  	_ =	shalt  }
0x55: {  	_ =	shalt  }
0x56: {  	_ =	shalt  }
0x57: {  	_ =	shalt  }
0x58: {  	_ =	shalt  }
0x59: {  	_ =	shalt  }
0x5a: {  	_ =	shalt  }
0x5b: {  	_ =	shalt  }
0x5c: {  	_ =	shalt  }
0x5d: {  	_ =	shalt  }
0x5e: {  	_ =	shalt  }
0x5f: {  	_ =	shalt  }
0x60: {  	_ =	shalt  }
0x61: {  	_ =	shalt  }
0x62: {  	_ =	shalt  }
0x63: {  	_ =	shalt  }
0x64: {  	_ =	shalt  }
0x65: {  	_ =	shalt  }
0x66: {  	_ =	shalt  }
0x67: {  	_ =	shalt  }
0x68: {  	_ =	shalt  }
0x69: {  	_ =	shalt  }
0x6a: {  	_ =	shalt  }
0x6b: {  	_ =	shalt  }
0x6c: {  	_ =	shalt  }
0x6d: {  	_ =	shalt  }
0x6e: {  	_ =	shalt  }
0x6f: {  	_ =	shalt  }
0x70: {  	_ =	shalt  }
0x71: {  	_ =	shalt  }
0x72: {  	_ =	shalt  }
0x73: {  	_ =	shalt  }
0x74: {  	_ =	shalt  }
0x75: {  	_ =	shalt  }
0x76: {  	_ =	shalt  }
0x77: {  	_ =	shalt  }
0x78: {  	_ =	shalt  }
0x79: {  	_ =	shalt  }
0x7a: {  	_ =	shalt  }
0x7b: {  	_ =	shalt  }
0x7c: {  	_ =	shalt  }
0x7d: {  	_ =	shalt  }
0x7e: {  	_ =	shalt  }
0x7f: {  	_ =	shalt  }
0x80: {  	_ =	shalt  }
0x81: {  	_ =	shalt  }
0x82: {  	_ =	shalt  }
0x83: {  	_ =	shalt  }
0x84: {  	_ =	shalt  }
0x85: {  	_ =	shalt  }
0x86: {  	_ =	shalt  }
0x87: {  	_ =	shalt  }
.Lfunc_end0:
.L_simem_size_0:
called_computation.6_lowered:
.L_overlay_start_0:
0x88: {  	s2 =	sld [smem:$0x3FD9]  }
0x89: {  	s3 =	sld [smem:$0x3FFE];
	_ =	sdelay $0x1  }
0x8a: {  	s1 =	srdreg.scid  }
0x8b: {  	s0 =	sand.u32 $0x1, s1  }
0x8c: {  	s17 =	sshll.u32 s0, $0xA;
	s2 =	sadd.s32 s3, s2  }
0x8d: {  	s2 =	sadd.s32 s2, s17  }
0x8e: {  	[smem:$0x3FB6] =	sst s2  }
0x8f: {  	_ = 	snop  }
0x90: {  	(tm) =	ssettm $0x1  }
0x91: {  	s18 =	sld [smem:$0x3FFB];
	_ =	sdelay $0x3  }
0x92: {  	_ =	strace s18  }
0x93: {  	s2 =	sld [smem:$0x3FFC];
	_ =	sdelay $0x3  }
0x94: {  	_ =	strace s2  }
0x95: {  	s2 =	sld [smem:$0x3FFD];
	_ =	sdelay $0x3  }
0x96: {  	_ =	strace s2  }
0x97: {  	_ =	strace $0x8FFFFFFF  }
0x98: {  	s19 =	sld [smem:$0x3FDB];
	_ =	sdelay $0x1  }
0x99: {  	s20 =	simm.s32 $_scs_section_size  }
0x9a: {  	s4 =	simm.s32 $_size__tile_overlayer_lowered;
	s5 =	simm.s32 $_tile_overlayer_lowered  }
0x9b: {  	s6 =	simm.s32 $0x1BFF;
	s21 =	sshll.u32 s5, $0x1;
	s3 =	sadd.s32 s20, s19  }
0x9c: {  	s22 =	simm.s32 $0x0;
	s4 =	sshll.u32 s4, $0x1;
	s5 =	sadd.s32 s21, s3  }
0x9d: {  	[timem:s22], [sflag:s6] =	dma.local [hbm:s5], s4  }
0x9e: {  	_ =	swait.ge [sflag:s6], s4  }
0x9f: {  	s4 =	ssub.s32 $0x0, s4;
	[sflag:s6] =	ssyncset.done $0x0  }
0xa0: {  	[sflag:s6] =	ssyncadd.s32 s4;
	_ =	sdelay $0x1  }
0xa1: {  	s23 =	simm.s32 $0x1B8B  }
0xa2: {  	_ =	swait.ge [sflag:s23], $0x1  }
0xa3: {  	[sflag:s23] =	ssyncset.done $0x0  }
0xa4: {  	[sflag:s23] =	ssyncadd.s32 $0xFFFFFFFF  }
0xa5: {  	s4 =	sld [smem:$0x0]  }
0xa6: {  	s5 =	sand.u32 $0xFFFFFFFE, s1  }
0xa7: {  	p0 =	sne.s32 s1, s5  }
0xa8: {  	s5 =	sshll.u32 @p0 s5, $0xE  }
0xa9: {  	s5 =	sadd.s32 @p0 $0x11B8D, s5;
	s6 =	sshll.u32 @p0 s4, $0x11  }
0xaa: {  	s5 =	sor.u32 @p0 s6, s5  }
0xab: {  	[sflag:s5] =	ssyncadd.remote.s32 @p0 $0x1;
	_ =	sdelay $0x1  }
0xac: {  	s5 =	simm.s32 @p0 $0x1B8D  }
0xad: {  	_ =	swait.eq @p0 [sflag:s5], $0x1  }
0xae: {  	[sflag:s5] =	ssyncadd.s32 @p0 $0xFFFFFFFF  }
0xaf: {  	s6 =	sshll.u32 @!p0 s1, $0xE  }
0xb0: {  	s6 =	sor.u32 @!p0 $0x4000, s6;
	s5 =	simm.s32 @!p0 $0x1B8D  }
0xb1: {  	s4 =	sshll.u32 @!p0 s4, $0x11;
	s6 =	sadd.s32 @!p0 $0x11B8D, s6;
	_ =	swait.eq @!p0 [sflag:s5], $0x1  }
0xb2: {  	s4 =	sor.u32 @!p0 s4, s6;
	[sflag:s5] =	ssyncadd.s32 @!p0 $0xFFFFFFFF  }
0xb3: {  	s25 =	simm.s32 $0x1B8E;
	s24 =	sld [smem:$0x3FFE];
	[sflag:s4] =	ssyncadd.remote.s32 @!p0 $0x1  }
0xb4: {  	s26 =	simm.s32 $execute0_lowered;
	[smem:$0x3FD2] =	sst s25  }
0xb5: {  	s5 =	sshll.u32 s26, $0x1;
	_ =	strace $0x80000049;
	[dreg:$0x1] =	wrdreg $0xFFFFFFFF  }
0xb6: {  	s28 =	simm.s32 $_size_execute0_lowered;
	s3 =	sadd.s32 s3, s5;
	[dreg:$0x0] =	wrdreg $0x0  }
0xb7: {  	s5 =	sshll.u32 s28, $0x1;
	[dreg:$0x2] =	wrdreg s3  }
0xb8: {  	[dreg:$0x3] =	wrdreg s5  }
0xb9: {  	[dreg:$0x4] =	wrdreg $0xC0  }
0xba: {  	_ =	task [dreg:s22], $0x5FFFF  }
0xbb: {  	[dreg:$0x1] =	wrdreg $0xFFFFFFFF  }
0xbc: {  	[dreg:$0x0] =	wrdreg $0x60  }
0xbd: {  	[dreg:$0x2] =	wrdreg s24  }
0xbe: {  	[dreg:$0x3] =	wrdreg $0xF  }
0xbf: {  	_ =	task.clear_ibuf [dreg:s22], $0x4FFFF;
	_ =	strace $0x90000049  }
0xc0: {  	s29 =	simm.s32 $0xF;
	_ =	strace $0x8000004B  }
0xc1: {  	_ =	swait.ge [sflag:s29], $0x1  }
0xc2: {  	[sflag:s29] =	ssyncadd.s32 $0xFFFFFFFF  }
0xc3: {  	_ =	strace $0x9000004B  }
0xc4: {  	_ =	sfence  }
0xc5: {  	s30 =	sld [smem:$0x0];
	_ =	sdelay $0x2  }
0xc6: {  	s31 =	sshll.u32 s1, $0xD;
	s1 =	sshrl.u32 s1, $0x2  }
0xc7: {  	s4 =	sand.u32 $0x4000, s31;
	s1 =	sadd.s32 s1, s30  }
0xc8: {  	s0 =	sor.u32 s4, s0;
	s1 =	sshll.u32 s1, $0x11  }
0xc9: {  	s0 =	sor.u32 s1, s0  }
0xca: {  	s0 =	sadd.s32 $0x8F2B, s0  }
0xcb: {  	[sflag:s0] =	ssyncadd.remote.s32 $0x1  }
0xcc: {  	_ =	sfence.sel $0xFFFF  }
0xcd: {  	[dreg:$0x0] =	wrdreg $0xFFFFFFFF;
	(pc) =	sbr.abs _section_cstart, $3  }
0xce: {  	[dreg:$0x1] =	wrdreg $0xFFFFFFFF  }
0xcf: {  	_ =	task.clear_ibuf [dreg:s22], $0x2FFFF;
	_ =	strace $0x9FFFFFFF  }
0xd0: {  	(tm) =	ssettm $0x7FFFFFFF  }
0xd1: {  	_ =	shalt  }
tec
execute0_lowered:
.L_overlay_start_1:
0x0: {  	(tag) =	ssettag $0x1  }
0x1: {  	s5 =	rddreg [dreg:$0x0]  }
0x2: {  	s0 =	rddreg [dreg:$0x1];
	s3 =	srdreg.scid  }
0x3: {  	s2 =	simm.s32 $0x0;
	s1 =	stileid.u32;
	s11 =	simm.s32 $0x400  }
0x4: {  	s12 =	simm.s32 $0x4400;
	s13 =	simm.s32 $0x1;
	s14 =	simm.s32 $0x2  }
0x5: {  	s15 =	simm.s32 $0x0;
	s6 =	sand.u32 $0x1, s3;
	[smem:$0x7FF] =	sst s2  }
0x6: {  	s4 =	sshll.u32 s1, $0xB;
	s3 =	sadd.s32 $0x1D400, s5;
	s9 =	sshll.u32 s1, $0xF  }
0x7: {  	s7 =	sshll.u32 s6, $0xA;
	_ =	strace $0x8000004A;
	s8 =	ssub.s32 $0x2, s6  }
0x8: {  	s9 =	sadd.s32 s9, s5;
	s30 =	sshll.u32 s6, $0xE;
	s7 =	sor.u32 s7, s4  }
0x9: {  	s4 =	sadd.s32 $0x25400, s5;
	s10 =	sshrl.u32 s8, $0x1;
	s31 =	sadd.s32 s30, s9  }
0xa: {  	s9 =	simm.s32 $0x3;
	s7 =	sshrl.u32 s7, $0x3;
	s8 =	ssub.s32 s8, s10  }
0xb: {  	s7 =	sadd.s32 s7, s5;
	s6 =	smax.u32 s8, $0x1;
	s8 =	sadd.s32 $0x20E400, s31  }
0xc: {  	s10 =	simm.s32 $0x80;
	s5 =	sadd.s32 $0x18D400, s7;
	s7 =	sadd.s32 $0x18E400, s31  }
.LBB2_1:
0xd: {  	[tilespmem:s2], [sflag:$0x3] =	stream.linear.gather [hbm4b:s5+s2], $0x400, $0x38;
	[tilespmem:$0x8400] =	vst v63  }
0xe: {  	_ =	swait.ge [sflag:s9], $0x400  }
0xf: {  	[sflag:s9] =	ssyncset.done $0x0  }
0x10: {  	[sflag:s9] =	ssyncadd.s32 $0xFFFFFC00  }
0x11: {  	[tilespmem:s11], [sflag:$0x1] =	stream.indirect.gather [hbm4b:s3+s10], $0x80, s2, s10, $0xb8;
	[tilespmem:$0x8400] =	vst v63  }
0x12: {  	_ = 	snop  }
0x13: {  	[tilespmem:s12], [sflag:$0x2] =	stream.indirect.gather [hbm4b:s4+s10], $0x80, s2, s10, $0xb8;
	[tilespmem:$0x8400] =	vst v63  }
0x14: {  	_ =	swait.ge [sflag:s13], $0x4000  }
0x15: {  	[sflag:s13] =	ssyncset.done $0x0  }
0x16: {  	[sflag:s13] =	ssyncadd.s32 $0xFFFFC000  }
0x17: {  	_ =	swait.ge [sflag:s14], $0x4000  }
0x18: {  	[sflag:s14] =	ssyncset.done $0x0  }
0x19: {  	s16 =	sadd.s32 $0x0, s7;
	[sflag:s14] =	ssyncadd.s32 $0xFFFFC000  }
0x1a: {  	[hbm4b:s16+s2] =	stream.linear.scatter [tilespmem:s11], [sflag:$0x3], $0x4000, $0x38;
	[tilespmem:$0x8400] =	vst v63  }
0x1b: {  	_ =	swait.ge [sflag:s9], $0x4000  }
0x1c: {  	[sflag:s9] =	ssyncset.done $0x0  }
0x1d: {  	s31 =	sadd.s32 $0x0, s8;
	[sflag:s9] =	ssyncadd.s32 $0xFFFFC000  }
0x1e: {  	[hbm4b:s31+s2] =	stream.linear.scatter [tilespmem:s12], [sflag:$0x3], $0x4000, $0x38;
	[tilespmem:$0x8400] =	vst v63  }
0x1f: {  	_ =	swait.ge [sflag:s9], $0x4000  }
0x20: {  	s17 =	simm.s32 $0x0;
	s16 =	simm.s32 $0x800;
	[sflag:s9] =	ssyncset.done $0x0  }
.LBB2_2:
0x21: {  	p0 =	sne.s32 s16, $0x3800;
	[sflag:s9] =	ssyncadd.s32 $0xFFFFC000;
	s17 =	sadd.s32 $0x80, s17  }
0x22: {  	[tilespmem:s11], [sflag:$0x1] =	stream.indirect.gather [hbm4b:s3+s10], $0x80, s17, s10, $0xb8;
	[tilespmem:$0x8400] =	vst v63  }
0x23: {  	s18 =	smov.u32 s16;
	s16 =	sadd.s32 $0x800, s16  }
0x24: {  	[tilespmem:s12], [sflag:$0x2] =	stream.indirect.gather [hbm4b:s4+s10], $0x80, s17, s10, $0xb8;
	[tilespmem:$0x8400] =	vst v63  }
0x25: {  	_ =	swait.ge [sflag:s13], $0x4000  }
0x26: {  	[sflag:s13] =	ssyncset.done $0x0  }
0x27: {  	[sflag:s13] =	ssyncadd.s32 $0xFFFFC000  }
0x28: {  	_ =	swait.ge [sflag:s14], $0x4000  }
0x29: {  	[sflag:s14] =	ssyncset.done $0x0  }
0x2a: {  	s19 =	sadd.s32 s18, s7;
	[sflag:s14] =	ssyncadd.s32 $0xFFFFC000  }
0x2b: {  	[hbm4b:s19+s2] =	stream.linear.scatter [tilespmem:s11], [sflag:$0x3], $0x4000, $0x38;
	[tilespmem:$0x8400] =	vst v63  }
0x2c: {  	_ =	swait.ge [sflag:s9], $0x4000  }
.Ltmp0:
0x2d: {  	[sflag:s9] =	ssyncset.done $0x0;
	(pc) =	sbr.rel @p0 .LBB2_2-.Ltmp0, $4  }
0x2e: {  	s18 =	sadd.s32 s18, s8;
	[sflag:s9] =	ssyncadd.s32 $0xFFFFC000  }
0x2f: {  	[hbm4b:s18+s2] =	stream.linear.scatter [tilespmem:s12], [sflag:$0x3], $0x4000, $0x38;
	[tilespmem:$0x8400] =	vst v63  }
0x30: {  	_ =	swait.ge [sflag:s9], $0x4000  }
0x31: {  	[sflag:s9] =	ssyncset.done $0x0  }
0x32: {  	s15 =	sadd.s32 $0x1, s15  }
0x33: {  	p0 =	sne.s32 s15, s6  }
.Ltmp1:
0x34: {  	_ = 	snop;
	(pc) =	sbr.rel @p0 .LBB2_1-.Ltmp1, $2  }
0x35: {  	_ =	sdelay $0x2  }
0x36: {  	[sflag:s9] =	ssyncadd.s32 $0xFFFFC000  }
0x37: {  	_ =	sfence.sel $0x180000  }
0x38: {  	[bflag:$0x0] =	sbarrier.arrive $0xFFFF  }
0x39: {  	p0 =	sne.s32 s1, $0x0;
	_ =	strace $0x9000004A  }
0x3a: {  	s0 =	sadd.s32 @!p0 $0x100000, s0;
	[bflag:$0x2] =	sbarrier.arrive $0xFFFF  }
0x3b: {  	[sflag:s0] =	ssyncadd.tile.s32 @!p0 $0x1;
	_ =	shalt  }
.Lfunc_end2:
_tile_overlayer_lowered:
.L_overlay_start_2:
0x3c: {  	(tag) =	ssettag $0x2  }
0x3d: {  	s0 =	rddreg [dreg:$0x0];
	s2 =	stileid.u32  }
0x3e: {  	s1 =	rddreg [dreg:$0x1];
	p0 =	sne.s32 s2, $0x0  }
0x3f: {  	s3 =	rddreg [dreg:$0x2];
	[bflag:$0x3] =	sbarrier.arrive $0xFFFF;
	s2 =	simm.s32 @!p0 $0x1C03  }
0x40: {  	[timem:s3], [sflag:s2] =	dma.local @!p0 [hbm:s0], s1  }
0x41: {  	s0 =	simm.s32 @!p0 $0x3  }
0x42: {  	_ =	swait.ge @!p0 [sflag:s0], s1  }
0x43: {  	s1 =	ssub.s32 @!p0 $0x0, s1;
	[sflag:s0] =	ssyncset.done @!p0 $0x0  }
0x44: {  	[sflag:s0] =	ssyncadd.s32 @!p0 s1  }
0x45: {  	[bflag:$0x3] =	sbarrier.arrive $0xFFFF  }
0x46: {  	_ =	shalt  }

// kernel: kernel.63.cloned.1.call-start
scs
__scs_entry_jumppad:
0x0: {  	(pc) =	sbr.rel $0x88, $3  }
0x1: {  	(tag) =	ssettag $0x0;
	lr =	simm.s32 $0x1  }
0x2: {  	[smem:$0x3F8F] =	sst lr;
	_ =	strace $0xD0000000  }
0x3: {  	_ = 	snop  }
0x4: {  	_ = 	snop  }
0x5: {  	_ = 	snop  }
0x6: {  	_ = 	snop  }
0x7: {  	_ = 	snop  }
__scs_overlays_trampoline_lowered:
0x8: {  	[smem:$0x3F9E] =	sst s0  }
0x9: {  	[smem:$0x3F9F] =	sst s1  }
0xa: {  	[smem:$0x3FA0] =	sst s2  }
0xb: {  	[smem:$0x3FA1] =	sst s3  }
0xc: {  	[smem:$0x3FA2] =	sst s4  }
0xd: {  	[smem:$0x3FA3] =	sst s5  }
0xe: {  	[smem:$0x3FA4] =	sst s6  }
0xf: {  	[smem:$0x3FA5] =	sst s7  }
0x10: {  	[smem:$0x3FA6] =	sst s8  }
0x11: {  	[smem:$0x3FA7] =	sst s9;
	s0 =	simm.s32 @!p0 $0x0  }
0x12: {  	s1 =	sld [smem:$0x3F8D];
	s0 =	simm.s32 @p0 $0x1  }
0x13: {  	[smem:$0x3FA8] =	sst s0;
	s0 =	simm.s32 @!p1 $0x0  }
0x14: {  	s2 =	sld [smem:$0x3F8C];
	s0 =	simm.s32 @p1 $0x1  }
0x15: {  	[smem:$0x3FA9] =	sst s0;
	s0 =	simm.s32 @!p2 $0x0  }
0x16: {  	s3 =	sld [smem:$0x3FDB];
	s0 =	simm.s32 @p2 $0x1  }
0x17: {  	s4 =	simm.s32 $0x1BF5;
	[smem:$0x3FAB] =	sst s0  }
0x18: {  	s0 =	sld [smem:$0x3F8E];
	_ =	swait.ge [sflag:s4], $0x0  }
0x19: {  	s7 =	sld [smem:$0x3F8F]  }
0x1a: {  	s8 =	sadd.s32 $0xFFFFE003, lr  }
0x1b: {  	s9 =	sadd.s32 $0xFFFFFEF7, lr;
	s5 =	simm.s32 $0xFFFFFFFF;
	p2 =	slt.u32 s8, $0xFFFFF086  }
0x1c: {  	p1 =	slt.u32 s9, $0xF7A;
	s5 =	simm.s32 @!p2 $0x0  }
0x1d: {  	s5 =	simm.s32 @p1 $0x1;
	p0 =	seq.s32 s7, s2  }
0x1e: {  	s7 =	smul.u32 @!p0 $0xF7A, s2;
	p2 =	seq.s32 @!p0 s5, $0x0  }
0x1f: {  	s9 =	smul.u32 $0xF7A, s1;
	s8 =	simm.s32 @!p0 $0x1BF5;
	p2 =	por !p2, p0  }
0x20: {  	[sflag:s8] =	ssyncset.s32 @!p0 $0xFFFFF086;
	s6 =	sadd.s32 @!p0 s3, s7;
	s7 =	simm.s32 @!p0 $0x108  }
0x21: {  	s3 =	sadd.s32 s3, s9;
	s6 =	sadd.s32 @!p0 $0x88, s6;
	s7 =	simm.s32 @p2 $0x1082  }
0x22: {  	[simem:s7], [sflag:s8] =	dma.local @!p0 [hbm:s6], $0xF7A  }
0x23: {  	s9 =	sor.u32 $0xD0000000, s2;
	s6 =	simm.s32 $0x108;
	_ =	swait.ge @!p0 [sflag:s8], $0x0  }
0x24: {  	s3 =	sadd.s32 $0x88, s3;
	s6 =	simm.s32 @!p1 $0x1082;
	[sflag:s4] =	ssyncset.s32 $0xFFFFF086  }
0x25: {  	[simem:s6], [sflag:s4] =	dma.local [hbm:s3], $0xF7A  }
0x26: {  	[smem:$0x3F8F] =	sst s1;
	(tag) =	ssettag s2;
	_ =	strace s9  }
0x27: {  	s1 =	sld [smem:$0x3F9F]  }
0x28: {  	s2 =	sld [smem:$0x3FA0]  }
0x29: {  	s4 =	sld [smem:$0x3FA2]  }
0x2a: {  	p0 =	seq.s32 s5, $0x0;
	s5 =	sld [smem:$0x3FA3]  }
0x2b: {  	s6 =	sld [smem:$0x3FA4]  }
0x2c: {  	s7 =	sld [smem:$0x3FA5]  }
0x2d: {  	s3 =	simm.s32 $0x108;
	s8 =	sld [smem:$0x3FA6]  }
0x2e: {  	s3 =	simm.s32 @!p0 $0x1082;
	s9 =	sld [smem:$0x3FA7]  }
0x2f: {  	lr =	sadd.s32 s0, s3;
	s0 =	sld [smem:$0x3F9E]  }
0x30: {  	s3 =	sld [smem:$0x3FA1]  }
0x31: {  	[smem:$0x3FAA] =	sst s10  }
0x32: {  	s10 =	sld [smem:$0x3FA8];
	_ =	sdelay $0x3  }
0x33: {  	p0 =	seq.s32 s10, $0x1;
	s10 =	sld [smem:$0x3FAA];
	_ =	sdelay $0x3  }
0x34: {  	[smem:$0x3FAA] =	sst s10  }
0x35: {  	s10 =	sld [smem:$0x3FA9];
	_ =	sdelay $0x3  }
0x36: {  	p1 =	seq.s32 s10, $0x1;
	s10 =	sld [smem:$0x3FAA];
	_ =	sdelay $0x3  }
0x37: {  	[smem:$0x3FAA] =	sst s10  }
0x38: {  	s10 =	sld [smem:$0x3FAB]  }
0x39: {  	_ = 	snop;
	(pc) =	sbr.ind lr, $3  }
0x3a: {  	_ = 	snop  }
0x3b: {  	_ = 	snop  }
0x3c: {  	p2 =	seq.s32 s10, $0x1;
	s10 =	sld [smem:$0x3FAA]  }
0x3d: {  	_ =	shalt  }
0x3e: {  	_ =	shalt  }
0x3f: {  	_ =	shalt  }
0x40: {  	_ =	shalt  }
0x41: {  	_ =	shalt  }
0x42: {  	_ =	shalt  }
0x43: {  	_ =	shalt  }
0x44: {  	_ =	shalt  }
0x45: {  	_ =	shalt  }
0x46: {  	_ =	shalt  }
0x47: {  	_ =	shalt  }
0x48: {  	_ =	shalt  }
0x49: {  	_ =	shalt  }
0x4a: {  	_ =	shalt  }
0x4b: {  	_ =	shalt  }
0x4c: {  	_ =	shalt  }
0x4d: {  	_ =	shalt  }
0x4e: {  	_ =	shalt  }
0x4f: {  	_ =	shalt  }
0x50: {  	_ =	shalt  }
0x51: {  	_ =	shalt  }
0x52: {  	_ =	shalt  }
0x53: {  	_ =	shalt  }
0x54: {  	_ =	shalt  }
0x55: {  	_ =	shalt  }
0x56: {  	_ =	shalt  }
0x57: {  	_ =	shalt  }
0x58: {  	_ =	shalt  }
0x59: {  	_ =	shalt  }
0x5a: {  	_ =	shalt  }
0x5b: {  	_ =	shalt  }
0x5c: {  	_ =	shalt  }
0x5d: {  	_ =	shalt  }
0x5e: {  	_ =	shalt  }
0x5f: {  	_ =	shalt  }
0x60: {  	_ =	shalt  }
0x61: {  	_ =	shalt  }
0x62: {  	_ =	shalt  }
0x63: {  	_ =	shalt  }
0x64: {  	_ =	shalt  }
0x65: {  	_ =	shalt  }
0x66: {  	_ =	shalt  }
0x67: {  	_ =	shalt  }
0x68: {  	_ =	shalt  }
0x69: {  	_ =	shalt  }
0x6a: {  	_ =	shalt  }
0x6b: {  	_ =	shalt  }
0x6c: {  	_ =	shalt  }
0x6d: {  	_ =	shalt  }
0x6e: {  	_ =	shalt  }
0x6f: {  	_ =	shalt  }
0x70: {  	_ =	shalt  }
0x71: {  	_ =	shalt  }
0x72: {  	_ =	shalt  }
0x73: {  	_ =	shalt  }
0x74: {  	_ =	shalt  }
0x75: {  	_ =	shalt  }
0x76: {  	_ =	shalt  }
0x77: {  	_ =	shalt  }
0x78: {  	_ =	shalt  }
0x79: {  	_ =	shalt  }
0x7a: {  	_ =	shalt  }
0x7b: {  	_ =	shalt  }
0x7c: {  	_ =	shalt  }
0x7d: {  	_ =	shalt  }
0x7e: {  	_ =	shalt  }
0x7f: {  	_ =	shalt  }
0x80: {  	_ =	shalt  }
0x81: {  	_ =	shalt  }
0x82: {  	_ =	shalt  }
0x83: {  	_ =	shalt  }
0x84: {  	_ =	shalt  }
0x85: {  	_ =	shalt  }
0x86: {  	_ =	shalt  }
0x87: {  	_ =	shalt  }
.Lfunc_end0:
.L_simem_size_0:
called_computation.7_lowered:
.L_overlay_start_0:
0x88: {  	s2 =	sld [smem:$0x3FD9]  }
0x89: {  	s3 =	sld [smem:$0x3FFE];
	_ =	sdelay $0x1  }
0x8a: {  	s1 =	srdreg.scid  }
0x8b: {  	s0 =	sand.u32 $0x1, s1  }
0x8c: {  	s16 =	sshll.u32 s0, $0xA;
	s2 =	sadd.s32 s3, s2  }
0x8d: {  	s2 =	sadd.s32 s2, s16  }
0x8e: {  	[smem:$0x3FB6] =	sst s2  }
0x8f: {  	_ = 	snop  }
0x90: {  	(tm) =	ssettm $0x1  }
0x91: {  	s17 =	sld [smem:$0x3FFB];
	_ =	sdelay $0x3  }
0x92: {  	_ =	strace s17  }
0x93: {  	s2 =	sld [smem:$0x3FFC];
	_ =	sdelay $0x3  }
0x94: {  	_ =	strace s2  }
0x95: {  	s2 =	sld [smem:$0x3FFD];
	_ =	sdelay $0x3  }
0x96: {  	_ =	strace s2  }
0x97: {  	_ =	strace $0x8FFFFFFF  }
0x98: {  	s18 =	sld [smem:$0x3FDB];
	_ =	sdelay $0x1  }
0x99: {  	s19 =	simm.s32 $_scs_section_size  }
0x9a: {  	s4 =	simm.s32 $_size__tile_overlayer_lowered;
	s5 =	simm.s32 $_tile_overlayer_lowered  }
0x9b: {  	s22 =	simm.s32 $0x1BFF;
	s21 =	sshll.u32 s5, $0x1;
	s2 =	sadd.s32 s19, s18  }
0x9c: {  	s6 =	simm.s32 $0x0;
	s20 =	sshll.u32 s4, $0x1;
	s4 =	sadd.s32 s21, s2  }
0x9d: {  	[timem:s6], [sflag:s22] =	dma.local [hbm:s4], s20  }
0x9e: {  	_ =	swait.ge [sflag:s22], s20  }
0x9f: {  	s3 =	ssub.s32 $0x0, s20;
	[sflag:s22] =	ssyncset.done $0x0  }
0xa0: {  	[sflag:s22] =	ssyncadd.s32 s3;
	_ =	sdelay $0x1  }
0xa1: {  	s23 =	simm.s32 $0x1B8B  }
0xa2: {  	_ =	swait.ge [sflag:s23], $0x1  }
0xa3: {  	[sflag:s23] =	ssyncset.done $0x0  }
0xa4: {  	s25 =	simm.s32 $0x1B8E;
	s24 =	sld [smem:$0x3FFE];
	[sflag:s23] =	ssyncadd.s32 $0xFFFFFFFF  }
0xa5: {  	s26 =	simm.s32 $execute0_lowered;
	[smem:$0x3FD2] =	sst s25  }
0xa6: {  	s4 =	sshll.u32 s26, $0x1;
	_ =	strace $0x80000046;
	[dreg:$0x1] =	wrdreg $0xFFFFFFFF  }
0xa7: {  	s28 =	simm.s32 $_size_execute0_lowered;
	s2 =	sadd.s32 s2, s4;
	[dreg:$0x0] =	wrdreg $0x0  }
0xa8: {  	s4 =	sshll.u32 s28, $0x1;
	[dreg:$0x2] =	wrdreg s2  }
0xa9: {  	[dreg:$0x3] =	wrdreg s4  }
0xaa: {  	[dreg:$0x4] =	wrdreg $0xC0  }
0xab: {  	_ =	task [dreg:s6], $0x5FFFF  }
0xac: {  	[dreg:$0x1] =	wrdreg $0xFFFFFFFF  }
0xad: {  	[dreg:$0x0] =	wrdreg $0x60  }
0xae: {  	[dreg:$0x2] =	wrdreg s24  }
0xaf: {  	[dreg:$0x3] =	wrdreg $0x10  }
0xb0: {  	_ =	task.clear_ibuf [dreg:s6], $0x4FFFF;
	_ =	strace $0x90000046  }
0xb1: {  	s29 =	simm.s32 $0x10;
	_ =	strace $0x80000048  }
0xb2: {  	_ =	swait.ge [sflag:s29], $0x1  }
0xb3: {  	[sflag:s29] =	ssyncadd.s32 $0xFFFFFFFF  }
0xb4: {  	_ =	strace $0x90000048  }
0xb5: {  	_ =	sfence  }
0xb6: {  	s30 =	sld [smem:$0x0];
	_ =	sdelay $0x2  }
0xb7: {  	s31 =	sshll.u32 s1, $0xD;
	s1 =	sshrl.u32 s1, $0x2  }
0xb8: {  	s3 =	sand.u32 $0x4000, s31;
	s1 =	sadd.s32 s1, s30  }
0xb9: {  	s0 =	sor.u32 s3, s0;
	s1 =	sshll.u32 s1, $0x11  }
0xba: {  	s0 =	sor.u32 s1, s0  }
0xbb: {  	s0 =	sadd.s32 $0x8F2B, s0  }
0xbc: {  	[sflag:s0] =	ssyncadd.remote.s32 $0x1  }
0xbd: {  	_ =	sfence.sel $0xFFFF  }
0xbe: {  	[dreg:$0x0] =	wrdreg $0xFFFFFFFF;
	(pc) =	sbr.abs _section_cstart, $3  }
0xbf: {  	[dreg:$0x1] =	wrdreg $0xFFFFFFFF  }
0xc0: {  	_ =	task.clear_ibuf [dreg:s6], $0x2FFFF;
	_ =	strace $0x9FFFFFFF  }
0xc1: {  	(tm) =	ssettm $0x7FFFFFFF  }
tec
execute0_lowered:
.L_overlay_start_1:
0x0: {  	(tag) =	ssettag $0x1  }
0x1: {  	s5 =	rddreg [dreg:$0x0]  }
0x2: {  	s0 =	rddreg [dreg:$0x1];
	s3 =	srdreg.scid  }
0x3: {  	s2 =	simm.s32 $0x0;
	s1 =	stileid.u32;
	s11 =	simm.s32 $0x400  }
0x4: {  	s12 =	simm.s32 $0x4400;
	s13 =	simm.s32 $0x1;
	s14 =	simm.s32 $0x2  }
0x5: {  	s15 =	simm.s32 $0x0;
	s6 =	sand.u32 $0x1, s3;
	[smem:$0x7FF] =	sst s2  }
0x6: {  	s4 =	sshll.u32 s1, $0xB;
	s3 =	sadd.s32 $0xD400, s5;
	s9 =	sshll.u32 s1, $0xF  }
0x7: {  	s7 =	sshll.u32 s6, $0xA;
	_ =	strace $0x80000047;
	s8 =	ssub.s32 $0x2, s6  }
0x8: {  	s9 =	sadd.s32 s9, s5;
	s30 =	sshll.u32 s6, $0xE;
	s7 =	sor.u32 s7, s4  }
0x9: {  	s4 =	sadd.s32 $0x15400, s5;
	s10 =	sshrl.u32 s8, $0x1;
	s31 =	sadd.s32 s30, s9  }
0xa: {  	s9 =	simm.s32 $0x3;
	s7 =	sshrl.u32 s7, $0x3;
	s8 =	ssub.s32 s8, s10  }
0xb: {  	s10 =	simm.s32 $0x80;
	s7 =	sadd.s32 s7, s5;
	s6 =	smax.u32 s8, $0x1  }
0xc: {  	s8 =	sadd.s32 $0x8D400, s31;
	s5 =	sadd.s32 $0xC400, s7;
	s7 =	sadd.s32 $0x10D400, s31  }
.LBB2_1:
0xd: {  	[tilespmem:s2], [sflag:$0x3] =	stream.linear.gather [hbm4b:s5+s2], $0x400, $0x38;
	[tilespmem:$0x8400] =	vst v63  }
0xe: {  	_ =	swait.ge [sflag:s9], $0x400  }
0xf: {  	[sflag:s9] =	ssyncset.done $0x0  }
0x10: {  	[sflag:s9] =	ssyncadd.s32 $0xFFFFFC00  }
0x11: {  	[tilespmem:s11], [sflag:$0x1] =	stream.indirect.gather [hbm4b:s3+s10], $0x80, s2, s10, $0xb8;
	[tilespmem:$0x8400] =	vst v63  }
0x12: {  	_ = 	snop  }
0x13: {  	[tilespmem:s12], [sflag:$0x2] =	stream.indirect.gather [hbm4b:s4+s10], $0x80, s2, s10, $0xb8;
	[tilespmem:$0x8400] =	vst v63  }
0x14: {  	_ =	swait.ge [sflag:s13], $0x4000  }
0x15: {  	[sflag:s13] =	ssyncset.done $0x0  }
0x16: {  	[sflag:s13] =	ssyncadd.s32 $0xFFFFC000  }
0x17: {  	_ =	swait.ge [sflag:s14], $0x4000  }
0x18: {  	[sflag:s14] =	ssyncset.done $0x0  }
0x19: {  	s16 =	sadd.s32 $0x0, s7;
	[sflag:s14] =	ssyncadd.s32 $0xFFFFC000  }
0x1a: {  	[hbm4b:s16+s2] =	stream.linear.scatter [tilespmem:s11], [sflag:$0x3], $0x4000, $0x38;
	[tilespmem:$0x8400] =	vst v63  }
0x1b: {  	_ =	swait.ge [sflag:s9], $0x4000  }
0x1c: {  	[sflag:s9] =	ssyncset.done $0x0  }
0x1d: {  	s31 =	sadd.s32 $0x0, s8;
	[sflag:s9] =	ssyncadd.s32 $0xFFFFC000  }
0x1e: {  	[hbm4b:s31+s2] =	stream.linear.scatter [tilespmem:s12], [sflag:$0x3], $0x4000, $0x38;
	[tilespmem:$0x8400] =	vst v63  }
0x1f: {  	_ =	swait.ge [sflag:s9], $0x4000  }
0x20: {  	s17 =	simm.s32 $0x0;
	s16 =	simm.s32 $0x800;
	[sflag:s9] =	ssyncset.done $0x0  }
.LBB2_2:
0x21: {  	p0 =	sne.s32 s16, $0x3800;
	[sflag:s9] =	ssyncadd.s32 $0xFFFFC000;
	s17 =	sadd.s32 $0x80, s17  }
0x22: {  	[tilespmem:s11], [sflag:$0x1] =	stream.indirect.gather [hbm4b:s3+s10], $0x80, s17, s10, $0xb8;
	[tilespmem:$0x8400] =	vst v63  }
0x23: {  	s18 =	smov.u32 s16;
	s16 =	sadd.s32 $0x800, s16  }
0x24: {  	[tilespmem:s12], [sflag:$0x2] =	stream.indirect.gather [hbm4b:s4+s10], $0x80, s17, s10, $0xb8;
	[tilespmem:$0x8400] =	vst v63  }
0x25: {  	_ =	swait.ge [sflag:s13], $0x4000  }
0x26: {  	[sflag:s13] =	ssyncset.done $0x0  }
0x27: {  	[sflag:s13] =	ssyncadd.s32 $0xFFFFC000  }
0x28: {  	_ =	swait.ge [sflag:s14], $0x4000  }
0x29: {  	[sflag:s14] =	ssyncset.done $0x0  }
0x2a: {  	s19 =	sadd.s32 s18, s7;
	[sflag:s14] =	ssyncadd.s32 $0xFFFFC000  }
0x2b: {  	[hbm4b:s19+s2] =	stream.linear.scatter [tilespmem:s11], [sflag:$0x3], $0x4000, $0x38;
	[tilespmem:$0x8400] =	vst v63  }
0x2c: {  	_ =	swait.ge [sflag:s9], $0x4000  }
.Ltmp0:
0x2d: {  	[sflag:s9] =	ssyncset.done $0x0;
	(pc) =	sbr.rel @p0 .LBB2_2-.Ltmp0, $4  }
0x2e: {  	s18 =	sadd.s32 s18, s8;
	[sflag:s9] =	ssyncadd.s32 $0xFFFFC000  }
0x2f: {  	[hbm4b:s18+s2] =	stream.linear.scatter [tilespmem:s12], [sflag:$0x3], $0x4000, $0x38;
	[tilespmem:$0x8400] =	vst v63  }
0x30: {  	_ =	swait.ge [sflag:s9], $0x4000  }
0x31: {  	[sflag:s9] =	ssyncset.done $0x0  }
0x32: {  	s15 =	sadd.s32 $0x1, s15  }
0x33: {  	p0 =	sne.s32 s15, s6  }
.Ltmp1:
0x34: {  	_ = 	snop;
	(pc) =	sbr.rel @p0 .LBB2_1-.Ltmp1, $2  }
0x35: {  	_ =	sdelay $0x2  }
0x36: {  	[sflag:s9] =	ssyncadd.s32 $0xFFFFC000  }
0x37: {  	_ =	sfence.sel $0x180000  }
0x38: {  	[bflag:$0x0] =	sbarrier.arrive $0xFFFF  }
0x39: {  	p0 =	sne.s32 s1, $0x0;
	_ =	strace $0x90000047  }
0x3a: {  	s0 =	sadd.s32 @!p0 $0x100000, s0;
	[bflag:$0x2] =	sbarrier.arrive $0xFFFF  }
0x3b: {  	[sflag:s0] =	ssyncadd.tile.s32 @!p0 $0x1;
	_ =	shalt  }
.Lfunc_end2:
_tile_overlayer_lowered:
.L_overlay_start_2:
0x3c: {  	(tag) =	ssettag $0x2  }
0x3d: {  	s0 =	rddreg [dreg:$0x0];
	s2 =	stileid.u32  }
0x3e: {  	s1 =	rddreg [dreg:$0x1];
	p0 =	sne.s32 s2, $0x0  }
0x3f: {  	s3 =	rddreg [dreg:$0x2];
	[bflag:$0x3] =	sbarrier.arrive $0xFFFF;
	s2 =	simm.s32 @!p0 $0x1C03  }
0x40: {  	[timem:s3], [sflag:s2] =	dma.local @!p0 [hbm:s0], s1  }
0x41: {  	s0 =	simm.s32 @!p0 $0x3  }
0x42: {  	_ =	swait.ge @!p0 [sflag:s0], s1  }
0x43: {  	s1 =	ssub.s32 @!p0 $0x0, s1;
	[sflag:s0] =	ssyncset.done @!p0 $0x0  }
0x44: {  	[sflag:s0] =	ssyncadd.s32 @!p0 s1  }
0x45: {  	[bflag:$0x3] =	sbarrier.arrive $0xFFFF  }
0x46: {  	_ =	shalt  }

</sc_bundles>
